<compile_context>
chip_gen: v7x
topology: tpu7x:2x2x1
jax: 0.10.2.dev20260603
libtpu: 0.0.44.dev20260713+nightly
codegen_flags: <defaults>
</compile_context>

<pallas_src>
import functools

import jax
import jax.numpy as jnp
from jax import lax
from jax.experimental import pallas as pl
from jax.experimental.pallas import tpu as pltpu
from jax.experimental.pallas import tpu_sc as plsc

EMBED_DIM = 32


@functools.cache
def _make_gather(n_b: int, n_s: int, n_super: int):
    info = plsc.get_sparse_core_info()
    nc, ns = info.num_cores, info.num_subcores
    nw = nc * ns
    bpw = n_b // nw
    half = bpw // 2
    n_te = EMBED_DIM // 8
    n_tb = half // 128
    assert n_b % (nw * 256) == 0

    mesh = plsc.VectorSubcoreMesh(core_axis_name="c", subcore_axis_name="s")

    @functools.partial(
        pl.kernel,
        mesh=mesh,
        out_type=jax.ShapeDtypeStruct((n_s * EMBED_DIM * n_b,), jnp.float32),
        scratch_types=[
            pltpu.VMEM((n_s, bpw), jnp.int32),
            pltpu.VMEM((n_s * bpw,), jnp.int32),
            pltpu.VMEM((2, half, 128), jnp.float32),
            pltpu.VMEM((2, n_te * n_tb * 8 * 128), jnp.float32),
            [pltpu.SemaphoreType.DMA] * 2,
            [pltpu.SemaphoreType.DMA] * 2,
        ],
        compiler_params=pltpu.CompilerParams(needs_layout_passes=False),
    )
    def gather_kernel(
        idx_hbm, table_hbm, out_hbm, idx_v, idxg_v, rows_v, tbuf_v, gsems, ssems
    ):
        wid = lax.axis_index("s") * nc + lax.axis_index("c")
        b0 = wid * bpw
        pltpu.sync_copy(idx_hbm.at[:, pl.ds(b0, bpw)], idx_v)
        iota = lax.iota(jnp.int32, 16)
        row_ids = [tbl * 128 + j * 16 + iota for tbl in range(n_tb) for j in range(8)]

        def pre_body(u, carry):
            s = u >> 5
            c = (u & 31) * 16
            idxg_v[pl.ds(s * bpw + c, 16)] = idx_v[s, pl.ds(c, 16)] >> 2
            return carry

        lax.fori_loop(0, n_s * (bpw // 16), pre_body, 0)

        def gather_args(s, h):
            return (
                table_hbm.at[idxg_v.at[pl.ds(s * bpw + h * half, half)]],
                rows_v.at[h],
                gsems[h],
            )

        def start_gather(s, h):
            return pltpu.async_copy(*gather_args(s, h))

        def store_copies(s, h):
            return [
                (
                    tbuf_v.at[h, pl.ds(te * (n_tb * 1024), n_tb * 1024)],
                    out_hbm.at[
                        pl.ds(
                            ((s * n_te + te) * (n_b // 128)
                             + wid * 2 * n_tb + h * n_tb) * 1024,
                            n_tb * 1024,
                        )
                    ],
                    ssems[h],
                )
                for te in range(n_te)
            ]

        def transpose(s, h):
            colbase = []
            for k in range(2 * 8):
                rawv = idx_v[s, pl.ds(h * half + k * 16, 16)]
                colbase.append((rawv & 3) * 32)

            @plsc.parallel_loop(0, n_te * 8, unroll=8)
            def body(g):
                base_g = (g >> 3) * (n_tb * 1024) + (g & 7) * 128
                for tbl in range(n_tb):
                    for j in range(8):
                        k = tbl * 8 + j
                        v = plsc.load_gather(
                            rows_v.at[h], [row_ids[k], colbase[k] + g]
                        )
                        tbuf_v[h, pl.ds(base_g + tbl * 1024 + j * 16, 16)] = v

        start_gather(0, 0)

        def s_body(s, carry):
            s_next = jnp.minimum(s + 1, n_s - 1)

            @pl.when(s >= 1)
            def _():
                for args in store_copies(s - 1, 0):
                    pltpu.make_async_copy(*args).wait()

            g1 = start_gather(s, 1)
            pltpu.make_async_copy(*gather_args(s, 0)).wait()
            transpose(s, 0)
            for args in store_copies(s, 0):
                pltpu.async_copy(*args)

            @pl.when(s >= 1)
            def _():
                for args in store_copies(s - 1, 1):
                    pltpu.make_async_copy(*args).wait()

            start_gather(s_next, 0)
            g1.wait()
            transpose(s, 1)
            for args in store_copies(s, 1):
                pltpu.async_copy(*args)
            return carry

        lax.fori_loop(0, n_s, s_body, 0)
        pltpu.make_async_copy(*gather_args(n_s - 1, 0)).wait()
        for h in range(2):
            for args in store_copies(n_s - 1, h):
                pltpu.make_async_copy(*args).wait()

    return gather_kernel


def kernel(inputs, embed_table):
    b, s = inputs.shape
    idx_t = inputs.T.astype(jnp.int32)
    table2 = embed_table.reshape(-1, 128)
    out_flat = _make_gather(b, s, table2.shape[0])(idx_t, table2)
    out5 = out_flat.reshape(s, EMBED_DIM // 8, b // 128, 8, 128)
    return out5.transpose(2, 4, 0, 1, 3).reshape(b, s, EMBED_DIM)

# --- scband reference (transcript-rebuilt; emitter-appended) ---
"""Pipeline reference for scband-categorical-encoder-39805756899425 (READ-ONLY COPY).

The authoritative reference and input builder live on the scoring server;
editing this copy changes nothing except your own understanding.
"""

import jax, jax.numpy as jnp
import numpy as np

VOCAB = 1000000
EMBED_DIM = 32

def setup_inputs(seed: int = 0) -> dict:
    key = jax.random.key(seed)
    k_idx, k_tab = jax.random.split(key)
    inputs = jax.random.randint(k_idx, (16384, 26), 0, VOCAB, dtype=jnp.int64)
    embed_table = jax.random.normal(k_tab, (VOCAB, EMBED_DIM), dtype=jnp.float32)
    return {"inputs": inputs, "embed_table": embed_table}

def reference(inputs, embed_table):
    # nn.Embedding forward: gather rows of the table by index
    return jnp.take(embed_table, inputs, axis=0)

if __name__ == "__main__":
    import jax
    _d = setup_inputs()
    print(jax.jit(kernel)(*tuple(_d.values())))

</pallas_src>

<mosaic_0001>
#map = affine_map<(d0, d1) -> (0, 0)>
#map1 = affine_map<(d0, d1) -> (0)>
module attributes {stable_mosaic.version = 14 : i64} {
  func.func @gather_kernel(%arg0: i32, %arg1: i32, %arg2: memref<26x16384xi32, #tpu.memory_space<hbm>>, %arg3: memref<250000x128xf32, #tpu.memory_space<hbm>>, %arg4: memref<13631488xf32, #tpu.memory_space<hbm>>, %arg5: memref<26x512xi32, #tpu.memory_space<vmem>>, %arg6: memref<13312xi32, #tpu.memory_space<vmem>>, %arg7: memref<2x256x128xf32, #tpu.memory_space<vmem>>, %arg8: memref<2x8192xf32, #tpu.memory_space<vmem>>, %arg9: memref<!tpu.dma_semaphore, #tpu.memory_space<semaphore_mem>>, %arg10: memref<!tpu.dma_semaphore, #tpu.memory_space<semaphore_mem>>, %arg11: memref<!tpu.dma_semaphore, #tpu.memory_space<semaphore_mem>>, %arg12: memref<!tpu.dma_semaphore, #tpu.memory_space<semaphore_mem>>) attributes {dimension_semantics = [#tpu.dimension_semantics<core_parallel>, #tpu.dimension_semantics<subcore_parallel>], iteration_bounds = array<i64: 2, 16>, scalar_prefetch = 0 : i64, scratch_operands = 8 : i64, tpu.core_type = #tpu.core_type<sc_vector_subcore>, window_params = [{transform_indices = #map}, {transform_indices = #map}, {transform_indices = #map1}]} {
    %mul3A = arith.constant 2 : i32
    %mul3A_0 = arith.muli %arg1, %mul3A : i32
    %add3A = arith.addi %mul3A_0, %arg0 : i32
    %mul3A_1 = arith.constant 512 : i32
    %mul3A_2 = arith.muli %add3A, %mul3A_1 : i32
    "tpu.region"() ({
      %run_scoped3A = tpu.sem_alloc : memref<!tpu.dma_semaphore, #tpu.memory_space<semaphore_mem>>
      %dma_start3A_232 = arith.constant 0 : i32
      %dma_start3A_233 = tpu.memref_slice %arg2[%dma_start3A_232, %mul3A_2] : memref<26x16384xi32, #tpu.memory_space<hbm>> -> memref<26x512xi32, #tpu.memory_space<hbm>>
      %dma_start3A_234 = arith.constant 0 : i32
      %dma_start3A_235 = tpu.memref_slice %arg2[%dma_start3A_234, %mul3A_2] : memref<26x16384xi32, #tpu.memory_space<hbm>> -> memref<26x512xi32, #tpu.memory_space<hbm>>
      tpu.enqueue_dma source(%dma_start3A_235 : memref<26x512xi32, #tpu.memory_space<hbm>>) target(%arg5 : memref<26x512xi32, #tpu.memory_space<vmem>>) target_semaphore(%run_scoped3A : memref<!tpu.dma_semaphore, #tpu.memory_space<semaphore_mem>>)
      %dma_wait3A_236 = arith.constant 0 : i32
      %dma_wait3A_237 = tpu.memref_slice %arg2[%dma_wait3A_236, %mul3A_2] : memref<26x16384xi32, #tpu.memory_space<hbm>> -> memref<26x512xi32, #tpu.memory_space<hbm>>
      %dma_wait3A_238 = arith.constant 0 : i32
      %dma_wait3A_239 = tpu.memref_slice %arg2[%dma_wait3A_238, %mul3A_2] : memref<26x16384xi32, #tpu.memory_space<hbm>> -> memref<26x512xi32, #tpu.memory_space<hbm>>
      tpu.wait_dma2 semaphore(%run_scoped3A : memref<!tpu.dma_semaphore, #tpu.memory_space<semaphore_mem>>) src(%dma_wait3A_239 : memref<26x512xi32, #tpu.memory_space<hbm>>) dst(%arg5 : memref<26x512xi32, #tpu.memory_space<vmem>>)
      tpu.yield
    }) : () -> ()
    %iota3A = tpu.iota {dimensions = array<i32: 0>} : vector<16xi32>
    %add3A_3 = arith.constant 0 : i32
    %add3A_4 = vector.broadcast %add3A_3 : i32 to vector<16xi32>
    %add3A_5 = arith.addi %add3A_4, %iota3A : vector<16xi32>
    %add3A_6 = arith.constant 16 : i32
    %add3A_7 = vector.broadcast %add3A_6 : i32 to vector<16xi32>
    %add3A_8 = arith.addi %add3A_7, %iota3A : vector<16xi32>
    %add3A_9 = arith.constant 32 : i32
    %add3A_10 = vector.broadcast %add3A_9 : i32 to vector<16xi32>
    %add3A_11 = arith.addi %add3A_10, %iota3A : vector<16xi32>
    %add3A_12 = arith.constant 48 : i32
    %add3A_13 = vector.broadcast %add3A_12 : i32 to vector<16xi32>
    %add3A_14 = arith.addi %add3A_13, %iota3A : vector<16xi32>
    %add3A_15 = arith.constant 64 : i32
    %add3A_16 = vector.broadcast %add3A_15 : i32 to vector<16xi32>
    %add3A_17 = arith.addi %add3A_16, %iota3A : vector<16xi32>
    %add3A_18 = arith.constant 80 : i32
    %add3A_19 = vector.broadcast %add3A_18 : i32 to vector<16xi32>
    %add3A_20 = arith.addi %add3A_19, %iota3A : vector<16xi32>
    %add3A_21 = arith.constant 96 : i32
    %add3A_22 = vector.broadcast %add3A_21 : i32 to vector<16xi32>
    %add3A_23 = arith.addi %add3A_22, %iota3A : vector<16xi32>
    %add3A_24 = arith.constant 112 : i32
    %add3A_25 = vector.broadcast %add3A_24 : i32 to vector<16xi32>
    %add3A_26 = arith.addi %add3A_25, %iota3A : vector<16xi32>
    %add3A_27 = arith.constant 128 : i32
    %add3A_28 = vector.broadcast %add3A_27 : i32 to vector<16xi32>
    %add3A_29 = arith.addi %add3A_28, %iota3A : vector<16xi32>
    %add3A_30 = arith.constant 144 : i32
    %add3A_31 = vector.broadcast %add3A_30 : i32 to vector<16xi32>
    %add3A_32 = arith.addi %add3A_31, %iota3A : vector<16xi32>
    %add3A_33 = arith.constant 160 : i32
    %add3A_34 = vector.broadcast %add3A_33 : i32 to vector<16xi32>
    %add3A_35 = arith.addi %add3A_34, %iota3A : vector<16xi32>
    %add3A_36 = arith.constant 176 : i32
    %add3A_37 = vector.broadcast %add3A_36 : i32 to vector<16xi32>
    %add3A_38 = arith.addi %add3A_37, %iota3A : vector<16xi32>
    %add3A_39 = arith.constant 192 : i32
    %add3A_40 = vector.broadcast %add3A_39 : i32 to vector<16xi32>
    %add3A_41 = arith.addi %add3A_40, %iota3A : vector<16xi32>
    %add3A_42 = arith.constant 208 : i32
    %add3A_43 = vector.broadcast %add3A_42 : i32 to vector<16xi32>
    %add3A_44 = arith.addi %add3A_43, %iota3A : vector<16xi32>
    %add3A_45 = arith.constant 224 : i32
    %add3A_46 = vector.broadcast %add3A_45 : i32 to vector<16xi32>
    %add3A_47 = arith.addi %add3A_46, %iota3A : vector<16xi32>
    %add3A_48 = arith.constant 240 : i32
    %add3A_49 = vector.broadcast %add3A_48 : i32 to vector<16xi32>
    %add3A_50 = arith.addi %add3A_49, %iota3A : vector<16xi32>
    %scan3A = arith.constant 0 : i32
    %scan3A_51 = arith.constant 0 : i32
    %scan3A_52 = arith.constant 832 : i32
    %scan3A_53 = arith.addi %scan3A_51, %scan3A_52 : i32
    %scan3A_54 = arith.constant 1 : i32
    scf.for %scan3A_232 = %scan3A_51 to %scan3A_53 step %scan3A_54  : i32 {
      %shift_right_arithmetic3A = arith.constant 5 : i32
      %shift_right_arithmetic3A_233 = arith.shrsi %scan3A_232, %shift_right_arithmetic3A : i32
      %and3A = arith.constant 31 : i32
      %and3A_234 = arith.andi %scan3A_232, %and3A : i32
      %mul3A_235 = arith.constant 16 : i32
      %mul3A_236 = arith.muli %and3A_234, %mul3A_235 : i32
      %get3A = arith.index_cast %shift_right_arithmetic3A_233 : i32 to index
      %get3A_237 = arith.index_cast %mul3A_236 : i32 to index
      %get3A_238 = tpu.vector_load %arg5[%get3A, %get3A_237] {strides = array<i32>} : memref<26x512xi32, #tpu.memory_space<vmem>>, vector<16xi32>,
      %shift_right_arithmetic3A_239 = arith.constant 2 : i32
      %shift_right_arithmetic3A_240 = vector.broadcast %shift_right_arithmetic3A_239 : i32 to vector<16xi32>
      %shift_right_arithmetic3A_241 = arith.shrsi %get3A_238, %shift_right_arithmetic3A_240 : vector<16xi32>
      %mul3A_242 = arith.constant 512 : i32
      %mul3A_243 = arith.muli %shift_right_arithmetic3A_233, %mul3A_242 : i32
      %add3A_244 = arith.addi %mul3A_243, %mul3A_236 : i32
      %swap3A = arith.index_cast %add3A_244 : i32 to index
      %swap3A_245 = tpu.vector_load %arg6[%swap3A] {strides = array<i32>} : memref<13312xi32, #tpu.memory_space<vmem>>, vector<16xi32>,
      tpu.vector_store %arg6[%swap3A], %shift_right_arithmetic3A_241 {strides = array<i32>} : memref<13312xi32, #tpu.memory_space<vmem>>, vector<16xi32>,
    }
    %scan3A_55 = arith.constant 832 : i32
    %dma_start3A = arith.constant 0 : i32
    %dma_start3A_56 = arith.constant 0 : i32
    %dma_start3A_57 = arith.constant 0 : i32
    %dma_start3A_58 = tpu.memref_slice %arg7[%dma_start3A, %dma_start3A_56, %dma_start3A_57] : memref<2x256x128xf32, #tpu.memory_space<vmem>> -> memref<1x256x128xf32, #tpu.memory_space<vmem>>
    %dma_start3A_59 = tpu.memref_squeeze %dma_start3A_58 : memref<1x256x128xf32, #tpu.memory_space<vmem>> -> memref<256x128xf32, #tpu.memory_space<vmem>>
    %dma_start3A_60 = arith.constant 0 : i32
    %dma_start3A_61 = tpu.memref_slice %arg6[%dma_start3A_60] : memref<13312xi32, #tpu.memory_space<vmem>> -> memref<256xi32, #tpu.memory_space<vmem>>
    %dma_start3A_62 = arith.constant 0 : i32
    %dma_start3A_63 = arith.constant 0 : i32
    %dma_start3A_64 = tpu.memref_slice %arg3[%dma_start3A_62, %dma_start3A_63] : memref<250000x128xf32, #tpu.memory_space<hbm>> -> memref<250000x128xf32, #tpu.memory_space<hbm>>
    tpu.enqueue_indirect_dma source(%dma_start3A_64 : memref<250000x128xf32, #tpu.memory_space<hbm>>) target(%dma_start3A_59 : memref<256x128xf32, #tpu.memory_space<vmem>>) offsets(%dma_start3A_61 : memref<256xi32, #tpu.memory_space<vmem>>) semaphore(%arg9 : memref<!tpu.dma_semaphore, #tpu.memory_space<semaphore_mem>>)
    %scan3A_65 = arith.constant 0 : i32
    %scan3A_66 = arith.constant 0 : i32
    %scan3A_67 = arith.constant 26 : i32
    %scan3A_68 = arith.addi %scan3A_66, %scan3A_67 : i32
    %scan3A_69 = arith.constant 1 : i32
    scf.for %scan3A_232 = %scan3A_66 to %scan3A_68 step %scan3A_69  : i32 {
      %add3A_233 = arith.constant 1 : i32
      %add3A_234 = arith.addi %scan3A_232, %add3A_233 : i32
      %min3A = arith.constant 25 : i32
      %min3A_235 = arith.minsi %add3A_234, %min3A : i32
      %ge3A = arith.constant 1 : i32
      %ge3A_236 = arith.cmpi sge, %scan3A_232, %ge3A : i32
      %convert_element_type3A = arith.extui %ge3A_236 : i1 to i32
      %cond3A = arith.constant 0 : i32
      %cond3A_237 = arith.cmpi ne, %convert_element_type3A, %cond3A : i32
      scf.if %cond3A_237 {
        %sub3A = arith.constant 1 : i32
        %sub3A_774 = arith.subi %scan3A_232, %sub3A : i32
        %mul3A_775 = arith.constant 4 : i32
        %mul3A_776 = arith.muli %sub3A_774, %mul3A_775 : i32
        %add3A_777 = arith.constant 0 : i32
        %add3A_778 = arith.addi %mul3A_776, %add3A_777 : i32
        %mul3A_779 = arith.constant 128 : i32
        %mul3A_780 = arith.muli %add3A_778, %mul3A_779 : i32
        %mul3A_781 = arith.constant 2 : i32
        %mul3A_782 = arith.muli %add3A, %mul3A_781 : i32
        %mul3A_783 = arith.constant 2 : i32
        %mul3A_784 = arith.muli %mul3A_782, %mul3A_783 : i32
        %add3A_785 = arith.addi %mul3A_780, %mul3A_784 : i32
        %add3A_786 = arith.constant 0 : i32
        %add3A_787 = arith.addi %add3A_785, %add3A_786 : i32
        %mul3A_788 = arith.constant 1024 : i32
        %mul3A_789 = arith.muli %add3A_787, %mul3A_788 : i32
        %mul3A_790 = arith.constant 4 : i32
        %mul3A_791 = arith.muli %sub3A_774, %mul3A_790 : i32
        %add3A_792 = arith.constant 1 : i32
        %add3A_793 = arith.addi %mul3A_791, %add3A_792 : i32
        %mul3A_794 = arith.constant 128 : i32
        %mul3A_795 = arith.muli %add3A_793, %mul3A_794 : i32
        %mul3A_796 = arith.constant 2 : i32
        %mul3A_797 = arith.muli %add3A, %mul3A_796 : i32
        %mul3A_798 = arith.constant 2 : i32
        %mul3A_799 = arith.muli %mul3A_797, %mul3A_798 : i32
        %add3A_800 = arith.addi %mul3A_795, %mul3A_799 : i32
        %add3A_801 = arith.constant 0 : i32
        %add3A_802 = arith.addi %add3A_800, %add3A_801 : i32
        %mul3A_803 = arith.constant 1024 : i32
        %mul3A_804 = arith.muli %add3A_802, %mul3A_803 : i32
        %mul3A_805 = arith.constant 4 : i32
        %mul3A_806 = arith.muli %sub3A_774, %mul3A_805 : i32
        %add3A_807 = arith.constant 2 : i32
        %add3A_808 = arith.addi %mul3A_806, %add3A_807 : i32
        %mul3A_809 = arith.constant 128 : i32
        %mul3A_810 = arith.muli %add3A_808, %mul3A_809 : i32
        %mul3A_811 = arith.constant 2 : i32
        %mul3A_812 = arith.muli %add3A, %mul3A_811 : i32
        %mul3A_813 = arith.constant 2 : i32
        %mul3A_814 = arith.muli %mul3A_812, %mul3A_813 : i32
        %add3A_815 = arith.addi %mul3A_810, %mul3A_814 : i32
        %add3A_816 = arith.constant 0 : i32
        %add3A_817 = arith.addi %add3A_815, %add3A_816 : i32
        %mul3A_818 = arith.constant 1024 : i32
        %mul3A_819 = arith.muli %add3A_817, %mul3A_818 : i32
        %mul3A_820 = arith.constant 4 : i32
        %mul3A_821 = arith.muli %sub3A_774, %mul3A_820 : i32
        %add3A_822 = arith.constant 3 : i32
        %add3A_823 = arith.addi %mul3A_821, %add3A_822 : i32
        %mul3A_824 = arith.constant 128 : i32
        %mul3A_825 = arith.muli %add3A_823, %mul3A_824 : i32
        %mul3A_826 = arith.constant 2 : i32
        %mul3A_827 = arith.muli %add3A, %mul3A_826 : i32
        %mul3A_828 = arith.constant 2 : i32
        %mul3A_829 = arith.muli %mul3A_827, %mul3A_828 : i32
        %add3A_830 = arith.addi %mul3A_825, %mul3A_829 : i32
        %add3A_831 = arith.constant 0 : i32
        %add3A_832 = arith.addi %add3A_830, %add3A_831 : i32
        %mul3A_833 = arith.constant 1024 : i32
        %mul3A_834 = arith.muli %add3A_832, %mul3A_833 : i32
        %dma_wait3A_835 = arith.constant 0 : i32
        %dma_wait3A_836 = arith.constant 0 : i32
        %dma_wait3A_837 = tpu.memref_slice %arg8[%dma_wait3A_835, %dma_wait3A_836] : memref<2x8192xf32, #tpu.memory_space<vmem>> -> memref<1x2048xf32, #tpu.memory_space<vmem>>
        %dma_wait3A_838 = tpu.memref_squeeze %dma_wait3A_837 : memref<1x2048xf32, #tpu.memory_space<vmem>> -> memref<2048xf32, #tpu.memory_space<vmem>>
        %dma_wait3A_839 = tpu.memref_slice %arg4[%mul3A_789] : memref<13631488xf32, #tpu.memory_space<hbm>> -> memref<2048xf32, #tpu.memory_space<hbm>>
        %dma_wait3A_840 = tpu.memref_slice %arg4[%mul3A_789] : memref<13631488xf32, #tpu.memory_space<hbm>> -> memref<2048xf32, #tpu.memory_space<hbm>>
        %dma_wait3A_841 = arith.constant 0 : i32
        %dma_wait3A_842 = tpu.memref_slice %arg8[%dma_wait3A_835, %dma_wait3A_841] : memref<2x8192xf32, #tpu.memory_space<vmem>> -> memref<1x2048xf32, #tpu.memory_space<vmem>>
        %dma_wait3A_843 = tpu.memref_squeeze %dma_wait3A_842 : memref<1x2048xf32, #tpu.memory_space<vmem>> -> memref<2048xf32, #tpu.memory_space<vmem>>
        tpu.wait_dma2 semaphore(%arg11 : memref<!tpu.dma_semaphore, #tpu.memory_space<semaphore_mem>>) src(%dma_wait3A_843 : memref<2048xf32, #tpu.memory_space<vmem>>) dst(%dma_wait3A_840 : memref<2048xf32, #tpu.memory_space<hbm>>)
        %dma_wait3A_844 = arith.constant 0 : i32
        %dma_wait3A_845 = arith.constant 2048 : i32
        %dma_wait3A_846 = tpu.memref_slice %arg8[%dma_wait3A_844, %dma_wait3A_845] : memref<2x8192xf32, #tpu.memory_space<vmem>> -> memref<1x2048xf32, #tpu.memory_space<vmem>>
        %dma_wait3A_847 = tpu.memref_squeeze %dma_wait3A_846 : memref<1x2048xf32, #tpu.memory_space<vmem>> -> memref<2048xf32, #tpu.memory_space<vmem>>
        %dma_wait3A_848 = tpu.memref_slice %arg4[%mul3A_804] : memref<13631488xf32, #tpu.memory_space<hbm>> -> memref<2048xf32, #tpu.memory_space<hbm>>
        %dma_wait3A_849 = tpu.memref_slice %arg4[%mul3A_804] : memref<13631488xf32, #tpu.memory_space<hbm>> -> memref<2048xf32, #tpu.memory_space<hbm>>
        %dma_wait3A_850 = arith.constant 2048 : i32
        %dma_wait3A_851 = tpu.memref_slice %arg8[%dma_wait3A_844, %dma_wait3A_850] : memref<2x8192xf32, #tpu.memory_space<vmem>> -> memref<1x2048xf32, #tpu.memory_space<vmem>>
        %dma_wait3A_852 = tpu.memref_squeeze %dma_wait3A_851 : memref<1x2048xf32, #tpu.memory_space<vmem>> -> memref<2048xf32, #tpu.memory_space<vmem>>
        tpu.wait_dma2 semaphore(%arg11 : memref<!tpu.dma_semaphore, #tpu.memory_space<semaphore_mem>>) src(%dma_wait3A_852 : memref<2048xf32, #tpu.memory_space<vmem>>) dst(%dma_wait3A_849 : memref<2048xf32, #tpu.memory_space<hbm>>)
        %dma_wait3A_853 = arith.constant 0 : i32
        %dma_wait3A_854 = arith.constant 4096 : i32
        %dma_wait3A_855 = tpu.memref_slice %arg8[%dma_wait3A_853, %dma_wait3A_854] : memref<2x8192xf32, #tpu.memory_space<vmem>> -> memref<1x2048xf32, #tpu.memory_space<vmem>>
        %dma_wait3A_856 = tpu.memref_squeeze %dma_wait3A_855 : memref<1x2048xf32, #tpu.memory_space<vmem>> -> memref<2048xf32, #tpu.memory_space<vmem>>
        %dma_wait3A_857 = tpu.memref_slice %arg4[%mul3A_819] : memref<13631488xf32, #tpu.memory_space<hbm>> -> memref<2048xf32, #tpu.memory_space<hbm>>
        %dma_wait3A_858 = tpu.memref_slice %arg4[%mul3A_819] : memref<13631488xf32, #tpu.memory_space<hbm>> -> memref<2048xf32, #tpu.memory_space<hbm>>
        %dma_wait3A_859 = arith.constant 4096 : i32
        %dma_wait3A_860 = tpu.memref_slice %arg8[%dma_wait3A_853, %dma_wait3A_859] : memref<2x8192xf32, #tpu.memory_space<vmem>> -> memref<1x2048xf32, #tpu.memory_space<vmem>>
        %dma_wait3A_861 = tpu.memref_squeeze %dma_wait3A_860 : memref<1x2048xf32, #tpu.memory_space<vmem>> -> memref<2048xf32, #tpu.memory_space<vmem>>
        tpu.wait_dma2 semaphore(%arg11 : memref<!tpu.dma_semaphore, #tpu.memory_space<semaphore_mem>>) src(%dma_wait3A_861 : memref<2048xf32, #tpu.memory_space<vmem>>) dst(%dma_wait3A_858 : memref<2048xf32, #tpu.memory_space<hbm>>)
        %dma_wait3A_862 = arith.constant 0 : i32
        %dma_wait3A_863 = arith.constant 6144 : i32
        %dma_wait3A_864 = tpu.memref_slice %arg8[%dma_wait3A_862, %dma_wait3A_863] : memref<2x8192xf32, #tpu.memory_space<vmem>> -> memref<1x2048xf32, #tpu.memory_space<vmem>>
        %dma_wait3A_865 = tpu.memref_squeeze %dma_wait3A_864 : memref<1x2048xf32, #tpu.memory_space<vmem>> -> memref<2048xf32, #tpu.memory_space<vmem>>
        %dma_wait3A_866 = tpu.memref_slice %arg4[%mul3A_834] : memref<13631488xf32, #tpu.memory_space<hbm>> -> memref<2048xf32, #tpu.memory_space<hbm>>
        %dma_wait3A_867 = tpu.memref_slice %arg4[%mul3A_834] : memref<13631488xf32, #tpu.memory_space<hbm>> -> memref<2048xf32, #tpu.memory_space<hbm>>
        %dma_wait3A_868 = arith.constant 6144 : i32
        %dma_wait3A_869 = tpu.memref_slice %arg8[%dma_wait3A_862, %dma_wait3A_868] : memref<2x8192xf32, #tpu.memory_space<vmem>> -> memref<1x2048xf32, #tpu.memory_space<vmem>>
        %dma_wait3A_870 = tpu.memref_squeeze %dma_wait3A_869 : memref<1x2048xf32, #tpu.memory_space<vmem>> -> memref<2048xf32, #tpu.memory_space<vmem>>
        tpu.wait_dma2 semaphore(%arg11 : memref<!tpu.dma_semaphore, #tpu.memory_space<semaphore_mem>>) src(%dma_wait3A_870 : memref<2048xf32, #tpu.memory_space<vmem>>) dst(%dma_wait3A_867 : memref<2048xf32, #tpu.memory_space<hbm>>)
      } else {
      }
      %mul3A_238 = arith.constant 512 : i32
      %mul3A_239 = arith.muli %scan3A_232, %mul3A_238 : i32
      %add3A_240 = arith.constant 256 : i32
      %add3A_241 = arith.addi %mul3A_239, %add3A_240 : i32
      %dma_start3A_242 = arith.constant 1 : i32
      %dma_start3A_243 = arith.constant 0 : i32
      %dma_start3A_244 = arith.constant 0 : i32
      %dma_start3A_245 = tpu.memref_slice %arg7[%dma_start3A_242, %dma_start3A_243, %dma_start3A_244] : memref<2x256x128xf32, #tpu.memory_space<vmem>> -> memref<1x256x128xf32, #tpu.memory_space<vmem>>
      %dma_start3A_246 = tpu.memref_squeeze %dma_start3A_245 : memref<1x256x128xf32, #tpu.memory_space<vmem>> -> memref<256x128xf32, #tpu.memory_space<vmem>>
      %dma_start3A_247 = tpu.memref_slice %arg6[%add3A_241] : memref<13312xi32, #tpu.memory_space<vmem>> -> memref<256xi32, #tpu.memory_space<vmem>>
      %dma_start3A_248 = arith.constant 0 : i32
      %dma_start3A_249 = arith.constant 0 : i32
      %dma_start3A_250 = tpu.memref_slice %arg3[%dma_start3A_248, %dma_start3A_249] : memref<250000x128xf32, #tpu.memory_space<hbm>> -> memref<250000x128xf32, #tpu.memory_space<hbm>>
      tpu.enqueue_indirect_dma source(%dma_start3A_250 : memref<250000x128xf32, #tpu.memory_space<hbm>>) target(%dma_start3A_246 : memref<256x128xf32, #tpu.memory_space<vmem>>) offsets(%dma_start3A_247 : memref<256xi32, #tpu.memory_space<vmem>>) semaphore(%arg10 : memref<!tpu.dma_semaphore, #tpu.memory_space<semaphore_mem>>)
      %mul3A_251 = arith.constant 512 : i32
      %mul3A_252 = arith.muli %scan3A_232, %mul3A_251 : i32
      %add3A_253 = arith.constant 0 : i32
      %add3A_254 = arith.addi %mul3A_252, %add3A_253 : i32
      %dma_wait3A_255 = arith.constant 0 : i32
      %dma_wait3A_256 = arith.constant 0 : i32
      %dma_wait3A_257 = arith.constant 0 : i32
      %dma_wait3A_258 = tpu.memref_slice %arg7[%dma_wait3A_255, %dma_wait3A_256, %dma_wait3A_257] : memref<2x256x128xf32, #tpu.memory_space<vmem>> -> memref<1x256x128xf32, #tpu.memory_space<vmem>>
      %dma_wait3A_259 = tpu.memref_squeeze %dma_wait3A_258 : memref<1x256x128xf32, #tpu.memory_space<vmem>> -> memref<256x128xf32, #tpu.memory_space<vmem>>
      %dma_wait3A_260 = tpu.memref_slice %arg6[%add3A_254] : memref<13312xi32, #tpu.memory_space<vmem>> -> memref<256xi32, #tpu.memory_space<vmem>>
      %dma_wait3A_261 = arith.constant 0 : i32
      %dma_wait3A_262 = arith.constant 0 : i32
      %dma_wait3A_263 = tpu.memref_slice %arg3[%dma_wait3A_261, %dma_wait3A_262] : memref<250000x128xf32, #tpu.memory_space<hbm>> -> memref<250000x128xf32, #tpu.memory_space<hbm>>
      tpu.wait_indirect_dma semaphore(%arg9 : memref<!tpu.dma_semaphore, #tpu.memory_space<semaphore_mem>>) src(%dma_wait3A_263 : memref<250000x128xf32, #tpu.memory_space<hbm>>) dst(%dma_wait3A_259 : memref<256x128xf32, #tpu.memory_space<vmem>>)
      %get3A = arith.index_cast %scan3A_232 : i32 to index
      %get3A_264 = arith.constant 0 : index
      %get3A_265 = tpu.vector_load %arg5[%get3A, %get3A_264] {strides = array<i32>} : memref<26x512xi32, #tpu.memory_space<vmem>>, vector<16xi32>,
      %and3A = arith.constant 3 : i32
      %and3A_266 = vector.broadcast %and3A : i32 to vector<16xi32>
      %and3A_267 = arith.andi %get3A_265, %and3A_266 : vector<16xi32>
      %mul3A_268 = arith.constant 32 : i32
      %mul3A_269 = vector.broadcast %mul3A_268 : i32 to vector<16xi32>
      %mul3A_270 = arith.muli %and3A_267, %mul3A_269 : vector<16xi32>
      %get3A_271 = arith.index_cast %scan3A_232 : i32 to index
      %get3A_272 = arith.constant 16 : index
      %get3A_273 = tpu.vector_load %arg5[%get3A_271, %get3A_272] {strides = array<i32>} : memref<26x512xi32, #tpu.memory_space<vmem>>, vector<16xi32>,
      %and3A_274 = arith.constant 3 : i32
      %and3A_275 = vector.broadcast %and3A_274 : i32 to vector<16xi32>
      %and3A_276 = arith.andi %get3A_273, %and3A_275 : vector<16xi32>
      %mul3A_277 = arith.constant 32 : i32
      %mul3A_278 = vector.broadcast %mul3A_277 : i32 to vector<16xi32>
      %mul3A_279 = arith.muli %and3A_276, %mul3A_278 : vector<16xi32>
      %get3A_280 = arith.index_cast %scan3A_232 : i32 to index
      %get3A_281 = arith.constant 32 : index
      %get3A_282 = tpu.vector_load %arg5[%get3A_280, %get3A_281] {strides = array<i32>} : memref<26x512xi32, #tpu.memory_space<vmem>>, vector<16xi32>,
      %and3A_283 = arith.constant 3 : i32
      %and3A_284 = vector.broadcast %and3A_283 : i32 to vector<16xi32>
      %and3A_285 = arith.andi %get3A_282, %and3A_284 : vector<16xi32>
      %mul3A_286 = arith.constant 32 : i32
      %mul3A_287 = vector.broadcast %mul3A_286 : i32 to vector<16xi32>
      %mul3A_288 = arith.muli %and3A_285, %mul3A_287 : vector<16xi32>
      %get3A_289 = arith.index_cast %scan3A_232 : i32 to index
      %get3A_290 = arith.constant 48 : index
      %get3A_291 = tpu.vector_load %arg5[%get3A_289, %get3A_290] {strides = array<i32>} : memref<26x512xi32, #tpu.memory_space<vmem>>, vector<16xi32>,
      %and3A_292 = arith.constant 3 : i32
      %and3A_293 = vector.broadcast %and3A_292 : i32 to vector<16xi32>
      %and3A_294 = arith.andi %get3A_291, %and3A_293 : vector<16xi32>
      %mul3A_295 = arith.constant 32 : i32
      %mul3A_296 = vector.broadcast %mul3A_295 : i32 to vector<16xi32>
      %mul3A_297 = arith.muli %and3A_294, %mul3A_296 : vector<16xi32>
      %get3A_298 = arith.index_cast %scan3A_232 : i32 to index
      %get3A_299 = arith.constant 64 : index
      %get3A_300 = tpu.vector_load %arg5[%get3A_298, %get3A_299] {strides = array<i32>} : memref<26x512xi32, #tpu.memory_space<vmem>>, vector<16xi32>,
      %and3A_301 = arith.constant 3 : i32
      %and3A_302 = vector.broadcast %and3A_301 : i32 to vector<16xi32>
      %and3A_303 = arith.andi %get3A_300, %and3A_302 : vector<16xi32>
      %mul3A_304 = arith.constant 32 : i32
      %mul3A_305 = vector.broadcast %mul3A_304 : i32 to vector<16xi32>
      %mul3A_306 = arith.muli %and3A_303, %mul3A_305 : vector<16xi32>
      %get3A_307 = arith.index_cast %scan3A_232 : i32 to index
      %get3A_308 = arith.constant 80 : index
      %get3A_309 = tpu.vector_load %arg5[%get3A_307, %get3A_308] {strides = array<i32>} : memref<26x512xi32, #tpu.memory_space<vmem>>, vector<16xi32>,
      %and3A_310 = arith.constant 3 : i32
      %and3A_311 = vector.broadcast %and3A_310 : i32 to vector<16xi32>
      %and3A_312 = arith.andi %get3A_309, %and3A_311 : vector<16xi32>
      %mul3A_313 = arith.constant 32 : i32
      %mul3A_314 = vector.broadcast %mul3A_313 : i32 to vector<16xi32>
      %mul3A_315 = arith.muli %and3A_312, %mul3A_314 : vector<16xi32>
      %get3A_316 = arith.index_cast %scan3A_232 : i32 to index
      %get3A_317 = arith.constant 96 : index
      %get3A_318 = tpu.vector_load %arg5[%get3A_316, %get3A_317] {strides = array<i32>} : memref<26x512xi32, #tpu.memory_space<vmem>>, vector<16xi32>,
      %and3A_319 = arith.constant 3 : i32
      %and3A_320 = vector.broadcast %and3A_319 : i32 to vector<16xi32>
      %and3A_321 = arith.andi %get3A_318, %and3A_320 : vector<16xi32>
      %mul3A_322 = arith.constant 32 : i32
      %mul3A_323 = vector.broadcast %mul3A_322 : i32 to vector<16xi32>
      %mul3A_324 = arith.muli %and3A_321, %mul3A_323 : vector<16xi32>
      %get3A_325 = arith.index_cast %scan3A_232 : i32 to index
      %get3A_326 = arith.constant 112 : index
      %get3A_327 = tpu.vector_load %arg5[%get3A_325, %get3A_326] {strides = array<i32>} : memref<26x512xi32, #tpu.memory_space<vmem>>, vector<16xi32>,
      %and3A_328 = arith.constant 3 : i32
      %and3A_329 = vector.broadcast %and3A_328 : i32 to vector<16xi32>
      %and3A_330 = arith.andi %get3A_327, %and3A_329 : vector<16xi32>
      %mul3A_331 = arith.constant 32 : i32
      %mul3A_332 = vector.broadcast %mul3A_331 : i32 to vector<16xi32>
      %mul3A_333 = arith.muli %and3A_330, %mul3A_332 : vector<16xi32>
      %get3A_334 = arith.index_cast %scan3A_232 : i32 to index
      %get3A_335 = arith.constant 128 : index
      %get3A_336 = tpu.vector_load %arg5[%get3A_334, %get3A_335] {strides = array<i32>} : memref<26x512xi32, #tpu.memory_space<vmem>>, vector<16xi32>,
      %and3A_337 = arith.constant 3 : i32
      %and3A_338 = vector.broadcast %and3A_337 : i32 to vector<16xi32>
      %and3A_339 = arith.andi %get3A_336, %and3A_338 : vector<16xi32>
      %mul3A_340 = arith.constant 32 : i32
      %mul3A_341 = vector.broadcast %mul3A_340 : i32 to vector<16xi32>
      %mul3A_342 = arith.muli %and3A_339, %mul3A_341 : vector<16xi32>
      %get3A_343 = arith.index_cast %scan3A_232 : i32 to index
      %get3A_344 = arith.constant 144 : index
      %get3A_345 = tpu.vector_load %arg5[%get3A_343, %get3A_344] {strides = array<i32>} : memref<26x512xi32, #tpu.memory_space<vmem>>, vector<16xi32>,
      %and3A_346 = arith.constant 3 : i32
      %and3A_347 = vector.broadcast %and3A_346 : i32 to vector<16xi32>
      %and3A_348 = arith.andi %get3A_345, %and3A_347 : vector<16xi32>
      %mul3A_349 = arith.constant 32 : i32
      %mul3A_350 = vector.broadcast %mul3A_349 : i32 to vector<16xi32>
      %mul3A_351 = arith.muli %and3A_348, %mul3A_350 : vector<16xi32>
      %get3A_352 = arith.index_cast %scan3A_232 : i32 to index
      %get3A_353 = arith.constant 160 : index
      %get3A_354 = tpu.vector_load %arg5[%get3A_352, %get3A_353] {strides = array<i32>} : memref<26x512xi32, #tpu.memory_space<vmem>>, vector<16xi32>,
      %and3A_355 = arith.constant 3 : i32
      %and3A_356 = vector.broadcast %and3A_355 : i32 to vector<16xi32>
      %and3A_357 = arith.andi %get3A_354, %and3A_356 : vector<16xi32>
      %mul3A_358 = arith.constant 32 : i32
      %mul3A_359 = vector.broadcast %mul3A_358 : i32 to vector<16xi32>
      %mul3A_360 = arith.muli %and3A_357, %mul3A_359 : vector<16xi32>
      %get3A_361 = arith.index_cast %scan3A_232 : i32 to index
      %get3A_362 = arith.constant 176 : index
      %get3A_363 = tpu.vector_load %arg5[%get3A_361, %get3A_362] {strides = array<i32>} : memref<26x512xi32, #tpu.memory_space<vmem>>, vector<16xi32>,
      %and3A_364 = arith.constant 3 : i32
      %and3A_365 = vector.broadcast %and3A_364 : i32 to vector<16xi32>
      %and3A_366 = arith.andi %get3A_363, %and3A_365 : vector<16xi32>
      %mul3A_367 = arith.constant 32 : i32
      %mul3A_368 = vector.broadcast %mul3A_367 : i32 to vector<16xi32>
      %mul3A_369 = arith.muli %and3A_366, %mul3A_368 : vector<16xi32>
      %get3A_370 = arith.index_cast %scan3A_232 : i32 to index
      %get3A_371 = arith.constant 192 : index
      %get3A_372 = tpu.vector_load %arg5[%get3A_370, %get3A_371] {strides = array<i32>} : memref<26x512xi32, #tpu.memory_space<vmem>>, vector<16xi32>,
      %and3A_373 = arith.constant 3 : i32
      %and3A_374 = vector.broadcast %and3A_373 : i32 to vector<16xi32>
      %and3A_375 = arith.andi %get3A_372, %and3A_374 : vector<16xi32>
      %mul3A_376 = arith.constant 32 : i32
      %mul3A_377 = vector.broadcast %mul3A_376 : i32 to vector<16xi32>
      %mul3A_378 = arith.muli %and3A_375, %mul3A_377 : vector<16xi32>
      %get3A_379 = arith.index_cast %scan3A_232 : i32 to index
      %get3A_380 = arith.constant 208 : index
      %get3A_381 = tpu.vector_load %arg5[%get3A_379, %get3A_380] {strides = array<i32>} : memref<26x512xi32, #tpu.memory_space<vmem>>, vector<16xi32>,
      %and3A_382 = arith.constant 3 : i32
      %and3A_383 = vector.broadcast %and3A_382 : i32 to vector<16xi32>
      %and3A_384 = arith.andi %get3A_381, %and3A_383 : vector<16xi32>
      %mul3A_385 = arith.constant 32 : i32
      %mul3A_386 = vector.broadcast %mul3A_385 : i32 to vector<16xi32>
      %mul3A_387 = arith.muli %and3A_384, %mul3A_386 : vector<16xi32>
      %get3A_388 = arith.index_cast %scan3A_232 : i32 to index
      %get3A_389 = arith.constant 224 : index
      %get3A_390 = tpu.vector_load %arg5[%get3A_388, %get3A_389] {strides = array<i32>} : memref<26x512xi32, #tpu.memory_space<vmem>>, vector<16xi32>,
      %and3A_391 = arith.constant 3 : i32
      %and3A_392 = vector.broadcast %and3A_391 : i32 to vector<16xi32>
      %and3A_393 = arith.andi %get3A_390, %and3A_392 : vector<16xi32>
      %mul3A_394 = arith.constant 32 : i32
      %mul3A_395 = vector.broadcast %mul3A_394 : i32 to vector<16xi32>
      %mul3A_396 = arith.muli %and3A_393, %mul3A_395 : vector<16xi32>
      %get3A_397 = arith.index_cast %scan3A_232 : i32 to index
      %get3A_398 = arith.constant 240 : index
      %get3A_399 = tpu.vector_load %arg5[%get3A_397, %get3A_398] {strides = array<i32>} : memref<26x512xi32, #tpu.memory_space<vmem>>, vector<16xi32>,
      %and3A_400 = arith.constant 3 : i32
      %and3A_401 = vector.broadcast %and3A_400 : i32 to vector<16xi32>
      %and3A_402 = arith.andi %get3A_399, %and3A_401 : vector<16xi32>
      %mul3A_403 = arith.constant 32 : i32
      %mul3A_404 = vector.broadcast %mul3A_403 : i32 to vector<16xi32>
      %mul3A_405 = arith.muli %and3A_402, %mul3A_404 : vector<16xi32>
      %parallel_loop3A = arith.constant 0 : i32
      %parallel_loop3A_406 = arith.constant 32 : i32
      %parallel_loop3A_407 = arith.constant 1 : i32
      scf.for %parallel_loop3A_774 = %parallel_loop3A to %parallel_loop3A_406 step %parallel_loop3A_407  : i32 {
        %parallel_loop3A_775 = arith.constant 3 : i32
        %parallel_loop3A_776 = arith.shrsi %parallel_loop3A_774, %parallel_loop3A_775 : i32
        %parallel_loop3A_777 = arith.constant 2048 : i32
        %parallel_loop3A_778 = arith.muli %parallel_loop3A_776, %parallel_loop3A_777 : i32
        %parallel_loop3A_779 = arith.constant 7 : i32
        %parallel_loop3A_780 = arith.andi %parallel_loop3A_774, %parallel_loop3A_779 : i32
        %parallel_loop3A_781 = arith.constant 128 : i32
        %parallel_loop3A_782 = arith.muli %parallel_loop3A_780, %parallel_loop3A_781 : i32
        %parallel_loop3A_783 = arith.addi %parallel_loop3A_778, %parallel_loop3A_782 : i32
        %parallel_loop3A_784 = vector.broadcast %parallel_loop3A_774 : i32 to vector<16xi32>
        %parallel_loop3A_785 = arith.addi %mul3A_270, %parallel_loop3A_784 : vector<16xi32>
        %parallel_loop3A_786 = arith.constant 0 : i32
        %parallel_loop3A_787 = arith.constant 0 : i32
        %parallel_loop3A_788 = arith.constant 0 : i32
        %parallel_loop3A_789 = tpu.memref_slice %arg7[%parallel_loop3A_786, %parallel_loop3A_787, %parallel_loop3A_788] : memref<2x256x128xf32, #tpu.memory_space<vmem>> -> memref<1x256x128xf32, #tpu.memory_space<vmem>>
        %parallel_loop3A_790 = tpu.memref_squeeze %parallel_loop3A_789 : memref<1x256x128xf32, #tpu.memory_space<vmem>> -> memref<256x128xf32, #tpu.memory_space<vmem>>
        %parallel_loop3A_791 = tpu.vector_load_idx %parallel_loop3A_790[%add3A_5, %parallel_loop3A_785] : memref<256x128xf32, #tpu.memory_space<vmem>>[vector<16xi32>, vector<16xi32>], vector<16xf32>,
        %parallel_loop3A_792 = arith.constant 0 : i32
        %parallel_loop3A_793 = arith.addi %parallel_loop3A_783, %parallel_loop3A_792 : i32
        %parallel_loop3A_794 = arith.constant 0 : i32
        %parallel_loop3A_795 = arith.addi %parallel_loop3A_793, %parallel_loop3A_794 : i32
        %parallel_loop3A_796 = arith.constant 0 : i32
        %parallel_loop3A_797 = arith.index_cast %parallel_loop3A_796 : i32 to index
        %parallel_loop3A_798 = arith.index_cast %parallel_loop3A_795 : i32 to index
        %parallel_loop3A_799 = tpu.vector_load %arg8[%parallel_loop3A_797, %parallel_loop3A_798] {strides = array<i32>} : memref<2x8192xf32, #tpu.memory_space<vmem>>, vector<16xf32>,
        tpu.vector_store %arg8[%parallel_loop3A_797, %parallel_loop3A_798], %parallel_loop3A_791 {strides = array<i32>} : memref<2x8192xf32, #tpu.memory_space<vmem>>, vector<16xf32>,
        %parallel_loop3A_800 = vector.broadcast %parallel_loop3A_774 : i32 to vector<16xi32>
        %parallel_loop3A_801 = arith.addi %mul3A_279, %parallel_loop3A_800 : vector<16xi32>
        %parallel_loop3A_802 = arith.constant 0 : i32
        %parallel_loop3A_803 = arith.constant 0 : i32
        %parallel_loop3A_804 = arith.constant 0 : i32
        %parallel_loop3A_805 = tpu.memref_slice %arg7[%parallel_loop3A_802, %parallel_loop3A_803, %parallel_loop3A_804] : memref<2x256x128xf32, #tpu.memory_space<vmem>> -> memref<1x256x128xf32, #tpu.memory_space<vmem>>
        %parallel_loop3A_806 = tpu.memref_squeeze %parallel_loop3A_805 : memref<1x256x128xf32, #tpu.memory_space<vmem>> -> memref<256x128xf32, #tpu.memory_space<vmem>>
        %parallel_loop3A_807 = tpu.vector_load_idx %parallel_loop3A_806[%add3A_8, %parallel_loop3A_801] : memref<256x128xf32, #tpu.memory_space<vmem>>[vector<16xi32>, vector<16xi32>], vector<16xf32>,
        %parallel_loop3A_808 = arith.constant 0 : i32
        %parallel_loop3A_809 = arith.addi %parallel_loop3A_783, %parallel_loop3A_808 : i32
        %parallel_loop3A_810 = arith.constant 16 : i32
        %parallel_loop3A_811 = arith.addi %parallel_loop3A_809, %parallel_loop3A_810 : i32
        %parallel_loop3A_812 = arith.constant 0 : i32
        %parallel_loop3A_813 = arith.index_cast %parallel_loop3A_812 : i32 to index
        %parallel_loop3A_814 = arith.index_cast %parallel_loop3A_811 : i32 to index
        %parallel_loop3A_815 = tpu.vector_load %arg8[%parallel_loop3A_813, %parallel_loop3A_814] {strides = array<i32>} : memref<2x8192xf32, #tpu.memory_space<vmem>>, vector<16xf32>,
        tpu.vector_store %arg8[%parallel_loop3A_813, %parallel_loop3A_814], %parallel_loop3A_807 {strides = array<i32>} : memref<2x8192xf32, #tpu.memory_space<vmem>>, vector<16xf32>,
        %parallel_loop3A_816 = vector.broadcast %parallel_loop3A_774 : i32 to vector<16xi32>
        %parallel_loop3A_817 = arith.addi %mul3A_288, %parallel_loop3A_816 : vector<16xi32>
        %parallel_loop3A_818 = arith.constant 0 : i32
        %parallel_loop3A_819 = arith.constant 0 : i32
        %parallel_loop3A_820 = arith.constant 0 : i32
        %parallel_loop3A_821 = tpu.memref_slice %arg7[%parallel_loop3A_818, %parallel_loop3A_819, %parallel_loop3A_820] : memref<2x256x128xf32, #tpu.memory_space<vmem>> -> memref<1x256x128xf32, #tpu.memory_space<vmem>>
        %parallel_loop3A_822 = tpu.memref_squeeze %parallel_loop3A_821 : memref<1x256x128xf32, #tpu.memory_space<vmem>> -> memref<256x128xf32, #tpu.memory_space<vmem>>
        %parallel_loop3A_823 = tpu.vector_load_idx %parallel_loop3A_822[%add3A_11, %parallel_loop3A_817] : memref<256x128xf32, #tpu.memory_space<vmem>>[vector<16xi32>, vector<16xi32>], vector<16xf32>,
        %parallel_loop3A_824 = arith.constant 0 : i32
        %parallel_loop3A_825 = arith.addi %parallel_loop3A_783, %parallel_loop3A_824 : i32
        %parallel_loop3A_826 = arith.constant 32 : i32
        %parallel_loop3A_827 = arith.addi %parallel_loop3A_825, %parallel_loop3A_826 : i32
        %parallel_loop3A_828 = arith.constant 0 : i32
        %parallel_loop3A_829 = arith.index_cast %parallel_loop3A_828 : i32 to index
        %parallel_loop3A_830 = arith.index_cast %parallel_loop3A_827 : i32 to index
        %parallel_loop3A_831 = tpu.vector_load %arg8[%parallel_loop3A_829, %parallel_loop3A_830] {strides = array<i32>} : memref<2x8192xf32, #tpu.memory_space<vmem>>, vector<16xf32>,
        tpu.vector_store %arg8[%parallel_loop3A_829, %parallel_loop3A_830], %parallel_loop3A_823 {strides = array<i32>} : memref<2x8192xf32, #tpu.memory_space<vmem>>, vector<16xf32>,
        %parallel_loop3A_832 = vector.broadcast %parallel_loop3A_774 : i32 to vector<16xi32>
        %parallel_loop3A_833 = arith.addi %mul3A_297, %parallel_loop3A_832 : vector<16xi32>
        %parallel_loop3A_834 = arith.constant 0 : i32
        %parallel_loop3A_835 = arith.constant 0 : i32
        %parallel_loop3A_836 = arith.constant 0 : i32
        %parallel_loop3A_837 = tpu.memref_slice %arg7[%parallel_loop3A_834, %parallel_loop3A_835, %parallel_loop3A_836] : memref<2x256x128xf32, #tpu.memory_space<vmem>> -> memref<1x256x128xf32, #tpu.memory_space<vmem>>
        %parallel_loop3A_838 = tpu.memref_squeeze %parallel_loop3A_837 : memref<1x256x128xf32, #tpu.memory_space<vmem>> -> memref<256x128xf32, #tpu.memory_space<vmem>>
        %parallel_loop3A_839 = tpu.vector_load_idx %parallel_loop3A_838[%add3A_14, %parallel_loop3A_833] : memref<256x128xf32, #tpu.memory_space<vmem>>[vector<16xi32>, vector<16xi32>], vector<16xf32>,
        %parallel_loop3A_840 = arith.constant 0 : i32
        %parallel_loop3A_841 = arith.addi %parallel_loop3A_783, %parallel_loop3A_840 : i32
        %parallel_loop3A_842 = arith.constant 48 : i32
        %parallel_loop3A_843 = arith.addi %parallel_loop3A_841, %parallel_loop3A_842 : i32
        %parallel_loop3A_844 = arith.constant 0 : i32
        %parallel_loop3A_845 = arith.index_cast %parallel_loop3A_844 : i32 to index
        %parallel_loop3A_846 = arith.index_cast %parallel_loop3A_843 : i32 to index
        %parallel_loop3A_847 = tpu.vector_load %arg8[%parallel_loop3A_845, %parallel_loop3A_846] {strides = array<i32>} : memref<2x8192xf32, #tpu.memory_space<vmem>>, vector<16xf32>,
        tpu.vector_store %arg8[%parallel_loop3A_845, %parallel_loop3A_846], %parallel_loop3A_839 {strides = array<i32>} : memref<2x8192xf32, #tpu.memory_space<vmem>>, vector<16xf32>,
        %parallel_loop3A_848 = vector.broadcast %parallel_loop3A_774 : i32 to vector<16xi32>
        %parallel_loop3A_849 = arith.addi %mul3A_306, %parallel_loop3A_848 : vector<16xi32>
        %parallel_loop3A_850 = arith.constant 0 : i32
        %parallel_loop3A_851 = arith.constant 0 : i32
        %parallel_loop3A_852 = arith.constant 0 : i32
        %parallel_loop3A_853 = tpu.memref_slice %arg7[%parallel_loop3A_850, %parallel_loop3A_851, %parallel_loop3A_852] : memref<2x256x128xf32, #tpu.memory_space<vmem>> -> memref<1x256x128xf32, #tpu.memory_space<vmem>>
        %parallel_loop3A_854 = tpu.memref_squeeze %parallel_loop3A_853 : memref<1x256x128xf32, #tpu.memory_space<vmem>> -> memref<256x128xf32, #tpu.memory_space<vmem>>
        %parallel_loop3A_855 = tpu.vector_load_idx %parallel_loop3A_854[%add3A_17, %parallel_loop3A_849] : memref<256x128xf32, #tpu.memory_space<vmem>>[vector<16xi32>, vector<16xi32>], vector<16xf32>,
        %parallel_loop3A_856 = arith.constant 0 : i32
        %parallel_loop3A_857 = arith.addi %parallel_loop3A_783, %parallel_loop3A_856 : i32
        %parallel_loop3A_858 = arith.constant 64 : i32
        %parallel_loop3A_859 = arith.addi %parallel_loop3A_857, %parallel_loop3A_858 : i32
        %parallel_loop3A_860 = arith.constant 0 : i32
        %parallel_loop3A_861 = arith.index_cast %parallel_loop3A_860 : i32 to index
        %parallel_loop3A_862 = arith.index_cast %parallel_loop3A_859 : i32 to index
        %parallel_loop3A_863 = tpu.vector_load %arg8[%parallel_loop3A_861, %parallel_loop3A_862] {strides = array<i32>} : memref<2x8192xf32, #tpu.memory_space<vmem>>, vector<16xf32>,
        tpu.vector_store %arg8[%parallel_loop3A_861, %parallel_loop3A_862], %parallel_loop3A_855 {strides = array<i32>} : memref<2x8192xf32, #tpu.memory_space<vmem>>, vector<16xf32>,
        %parallel_loop3A_864 = vector.broadcast %parallel_loop3A_774 : i32 to vector<16xi32>
        %parallel_loop3A_865 = arith.addi %mul3A_315, %parallel_loop3A_864 : vector<16xi32>
        %parallel_loop3A_866 = arith.constant 0 : i32
        %parallel_loop3A_867 = arith.constant 0 : i32
        %parallel_loop3A_868 = arith.constant 0 : i32
        %parallel_loop3A_869 = tpu.memref_slice %arg7[%parallel_loop3A_866, %parallel_loop3A_867, %parallel_loop3A_868] : memref<2x256x128xf32, #tpu.memory_space<vmem>> -> memref<1x256x128xf32, #tpu.memory_space<vmem>>
        %parallel_loop3A_870 = tpu.memref_squeeze %parallel_loop3A_869 : memref<1x256x128xf32, #tpu.memory_space<vmem>> -> memref<256x128xf32, #tpu.memory_space<vmem>>
        %parallel_loop3A_871 = tpu.vector_load_idx %parallel_loop3A_870[%add3A_20, %parallel_loop3A_865] : memref<256x128xf32, #tpu.memory_space<vmem>>[vector<16xi32>, vector<16xi32>], vector<16xf32>,
        %parallel_loop3A_872 = arith.constant 0 : i32
        %parallel_loop3A_873 = arith.addi %parallel_loop3A_783, %parallel_loop3A_872 : i32
        %parallel_loop3A_874 = arith.constant 80 : i32
        %parallel_loop3A_875 = arith.addi %parallel_loop3A_873, %parallel_loop3A_874 : i32
        %parallel_loop3A_876 = arith.constant 0 : i32
        %parallel_loop3A_877 = arith.index_cast %parallel_loop3A_876 : i32 to index
        %parallel_loop3A_878 = arith.index_cast %parallel_loop3A_875 : i32 to index
        %parallel_loop3A_879 = tpu.vector_load %arg8[%parallel_loop3A_877, %parallel_loop3A_878] {strides = array<i32>} : memref<2x8192xf32, #tpu.memory_space<vmem>>, vector<16xf32>,
        tpu.vector_store %arg8[%parallel_loop3A_877, %parallel_loop3A_878], %parallel_loop3A_871 {strides = array<i32>} : memref<2x8192xf32, #tpu.memory_space<vmem>>, vector<16xf32>,
        %parallel_loop3A_880 = vector.broadcast %parallel_loop3A_774 : i32 to vector<16xi32>
        %parallel_loop3A_881 = arith.addi %mul3A_324, %parallel_loop3A_880 : vector<16xi32>
        %parallel_loop3A_882 = arith.constant 0 : i32
        %parallel_loop3A_883 = arith.constant 0 : i32
        %parallel_loop3A_884 = arith.constant 0 : i32
        %parallel_loop3A_885 = tpu.memref_slice %arg7[%parallel_loop3A_882, %parallel_loop3A_883, %parallel_loop3A_884] : memref<2x256x128xf32, #tpu.memory_space<vmem>> -> memref<1x256x128xf32, #tpu.memory_space<vmem>>
        %parallel_loop3A_886 = tpu.memref_squeeze %parallel_loop3A_885 : memref<1x256x128xf32, #tpu.memory_space<vmem>> -> memref<256x128xf32, #tpu.memory_space<vmem>>
        %parallel_loop3A_887 = tpu.vector_load_idx %parallel_loop3A_886[%add3A_23, %parallel_loop3A_881] : memref<256x128xf32, #tpu.memory_space<vmem>>[vector<16xi32>, vector<16xi32>], vector<16xf32>,
        %parallel_loop3A_888 = arith.constant 0 : i32
        %parallel_loop3A_889 = arith.addi %parallel_loop3A_783, %parallel_loop3A_888 : i32
        %parallel_loop3A_890 = arith.constant 96 : i32
        %parallel_loop3A_891 = arith.addi %parallel_loop3A_889, %parallel_loop3A_890 : i32
        %parallel_loop3A_892 = arith.constant 0 : i32
        %parallel_loop3A_893 = arith.index_cast %parallel_loop3A_892 : i32 to index
        %parallel_loop3A_894 = arith.index_cast %parallel_loop3A_891 : i32 to index
        %parallel_loop3A_895 = tpu.vector_load %arg8[%parallel_loop3A_893, %parallel_loop3A_894] {strides = array<i32>} : memref<2x8192xf32, #tpu.memory_space<vmem>>, vector<16xf32>,
        tpu.vector_store %arg8[%parallel_loop3A_893, %parallel_loop3A_894], %parallel_loop3A_887 {strides = array<i32>} : memref<2x8192xf32, #tpu.memory_space<vmem>>, vector<16xf32>,
        %parallel_loop3A_896 = vector.broadcast %parallel_loop3A_774 : i32 to vector<16xi32>
        %parallel_loop3A_897 = arith.addi %mul3A_333, %parallel_loop3A_896 : vector<16xi32>
        %parallel_loop3A_898 = arith.constant 0 : i32
        %parallel_loop3A_899 = arith.constant 0 : i32
        %parallel_loop3A_900 = arith.constant 0 : i32
        %parallel_loop3A_901 = tpu.memref_slice %arg7[%parallel_loop3A_898, %parallel_loop3A_899, %parallel_loop3A_900] : memref<2x256x128xf32, #tpu.memory_space<vmem>> -> memref<1x256x128xf32, #tpu.memory_space<vmem>>
        %parallel_loop3A_902 = tpu.memref_squeeze %parallel_loop3A_901 : memref<1x256x128xf32, #tpu.memory_space<vmem>> -> memref<256x128xf32, #tpu.memory_space<vmem>>
        %parallel_loop3A_903 = tpu.vector_load_idx %parallel_loop3A_902[%add3A_26, %parallel_loop3A_897] : memref<256x128xf32, #tpu.memory_space<vmem>>[vector<16xi32>, vector<16xi32>], vector<16xf32>,
        %parallel_loop3A_904 = arith.constant 0 : i32
        %parallel_loop3A_905 = arith.addi %parallel_loop3A_783, %parallel_loop3A_904 : i32
        %parallel_loop3A_906 = arith.constant 112 : i32
        %parallel_loop3A_907 = arith.addi %parallel_loop3A_905, %parallel_loop3A_906 : i32
        %parallel_loop3A_908 = arith.constant 0 : i32
        %parallel_loop3A_909 = arith.index_cast %parallel_loop3A_908 : i32 to index
        %parallel_loop3A_910 = arith.index_cast %parallel_loop3A_907 : i32 to index
        %parallel_loop3A_911 = tpu.vector_load %arg8[%parallel_loop3A_909, %parallel_loop3A_910] {strides = array<i32>} : memref<2x8192xf32, #tpu.memory_space<vmem>>, vector<16xf32>,
        tpu.vector_store %arg8[%parallel_loop3A_909, %parallel_loop3A_910], %parallel_loop3A_903 {strides = array<i32>} : memref<2x8192xf32, #tpu.memory_space<vmem>>, vector<16xf32>,
        %parallel_loop3A_912 = vector.broadcast %parallel_loop3A_774 : i32 to vector<16xi32>
        %parallel_loop3A_913 = arith.addi %mul3A_342, %parallel_loop3A_912 : vector<16xi32>
        %parallel_loop3A_914 = arith.constant 0 : i32
        %parallel_loop3A_915 = arith.constant 0 : i32
        %parallel_loop3A_916 = arith.constant 0 : i32
        %parallel_loop3A_917 = tpu.memref_slice %arg7[%parallel_loop3A_914, %parallel_loop3A_915, %parallel_loop3A_916] : memref<2x256x128xf32, #tpu.memory_space<vmem>> -> memref<1x256x128xf32, #tpu.memory_space<vmem>>
        %parallel_loop3A_918 = tpu.memref_squeeze %parallel_loop3A_917 : memref<1x256x128xf32, #tpu.memory_space<vmem>> -> memref<256x128xf32, #tpu.memory_space<vmem>>
        %parallel_loop3A_919 = tpu.vector_load_idx %parallel_loop3A_918[%add3A_29, %parallel_loop3A_913] : memref<256x128xf32, #tpu.memory_space<vmem>>[vector<16xi32>, vector<16xi32>], vector<16xf32>,
        %parallel_loop3A_920 = arith.constant 1024 : i32
        %parallel_loop3A_921 = arith.addi %parallel_loop3A_783, %parallel_loop3A_920 : i32
        %parallel_loop3A_922 = arith.constant 0 : i32
        %parallel_loop3A_923 = arith.addi %parallel_loop3A_921, %parallel_loop3A_922 : i32
        %parallel_loop3A_924 = arith.constant 0 : i32
        %parallel_loop3A_925 = arith.index_cast %parallel_loop3A_924 : i32 to index
        %parallel_loop3A_926 = arith.index_cast %parallel_loop3A_923 : i32 to index
        %parallel_loop3A_927 = tpu.vector_load %arg8[%parallel_loop3A_925, %parallel_loop3A_926] {strides = array<i32>} : memref<2x8192xf32, #tpu.memory_space<vmem>>, vector<16xf32>,
        tpu.vector_store %arg8[%parallel_loop3A_925, %parallel_loop3A_926], %parallel_loop3A_919 {strides = array<i32>} : memref<2x8192xf32, #tpu.memory_space<vmem>>, vector<16xf32>,
        %parallel_loop3A_928 = vector.broadcast %parallel_loop3A_774 : i32 to vector<16xi32>
        %parallel_loop3A_929 = arith.addi %mul3A_351, %parallel_loop3A_928 : vector<16xi32>
        %parallel_loop3A_930 = arith.constant 0 : i32
        %parallel_loop3A_931 = arith.constant 0 : i32
        %parallel_loop3A_932 = arith.constant 0 : i32
        %parallel_loop3A_933 = tpu.memref_slice %arg7[%parallel_loop3A_930, %parallel_loop3A_931, %parallel_loop3A_932] : memref<2x256x128xf32, #tpu.memory_space<vmem>> -> memref<1x256x128xf32, #tpu.memory_space<vmem>>
        %parallel_loop3A_934 = tpu.memref_squeeze %parallel_loop3A_933 : memref<1x256x128xf32, #tpu.memory_space<vmem>> -> memref<256x128xf32, #tpu.memory_space<vmem>>
        %parallel_loop3A_935 = tpu.vector_load_idx %parallel_loop3A_934[%add3A_32, %parallel_loop3A_929] : memref<256x128xf32, #tpu.memory_space<vmem>>[vector<16xi32>, vector<16xi32>], vector<16xf32>,
        %parallel_loop3A_936 = arith.constant 1024 : i32
        %parallel_loop3A_937 = arith.addi %parallel_loop3A_783, %parallel_loop3A_936 : i32
        %parallel_loop3A_938 = arith.constant 16 : i32
        %parallel_loop3A_939 = arith.addi %parallel_loop3A_937, %parallel_loop3A_938 : i32
        %parallel_loop3A_940 = arith.constant 0 : i32
        %parallel_loop3A_941 = arith.index_cast %parallel_loop3A_940 : i32 to index
        %parallel_loop3A_942 = arith.index_cast %parallel_loop3A_939 : i32 to index
        %parallel_loop3A_943 = tpu.vector_load %arg8[%parallel_loop3A_941, %parallel_loop3A_942] {strides = array<i32>} : memref<2x8192xf32, #tpu.memory_space<vmem>>, vector<16xf32>,
        tpu.vector_store %arg8[%parallel_loop3A_941, %parallel_loop3A_942], %parallel_loop3A_935 {strides = array<i32>} : memref<2x8192xf32, #tpu.memory_space<vmem>>, vector<16xf32>,
        %parallel_loop3A_944 = vector.broadcast %parallel_loop3A_774 : i32 to vector<16xi32>
        %parallel_loop3A_945 = arith.addi %mul3A_360, %parallel_loop3A_944 : vector<16xi32>
        %parallel_loop3A_946 = arith.constant 0 : i32
        %parallel_loop3A_947 = arith.constant 0 : i32
        %parallel_loop3A_948 = arith.constant 0 : i32
        %parallel_loop3A_949 = tpu.memref_slice %arg7[%parallel_loop3A_946, %parallel_loop3A_947, %parallel_loop3A_948] : memref<2x256x128xf32, #tpu.memory_space<vmem>> -> memref<1x256x128xf32, #tpu.memory_space<vmem>>
        %parallel_loop3A_950 = tpu.memref_squeeze %parallel_loop3A_949 : memref<1x256x128xf32, #tpu.memory_space<vmem>> -> memref<256x128xf32, #tpu.memory_space<vmem>>
        %parallel_loop3A_951 = tpu.vector_load_idx %parallel_loop3A_950[%add3A_35, %parallel_loop3A_945] : memref<256x128xf32, #tpu.memory_space<vmem>>[vector<16xi32>, vector<16xi32>], vector<16xf32>,
        %parallel_loop3A_952 = arith.constant 1024 : i32
        %parallel_loop3A_953 = arith.addi %parallel_loop3A_783, %parallel_loop3A_952 : i32
        %parallel_loop3A_954 = arith.constant 32 : i32
        %parallel_loop3A_955 = arith.addi %parallel_loop3A_953, %parallel_loop3A_954 : i32
        %parallel_loop3A_956 = arith.constant 0 : i32
        %parallel_loop3A_957 = arith.index_cast %parallel_loop3A_956 : i32 to index
        %parallel_loop3A_958 = arith.index_cast %parallel_loop3A_955 : i32 to index
        %parallel_loop3A_959 = tpu.vector_load %arg8[%parallel_loop3A_957, %parallel_loop3A_958] {strides = array<i32>} : memref<2x8192xf32, #tpu.memory_space<vmem>>, vector<16xf32>,
        tpu.vector_store %arg8[%parallel_loop3A_957, %parallel_loop3A_958], %parallel_loop3A_951 {strides = array<i32>} : memref<2x8192xf32, #tpu.memory_space<vmem>>, vector<16xf32>,
        %parallel_loop3A_960 = vector.broadcast %parallel_loop3A_774 : i32 to vector<16xi32>
        %parallel_loop3A_961 = arith.addi %mul3A_369, %parallel_loop3A_960 : vector<16xi32>
        %parallel_loop3A_962 = arith.constant 0 : i32
        %parallel_loop3A_963 = arith.constant 0 : i32
        %parallel_loop3A_964 = arith.constant 0 : i32
        %parallel_loop3A_965 = tpu.memref_slice %arg7[%parallel_loop3A_962, %parallel_loop3A_963, %parallel_loop3A_964] : memref<2x256x128xf32, #tpu.memory_space<vmem>> -> memref<1x256x128xf32, #tpu.memory_space<vmem>>
        %parallel_loop3A_966 = tpu.memref_squeeze %parallel_loop3A_965 : memref<1x256x128xf32, #tpu.memory_space<vmem>> -> memref<256x128xf32, #tpu.memory_space<vmem>>
        %parallel_loop3A_967 = tpu.vector_load_idx %parallel_loop3A_966[%add3A_38, %parallel_loop3A_961] : memref<256x128xf32, #tpu.memory_space<vmem>>[vector<16xi32>, vector<16xi32>], vector<16xf32>,
        %parallel_loop3A_968 = arith.constant 1024 : i32
        %parallel_loop3A_969 = arith.addi %parallel_loop3A_783, %parallel_loop3A_968 : i32
        %parallel_loop3A_970 = arith.constant 48 : i32
        %parallel_loop3A_971 = arith.addi %parallel_loop3A_969, %parallel_loop3A_970 : i32
        %parallel_loop3A_972 = arith.constant 0 : i32
        %parallel_loop3A_973 = arith.index_cast %parallel_loop3A_972 : i32 to index
        %parallel_loop3A_974 = arith.index_cast %parallel_loop3A_971 : i32 to index
        %parallel_loop3A_975 = tpu.vector_load %arg8[%parallel_loop3A_973, %parallel_loop3A_974] {strides = array<i32>} : memref<2x8192xf32, #tpu.memory_space<vmem>>, vector<16xf32>,
        tpu.vector_store %arg8[%parallel_loop3A_973, %parallel_loop3A_974], %parallel_loop3A_967 {strides = array<i32>} : memref<2x8192xf32, #tpu.memory_space<vmem>>, vector<16xf32>,
        %parallel_loop3A_976 = vector.broadcast %parallel_loop3A_774 : i32 to vector<16xi32>
        %parallel_loop3A_977 = arith.addi %mul3A_378, %parallel_loop3A_976 : vector<16xi32>
        %parallel_loop3A_978 = arith.constant 0 : i32
        %parallel_loop3A_979 = arith.constant 0 : i32
        %parallel_loop3A_980 = arith.constant 0 : i32
        %parallel_loop3A_981 = tpu.memref_slice %arg7[%parallel_loop3A_978, %parallel_loop3A_979, %parallel_loop3A_980] : memref<2x256x128xf32, #tpu.memory_space<vmem>> -> memref<1x256x128xf32, #tpu.memory_space<vmem>>
        %parallel_loop3A_982 = tpu.memref_squeeze %parallel_loop3A_981 : memref<1x256x128xf32, #tpu.memory_space<vmem>> -> memref<256x128xf32, #tpu.memory_space<vmem>>
        %parallel_loop3A_983 = tpu.vector_load_idx %parallel_loop3A_982[%add3A_41, %parallel_loop3A_977] : memref<256x128xf32, #tpu.memory_space<vmem>>[vector<16xi32>, vector<16xi32>], vector<16xf32>,
        %parallel_loop3A_984 = arith.constant 1024 : i32
        %parallel_loop3A_985 = arith.addi %parallel_loop3A_783, %parallel_loop3A_984 : i32
        %parallel_loop3A_986 = arith.constant 64 : i32
        %parallel_loop3A_987 = arith.addi %parallel_loop3A_985, %parallel_loop3A_986 : i32
        %parallel_loop3A_988 = arith.constant 0 : i32
        %parallel_loop3A_989 = arith.index_cast %parallel_loop3A_988 : i32 to index
        %parallel_loop3A_990 = arith.index_cast %parallel_loop3A_987 : i32 to index
        %parallel_loop3A_991 = tpu.vector_load %arg8[%parallel_loop3A_989, %parallel_loop3A_990] {strides = array<i32>} : memref<2x8192xf32, #tpu.memory_space<vmem>>, vector<16xf32>,
        tpu.vector_store %arg8[%parallel_loop3A_989, %parallel_loop3A_990], %parallel_loop3A_983 {strides = array<i32>} : memref<2x8192xf32, #tpu.memory_space<vmem>>, vector<16xf32>,
        %parallel_loop3A_992 = vector.broadcast %parallel_loop3A_774 : i32 to vector<16xi32>
        %parallel_loop3A_993 = arith.addi %mul3A_387, %parallel_loop3A_992 : vector<16xi32>
        %parallel_loop3A_994 = arith.constant 0 : i32
        %parallel_loop3A_995 = arith.constant 0 : i32
        %parallel_loop3A_996 = arith.constant 0 : i32
        %parallel_loop3A_997 = tpu.memref_slice %arg7[%parallel_loop3A_994, %parallel_loop3A_995, %parallel_loop3A_996] : memref<2x256x128xf32, #tpu.memory_space<vmem>> -> memref<1x256x128xf32, #tpu.memory_space<vmem>>
        %parallel_loop3A_998 = tpu.memref_squeeze %parallel_loop3A_997 : memref<1x256x128xf32, #tpu.memory_space<vmem>> -> memref<256x128xf32, #tpu.memory_space<vmem>>
        %parallel_loop3A_999 = tpu.vector_load_idx %parallel_loop3A_998[%add3A_44, %parallel_loop3A_993] : memref<256x128xf32, #tpu.memory_space<vmem>>[vector<16xi32>, vector<16xi32>], vector<16xf32>,
        %parallel_loop3A_1000 = arith.constant 1024 : i32
        %parallel_loop3A_1001 = arith.addi %parallel_loop3A_783, %parallel_loop3A_1000 : i32
        %parallel_loop3A_1002 = arith.constant 80 : i32
        %parallel_loop3A_1003 = arith.addi %parallel_loop3A_1001, %parallel_loop3A_1002 : i32
        %parallel_loop3A_1004 = arith.constant 0 : i32
        %parallel_loop3A_1005 = arith.index_cast %parallel_loop3A_1004 : i32 to index
        %parallel_loop3A_1006 = arith.index_cast %parallel_loop3A_1003 : i32 to index
        %parallel_loop3A_1007 = tpu.vector_load %arg8[%parallel_loop3A_1005, %parallel_loop3A_1006] {strides = array<i32>} : memref<2x8192xf32, #tpu.memory_space<vmem>>, vector<16xf32>,
        tpu.vector_store %arg8[%parallel_loop3A_1005, %parallel_loop3A_1006], %parallel_loop3A_999 {strides = array<i32>} : memref<2x8192xf32, #tpu.memory_space<vmem>>, vector<16xf32>,
        %parallel_loop3A_1008 = vector.broadcast %parallel_loop3A_774 : i32 to vector<16xi32>
        %parallel_loop3A_1009 = arith.addi %mul3A_396, %parallel_loop3A_1008 : vector<16xi32>
        %parallel_loop3A_1010 = arith.constant 0 : i32
        %parallel_loop3A_1011 = arith.constant 0 : i32
        %parallel_loop3A_1012 = arith.constant 0 : i32
        %parallel_loop3A_1013 = tpu.memref_slice %arg7[%parallel_loop3A_1010, %parallel_loop3A_1011, %parallel_loop3A_1012] : memref<2x256x128xf32, #tpu.memory_space<vmem>> -> memref<1x256x128xf32, #tpu.memory_space<vmem>>
        %parallel_loop3A_1014 = tpu.memref_squeeze %parallel_loop3A_1013 : memref<1x256x128xf32, #tpu.memory_space<vmem>> -> memref<256x128xf32, #tpu.memory_space<vmem>>
        %parallel_loop3A_1015 = tpu.vector_load_idx %parallel_loop3A_1014[%add3A_47, %parallel_loop3A_1009] : memref<256x128xf32, #tpu.memory_space<vmem>>[vector<16xi32>, vector<16xi32>], vector<16xf32>,
        %parallel_loop3A_1016 = arith.constant 1024 : i32
        %parallel_loop3A_1017 = arith.addi %parallel_loop3A_783, %parallel_loop3A_1016 : i32
        %parallel_loop3A_1018 = arith.constant 96 : i32
        %parallel_loop3A_1019 = arith.addi %parallel_loop3A_1017, %parallel_loop3A_1018 : i32
        %parallel_loop3A_1020 = arith.constant 0 : i32
        %parallel_loop3A_1021 = arith.index_cast %parallel_loop3A_1020 : i32 to index
        %parallel_loop3A_1022 = arith.index_cast %parallel_loop3A_1019 : i32 to index
        %parallel_loop3A_1023 = tpu.vector_load %arg8[%parallel_loop3A_1021, %parallel_loop3A_1022] {strides = array<i32>} : memref<2x8192xf32, #tpu.memory_space<vmem>>, vector<16xf32>,
        tpu.vector_store %arg8[%parallel_loop3A_1021, %parallel_loop3A_1022], %parallel_loop3A_1015 {strides = array<i32>} : memref<2x8192xf32, #tpu.memory_space<vmem>>, vector<16xf32>,
        %parallel_loop3A_1024 = vector.broadcast %parallel_loop3A_774 : i32 to vector<16xi32>
        %parallel_loop3A_1025 = arith.addi %mul3A_405, %parallel_loop3A_1024 : vector<16xi32>
        %parallel_loop3A_1026 = arith.constant 0 : i32
        %parallel_loop3A_1027 = arith.constant 0 : i32
        %parallel_loop3A_1028 = arith.constant 0 : i32
        %parallel_loop3A_1029 = tpu.memref_slice %arg7[%parallel_loop3A_1026, %parallel_loop3A_1027, %parallel_loop3A_1028] : memref<2x256x128xf32, #tpu.memory_space<vmem>> -> memref<1x256x128xf32, #tpu.memory_space<vmem>>
        %parallel_loop3A_1030 = tpu.memref_squeeze %parallel_loop3A_1029 : memref<1x256x128xf32, #tpu.memory_space<vmem>> -> memref<256x128xf32, #tpu.memory_space<vmem>>
        %parallel_loop3A_1031 = tpu.vector_load_idx %parallel_loop3A_1030[%add3A_50, %parallel_loop3A_1025] : memref<256x128xf32, #tpu.memory_space<vmem>>[vector<16xi32>, vector<16xi32>], vector<16xf32>,
        %parallel_loop3A_1032 = arith.constant 1024 : i32
        %parallel_loop3A_1033 = arith.addi %parallel_loop3A_783, %parallel_loop3A_1032 : i32
        %parallel_loop3A_1034 = arith.constant 112 : i32
        %parallel_loop3A_1035 = arith.addi %parallel_loop3A_1033, %parallel_loop3A_1034 : i32
        %parallel_loop3A_1036 = arith.constant 0 : i32
        %parallel_loop3A_1037 = arith.index_cast %parallel_loop3A_1036 : i32 to index
        %parallel_loop3A_1038 = arith.index_cast %parallel_loop3A_1035 : i32 to index
        %parallel_loop3A_1039 = tpu.vector_load %arg8[%parallel_loop3A_1037, %parallel_loop3A_1038] {strides = array<i32>} : memref<2x8192xf32, #tpu.memory_space<vmem>>, vector<16xf32>,
        tpu.vector_store %arg8[%parallel_loop3A_1037, %parallel_loop3A_1038], %parallel_loop3A_1031 {strides = array<i32>} : memref<2x8192xf32, #tpu.memory_space<vmem>>, vector<16xf32>,
      } {sc.loop_unroll_factor = 8 : i64, sc.parallel_access}
      %mul3A_408 = arith.constant 4 : i32
      %mul3A_409 = arith.muli %scan3A_232, %mul3A_408 : i32
      %add3A_410 = arith.constant 0 : i32
      %add3A_411 = arith.addi %mul3A_409, %add3A_410 : i32
      %mul3A_412 = arith.constant 128 : i32
      %mul3A_413 = arith.muli %add3A_411, %mul3A_412 : i32
      %mul3A_414 = arith.constant 2 : i32
      %mul3A_415 = arith.muli %add3A, %mul3A_414 : i32
      %mul3A_416 = arith.constant 2 : i32
      %mul3A_417 = arith.muli %mul3A_415, %mul3A_416 : i32
      %add3A_418 = arith.addi %mul3A_413, %mul3A_417 : i32
      %add3A_419 = arith.constant 0 : i32
      %add3A_420 = arith.addi %add3A_418, %add3A_419 : i32
      %mul3A_421 = arith.constant 1024 : i32
      %mul3A_422 = arith.muli %add3A_420, %mul3A_421 : i32
      %mul3A_423 = arith.constant 4 : i32
      %mul3A_424 = arith.muli %scan3A_232, %mul3A_423 : i32
      %add3A_425 = arith.constant 1 : i32
      %add3A_426 = arith.addi %mul3A_424, %add3A_425 : i32
      %mul3A_427 = arith.constant 128 : i32
      %mul3A_428 = arith.muli %add3A_426, %mul3A_427 : i32
      %mul3A_429 = arith.constant 2 : i32
      %mul3A_430 = arith.muli %add3A, %mul3A_429 : i32
      %mul3A_431 = arith.constant 2 : i32
      %mul3A_432 = arith.muli %mul3A_430, %mul3A_431 : i32
      %add3A_433 = arith.addi %mul3A_428, %mul3A_432 : i32
      %add3A_434 = arith.constant 0 : i32
      %add3A_435 = arith.addi %add3A_433, %add3A_434 : i32
      %mul3A_436 = arith.constant 1024 : i32
      %mul3A_437 = arith.muli %add3A_435, %mul3A_436 : i32
      %mul3A_438 = arith.constant 4 : i32
      %mul3A_439 = arith.muli %scan3A_232, %mul3A_438 : i32
      %add3A_440 = arith.constant 2 : i32
      %add3A_441 = arith.addi %mul3A_439, %add3A_440 : i32
      %mul3A_442 = arith.constant 128 : i32
      %mul3A_443 = arith.muli %add3A_441, %mul3A_442 : i32
      %mul3A_444 = arith.constant 2 : i32
      %mul3A_445 = arith.muli %add3A, %mul3A_444 : i32
      %mul3A_446 = arith.constant 2 : i32
      %mul3A_447 = arith.muli %mul3A_445, %mul3A_446 : i32
      %add3A_448 = arith.addi %mul3A_443, %mul3A_447 : i32
      %add3A_449 = arith.constant 0 : i32
      %add3A_450 = arith.addi %add3A_448, %add3A_449 : i32
      %mul3A_451 = arith.constant 1024 : i32
      %mul3A_452 = arith.muli %add3A_450, %mul3A_451 : i32
      %mul3A_453 = arith.constant 4 : i32
      %mul3A_454 = arith.muli %scan3A_232, %mul3A_453 : i32
      %add3A_455 = arith.constant 3 : i32
      %add3A_456 = arith.addi %mul3A_454, %add3A_455 : i32
      %mul3A_457 = arith.constant 128 : i32
      %mul3A_458 = arith.muli %add3A_456, %mul3A_457 : i32
      %mul3A_459 = arith.constant 2 : i32
      %mul3A_460 = arith.muli %add3A, %mul3A_459 : i32
      %mul3A_461 = arith.constant 2 : i32
      %mul3A_462 = arith.muli %mul3A_460, %mul3A_461 : i32
      %add3A_463 = arith.addi %mul3A_458, %mul3A_462 : i32
      %add3A_464 = arith.constant 0 : i32
      %add3A_465 = arith.addi %add3A_463, %add3A_464 : i32
      %mul3A_466 = arith.constant 1024 : i32
      %mul3A_467 = arith.muli %add3A_465, %mul3A_466 : i32
      %dma_start3A_468 = arith.constant 0 : i32
      %dma_start3A_469 = arith.constant 0 : i32
      %dma_start3A_470 = tpu.memref_slice %arg8[%dma_start3A_468, %dma_start3A_469] : memref<2x8192xf32, #tpu.memory_space<vmem>> -> memref<1x2048xf32, #tpu.memory_space<vmem>>
      %dma_start3A_471 = tpu.memref_squeeze %dma_start3A_470 : memref<1x2048xf32, #tpu.memory_space<vmem>> -> memref<2048xf32, #tpu.memory_space<vmem>>
      %dma_start3A_472 = tpu.memref_slice %arg4[%mul3A_422] : memref<13631488xf32, #tpu.memory_space<hbm>> -> memref<2048xf32, #tpu.memory_space<hbm>>
      %dma_start3A_473 = tpu.memref_slice %arg4[%mul3A_422] : memref<13631488xf32, #tpu.memory_space<hbm>> -> memref<2048xf32, #tpu.memory_space<hbm>>
      %dma_start3A_474 = arith.constant 0 : i32
      %dma_start3A_475 = tpu.memref_slice %arg8[%dma_start3A_468, %dma_start3A_474] : memref<2x8192xf32, #tpu.memory_space<vmem>> -> memref<1x2048xf32, #tpu.memory_space<vmem>>
      %dma_start3A_476 = tpu.memref_squeeze %dma_start3A_475 : memref<1x2048xf32, #tpu.memory_space<vmem>> -> memref<2048xf32, #tpu.memory_space<vmem>>
      tpu.enqueue_dma source(%dma_start3A_476 : memref<2048xf32, #tpu.memory_space<vmem>>) target(%dma_start3A_473 : memref<2048xf32, #tpu.memory_space<hbm>>) target_semaphore(%arg11 : memref<!tpu.dma_semaphore, #tpu.memory_space<semaphore_mem>>)
      %dma_start3A_477 = arith.constant 0 : i32
      %dma_start3A_478 = arith.constant 2048 : i32
      %dma_start3A_479 = tpu.memref_slice %arg8[%dma_start3A_477, %dma_start3A_478] : memref<2x8192xf32, #tpu.memory_space<vmem>> -> memref<1x2048xf32, #tpu.memory_space<vmem>>
      %dma_start3A_480 = tpu.memref_squeeze %dma_start3A_479 : memref<1x2048xf32, #tpu.memory_space<vmem>> -> memref<2048xf32, #tpu.memory_space<vmem>>
      %dma_start3A_481 = tpu.memref_slice %arg4[%mul3A_437] : memref<13631488xf32, #tpu.memory_space<hbm>> -> memref<2048xf32, #tpu.memory_space<hbm>>
      %dma_start3A_482 = tpu.memref_slice %arg4[%mul3A_437] : memref<13631488xf32, #tpu.memory_space<hbm>> -> memref<2048xf32, #tpu.memory_space<hbm>>
      %dma_start3A_483 = arith.constant 2048 : i32
      %dma_start3A_484 = tpu.memref_slice %arg8[%dma_start3A_477, %dma_start3A_483] : memref<2x8192xf32, #tpu.memory_space<vmem>> -> memref<1x2048xf32, #tpu.memory_space<vmem>>
      %dma_start3A_485 = tpu.memref_squeeze %dma_start3A_484 : memref<1x2048xf32, #tpu.memory_space<vmem>> -> memref<2048xf32, #tpu.memory_space<vmem>>
      tpu.enqueue_dma source(%dma_start3A_485 : memref<2048xf32, #tpu.memory_space<vmem>>) target(%dma_start3A_482 : memref<2048xf32, #tpu.memory_space<hbm>>) target_semaphore(%arg11 : memref<!tpu.dma_semaphore, #tpu.memory_space<semaphore_mem>>)
      %dma_start3A_486 = arith.constant 0 : i32
      %dma_start3A_487 = arith.constant 4096 : i32
      %dma_start3A_488 = tpu.memref_slice %arg8[%dma_start3A_486, %dma_start3A_487] : memref<2x8192xf32, #tpu.memory_space<vmem>> -> memref<1x2048xf32, #tpu.memory_space<vmem>>
      %dma_start3A_489 = tpu.memref_squeeze %dma_start3A_488 : memref<1x2048xf32, #tpu.memory_space<vmem>> -> memref<2048xf32, #tpu.memory_space<vmem>>
      %dma_start3A_490 = tpu.memref_slice %arg4[%mul3A_452] : memref<13631488xf32, #tpu.memory_space<hbm>> -> memref<2048xf32, #tpu.memory_space<hbm>>
      %dma_start3A_491 = tpu.memref_slice %arg4[%mul3A_452] : memref<13631488xf32, #tpu.memory_space<hbm>> -> memref<2048xf32, #tpu.memory_space<hbm>>
      %dma_start3A_492 = arith.constant 4096 : i32
      %dma_start3A_493 = tpu.memref_slice %arg8[%dma_start3A_486, %dma_start3A_492] : memref<2x8192xf32, #tpu.memory_space<vmem>> -> memref<1x2048xf32, #tpu.memory_space<vmem>>
      %dma_start3A_494 = tpu.memref_squeeze %dma_start3A_493 : memref<1x2048xf32, #tpu.memory_space<vmem>> -> memref<2048xf32, #tpu.memory_space<vmem>>
      tpu.enqueue_dma source(%dma_start3A_494 : memref<2048xf32, #tpu.memory_space<vmem>>) target(%dma_start3A_491 : memref<2048xf32, #tpu.memory_space<hbm>>) target_semaphore(%arg11 : memref<!tpu.dma_semaphore, #tpu.memory_space<semaphore_mem>>)
      %dma_start3A_495 = arith.constant 0 : i32
      %dma_start3A_496 = arith.constant 6144 : i32
      %dma_start3A_497 = tpu.memref_slice %arg8[%dma_start3A_495, %dma_start3A_496] : memref<2x8192xf32, #tpu.memory_space<vmem>> -> memref<1x2048xf32, #tpu.memory_space<vmem>>
      %dma_start3A_498 = tpu.memref_squeeze %dma_start3A_497 : memref<1x2048xf32, #tpu.memory_space<vmem>> -> memref<2048xf32, #tpu.memory_space<vmem>>
      %dma_start3A_499 = tpu.memref_slice %arg4[%mul3A_467] : memref<13631488xf32, #tpu.memory_space<hbm>> -> memref<2048xf32, #tpu.memory_space<hbm>>
      %dma_start3A_500 = tpu.memref_slice %arg4[%mul3A_467] : memref<13631488xf32, #tpu.memory_space<hbm>> -> memref<2048xf32, #tpu.memory_space<hbm>>
      %dma_start3A_501 = arith.constant 6144 : i32
      %dma_start3A_502 = tpu.memref_slice %arg8[%dma_start3A_495, %dma_start3A_501] : memref<2x8192xf32, #tpu.memory_space<vmem>> -> memref<1x2048xf32, #tpu.memory_space<vmem>>
      %dma_start3A_503 = tpu.memref_squeeze %dma_start3A_502 : memref<1x2048xf32, #tpu.memory_space<vmem>> -> memref<2048xf32, #tpu.memory_space<vmem>>
      tpu.enqueue_dma source(%dma_start3A_503 : memref<2048xf32, #tpu.memory_space<vmem>>) target(%dma_start3A_500 : memref<2048xf32, #tpu.memory_space<hbm>>) target_semaphore(%arg11 : memref<!tpu.dma_semaphore, #tpu.memory_space<semaphore_mem>>)
      %ge3A_504 = arith.constant 1 : i32
      %ge3A_505 = arith.cmpi sge, %scan3A_232, %ge3A_504 : i32
      %convert_element_type3A_506 = arith.extui %ge3A_505 : i1 to i32
      %cond3A_507 = arith.constant 0 : i32
      %cond3A_508 = arith.cmpi ne, %convert_element_type3A_506, %cond3A_507 : i32
      scf.if %cond3A_508 {
        %sub3A = arith.constant 1 : i32
        %sub3A_774 = arith.subi %scan3A_232, %sub3A : i32
        %mul3A_775 = arith.constant 4 : i32
        %mul3A_776 = arith.muli %sub3A_774, %mul3A_775 : i32
        %add3A_777 = arith.constant 0 : i32
        %add3A_778 = arith.addi %mul3A_776, %add3A_777 : i32
        %mul3A_779 = arith.constant 128 : i32
        %mul3A_780 = arith.muli %add3A_778, %mul3A_779 : i32
        %mul3A_781 = arith.constant 2 : i32
        %mul3A_782 = arith.muli %add3A, %mul3A_781 : i32
        %mul3A_783 = arith.constant 2 : i32
        %mul3A_784 = arith.muli %mul3A_782, %mul3A_783 : i32
        %add3A_785 = arith.addi %mul3A_780, %mul3A_784 : i32
        %add3A_786 = arith.constant 2 : i32
        %add3A_787 = arith.addi %add3A_785, %add3A_786 : i32
        %mul3A_788 = arith.constant 1024 : i32
        %mul3A_789 = arith.muli %add3A_787, %mul3A_788 : i32
        %mul3A_790 = arith.constant 4 : i32
        %mul3A_791 = arith.muli %sub3A_774, %mul3A_790 : i32
        %add3A_792 = arith.constant 1 : i32
        %add3A_793 = arith.addi %mul3A_791, %add3A_792 : i32
        %mul3A_794 = arith.constant 128 : i32
        %mul3A_795 = arith.muli %add3A_793, %mul3A_794 : i32
        %mul3A_796 = arith.constant 2 : i32
        %mul3A_797 = arith.muli %add3A, %mul3A_796 : i32
        %mul3A_798 = arith.constant 2 : i32
        %mul3A_799 = arith.muli %mul3A_797, %mul3A_798 : i32
        %add3A_800 = arith.addi %mul3A_795, %mul3A_799 : i32
        %add3A_801 = arith.constant 2 : i32
        %add3A_802 = arith.addi %add3A_800, %add3A_801 : i32
        %mul3A_803 = arith.constant 1024 : i32
        %mul3A_804 = arith.muli %add3A_802, %mul3A_803 : i32
        %mul3A_805 = arith.constant 4 : i32
        %mul3A_806 = arith.muli %sub3A_774, %mul3A_805 : i32
        %add3A_807 = arith.constant 2 : i32
        %add3A_808 = arith.addi %mul3A_806, %add3A_807 : i32
        %mul3A_809 = arith.constant 128 : i32
        %mul3A_810 = arith.muli %add3A_808, %mul3A_809 : i32
        %mul3A_811 = arith.constant 2 : i32
        %mul3A_812 = arith.muli %add3A, %mul3A_811 : i32
        %mul3A_813 = arith.constant 2 : i32
        %mul3A_814 = arith.muli %mul3A_812, %mul3A_813 : i32
        %add3A_815 = arith.addi %mul3A_810, %mul3A_814 : i32
        %add3A_816 = arith.constant 2 : i32
        %add3A_817 = arith.addi %add3A_815, %add3A_816 : i32
        %mul3A_818 = arith.constant 1024 : i32
        %mul3A_819 = arith.muli %add3A_817, %mul3A_818 : i32
        %mul3A_820 = arith.constant 4 : i32
        %mul3A_821 = arith.muli %sub3A_774, %mul3A_820 : i32
        %add3A_822 = arith.constant 3 : i32
        %add3A_823 = arith.addi %mul3A_821, %add3A_822 : i32
        %mul3A_824 = arith.constant 128 : i32
        %mul3A_825 = arith.muli %add3A_823, %mul3A_824 : i32
        %mul3A_826 = arith.constant 2 : i32
        %mul3A_827 = arith.muli %add3A, %mul3A_826 : i32
        %mul3A_828 = arith.constant 2 : i32
        %mul3A_829 = arith.muli %mul3A_827, %mul3A_828 : i32
        %add3A_830 = arith.addi %mul3A_825, %mul3A_829 : i32
        %add3A_831 = arith.constant 2 : i32
        %add3A_832 = arith.addi %add3A_830, %add3A_831 : i32
        %mul3A_833 = arith.constant 1024 : i32
        %mul3A_834 = arith.muli %add3A_832, %mul3A_833 : i32
        %dma_wait3A_835 = arith.constant 1 : i32
        %dma_wait3A_836 = arith.constant 0 : i32
        %dma_wait3A_837 = tpu.memref_slice %arg8[%dma_wait3A_835, %dma_wait3A_836] : memref<2x8192xf32, #tpu.memory_space<vmem>> -> memref<1x2048xf32, #tpu.memory_space<vmem>>
        %dma_wait3A_838 = tpu.memref_squeeze %dma_wait3A_837 : memref<1x2048xf32, #tpu.memory_space<vmem>> -> memref<2048xf32, #tpu.memory_space<vmem>>
        %dma_wait3A_839 = tpu.memref_slice %arg4[%mul3A_789] : memref<13631488xf32, #tpu.memory_space<hbm>> -> memref<2048xf32, #tpu.memory_space<hbm>>
        %dma_wait3A_840 = tpu.memref_slice %arg4[%mul3A_789] : memref<13631488xf32, #tpu.memory_space<hbm>> -> memref<2048xf32, #tpu.memory_space<hbm>>
        %dma_wait3A_841 = arith.constant 0 : i32
        %dma_wait3A_842 = tpu.memref_slice %arg8[%dma_wait3A_835, %dma_wait3A_841] : memref<2x8192xf32, #tpu.memory_space<vmem>> -> memref<1x2048xf32, #tpu.memory_space<vmem>>
        %dma_wait3A_843 = tpu.memref_squeeze %dma_wait3A_842 : memref<1x2048xf32, #tpu.memory_space<vmem>> -> memref<2048xf32, #tpu.memory_space<vmem>>
        tpu.wait_dma2 semaphore(%arg12 : memref<!tpu.dma_semaphore, #tpu.memory_space<semaphore_mem>>) src(%dma_wait3A_843 : memref<2048xf32, #tpu.memory_space<vmem>>) dst(%dma_wait3A_840 : memref<2048xf32, #tpu.memory_space<hbm>>)
        %dma_wait3A_844 = arith.constant 1 : i32
        %dma_wait3A_845 = arith.constant 2048 : i32
        %dma_wait3A_846 = tpu.memref_slice %arg8[%dma_wait3A_844, %dma_wait3A_845] : memref<2x8192xf32, #tpu.memory_space<vmem>> -> memref<1x2048xf32, #tpu.memory_space<vmem>>
        %dma_wait3A_847 = tpu.memref_squeeze %dma_wait3A_846 : memref<1x2048xf32, #tpu.memory_space<vmem>> -> memref<2048xf32, #tpu.memory_space<vmem>>
        %dma_wait3A_848 = tpu.memref_slice %arg4[%mul3A_804] : memref<13631488xf32, #tpu.memory_space<hbm>> -> memref<2048xf32, #tpu.memory_space<hbm>>
        %dma_wait3A_849 = tpu.memref_slice %arg4[%mul3A_804] : memref<13631488xf32, #tpu.memory_space<hbm>> -> memref<2048xf32, #tpu.memory_space<hbm>>
        %dma_wait3A_850 = arith.constant 2048 : i32
        %dma_wait3A_851 = tpu.memref_slice %arg8[%dma_wait3A_844, %dma_wait3A_850] : memref<2x8192xf32, #tpu.memory_space<vmem>> -> memref<1x2048xf32, #tpu.memory_space<vmem>>
        %dma_wait3A_852 = tpu.memref_squeeze %dma_wait3A_851 : memref<1x2048xf32, #tpu.memory_space<vmem>> -> memref<2048xf32, #tpu.memory_space<vmem>>
        tpu.wait_dma2 semaphore(%arg12 : memref<!tpu.dma_semaphore, #tpu.memory_space<semaphore_mem>>) src(%dma_wait3A_852 : memref<2048xf32, #tpu.memory_space<vmem>>) dst(%dma_wait3A_849 : memref<2048xf32, #tpu.memory_space<hbm>>)
        %dma_wait3A_853 = arith.constant 1 : i32
        %dma_wait3A_854 = arith.constant 4096 : i32
        %dma_wait3A_855 = tpu.memref_slice %arg8[%dma_wait3A_853, %dma_wait3A_854] : memref<2x8192xf32, #tpu.memory_space<vmem>> -> memref<1x2048xf32, #tpu.memory_space<vmem>>
        %dma_wait3A_856 = tpu.memref_squeeze %dma_wait3A_855 : memref<1x2048xf32, #tpu.memory_space<vmem>> -> memref<2048xf32, #tpu.memory_space<vmem>>
        %dma_wait3A_857 = tpu.memref_slice %arg4[%mul3A_819] : memref<13631488xf32, #tpu.memory_space<hbm>> -> memref<2048xf32, #tpu.memory_space<hbm>>
        %dma_wait3A_858 = tpu.memref_slice %arg4[%mul3A_819] : memref<13631488xf32, #tpu.memory_space<hbm>> -> memref<2048xf32, #tpu.memory_space<hbm>>
        %dma_wait3A_859 = arith.constant 4096 : i32
        %dma_wait3A_860 = tpu.memref_slice %arg8[%dma_wait3A_853, %dma_wait3A_859] : memref<2x8192xf32, #tpu.memory_space<vmem>> -> memref<1x2048xf32, #tpu.memory_space<vmem>>
        %dma_wait3A_861 = tpu.memref_squeeze %dma_wait3A_860 : memref<1x2048xf32, #tpu.memory_space<vmem>> -> memref<2048xf32, #tpu.memory_space<vmem>>
        tpu.wait_dma2 semaphore(%arg12 : memref<!tpu.dma_semaphore, #tpu.memory_space<semaphore_mem>>) src(%dma_wait3A_861 : memref<2048xf32, #tpu.memory_space<vmem>>) dst(%dma_wait3A_858 : memref<2048xf32, #tpu.memory_space<hbm>>)
        %dma_wait3A_862 = arith.constant 1 : i32
        %dma_wait3A_863 = arith.constant 6144 : i32
        %dma_wait3A_864 = tpu.memref_slice %arg8[%dma_wait3A_862, %dma_wait3A_863] : memref<2x8192xf32, #tpu.memory_space<vmem>> -> memref<1x2048xf32, #tpu.memory_space<vmem>>
        %dma_wait3A_865 = tpu.memref_squeeze %dma_wait3A_864 : memref<1x2048xf32, #tpu.memory_space<vmem>> -> memref<2048xf32, #tpu.memory_space<vmem>>
        %dma_wait3A_866 = tpu.memref_slice %arg4[%mul3A_834] : memref<13631488xf32, #tpu.memory_space<hbm>> -> memref<2048xf32, #tpu.memory_space<hbm>>
        %dma_wait3A_867 = tpu.memref_slice %arg4[%mul3A_834] : memref<13631488xf32, #tpu.memory_space<hbm>> -> memref<2048xf32, #tpu.memory_space<hbm>>
        %dma_wait3A_868 = arith.constant 6144 : i32
        %dma_wait3A_869 = tpu.memref_slice %arg8[%dma_wait3A_862, %dma_wait3A_868] : memref<2x8192xf32, #tpu.memory_space<vmem>> -> memref<1x2048xf32, #tpu.memory_space<vmem>>
        %dma_wait3A_870 = tpu.memref_squeeze %dma_wait3A_869 : memref<1x2048xf32, #tpu.memory_space<vmem>> -> memref<2048xf32, #tpu.memory_space<vmem>>
        tpu.wait_dma2 semaphore(%arg12 : memref<!tpu.dma_semaphore, #tpu.memory_space<semaphore_mem>>) src(%dma_wait3A_870 : memref<2048xf32, #tpu.memory_space<vmem>>) dst(%dma_wait3A_867 : memref<2048xf32, #tpu.memory_space<hbm>>)
      } else {
      }
      %mul3A_509 = arith.constant 512 : i32
      %mul3A_510 = arith.muli %min3A_235, %mul3A_509 : i32
      %add3A_511 = arith.constant 0 : i32
      %add3A_512 = arith.addi %mul3A_510, %add3A_511 : i32
      %dma_start3A_513 = arith.constant 0 : i32
      %dma_start3A_514 = arith.constant 0 : i32
      %dma_start3A_515 = arith.constant 0 : i32
      %dma_start3A_516 = tpu.memref_slice %arg7[%dma_start3A_513, %dma_start3A_514, %dma_start3A_515] : memref<2x256x128xf32, #tpu.memory_space<vmem>> -> memref<1x256x128xf32, #tpu.memory_space<vmem>>
      %dma_start3A_517 = tpu.memref_squeeze %dma_start3A_516 : memref<1x256x128xf32, #tpu.memory_space<vmem>> -> memref<256x128xf32, #tpu.memory_space<vmem>>
      %dma_start3A_518 = tpu.memref_slice %arg6[%add3A_512] : memref<13312xi32, #tpu.memory_space<vmem>> -> memref<256xi32, #tpu.memory_space<vmem>>
      %dma_start3A_519 = arith.constant 0 : i32
      %dma_start3A_520 = arith.constant 0 : i32
      %dma_start3A_521 = tpu.memref_slice %arg3[%dma_start3A_519, %dma_start3A_520] : memref<250000x128xf32, #tpu.memory_space<hbm>> -> memref<250000x128xf32, #tpu.memory_space<hbm>>
      tpu.enqueue_indirect_dma source(%dma_start3A_521 : memref<250000x128xf32, #tpu.memory_space<hbm>>) target(%dma_start3A_517 : memref<256x128xf32, #tpu.memory_space<vmem>>) offsets(%dma_start3A_518 : memref<256xi32, #tpu.memory_space<vmem>>) semaphore(%arg9 : memref<!tpu.dma_semaphore, #tpu.memory_space<semaphore_mem>>)
      %dma_wait3A_522 = arith.constant 1 : i32
      %dma_wait3A_523 = arith.constant 0 : i32
      %dma_wait3A_524 = arith.constant 0 : i32
      %dma_wait3A_525 = tpu.memref_slice %arg7[%dma_wait3A_522, %dma_wait3A_523, %dma_wait3A_524] : memref<2x256x128xf32, #tpu.memory_space<vmem>> -> memref<1x256x128xf32, #tpu.memory_space<vmem>>
      %dma_wait3A_526 = tpu.memref_squeeze %dma_wait3A_525 : memref<1x256x128xf32, #tpu.memory_space<vmem>> -> memref<256x128xf32, #tpu.memory_space<vmem>>
      %dma_wait3A_527 = tpu.memref_slice %arg6[%add3A_241] : memref<13312xi32, #tpu.memory_space<vmem>> -> memref<256xi32, #tpu.memory_space<vmem>>
      %dma_wait3A_528 = arith.constant 0 : i32
      %dma_wait3A_529 = arith.constant 0 : i32
      %dma_wait3A_530 = tpu.memref_slice %arg3[%dma_wait3A_528, %dma_wait3A_529] : memref<250000x128xf32, #tpu.memory_space<hbm>> -> memref<250000x128xf32, #tpu.memory_space<hbm>>
      tpu.wait_indirect_dma semaphore(%arg10 : memref<!tpu.dma_semaphore, #tpu.memory_space<semaphore_mem>>) src(%dma_wait3A_530 : memref<250000x128xf32, #tpu.memory_space<hbm>>) dst(%dma_wait3A_526 : memref<256x128xf32, #tpu.memory_space<vmem>>)
      %get3A_531 = arith.index_cast %scan3A_232 : i32 to index
      %get3A_532 = arith.constant 256 : index
      %get3A_533 = tpu.vector_load %arg5[%get3A_531, %get3A_532] {strides = array<i32>} : memref<26x512xi32, #tpu.memory_space<vmem>>, vector<16xi32>,
      %and3A_534 = arith.constant 3 : i32
      %and3A_535 = vector.broadcast %and3A_534 : i32 to vector<16xi32>
      %and3A_536 = arith.andi %get3A_533, %and3A_535 : vector<16xi32>
      %mul3A_537 = arith.constant 32 : i32
      %mul3A_538 = vector.broadcast %mul3A_537 : i32 to vector<16xi32>
      %mul3A_539 = arith.muli %and3A_536, %mul3A_538 : vector<16xi32>
      %get3A_540 = arith.index_cast %scan3A_232 : i32 to index
      %get3A_541 = arith.constant 272 : index
      %get3A_542 = tpu.vector_load %arg5[%get3A_540, %get3A_541] {strides = array<i32>} : memref<26x512xi32, #tpu.memory_space<vmem>>, vector<16xi32>,
      %and3A_543 = arith.constant 3 : i32
      %and3A_544 = vector.broadcast %and3A_543 : i32 to vector<16xi32>
      %and3A_545 = arith.andi %get3A_542, %and3A_544 : vector<16xi32>
      %mul3A_546 = arith.constant 32 : i32
      %mul3A_547 = vector.broadcast %mul3A_546 : i32 to vector<16xi32>
      %mul3A_548 = arith.muli %and3A_545, %mul3A_547 : vector<16xi32>
      %get3A_549 = arith.index_cast %scan3A_232 : i32 to index
      %get3A_550 = arith.constant 288 : index
      %get3A_551 = tpu.vector_load %arg5[%get3A_549, %get3A_550] {strides = array<i32>} : memref<26x512xi32, #tpu.memory_space<vmem>>, vector<16xi32>,
      %and3A_552 = arith.constant 3 : i32
      %and3A_553 = vector.broadcast %and3A_552 : i32 to vector<16xi32>
      %and3A_554 = arith.andi %get3A_551, %and3A_553 : vector<16xi32>
      %mul3A_555 = arith.constant 32 : i32
      %mul3A_556 = vector.broadcast %mul3A_555 : i32 to vector<16xi32>
      %mul3A_557 = arith.muli %and3A_554, %mul3A_556 : vector<16xi32>
      %get3A_558 = arith.index_cast %scan3A_232 : i32 to index
      %get3A_559 = arith.constant 304 : index
      %get3A_560 = tpu.vector_load %arg5[%get3A_558, %get3A_559] {strides = array<i32>} : memref<26x512xi32, #tpu.memory_space<vmem>>, vector<16xi32>,
      %and3A_561 = arith.constant 3 : i32
      %and3A_562 = vector.broadcast %and3A_561 : i32 to vector<16xi32>
      %and3A_563 = arith.andi %get3A_560, %and3A_562 : vector<16xi32>
      %mul3A_564 = arith.constant 32 : i32
      %mul3A_565 = vector.broadcast %mul3A_564 : i32 to vector<16xi32>
      %mul3A_566 = arith.muli %and3A_563, %mul3A_565 : vector<16xi32>
      %get3A_567 = arith.index_cast %scan3A_232 : i32 to index
      %get3A_568 = arith.constant 320 : index
      %get3A_569 = tpu.vector_load %arg5[%get3A_567, %get3A_568] {strides = array<i32>} : memref<26x512xi32, #tpu.memory_space<vmem>>, vector<16xi32>,
      %and3A_570 = arith.constant 3 : i32
      %and3A_571 = vector.broadcast %and3A_570 : i32 to vector<16xi32>
      %and3A_572 = arith.andi %get3A_569, %and3A_571 : vector<16xi32>
      %mul3A_573 = arith.constant 32 : i32
      %mul3A_574 = vector.broadcast %mul3A_573 : i32 to vector<16xi32>
      %mul3A_575 = arith.muli %and3A_572, %mul3A_574 : vector<16xi32>
      %get3A_576 = arith.index_cast %scan3A_232 : i32 to index
      %get3A_577 = arith.constant 336 : index
      %get3A_578 = tpu.vector_load %arg5[%get3A_576, %get3A_577] {strides = array<i32>} : memref<26x512xi32, #tpu.memory_space<vmem>>, vector<16xi32>,
      %and3A_579 = arith.constant 3 : i32
      %and3A_580 = vector.broadcast %and3A_579 : i32 to vector<16xi32>
      %and3A_581 = arith.andi %get3A_578, %and3A_580 : vector<16xi32>
      %mul3A_582 = arith.constant 32 : i32
      %mul3A_583 = vector.broadcast %mul3A_582 : i32 to vector<16xi32>
      %mul3A_584 = arith.muli %and3A_581, %mul3A_583 : vector<16xi32>
      %get3A_585 = arith.index_cast %scan3A_232 : i32 to index
      %get3A_586 = arith.constant 352 : index
      %get3A_587 = tpu.vector_load %arg5[%get3A_585, %get3A_586] {strides = array<i32>} : memref<26x512xi32, #tpu.memory_space<vmem>>, vector<16xi32>,
      %and3A_588 = arith.constant 3 : i32
      %and3A_589 = vector.broadcast %and3A_588 : i32 to vector<16xi32>
      %and3A_590 = arith.andi %get3A_587, %and3A_589 : vector<16xi32>
      %mul3A_591 = arith.constant 32 : i32
      %mul3A_592 = vector.broadcast %mul3A_591 : i32 to vector<16xi32>
      %mul3A_593 = arith.muli %and3A_590, %mul3A_592 : vector<16xi32>
      %get3A_594 = arith.index_cast %scan3A_232 : i32 to index
      %get3A_595 = arith.constant 368 : index
      %get3A_596 = tpu.vector_load %arg5[%get3A_594, %get3A_595] {strides = array<i32>} : memref<26x512xi32, #tpu.memory_space<vmem>>, vector<16xi32>,
      %and3A_597 = arith.constant 3 : i32
      %and3A_598 = vector.broadcast %and3A_597 : i32 to vector<16xi32>
      %and3A_599 = arith.andi %get3A_596, %and3A_598 : vector<16xi32>
      %mul3A_600 = arith.constant 32 : i32
      %mul3A_601 = vector.broadcast %mul3A_600 : i32 to vector<16xi32>
      %mul3A_602 = arith.muli %and3A_599, %mul3A_601 : vector<16xi32>
      %get3A_603 = arith.index_cast %scan3A_232 : i32 to index
      %get3A_604 = arith.constant 384 : index
      %get3A_605 = tpu.vector_load %arg5[%get3A_603, %get3A_604] {strides = array<i32>} : memref<26x512xi32, #tpu.memory_space<vmem>>, vector<16xi32>,
      %and3A_606 = arith.constant 3 : i32
      %and3A_607 = vector.broadcast %and3A_606 : i32 to vector<16xi32>
      %and3A_608 = arith.andi %get3A_605, %and3A_607 : vector<16xi32>
      %mul3A_609 = arith.constant 32 : i32
      %mul3A_610 = vector.broadcast %mul3A_609 : i32 to vector<16xi32>
      %mul3A_611 = arith.muli %and3A_608, %mul3A_610 : vector<16xi32>
      %get3A_612 = arith.index_cast %scan3A_232 : i32 to index
      %get3A_613 = arith.constant 400 : index
      %get3A_614 = tpu.vector_load %arg5[%get3A_612, %get3A_613] {strides = array<i32>} : memref<26x512xi32, #tpu.memory_space<vmem>>, vector<16xi32>,
      %and3A_615 = arith.constant 3 : i32
      %and3A_616 = vector.broadcast %and3A_615 : i32 to vector<16xi32>
      %and3A_617 = arith.andi %get3A_614, %and3A_616 : vector<16xi32>
      %mul3A_618 = arith.constant 32 : i32
      %mul3A_619 = vector.broadcast %mul3A_618 : i32 to vector<16xi32>
      %mul3A_620 = arith.muli %and3A_617, %mul3A_619 : vector<16xi32>
      %get3A_621 = arith.index_cast %scan3A_232 : i32 to index
      %get3A_622 = arith.constant 416 : index
      %get3A_623 = tpu.vector_load %arg5[%get3A_621, %get3A_622] {strides = array<i32>} : memref<26x512xi32, #tpu.memory_space<vmem>>, vector<16xi32>,
      %and3A_624 = arith.constant 3 : i32
      %and3A_625 = vector.broadcast %and3A_624 : i32 to vector<16xi32>
      %and3A_626 = arith.andi %get3A_623, %and3A_625 : vector<16xi32>
      %mul3A_627 = arith.constant 32 : i32
      %mul3A_628 = vector.broadcast %mul3A_627 : i32 to vector<16xi32>
      %mul3A_629 = arith.muli %and3A_626, %mul3A_628 : vector<16xi32>
      %get3A_630 = arith.index_cast %scan3A_232 : i32 to index
      %get3A_631 = arith.constant 432 : index
      %get3A_632 = tpu.vector_load %arg5[%get3A_630, %get3A_631] {strides = array<i32>} : memref<26x512xi32, #tpu.memory_space<vmem>>, vector<16xi32>,
      %and3A_633 = arith.constant 3 : i32
      %and3A_634 = vector.broadcast %and3A_633 : i32 to vector<16xi32>
      %and3A_635 = arith.andi %get3A_632, %and3A_634 : vector<16xi32>
      %mul3A_636 = arith.constant 32 : i32
      %mul3A_637 = vector.broadcast %mul3A_636 : i32 to vector<16xi32>
      %mul3A_638 = arith.muli %and3A_635, %mul3A_637 : vector<16xi32>
      %get3A_639 = arith.index_cast %scan3A_232 : i32 to index
      %get3A_640 = arith.constant 448 : index
      %get3A_641 = tpu.vector_load %arg5[%get3A_639, %get3A_640] {strides = array<i32>} : memref<26x512xi32, #tpu.memory_space<vmem>>, vector<16xi32>,
      %and3A_642 = arith.constant 3 : i32
      %and3A_643 = vector.broadcast %and3A_642 : i32 to vector<16xi32>
      %and3A_644 = arith.andi %get3A_641, %and3A_643 : vector<16xi32>
      %mul3A_645 = arith.constant 32 : i32
      %mul3A_646 = vector.broadcast %mul3A_645 : i32 to vector<16xi32>
      %mul3A_647 = arith.muli %and3A_644, %mul3A_646 : vector<16xi32>
      %get3A_648 = arith.index_cast %scan3A_232 : i32 to index
      %get3A_649 = arith.constant 464 : index
      %get3A_650 = tpu.vector_load %arg5[%get3A_648, %get3A_649] {strides = array<i32>} : memref<26x512xi32, #tpu.memory_space<vmem>>, vector<16xi32>,
      %and3A_651 = arith.constant 3 : i32
      %and3A_652 = vector.broadcast %and3A_651 : i32 to vector<16xi32>
      %and3A_653 = arith.andi %get3A_650, %and3A_652 : vector<16xi32>
      %mul3A_654 = arith.constant 32 : i32
      %mul3A_655 = vector.broadcast %mul3A_654 : i32 to vector<16xi32>
      %mul3A_656 = arith.muli %and3A_653, %mul3A_655 : vector<16xi32>
      %get3A_657 = arith.index_cast %scan3A_232 : i32 to index
      %get3A_658 = arith.constant 480 : index
      %get3A_659 = tpu.vector_load %arg5[%get3A_657, %get3A_658] {strides = array<i32>} : memref<26x512xi32, #tpu.memory_space<vmem>>, vector<16xi32>,
      %and3A_660 = arith.constant 3 : i32
      %and3A_661 = vector.broadcast %and3A_660 : i32 to vector<16xi32>
      %and3A_662 = arith.andi %get3A_659, %and3A_661 : vector<16xi32>
      %mul3A_663 = arith.constant 32 : i32
      %mul3A_664 = vector.broadcast %mul3A_663 : i32 to vector<16xi32>
      %mul3A_665 = arith.muli %and3A_662, %mul3A_664 : vector<16xi32>
      %get3A_666 = arith.index_cast %scan3A_232 : i32 to index
      %get3A_667 = arith.constant 496 : index
      %get3A_668 = tpu.vector_load %arg5[%get3A_666, %get3A_667] {strides = array<i32>} : memref<26x512xi32, #tpu.memory_space<vmem>>, vector<16xi32>,
      %and3A_669 = arith.constant 3 : i32
      %and3A_670 = vector.broadcast %and3A_669 : i32 to vector<16xi32>
      %and3A_671 = arith.andi %get3A_668, %and3A_670 : vector<16xi32>
      %mul3A_672 = arith.constant 32 : i32
      %mul3A_673 = vector.broadcast %mul3A_672 : i32 to vector<16xi32>
      %mul3A_674 = arith.muli %and3A_671, %mul3A_673 : vector<16xi32>
      %parallel_loop3A_675 = arith.constant 0 : i32
      %parallel_loop3A_676 = arith.constant 32 : i32
      %parallel_loop3A_677 = arith.constant 1 : i32
      scf.for %parallel_loop3A_774 = %parallel_loop3A_675 to %parallel_loop3A_676 step %parallel_loop3A_677  : i32 {
        %parallel_loop3A_775 = arith.constant 3 : i32
        %parallel_loop3A_776 = arith.shrsi %parallel_loop3A_774, %parallel_loop3A_775 : i32
        %parallel_loop3A_777 = arith.constant 2048 : i32
        %parallel_loop3A_778 = arith.muli %parallel_loop3A_776, %parallel_loop3A_777 : i32
        %parallel_loop3A_779 = arith.constant 7 : i32
        %parallel_loop3A_780 = arith.andi %parallel_loop3A_774, %parallel_loop3A_779 : i32
        %parallel_loop3A_781 = arith.constant 128 : i32
        %parallel_loop3A_782 = arith.muli %parallel_loop3A_780, %parallel_loop3A_781 : i32
        %parallel_loop3A_783 = arith.addi %parallel_loop3A_778, %parallel_loop3A_782 : i32
        %parallel_loop3A_784 = vector.broadcast %parallel_loop3A_774 : i32 to vector<16xi32>
        %parallel_loop3A_785 = arith.addi %mul3A_539, %parallel_loop3A_784 : vector<16xi32>
        %parallel_loop3A_786 = arith.constant 1 : i32
        %parallel_loop3A_787 = arith.constant 0 : i32
        %parallel_loop3A_788 = arith.constant 0 : i32
        %parallel_loop3A_789 = tpu.memref_slice %arg7[%parallel_loop3A_786, %parallel_loop3A_787, %parallel_loop3A_788] : memref<2x256x128xf32, #tpu.memory_space<vmem>> -> memref<1x256x128xf32, #tpu.memory_space<vmem>>
        %parallel_loop3A_790 = tpu.memref_squeeze %parallel_loop3A_789 : memref<1x256x128xf32, #tpu.memory_space<vmem>> -> memref<256x128xf32, #tpu.memory_space<vmem>>
        %parallel_loop3A_791 = tpu.vector_load_idx %parallel_loop3A_790[%add3A_5, %parallel_loop3A_785] : memref<256x128xf32, #tpu.memory_space<vmem>>[vector<16xi32>, vector<16xi32>], vector<16xf32>,
        %parallel_loop3A_792 = arith.constant 0 : i32
        %parallel_loop3A_793 = arith.addi %parallel_loop3A_783, %parallel_loop3A_792 : i32
        %parallel_loop3A_794 = arith.constant 0 : i32
        %parallel_loop3A_795 = arith.addi %parallel_loop3A_793, %parallel_loop3A_794 : i32
        %parallel_loop3A_796 = arith.constant 1 : i32
        %parallel_loop3A_797 = arith.index_cast %parallel_loop3A_796 : i32 to index
        %parallel_loop3A_798 = arith.index_cast %parallel_loop3A_795 : i32 to index
        %parallel_loop3A_799 = tpu.vector_load %arg8[%parallel_loop3A_797, %parallel_loop3A_798] {strides = array<i32>} : memref<2x8192xf32, #tpu.memory_space<vmem>>, vector<16xf32>,
        tpu.vector_store %arg8[%parallel_loop3A_797, %parallel_loop3A_798], %parallel_loop3A_791 {strides = array<i32>} : memref<2x8192xf32, #tpu.memory_space<vmem>>, vector<16xf32>,
        %parallel_loop3A_800 = vector.broadcast %parallel_loop3A_774 : i32 to vector<16xi32>
        %parallel_loop3A_801 = arith.addi %mul3A_548, %parallel_loop3A_800 : vector<16xi32>
        %parallel_loop3A_802 = arith.constant 1 : i32
        %parallel_loop3A_803 = arith.constant 0 : i32
        %parallel_loop3A_804 = arith.constant 0 : i32
        %parallel_loop3A_805 = tpu.memref_slice %arg7[%parallel_loop3A_802, %parallel_loop3A_803, %parallel_loop3A_804] : memref<2x256x128xf32, #tpu.memory_space<vmem>> -> memref<1x256x128xf32, #tpu.memory_space<vmem>>
        %parallel_loop3A_806 = tpu.memref_squeeze %parallel_loop3A_805 : memref<1x256x128xf32, #tpu.memory_space<vmem>> -> memref<256x128xf32, #tpu.memory_space<vmem>>
        %parallel_loop3A_807 = tpu.vector_load_idx %parallel_loop3A_806[%add3A_8, %parallel_loop3A_801] : memref<256x128xf32, #tpu.memory_space<vmem>>[vector<16xi32>, vector<16xi32>], vector<16xf32>,
        %parallel_loop3A_808 = arith.constant 0 : i32
        %parallel_loop3A_809 = arith.addi %parallel_loop3A_783, %parallel_loop3A_808 : i32
        %parallel_loop3A_810 = arith.constant 16 : i32
        %parallel_loop3A_811 = arith.addi %parallel_loop3A_809, %parallel_loop3A_810 : i32
        %parallel_loop3A_812 = arith.constant 1 : i32
        %parallel_loop3A_813 = arith.index_cast %parallel_loop3A_812 : i32 to index
        %parallel_loop3A_814 = arith.index_cast %parallel_loop3A_811 : i32 to index
        %parallel_loop3A_815 = tpu.vector_load %arg8[%parallel_loop3A_813, %parallel_loop3A_814] {strides = array<i32>} : memref<2x8192xf32, #tpu.memory_space<vmem>>, vector<16xf32>,
        tpu.vector_store %arg8[%parallel_loop3A_813, %parallel_loop3A_814], %parallel_loop3A_807 {strides = array<i32>} : memref<2x8192xf32, #tpu.memory_space<vmem>>, vector<16xf32>,
        %parallel_loop3A_816 = vector.broadcast %parallel_loop3A_774 : i32 to vector<16xi32>
        %parallel_loop3A_817 = arith.addi %mul3A_557, %parallel_loop3A_816 : vector<16xi32>
        %parallel_loop3A_818 = arith.constant 1 : i32
        %parallel_loop3A_819 = arith.constant 0 : i32
        %parallel_loop3A_820 = arith.constant 0 : i32
        %parallel_loop3A_821 = tpu.memref_slice %arg7[%parallel_loop3A_818, %parallel_loop3A_819, %parallel_loop3A_820] : memref<2x256x128xf32, #tpu.memory_space<vmem>> -> memref<1x256x128xf32, #tpu.memory_space<vmem>>
        %parallel_loop3A_822 = tpu.memref_squeeze %parallel_loop3A_821 : memref<1x256x128xf32, #tpu.memory_space<vmem>> -> memref<256x128xf32, #tpu.memory_space<vmem>>
        %parallel_loop3A_823 = tpu.vector_load_idx %parallel_loop3A_822[%add3A_11, %parallel_loop3A_817] : memref<256x128xf32, #tpu.memory_space<vmem>>[vector<16xi32>, vector<16xi32>], vector<16xf32>,
        %parallel_loop3A_824 = arith.constant 0 : i32
        %parallel_loop3A_825 = arith.addi %parallel_loop3A_783, %parallel_loop3A_824 : i32
        %parallel_loop3A_826 = arith.constant 32 : i32
        %parallel_loop3A_827 = arith.addi %parallel_loop3A_825, %parallel_loop3A_826 : i32
        %parallel_loop3A_828 = arith.constant 1 : i32
        %parallel_loop3A_829 = arith.index_cast %parallel_loop3A_828 : i32 to index
        %parallel_loop3A_830 = arith.index_cast %parallel_loop3A_827 : i32 to index
        %parallel_loop3A_831 = tpu.vector_load %arg8[%parallel_loop3A_829, %parallel_loop3A_830] {strides = array<i32>} : memref<2x8192xf32, #tpu.memory_space<vmem>>, vector<16xf32>,
        tpu.vector_store %arg8[%parallel_loop3A_829, %parallel_loop3A_830], %parallel_loop3A_823 {strides = array<i32>} : memref<2x8192xf32, #tpu.memory_space<vmem>>, vector<16xf32>,
        %parallel_loop3A_832 = vector.broadcast %parallel_loop3A_774 : i32 to vector<16xi32>
        %parallel_loop3A_833 = arith.addi %mul3A_566, %parallel_loop3A_832 : vector<16xi32>
        %parallel_loop3A_834 = arith.constant 1 : i32
        %parallel_loop3A_835 = arith.constant 0 : i32
        %parallel_loop3A_836 = arith.constant 0 : i32
        %parallel_loop3A_837 = tpu.memref_slice %arg7[%parallel_loop3A_834, %parallel_loop3A_835, %parallel_loop3A_836] : memref<2x256x128xf32, #tpu.memory_space<vmem>> -> memref<1x256x128xf32, #tpu.memory_space<vmem>>
        %parallel_loop3A_838 = tpu.memref_squeeze %parallel_loop3A_837 : memref<1x256x128xf32, #tpu.memory_space<vmem>> -> memref<256x128xf32, #tpu.memory_space<vmem>>
        %parallel_loop3A_839 = tpu.vector_load_idx %parallel_loop3A_838[%add3A_14, %parallel_loop3A_833] : memref<256x128xf32, #tpu.memory_space<vmem>>[vector<16xi32>, vector<16xi32>], vector<16xf32>,
        %parallel_loop3A_840 = arith.constant 0 : i32
        %parallel_loop3A_841 = arith.addi %parallel_loop3A_783, %parallel_loop3A_840 : i32
        %parallel_loop3A_842 = arith.constant 48 : i32
        %parallel_loop3A_843 = arith.addi %parallel_loop3A_841, %parallel_loop3A_842 : i32
        %parallel_loop3A_844 = arith.constant 1 : i32
        %parallel_loop3A_845 = arith.index_cast %parallel_loop3A_844 : i32 to index
        %parallel_loop3A_846 = arith.index_cast %parallel_loop3A_843 : i32 to index
        %parallel_loop3A_847 = tpu.vector_load %arg8[%parallel_loop3A_845, %parallel_loop3A_846] {strides = array<i32>} : memref<2x8192xf32, #tpu.memory_space<vmem>>, vector<16xf32>,
        tpu.vector_store %arg8[%parallel_loop3A_845, %parallel_loop3A_846], %parallel_loop3A_839 {strides = array<i32>} : memref<2x8192xf32, #tpu.memory_space<vmem>>, vector<16xf32>,
        %parallel_loop3A_848 = vector.broadcast %parallel_loop3A_774 : i32 to vector<16xi32>
        %parallel_loop3A_849 = arith.addi %mul3A_575, %parallel_loop3A_848 : vector<16xi32>
        %parallel_loop3A_850 = arith.constant 1 : i32
        %parallel_loop3A_851 = arith.constant 0 : i32
        %parallel_loop3A_852 = arith.constant 0 : i32
        %parallel_loop3A_853 = tpu.memref_slice %arg7[%parallel_loop3A_850, %parallel_loop3A_851, %parallel_loop3A_852] : memref<2x256x128xf32, #tpu.memory_space<vmem>> -> memref<1x256x128xf32, #tpu.memory_space<vmem>>
        %parallel_loop3A_854 = tpu.memref_squeeze %parallel_loop3A_853 : memref<1x256x128xf32, #tpu.memory_space<vmem>> -> memref<256x128xf32, #tpu.memory_space<vmem>>
        %parallel_loop3A_855 = tpu.vector_load_idx %parallel_loop3A_854[%add3A_17, %parallel_loop3A_849] : memref<256x128xf32, #tpu.memory_space<vmem>>[vector<16xi32>, vector<16xi32>], vector<16xf32>,
        %parallel_loop3A_856 = arith.constant 0 : i32
        %parallel_loop3A_857 = arith.addi %parallel_loop3A_783, %parallel_loop3A_856 : i32
        %parallel_loop3A_858 = arith.constant 64 : i32
        %parallel_loop3A_859 = arith.addi %parallel_loop3A_857, %parallel_loop3A_858 : i32
        %parallel_loop3A_860 = arith.constant 1 : i32
        %parallel_loop3A_861 = arith.index_cast %parallel_loop3A_860 : i32 to index
        %parallel_loop3A_862 = arith.index_cast %parallel_loop3A_859 : i32 to index
        %parallel_loop3A_863 = tpu.vector_load %arg8[%parallel_loop3A_861, %parallel_loop3A_862] {strides = array<i32>} : memref<2x8192xf32, #tpu.memory_space<vmem>>, vector<16xf32>,
        tpu.vector_store %arg8[%parallel_loop3A_861, %parallel_loop3A_862], %parallel_loop3A_855 {strides = array<i32>} : memref<2x8192xf32, #tpu.memory_space<vmem>>, vector<16xf32>,
        %parallel_loop3A_864 = vector.broadcast %parallel_loop3A_774 : i32 to vector<16xi32>
        %parallel_loop3A_865 = arith.addi %mul3A_584, %parallel_loop3A_864 : vector<16xi32>
        %parallel_loop3A_866 = arith.constant 1 : i32
        %parallel_loop3A_867 = arith.constant 0 : i32
        %parallel_loop3A_868 = arith.constant 0 : i32
        %parallel_loop3A_869 = tpu.memref_slice %arg7[%parallel_loop3A_866, %parallel_loop3A_867, %parallel_loop3A_868] : memref<2x256x128xf32, #tpu.memory_space<vmem>> -> memref<1x256x128xf32, #tpu.memory_space<vmem>>
        %parallel_loop3A_870 = tpu.memref_squeeze %parallel_loop3A_869 : memref<1x256x128xf32, #tpu.memory_space<vmem>> -> memref<256x128xf32, #tpu.memory_space<vmem>>
        %parallel_loop3A_871 = tpu.vector_load_idx %parallel_loop3A_870[%add3A_20, %parallel_loop3A_865] : memref<256x128xf32, #tpu.memory_space<vmem>>[vector<16xi32>, vector<16xi32>], vector<16xf32>,
        %parallel_loop3A_872 = arith.constant 0 : i32
        %parallel_loop3A_873 = arith.addi %parallel_loop3A_783, %parallel_loop3A_872 : i32
        %parallel_loop3A_874 = arith.constant 80 : i32
        %parallel_loop3A_875 = arith.addi %parallel_loop3A_873, %parallel_loop3A_874 : i32
        %parallel_loop3A_876 = arith.constant 1 : i32
        %parallel_loop3A_877 = arith.index_cast %parallel_loop3A_876 : i32 to index
        %parallel_loop3A_878 = arith.index_cast %parallel_loop3A_875 : i32 to index
        %parallel_loop3A_879 = tpu.vector_load %arg8[%parallel_loop3A_877, %parallel_loop3A_878] {strides = array<i32>} : memref<2x8192xf32, #tpu.memory_space<vmem>>, vector<16xf32>,
        tpu.vector_store %arg8[%parallel_loop3A_877, %parallel_loop3A_878], %parallel_loop3A_871 {strides = array<i32>} : memref<2x8192xf32, #tpu.memory_space<vmem>>, vector<16xf32>,
        %parallel_loop3A_880 = vector.broadcast %parallel_loop3A_774 : i32 to vector<16xi32>
        %parallel_loop3A_881 = arith.addi %mul3A_593, %parallel_loop3A_880 : vector<16xi32>
        %parallel_loop3A_882 = arith.constant 1 : i32
        %parallel_loop3A_883 = arith.constant 0 : i32
        %parallel_loop3A_884 = arith.constant 0 : i32
        %parallel_loop3A_885 = tpu.memref_slice %arg7[%parallel_loop3A_882, %parallel_loop3A_883, %parallel_loop3A_884] : memref<2x256x128xf32, #tpu.memory_space<vmem>> -> memref<1x256x128xf32, #tpu.memory_space<vmem>>
        %parallel_loop3A_886 = tpu.memref_squeeze %parallel_loop3A_885 : memref<1x256x128xf32, #tpu.memory_space<vmem>> -> memref<256x128xf32, #tpu.memory_space<vmem>>
        %parallel_loop3A_887 = tpu.vector_load_idx %parallel_loop3A_886[%add3A_23, %parallel_loop3A_881] : memref<256x128xf32, #tpu.memory_space<vmem>>[vector<16xi32>, vector<16xi32>], vector<16xf32>,
        %parallel_loop3A_888 = arith.constant 0 : i32
        %parallel_loop3A_889 = arith.addi %parallel_loop3A_783, %parallel_loop3A_888 : i32
        %parallel_loop3A_890 = arith.constant 96 : i32
        %parallel_loop3A_891 = arith.addi %parallel_loop3A_889, %parallel_loop3A_890 : i32
        %parallel_loop3A_892 = arith.constant 1 : i32
        %parallel_loop3A_893 = arith.index_cast %parallel_loop3A_892 : i32 to index
        %parallel_loop3A_894 = arith.index_cast %parallel_loop3A_891 : i32 to index
        %parallel_loop3A_895 = tpu.vector_load %arg8[%parallel_loop3A_893, %parallel_loop3A_894] {strides = array<i32>} : memref<2x8192xf32, #tpu.memory_space<vmem>>, vector<16xf32>,
        tpu.vector_store %arg8[%parallel_loop3A_893, %parallel_loop3A_894], %parallel_loop3A_887 {strides = array<i32>} : memref<2x8192xf32, #tpu.memory_space<vmem>>, vector<16xf32>,
        %parallel_loop3A_896 = vector.broadcast %parallel_loop3A_774 : i32 to vector<16xi32>
        %parallel_loop3A_897 = arith.addi %mul3A_602, %parallel_loop3A_896 : vector<16xi32>
        %parallel_loop3A_898 = arith.constant 1 : i32
        %parallel_loop3A_899 = arith.constant 0 : i32
        %parallel_loop3A_900 = arith.constant 0 : i32
        %parallel_loop3A_901 = tpu.memref_slice %arg7[%parallel_loop3A_898, %parallel_loop3A_899, %parallel_loop3A_900] : memref<2x256x128xf32, #tpu.memory_space<vmem>> -> memref<1x256x128xf32, #tpu.memory_space<vmem>>
        %parallel_loop3A_902 = tpu.memref_squeeze %parallel_loop3A_901 : memref<1x256x128xf32, #tpu.memory_space<vmem>> -> memref<256x128xf32, #tpu.memory_space<vmem>>
        %parallel_loop3A_903 = tpu.vector_load_idx %parallel_loop3A_902[%add3A_26, %parallel_loop3A_897] : memref<256x128xf32, #tpu.memory_space<vmem>>[vector<16xi32>, vector<16xi32>], vector<16xf32>,
        %parallel_loop3A_904 = arith.constant 0 : i32
        %parallel_loop3A_905 = arith.addi %parallel_loop3A_783, %parallel_loop3A_904 : i32
        %parallel_loop3A_906 = arith.constant 112 : i32
        %parallel_loop3A_907 = arith.addi %parallel_loop3A_905, %parallel_loop3A_906 : i32
        %parallel_loop3A_908 = arith.constant 1 : i32
        %parallel_loop3A_909 = arith.index_cast %parallel_loop3A_908 : i32 to index
        %parallel_loop3A_910 = arith.index_cast %parallel_loop3A_907 : i32 to index
        %parallel_loop3A_911 = tpu.vector_load %arg8[%parallel_loop3A_909, %parallel_loop3A_910] {strides = array<i32>} : memref<2x8192xf32, #tpu.memory_space<vmem>>, vector<16xf32>,
        tpu.vector_store %arg8[%parallel_loop3A_909, %parallel_loop3A_910], %parallel_loop3A_903 {strides = array<i32>} : memref<2x8192xf32, #tpu.memory_space<vmem>>, vector<16xf32>,
        %parallel_loop3A_912 = vector.broadcast %parallel_loop3A_774 : i32 to vector<16xi32>
        %parallel_loop3A_913 = arith.addi %mul3A_611, %parallel_loop3A_912 : vector<16xi32>
        %parallel_loop3A_914 = arith.constant 1 : i32
        %parallel_loop3A_915 = arith.constant 0 : i32
        %parallel_loop3A_916 = arith.constant 0 : i32
        %parallel_loop3A_917 = tpu.memref_slice %arg7[%parallel_loop3A_914, %parallel_loop3A_915, %parallel_loop3A_916] : memref<2x256x128xf32, #tpu.memory_space<vmem>> -> memref<1x256x128xf32, #tpu.memory_space<vmem>>
        %parallel_loop3A_918 = tpu.memref_squeeze %parallel_loop3A_917 : memref<1x256x128xf32, #tpu.memory_space<vmem>> -> memref<256x128xf32, #tpu.memory_space<vmem>>
        %parallel_loop3A_919 = tpu.vector_load_idx %parallel_loop3A_918[%add3A_29, %parallel_loop3A_913] : memref<256x128xf32, #tpu.memory_space<vmem>>[vector<16xi32>, vector<16xi32>], vector<16xf32>,
        %parallel_loop3A_920 = arith.constant 1024 : i32
        %parallel_loop3A_921 = arith.addi %parallel_loop3A_783, %parallel_loop3A_920 : i32
        %parallel_loop3A_922 = arith.constant 0 : i32
        %parallel_loop3A_923 = arith.addi %parallel_loop3A_921, %parallel_loop3A_922 : i32
        %parallel_loop3A_924 = arith.constant 1 : i32
        %parallel_loop3A_925 = arith.index_cast %parallel_loop3A_924 : i32 to index
        %parallel_loop3A_926 = arith.index_cast %parallel_loop3A_923 : i32 to index
        %parallel_loop3A_927 = tpu.vector_load %arg8[%parallel_loop3A_925, %parallel_loop3A_926] {strides = array<i32>} : memref<2x8192xf32, #tpu.memory_space<vmem>>, vector<16xf32>,
        tpu.vector_store %arg8[%parallel_loop3A_925, %parallel_loop3A_926], %parallel_loop3A_919 {strides = array<i32>} : memref<2x8192xf32, #tpu.memory_space<vmem>>, vector<16xf32>,
        %parallel_loop3A_928 = vector.broadcast %parallel_loop3A_774 : i32 to vector<16xi32>
        %parallel_loop3A_929 = arith.addi %mul3A_620, %parallel_loop3A_928 : vector<16xi32>
        %parallel_loop3A_930 = arith.constant 1 : i32
        %parallel_loop3A_931 = arith.constant 0 : i32
        %parallel_loop3A_932 = arith.constant 0 : i32
        %parallel_loop3A_933 = tpu.memref_slice %arg7[%parallel_loop3A_930, %parallel_loop3A_931, %parallel_loop3A_932] : memref<2x256x128xf32, #tpu.memory_space<vmem>> -> memref<1x256x128xf32, #tpu.memory_space<vmem>>
        %parallel_loop3A_934 = tpu.memref_squeeze %parallel_loop3A_933 : memref<1x256x128xf32, #tpu.memory_space<vmem>> -> memref<256x128xf32, #tpu.memory_space<vmem>>
        %parallel_loop3A_935 = tpu.vector_load_idx %parallel_loop3A_934[%add3A_32, %parallel_loop3A_929] : memref<256x128xf32, #tpu.memory_space<vmem>>[vector<16xi32>, vector<16xi32>], vector<16xf32>,
        %parallel_loop3A_936 = arith.constant 1024 : i32
        %parallel_loop3A_937 = arith.addi %parallel_loop3A_783, %parallel_loop3A_936 : i32
        %parallel_loop3A_938 = arith.constant 16 : i32
        %parallel_loop3A_939 = arith.addi %parallel_loop3A_937, %parallel_loop3A_938 : i32
        %parallel_loop3A_940 = arith.constant 1 : i32
        %parallel_loop3A_941 = arith.index_cast %parallel_loop3A_940 : i32 to index
        %parallel_loop3A_942 = arith.index_cast %parallel_loop3A_939 : i32 to index
        %parallel_loop3A_943 = tpu.vector_load %arg8[%parallel_loop3A_941, %parallel_loop3A_942] {strides = array<i32>} : memref<2x8192xf32, #tpu.memory_space<vmem>>, vector<16xf32>,
        tpu.vector_store %arg8[%parallel_loop3A_941, %parallel_loop3A_942], %parallel_loop3A_935 {strides = array<i32>} : memref<2x8192xf32, #tpu.memory_space<vmem>>, vector<16xf32>,
        %parallel_loop3A_944 = vector.broadcast %parallel_loop3A_774 : i32 to vector<16xi32>
        %parallel_loop3A_945 = arith.addi %mul3A_629, %parallel_loop3A_944 : vector<16xi32>
        %parallel_loop3A_946 = arith.constant 1 : i32
        %parallel_loop3A_947 = arith.constant 0 : i32
        %parallel_loop3A_948 = arith.constant 0 : i32
        %parallel_loop3A_949 = tpu.memref_slice %arg7[%parallel_loop3A_946, %parallel_loop3A_947, %parallel_loop3A_948] : memref<2x256x128xf32, #tpu.memory_space<vmem>> -> memref<1x256x128xf32, #tpu.memory_space<vmem>>
        %parallel_loop3A_950 = tpu.memref_squeeze %parallel_loop3A_949 : memref<1x256x128xf32, #tpu.memory_space<vmem>> -> memref<256x128xf32, #tpu.memory_space<vmem>>
        %parallel_loop3A_951 = tpu.vector_load_idx %parallel_loop3A_950[%add3A_35, %parallel_loop3A_945] : memref<256x128xf32, #tpu.memory_space<vmem>>[vector<16xi32>, vector<16xi32>], vector<16xf32>,
        %parallel_loop3A_952 = arith.constant 1024 : i32
        %parallel_loop3A_953 = arith.addi %parallel_loop3A_783, %parallel_loop3A_952 : i32
        %parallel_loop3A_954 = arith.constant 32 : i32
        %parallel_loop3A_955 = arith.addi %parallel_loop3A_953, %parallel_loop3A_954 : i32
        %parallel_loop3A_956 = arith.constant 1 : i32
        %parallel_loop3A_957 = arith.index_cast %parallel_loop3A_956 : i32 to index
        %parallel_loop3A_958 = arith.index_cast %parallel_loop3A_955 : i32 to index
        %parallel_loop3A_959 = tpu.vector_load %arg8[%parallel_loop3A_957, %parallel_loop3A_958] {strides = array<i32>} : memref<2x8192xf32, #tpu.memory_space<vmem>>, vector<16xf32>,
        tpu.vector_store %arg8[%parallel_loop3A_957, %parallel_loop3A_958], %parallel_loop3A_951 {strides = array<i32>} : memref<2x8192xf32, #tpu.memory_space<vmem>>, vector<16xf32>,
        %parallel_loop3A_960 = vector.broadcast %parallel_loop3A_774 : i32 to vector<16xi32>
        %parallel_loop3A_961 = arith.addi %mul3A_638, %parallel_loop3A_960 : vector<16xi32>
        %parallel_loop3A_962 = arith.constant 1 : i32
        %parallel_loop3A_963 = arith.constant 0 : i32
        %parallel_loop3A_964 = arith.constant 0 : i32
        %parallel_loop3A_965 = tpu.memref_slice %arg7[%parallel_loop3A_962, %parallel_loop3A_963, %parallel_loop3A_964] : memref<2x256x128xf32, #tpu.memory_space<vmem>> -> memref<1x256x128xf32, #tpu.memory_space<vmem>>
        %parallel_loop3A_966 = tpu.memref_squeeze %parallel_loop3A_965 : memref<1x256x128xf32, #tpu.memory_space<vmem>> -> memref<256x128xf32, #tpu.memory_space<vmem>>
        %parallel_loop3A_967 = tpu.vector_load_idx %parallel_loop3A_966[%add3A_38, %parallel_loop3A_961] : memref<256x128xf32, #tpu.memory_space<vmem>>[vector<16xi32>, vector<16xi32>], vector<16xf32>,
        %parallel_loop3A_968 = arith.constant 1024 : i32
        %parallel_loop3A_969 = arith.addi %parallel_loop3A_783, %parallel_loop3A_968 : i32
        %parallel_loop3A_970 = arith.constant 48 : i32
        %parallel_loop3A_971 = arith.addi %parallel_loop3A_969, %parallel_loop3A_970 : i32
        %parallel_loop3A_972 = arith.constant 1 : i32
        %parallel_loop3A_973 = arith.index_cast %parallel_loop3A_972 : i32 to index
        %parallel_loop3A_974 = arith.index_cast %parallel_loop3A_971 : i32 to index
        %parallel_loop3A_975 = tpu.vector_load %arg8[%parallel_loop3A_973, %parallel_loop3A_974] {strides = array<i32>} : memref<2x8192xf32, #tpu.memory_space<vmem>>, vector<16xf32>,
        tpu.vector_store %arg8[%parallel_loop3A_973, %parallel_loop3A_974], %parallel_loop3A_967 {strides = array<i32>} : memref<2x8192xf32, #tpu.memory_space<vmem>>, vector<16xf32>,
        %parallel_loop3A_976 = vector.broadcast %parallel_loop3A_774 : i32 to vector<16xi32>
        %parallel_loop3A_977 = arith.addi %mul3A_647, %parallel_loop3A_976 : vector<16xi32>
        %parallel_loop3A_978 = arith.constant 1 : i32
        %parallel_loop3A_979 = arith.constant 0 : i32
        %parallel_loop3A_980 = arith.constant 0 : i32
        %parallel_loop3A_981 = tpu.memref_slice %arg7[%parallel_loop3A_978, %parallel_loop3A_979, %parallel_loop3A_980] : memref<2x256x128xf32, #tpu.memory_space<vmem>> -> memref<1x256x128xf32, #tpu.memory_space<vmem>>
        %parallel_loop3A_982 = tpu.memref_squeeze %parallel_loop3A_981 : memref<1x256x128xf32, #tpu.memory_space<vmem>> -> memref<256x128xf32, #tpu.memory_space<vmem>>
        %parallel_loop3A_983 = tpu.vector_load_idx %parallel_loop3A_982[%add3A_41, %parallel_loop3A_977] : memref<256x128xf32, #tpu.memory_space<vmem>>[vector<16xi32>, vector<16xi32>], vector<16xf32>,
        %parallel_loop3A_984 = arith.constant 1024 : i32
        %parallel_loop3A_985 = arith.addi %parallel_loop3A_783, %parallel_loop3A_984 : i32
        %parallel_loop3A_986 = arith.constant 64 : i32
        %parallel_loop3A_987 = arith.addi %parallel_loop3A_985, %parallel_loop3A_986 : i32
        %parallel_loop3A_988 = arith.constant 1 : i32
        %parallel_loop3A_989 = arith.index_cast %parallel_loop3A_988 : i32 to index
        %parallel_loop3A_990 = arith.index_cast %parallel_loop3A_987 : i32 to index
        %parallel_loop3A_991 = tpu.vector_load %arg8[%parallel_loop3A_989, %parallel_loop3A_990] {strides = array<i32>} : memref<2x8192xf32, #tpu.memory_space<vmem>>, vector<16xf32>,
        tpu.vector_store %arg8[%parallel_loop3A_989, %parallel_loop3A_990], %parallel_loop3A_983 {strides = array<i32>} : memref<2x8192xf32, #tpu.memory_space<vmem>>, vector<16xf32>,
        %parallel_loop3A_992 = vector.broadcast %parallel_loop3A_774 : i32 to vector<16xi32>
        %parallel_loop3A_993 = arith.addi %mul3A_656, %parallel_loop3A_992 : vector<16xi32>
        %parallel_loop3A_994 = arith.constant 1 : i32
        %parallel_loop3A_995 = arith.constant 0 : i32
        %parallel_loop3A_996 = arith.constant 0 : i32
        %parallel_loop3A_997 = tpu.memref_slice %arg7[%parallel_loop3A_994, %parallel_loop3A_995, %parallel_loop3A_996] : memref<2x256x128xf32, #tpu.memory_space<vmem>> -> memref<1x256x128xf32, #tpu.memory_space<vmem>>
        %parallel_loop3A_998 = tpu.memref_squeeze %parallel_loop3A_997 : memref<1x256x128xf32, #tpu.memory_space<vmem>> -> memref<256x128xf32, #tpu.memory_space<vmem>>
        %parallel_loop3A_999 = tpu.vector_load_idx %parallel_loop3A_998[%add3A_44, %parallel_loop3A_993] : memref<256x128xf32, #tpu.memory_space<vmem>>[vector<16xi32>, vector<16xi32>], vector<16xf32>,
        %parallel_loop3A_1000 = arith.constant 1024 : i32
        %parallel_loop3A_1001 = arith.addi %parallel_loop3A_783, %parallel_loop3A_1000 : i32
        %parallel_loop3A_1002 = arith.constant 80 : i32
        %parallel_loop3A_1003 = arith.addi %parallel_loop3A_1001, %parallel_loop3A_1002 : i32
        %parallel_loop3A_1004 = arith.constant 1 : i32
        %parallel_loop3A_1005 = arith.index_cast %parallel_loop3A_1004 : i32 to index
        %parallel_loop3A_1006 = arith.index_cast %parallel_loop3A_1003 : i32 to index
        %parallel_loop3A_1007 = tpu.vector_load %arg8[%parallel_loop3A_1005, %parallel_loop3A_1006] {strides = array<i32>} : memref<2x8192xf32, #tpu.memory_space<vmem>>, vector<16xf32>,
        tpu.vector_store %arg8[%parallel_loop3A_1005, %parallel_loop3A_1006], %parallel_loop3A_999 {strides = array<i32>} : memref<2x8192xf32, #tpu.memory_space<vmem>>, vector<16xf32>,
        %parallel_loop3A_1008 = vector.broadcast %parallel_loop3A_774 : i32 to vector<16xi32>
        %parallel_loop3A_1009 = arith.addi %mul3A_665, %parallel_loop3A_1008 : vector<16xi32>
        %parallel_loop3A_1010 = arith.constant 1 : i32
        %parallel_loop3A_1011 = arith.constant 0 : i32
        %parallel_loop3A_1012 = arith.constant 0 : i32
        %parallel_loop3A_1013 = tpu.memref_slice %arg7[%parallel_loop3A_1010, %parallel_loop3A_1011, %parallel_loop3A_1012] : memref<2x256x128xf32, #tpu.memory_space<vmem>> -> memref<1x256x128xf32, #tpu.memory_space<vmem>>
        %parallel_loop3A_1014 = tpu.memref_squeeze %parallel_loop3A_1013 : memref<1x256x128xf32, #tpu.memory_space<vmem>> -> memref<256x128xf32, #tpu.memory_space<vmem>>
        %parallel_loop3A_1015 = tpu.vector_load_idx %parallel_loop3A_1014[%add3A_47, %parallel_loop3A_1009] : memref<256x128xf32, #tpu.memory_space<vmem>>[vector<16xi32>, vector<16xi32>], vector<16xf32>,
        %parallel_loop3A_1016 = arith.constant 1024 : i32
        %parallel_loop3A_1017 = arith.addi %parallel_loop3A_783, %parallel_loop3A_1016 : i32
        %parallel_loop3A_1018 = arith.constant 96 : i32
        %parallel_loop3A_1019 = arith.addi %parallel_loop3A_1017, %parallel_loop3A_1018 : i32
        %parallel_loop3A_1020 = arith.constant 1 : i32
        %parallel_loop3A_1021 = arith.index_cast %parallel_loop3A_1020 : i32 to index
        %parallel_loop3A_1022 = arith.index_cast %parallel_loop3A_1019 : i32 to index
        %parallel_loop3A_1023 = tpu.vector_load %arg8[%parallel_loop3A_1021, %parallel_loop3A_1022] {strides = array<i32>} : memref<2x8192xf32, #tpu.memory_space<vmem>>, vector<16xf32>,
        tpu.vector_store %arg8[%parallel_loop3A_1021, %parallel_loop3A_1022], %parallel_loop3A_1015 {strides = array<i32>} : memref<2x8192xf32, #tpu.memory_space<vmem>>, vector<16xf32>,
        %parallel_loop3A_1024 = vector.broadcast %parallel_loop3A_774 : i32 to vector<16xi32>
        %parallel_loop3A_1025 = arith.addi %mul3A_674, %parallel_loop3A_1024 : vector<16xi32>
        %parallel_loop3A_1026 = arith.constant 1 : i32
        %parallel_loop3A_1027 = arith.constant 0 : i32
        %parallel_loop3A_1028 = arith.constant 0 : i32
        %parallel_loop3A_1029 = tpu.memref_slice %arg7[%parallel_loop3A_1026, %parallel_loop3A_1027, %parallel_loop3A_1028] : memref<2x256x128xf32, #tpu.memory_space<vmem>> -> memref<1x256x128xf32, #tpu.memory_space<vmem>>
        %parallel_loop3A_1030 = tpu.memref_squeeze %parallel_loop3A_1029 : memref<1x256x128xf32, #tpu.memory_space<vmem>> -> memref<256x128xf32, #tpu.memory_space<vmem>>
        %parallel_loop3A_1031 = tpu.vector_load_idx %parallel_loop3A_1030[%add3A_50, %parallel_loop3A_1025] : memref<256x128xf32, #tpu.memory_space<vmem>>[vector<16xi32>, vector<16xi32>], vector<16xf32>,
        %parallel_loop3A_1032 = arith.constant 1024 : i32
        %parallel_loop3A_1033 = arith.addi %parallel_loop3A_783, %parallel_loop3A_1032 : i32
        %parallel_loop3A_1034 = arith.constant 112 : i32
        %parallel_loop3A_1035 = arith.addi %parallel_loop3A_1033, %parallel_loop3A_1034 : i32
        %parallel_loop3A_1036 = arith.constant 1 : i32
        %parallel_loop3A_1037 = arith.index_cast %parallel_loop3A_1036 : i32 to index
        %parallel_loop3A_1038 = arith.index_cast %parallel_loop3A_1035 : i32 to index
        %parallel_loop3A_1039 = tpu.vector_load %arg8[%parallel_loop3A_1037, %parallel_loop3A_1038] {strides = array<i32>} : memref<2x8192xf32, #tpu.memory_space<vmem>>, vector<16xf32>,
        tpu.vector_store %arg8[%parallel_loop3A_1037, %parallel_loop3A_1038], %parallel_loop3A_1031 {strides = array<i32>} : memref<2x8192xf32, #tpu.memory_space<vmem>>, vector<16xf32>,
      } {sc.loop_unroll_factor = 8 : i64, sc.parallel_access}
      %mul3A_678 = arith.constant 4 : i32
      %mul3A_679 = arith.muli %scan3A_232, %mul3A_678 : i32
      %add3A_680 = arith.constant 0 : i32
      %add3A_681 = arith.addi %mul3A_679, %add3A_680 : i32
      %mul3A_682 = arith.constant 128 : i32
      %mul3A_683 = arith.muli %add3A_681, %mul3A_682 : i32
      %mul3A_684 = arith.constant 2 : i32
      %mul3A_685 = arith.muli %add3A, %mul3A_684 : i32
      %mul3A_686 = arith.constant 2 : i32
      %mul3A_687 = arith.muli %mul3A_685, %mul3A_686 : i32
      %add3A_688 = arith.addi %mul3A_683, %mul3A_687 : i32
      %add3A_689 = arith.constant 2 : i32
      %add3A_690 = arith.addi %add3A_688, %add3A_689 : i32
      %mul3A_691 = arith.constant 1024 : i32
      %mul3A_692 = arith.muli %add3A_690, %mul3A_691 : i32
      %mul3A_693 = arith.constant 4 : i32
      %mul3A_694 = arith.muli %scan3A_232, %mul3A_693 : i32
      %add3A_695 = arith.constant 1 : i32
      %add3A_696 = arith.addi %mul3A_694, %add3A_695 : i32
      %mul3A_697 = arith.constant 128 : i32
      %mul3A_698 = arith.muli %add3A_696, %mul3A_697 : i32
      %mul3A_699 = arith.constant 2 : i32
      %mul3A_700 = arith.muli %add3A, %mul3A_699 : i32
      %mul3A_701 = arith.constant 2 : i32
      %mul3A_702 = arith.muli %mul3A_700, %mul3A_701 : i32
      %add3A_703 = arith.addi %mul3A_698, %mul3A_702 : i32
      %add3A_704 = arith.constant 2 : i32
      %add3A_705 = arith.addi %add3A_703, %add3A_704 : i32
      %mul3A_706 = arith.constant 1024 : i32
      %mul3A_707 = arith.muli %add3A_705, %mul3A_706 : i32
      %mul3A_708 = arith.constant 4 : i32
      %mul3A_709 = arith.muli %scan3A_232, %mul3A_708 : i32
      %add3A_710 = arith.constant 2 : i32
      %add3A_711 = arith.addi %mul3A_709, %add3A_710 : i32
      %mul3A_712 = arith.constant 128 : i32
      %mul3A_713 = arith.muli %add3A_711, %mul3A_712 : i32
      %mul3A_714 = arith.constant 2 : i32
      %mul3A_715 = arith.muli %add3A, %mul3A_714 : i32
      %mul3A_716 = arith.constant 2 : i32
      %mul3A_717 = arith.muli %mul3A_715, %mul3A_716 : i32
      %add3A_718 = arith.addi %mul3A_713, %mul3A_717 : i32
      %add3A_719 = arith.constant 2 : i32
      %add3A_720 = arith.addi %add3A_718, %add3A_719 : i32
      %mul3A_721 = arith.constant 1024 : i32
      %mul3A_722 = arith.muli %add3A_720, %mul3A_721 : i32
      %mul3A_723 = arith.constant 4 : i32
      %mul3A_724 = arith.muli %scan3A_232, %mul3A_723 : i32
      %add3A_725 = arith.constant 3 : i32
      %add3A_726 = arith.addi %mul3A_724, %add3A_725 : i32
      %mul3A_727 = arith.constant 128 : i32
      %mul3A_728 = arith.muli %add3A_726, %mul3A_727 : i32
      %mul3A_729 = arith.constant 2 : i32
      %mul3A_730 = arith.muli %add3A, %mul3A_729 : i32
      %mul3A_731 = arith.constant 2 : i32
      %mul3A_732 = arith.muli %mul3A_730, %mul3A_731 : i32
      %add3A_733 = arith.addi %mul3A_728, %mul3A_732 : i32
      %add3A_734 = arith.constant 2 : i32
      %add3A_735 = arith.addi %add3A_733, %add3A_734 : i32
      %mul3A_736 = arith.constant 1024 : i32
      %mul3A_737 = arith.muli %add3A_735, %mul3A_736 : i32
      %dma_start3A_738 = arith.constant 1 : i32
      %dma_start3A_739 = arith.constant 0 : i32
      %dma_start3A_740 = tpu.memref_slice %arg8[%dma_start3A_738, %dma_start3A_739] : memref<2x8192xf32, #tpu.memory_space<vmem>> -> memref<1x2048xf32, #tpu.memory_space<vmem>>
      %dma_start3A_741 = tpu.memref_squeeze %dma_start3A_740 : memref<1x2048xf32, #tpu.memory_space<vmem>> -> memref<2048xf32, #tpu.memory_space<vmem>>
      %dma_start3A_742 = tpu.memref_slice %arg4[%mul3A_692] : memref<13631488xf32, #tpu.memory_space<hbm>> -> memref<2048xf32, #tpu.memory_space<hbm>>
      %dma_start3A_743 = tpu.memref_slice %arg4[%mul3A_692] : memref<13631488xf32, #tpu.memory_space<hbm>> -> memref<2048xf32, #tpu.memory_space<hbm>>
      %dma_start3A_744 = arith.constant 0 : i32
      %dma_start3A_745 = tpu.memref_slice %arg8[%dma_start3A_738, %dma_start3A_744] : memref<2x8192xf32, #tpu.memory_space<vmem>> -> memref<1x2048xf32, #tpu.memory_space<vmem>>
      %dma_start3A_746 = tpu.memref_squeeze %dma_start3A_745 : memref<1x2048xf32, #tpu.memory_space<vmem>> -> memref<2048xf32, #tpu.memory_space<vmem>>
      tpu.enqueue_dma source(%dma_start3A_746 : memref<2048xf32, #tpu.memory_space<vmem>>) target(%dma_start3A_743 : memref<2048xf32, #tpu.memory_space<hbm>>) target_semaphore(%arg12 : memref<!tpu.dma_semaphore, #tpu.memory_space<semaphore_mem>>)
      %dma_start3A_747 = arith.constant 1 : i32
      %dma_start3A_748 = arith.constant 2048 : i32
      %dma_start3A_749 = tpu.memref_slice %arg8[%dma_start3A_747, %dma_start3A_748] : memref<2x8192xf32, #tpu.memory_space<vmem>> -> memref<1x2048xf32, #tpu.memory_space<vmem>>
      %dma_start3A_750 = tpu.memref_squeeze %dma_start3A_749 : memref<1x2048xf32, #tpu.memory_space<vmem>> -> memref<2048xf32, #tpu.memory_space<vmem>>
      %dma_start3A_751 = tpu.memref_slice %arg4[%mul3A_707] : memref<13631488xf32, #tpu.memory_space<hbm>> -> memref<2048xf32, #tpu.memory_space<hbm>>
      %dma_start3A_752 = tpu.memref_slice %arg4[%mul3A_707] : memref<13631488xf32, #tpu.memory_space<hbm>> -> memref<2048xf32, #tpu.memory_space<hbm>>
      %dma_start3A_753 = arith.constant 2048 : i32
      %dma_start3A_754 = tpu.memref_slice %arg8[%dma_start3A_747, %dma_start3A_753] : memref<2x8192xf32, #tpu.memory_space<vmem>> -> memref<1x2048xf32, #tpu.memory_space<vmem>>
      %dma_start3A_755 = tpu.memref_squeeze %dma_start3A_754 : memref<1x2048xf32, #tpu.memory_space<vmem>> -> memref<2048xf32, #tpu.memory_space<vmem>>
      tpu.enqueue_dma source(%dma_start3A_755 : memref<2048xf32, #tpu.memory_space<vmem>>) target(%dma_start3A_752 : memref<2048xf32, #tpu.memory_space<hbm>>) target_semaphore(%arg12 : memref<!tpu.dma_semaphore, #tpu.memory_space<semaphore_mem>>)
      %dma_start3A_756 = arith.constant 1 : i32
      %dma_start3A_757 = arith.constant 4096 : i32
      %dma_start3A_758 = tpu.memref_slice %arg8[%dma_start3A_756, %dma_start3A_757] : memref<2x8192xf32, #tpu.memory_space<vmem>> -> memref<1x2048xf32, #tpu.memory_space<vmem>>
      %dma_start3A_759 = tpu.memref_squeeze %dma_start3A_758 : memref<1x2048xf32, #tpu.memory_space<vmem>> -> memref<2048xf32, #tpu.memory_space<vmem>>
      %dma_start3A_760 = tpu.memref_slice %arg4[%mul3A_722] : memref<13631488xf32, #tpu.memory_space<hbm>> -> memref<2048xf32, #tpu.memory_space<hbm>>
      %dma_start3A_761 = tpu.memref_slice %arg4[%mul3A_722] : memref<13631488xf32, #tpu.memory_space<hbm>> -> memref<2048xf32, #tpu.memory_space<hbm>>
      %dma_start3A_762 = arith.constant 4096 : i32
      %dma_start3A_763 = tpu.memref_slice %arg8[%dma_start3A_756, %dma_start3A_762] : memref<2x8192xf32, #tpu.memory_space<vmem>> -> memref<1x2048xf32, #tpu.memory_space<vmem>>
      %dma_start3A_764 = tpu.memref_squeeze %dma_start3A_763 : memref<1x2048xf32, #tpu.memory_space<vmem>> -> memref<2048xf32, #tpu.memory_space<vmem>>
      tpu.enqueue_dma source(%dma_start3A_764 : memref<2048xf32, #tpu.memory_space<vmem>>) target(%dma_start3A_761 : memref<2048xf32, #tpu.memory_space<hbm>>) target_semaphore(%arg12 : memref<!tpu.dma_semaphore, #tpu.memory_space<semaphore_mem>>)
      %dma_start3A_765 = arith.constant 1 : i32
      %dma_start3A_766 = arith.constant 6144 : i32
      %dma_start3A_767 = tpu.memref_slice %arg8[%dma_start3A_765, %dma_start3A_766] : memref<2x8192xf32, #tpu.memory_space<vmem>> -> memref<1x2048xf32, #tpu.memory_space<vmem>>
      %dma_start3A_768 = tpu.memref_squeeze %dma_start3A_767 : memref<1x2048xf32, #tpu.memory_space<vmem>> -> memref<2048xf32, #tpu.memory_space<vmem>>
      %dma_start3A_769 = tpu.memref_slice %arg4[%mul3A_737] : memref<13631488xf32, #tpu.memory_space<hbm>> -> memref<2048xf32, #tpu.memory_space<hbm>>
      %dma_start3A_770 = tpu.memref_slice %arg4[%mul3A_737] : memref<13631488xf32, #tpu.memory_space<hbm>> -> memref<2048xf32, #tpu.memory_space<hbm>>
      %dma_start3A_771 = arith.constant 6144 : i32
      %dma_start3A_772 = tpu.memref_slice %arg8[%dma_start3A_765, %dma_start3A_771] : memref<2x8192xf32, #tpu.memory_space<vmem>> -> memref<1x2048xf32, #tpu.memory_space<vmem>>
      %dma_start3A_773 = tpu.memref_squeeze %dma_start3A_772 : memref<1x2048xf32, #tpu.memory_space<vmem>> -> memref<2048xf32, #tpu.memory_space<vmem>>
      tpu.enqueue_dma source(%dma_start3A_773 : memref<2048xf32, #tpu.memory_space<vmem>>) target(%dma_start3A_770 : memref<2048xf32, #tpu.memory_space<hbm>>) target_semaphore(%arg12 : memref<!tpu.dma_semaphore, #tpu.memory_space<semaphore_mem>>)
    }
    %scan3A_70 = arith.constant 26 : i32
    %dma_wait3A = arith.constant 0 : i32
    %dma_wait3A_71 = arith.constant 0 : i32
    %dma_wait3A_72 = arith.constant 0 : i32
    %dma_wait3A_73 = tpu.memref_slice %arg7[%dma_wait3A, %dma_wait3A_71, %dma_wait3A_72] : memref<2x256x128xf32, #tpu.memory_space<vmem>> -> memref<1x256x128xf32, #tpu.memory_space<vmem>>
    %dma_wait3A_74 = tpu.memref_squeeze %dma_wait3A_73 : memref<1x256x128xf32, #tpu.memory_space<vmem>> -> memref<256x128xf32, #tpu.memory_space<vmem>>
    %dma_wait3A_75 = arith.constant 12800 : i32
    %dma_wait3A_76 = tpu.memref_slice %arg6[%dma_wait3A_75] : memref<13312xi32, #tpu.memory_space<vmem>> -> memref<256xi32, #tpu.memory_space<vmem>>
    %dma_wait3A_77 = arith.constant 0 : i32
    %dma_wait3A_78 = arith.constant 0 : i32
    %dma_wait3A_79 = tpu.memref_slice %arg3[%dma_wait3A_77, %dma_wait3A_78] : memref<250000x128xf32, #tpu.memory_space<hbm>> -> memref<250000x128xf32, #tpu.memory_space<hbm>>
    tpu.wait_indirect_dma semaphore(%arg9 : memref<!tpu.dma_semaphore, #tpu.memory_space<semaphore_mem>>) src(%dma_wait3A_79 : memref<250000x128xf32, #tpu.memory_space<hbm>>) dst(%dma_wait3A_74 : memref<256x128xf32, #tpu.memory_space<vmem>>)
    %mul3A_80 = arith.constant 2 : i32
    %mul3A_81 = arith.muli %add3A, %mul3A_80 : i32
    %mul3A_82 = arith.constant 2 : i32
    %mul3A_83 = arith.muli %mul3A_81, %mul3A_82 : i32
    %add3A_84 = arith.constant 12800 : i32
    %add3A_85 = arith.addi %add3A_84, %mul3A_83 : i32
    %add3A_86 = arith.constant 0 : i32
    %add3A_87 = arith.addi %add3A_85, %add3A_86 : i32
    %mul3A_88 = arith.constant 1024 : i32
    %mul3A_89 = arith.muli %add3A_87, %mul3A_88 : i32
    %mul3A_90 = arith.constant 2 : i32
    %mul3A_91 = arith.muli %add3A, %mul3A_90 : i32
    %mul3A_92 = arith.constant 2 : i32
    %mul3A_93 = arith.muli %mul3A_91, %mul3A_92 : i32
    %add3A_94 = arith.constant 12928 : i32
    %add3A_95 = arith.addi %add3A_94, %mul3A_93 : i32
    %add3A_96 = arith.constant 0 : i32
    %add3A_97 = arith.addi %add3A_95, %add3A_96 : i32
    %mul3A_98 = arith.constant 1024 : i32
    %mul3A_99 = arith.muli %add3A_97, %mul3A_98 : i32
    %mul3A_100 = arith.constant 2 : i32
    %mul3A_101 = arith.muli %add3A, %mul3A_100 : i32
    %mul3A_102 = arith.constant 2 : i32
    %mul3A_103 = arith.muli %mul3A_101, %mul3A_102 : i32
    %add3A_104 = arith.constant 13056 : i32
    %add3A_105 = arith.addi %add3A_104, %mul3A_103 : i32
    %add3A_106 = arith.constant 0 : i32
    %add3A_107 = arith.addi %add3A_105, %add3A_106 : i32
    %mul3A_108 = arith.constant 1024 : i32
    %mul3A_109 = arith.muli %add3A_107, %mul3A_108 : i32
    %mul3A_110 = arith.constant 2 : i32
    %mul3A_111 = arith.muli %add3A, %mul3A_110 : i32
    %mul3A_112 = arith.constant 2 : i32
    %mul3A_113 = arith.muli %mul3A_111, %mul3A_112 : i32
    %add3A_114 = arith.constant 13184 : i32
    %add3A_115 = arith.addi %add3A_114, %mul3A_113 : i32
    %add3A_116 = arith.constant 0 : i32
    %add3A_117 = arith.addi %add3A_115, %add3A_116 : i32
    %mul3A_118 = arith.constant 1024 : i32
    %mul3A_119 = arith.muli %add3A_117, %mul3A_118 : i32
    %dma_wait3A_120 = arith.constant 0 : i32
    %dma_wait3A_121 = arith.constant 0 : i32
    %dma_wait3A_122 = tpu.memref_slice %arg8[%dma_wait3A_120, %dma_wait3A_121] : memref<2x8192xf32, #tpu.memory_space<vmem>> -> memref<1x2048xf32, #tpu.memory_space<vmem>>
    %dma_wait3A_123 = tpu.memref_squeeze %dma_wait3A_122 : memref<1x2048xf32, #tpu.memory_space<vmem>> -> memref<2048xf32, #tpu.memory_space<vmem>>
    %dma_wait3A_124 = tpu.memref_slice %arg4[%mul3A_89] : memref<13631488xf32, #tpu.memory_space<hbm>> -> memref<2048xf32, #tpu.memory_space<hbm>>
    %dma_wait3A_125 = tpu.memref_slice %arg4[%mul3A_89] : memref<13631488xf32, #tpu.memory_space<hbm>> -> memref<2048xf32, #tpu.memory_space<hbm>>
    %dma_wait3A_126 = arith.constant 0 : i32
    %dma_wait3A_127 = tpu.memref_slice %arg8[%dma_wait3A_120, %dma_wait3A_126] : memref<2x8192xf32, #tpu.memory_space<vmem>> -> memref<1x2048xf32, #tpu.memory_space<vmem>>
    %dma_wait3A_128 = tpu.memref_squeeze %dma_wait3A_127 : memref<1x2048xf32, #tpu.memory_space<vmem>> -> memref<2048xf32, #tpu.memory_space<vmem>>
    tpu.wait_dma2 semaphore(%arg11 : memref<!tpu.dma_semaphore, #tpu.memory_space<semaphore_mem>>) src(%dma_wait3A_128 : memref<2048xf32, #tpu.memory_space<vmem>>) dst(%dma_wait3A_125 : memref<2048xf32, #tpu.memory_space<hbm>>)
    %dma_wait3A_129 = arith.constant 0 : i32
    %dma_wait3A_130 = arith.constant 2048 : i32
    %dma_wait3A_131 = tpu.memref_slice %arg8[%dma_wait3A_129, %dma_wait3A_130] : memref<2x8192xf32, #tpu.memory_space<vmem>> -> memref<1x2048xf32, #tpu.memory_space<vmem>>
    %dma_wait3A_132 = tpu.memref_squeeze %dma_wait3A_131 : memref<1x2048xf32, #tpu.memory_space<vmem>> -> memref<2048xf32, #tpu.memory_space<vmem>>
    %dma_wait3A_133 = tpu.memref_slice %arg4[%mul3A_99] : memref<13631488xf32, #tpu.memory_space<hbm>> -> memref<2048xf32, #tpu.memory_space<hbm>>
    %dma_wait3A_134 = tpu.memref_slice %arg4[%mul3A_99] : memref<13631488xf32, #tpu.memory_space<hbm>> -> memref<2048xf32, #tpu.memory_space<hbm>>
    %dma_wait3A_135 = arith.constant 2048 : i32
    %dma_wait3A_136 = tpu.memref_slice %arg8[%dma_wait3A_129, %dma_wait3A_135] : memref<2x8192xf32, #tpu.memory_space<vmem>> -> memref<1x2048xf32, #tpu.memory_space<vmem>>
    %dma_wait3A_137 = tpu.memref_squeeze %dma_wait3A_136 : memref<1x2048xf32, #tpu.memory_space<vmem>> -> memref<2048xf32, #tpu.memory_space<vmem>>
    tpu.wait_dma2 semaphore(%arg11 : memref<!tpu.dma_semaphore, #tpu.memory_space<semaphore_mem>>) src(%dma_wait3A_137 : memref<2048xf32, #tpu.memory_space<vmem>>) dst(%dma_wait3A_134 : memref<2048xf32, #tpu.memory_space<hbm>>)
    %dma_wait3A_138 = arith.constant 0 : i32
    %dma_wait3A_139 = arith.constant 4096 : i32
    %dma_wait3A_140 = tpu.memref_slice %arg8[%dma_wait3A_138, %dma_wait3A_139] : memref<2x8192xf32, #tpu.memory_space<vmem>> -> memref<1x2048xf32, #tpu.memory_space<vmem>>
    %dma_wait3A_141 = tpu.memref_squeeze %dma_wait3A_140 : memref<1x2048xf32, #tpu.memory_space<vmem>> -> memref<2048xf32, #tpu.memory_space<vmem>>
    %dma_wait3A_142 = tpu.memref_slice %arg4[%mul3A_109] : memref<13631488xf32, #tpu.memory_space<hbm>> -> memref<2048xf32, #tpu.memory_space<hbm>>
    %dma_wait3A_143 = tpu.memref_slice %arg4[%mul3A_109] : memref<13631488xf32, #tpu.memory_space<hbm>> -> memref<2048xf32, #tpu.memory_space<hbm>>
    %dma_wait3A_144 = arith.constant 4096 : i32
    %dma_wait3A_145 = tpu.memref_slice %arg8[%dma_wait3A_138, %dma_wait3A_144] : memref<2x8192xf32, #tpu.memory_space<vmem>> -> memref<1x2048xf32, #tpu.memory_space<vmem>>
    %dma_wait3A_146 = tpu.memref_squeeze %dma_wait3A_145 : memref<1x2048xf32, #tpu.memory_space<vmem>> -> memref<2048xf32, #tpu.memory_space<vmem>>
    tpu.wait_dma2 semaphore(%arg11 : memref<!tpu.dma_semaphore, #tpu.memory_space<semaphore_mem>>) src(%dma_wait3A_146 : memref<2048xf32, #tpu.memory_space<vmem>>) dst(%dma_wait3A_143 : memref<2048xf32, #tpu.memory_space<hbm>>)
    %dma_wait3A_147 = arith.constant 0 : i32
    %dma_wait3A_148 = arith.constant 6144 : i32
    %dma_wait3A_149 = tpu.memref_slice %arg8[%dma_wait3A_147, %dma_wait3A_148] : memref<2x8192xf32, #tpu.memory_space<vmem>> -> memref<1x2048xf32, #tpu.memory_space<vmem>>
    %dma_wait3A_150 = tpu.memref_squeeze %dma_wait3A_149 : memref<1x2048xf32, #tpu.memory_space<vmem>> -> memref<2048xf32, #tpu.memory_space<vmem>>
    %dma_wait3A_151 = tpu.memref_slice %arg4[%mul3A_119] : memref<13631488xf32, #tpu.memory_space<hbm>> -> memref<2048xf32, #tpu.memory_space<hbm>>
    %dma_wait3A_152 = tpu.memref_slice %arg4[%mul3A_119] : memref<13631488xf32, #tpu.memory_space<hbm>> -> memref<2048xf32, #tpu.memory_space<hbm>>
    %dma_wait3A_153 = arith.constant 6144 : i32
    %dma_wait3A_154 = tpu.memref_slice %arg8[%dma_wait3A_147, %dma_wait3A_153] : memref<2x8192xf32, #tpu.memory_space<vmem>> -> memref<1x2048xf32, #tpu.memory_space<vmem>>
    %dma_wait3A_155 = tpu.memref_squeeze %dma_wait3A_154 : memref<1x2048xf32, #tpu.memory_space<vmem>> -> memref<2048xf32, #tpu.memory_space<vmem>>
    tpu.wait_dma2 semaphore(%arg11 : memref<!tpu.dma_semaphore, #tpu.memory_space<semaphore_mem>>) src(%dma_wait3A_155 : memref<2048xf32, #tpu.memory_space<vmem>>) dst(%dma_wait3A_152 : memref<2048xf32, #tpu.memory_space<hbm>>)
    %mul3A_156 = arith.constant 2 : i32
    %mul3A_157 = arith.muli %add3A, %mul3A_156 : i32
    %mul3A_158 = arith.constant 2 : i32
    %mul3A_159 = arith.muli %mul3A_157, %mul3A_158 : i32
    %add3A_160 = arith.constant 12800 : i32
    %add3A_161 = arith.addi %add3A_160, %mul3A_159 : i32
    %add3A_162 = arith.constant 2 : i32
    %add3A_163 = arith.addi %add3A_161, %add3A_162 : i32
    %mul3A_164 = arith.constant 1024 : i32
    %mul3A_165 = arith.muli %add3A_163, %mul3A_164 : i32
    %mul3A_166 = arith.constant 2 : i32
    %mul3A_167 = arith.muli %add3A, %mul3A_166 : i32
    %mul3A_168 = arith.constant 2 : i32
    %mul3A_169 = arith.muli %mul3A_167, %mul3A_168 : i32
    %add3A_170 = arith.constant 12928 : i32
    %add3A_171 = arith.addi %add3A_170, %mul3A_169 : i32
    %add3A_172 = arith.constant 2 : i32
    %add3A_173 = arith.addi %add3A_171, %add3A_172 : i32
    %mul3A_174 = arith.constant 1024 : i32
    %mul3A_175 = arith.muli %add3A_173, %mul3A_174 : i32
    %mul3A_176 = arith.constant 2 : i32
    %mul3A_177 = arith.muli %add3A, %mul3A_176 : i32
    %mul3A_178 = arith.constant 2 : i32
    %mul3A_179 = arith.muli %mul3A_177, %mul3A_178 : i32
    %add3A_180 = arith.constant 13056 : i32
    %add3A_181 = arith.addi %add3A_180, %mul3A_179 : i32
    %add3A_182 = arith.constant 2 : i32
    %add3A_183 = arith.addi %add3A_181, %add3A_182 : i32
    %mul3A_184 = arith.constant 1024 : i32
    %mul3A_185 = arith.muli %add3A_183, %mul3A_184 : i32
    %mul3A_186 = arith.constant 2 : i32
    %mul3A_187 = arith.muli %add3A, %mul3A_186 : i32
    %mul3A_188 = arith.constant 2 : i32
    %mul3A_189 = arith.muli %mul3A_187, %mul3A_188 : i32
    %add3A_190 = arith.constant 13184 : i32
    %add3A_191 = arith.addi %add3A_190, %mul3A_189 : i32
    %add3A_192 = arith.constant 2 : i32
    %add3A_193 = arith.addi %add3A_191, %add3A_192 : i32
    %mul3A_194 = arith.constant 1024 : i32
    %mul3A_195 = arith.muli %add3A_193, %mul3A_194 : i32
    %dma_wait3A_196 = arith.constant 1 : i32
    %dma_wait3A_197 = arith.constant 0 : i32
    %dma_wait3A_198 = tpu.memref_slice %arg8[%dma_wait3A_196, %dma_wait3A_197] : memref<2x8192xf32, #tpu.memory_space<vmem>> -> memref<1x2048xf32, #tpu.memory_space<vmem>>
    %dma_wait3A_199 = tpu.memref_squeeze %dma_wait3A_198 : memref<1x2048xf32, #tpu.memory_space<vmem>> -> memref<2048xf32, #tpu.memory_space<vmem>>
    %dma_wait3A_200 = tpu.memref_slice %arg4[%mul3A_165] : memref<13631488xf32, #tpu.memory_space<hbm>> -> memref<2048xf32, #tpu.memory_space<hbm>>
    %dma_wait3A_201 = tpu.memref_slice %arg4[%mul3A_165] : memref<13631488xf32, #tpu.memory_space<hbm>> -> memref<2048xf32, #tpu.memory_space<hbm>>
    %dma_wait3A_202 = arith.constant 0 : i32
    %dma_wait3A_203 = tpu.memref_slice %arg8[%dma_wait3A_196, %dma_wait3A_202] : memref<2x8192xf32, #tpu.memory_space<vmem>> -> memref<1x2048xf32, #tpu.memory_space<vmem>>
    %dma_wait3A_204 = tpu.memref_squeeze %dma_wait3A_203 : memref<1x2048xf32, #tpu.memory_space<vmem>> -> memref<2048xf32, #tpu.memory_space<vmem>>
    tpu.wait_dma2 semaphore(%arg12 : memref<!tpu.dma_semaphore, #tpu.memory_space<semaphore_mem>>) src(%dma_wait3A_204 : memref<2048xf32, #tpu.memory_space<vmem>>) dst(%dma_wait3A_201 : memref<2048xf32, #tpu.memory_space<hbm>>)
    %dma_wait3A_205 = arith.constant 1 : i32
    %dma_wait3A_206 = arith.constant 2048 : i32
    %dma_wait3A_207 = tpu.memref_slice %arg8[%dma_wait3A_205, %dma_wait3A_206] : memref<2x8192xf32, #tpu.memory_space<vmem>> -> memref<1x2048xf32, #tpu.memory_space<vmem>>
    %dma_wait3A_208 = tpu.memref_squeeze %dma_wait3A_207 : memref<1x2048xf32, #tpu.memory_space<vmem>> -> memref<2048xf32, #tpu.memory_space<vmem>>
    %dma_wait3A_209 = tpu.memref_slice %arg4[%mul3A_175] : memref<13631488xf32, #tpu.memory_space<hbm>> -> memref<2048xf32, #tpu.memory_space<hbm>>
    %dma_wait3A_210 = tpu.memref_slice %arg4[%mul3A_175] : memref<13631488xf32, #tpu.memory_space<hbm>> -> memref<2048xf32, #tpu.memory_space<hbm>>
    %dma_wait3A_211 = arith.constant 2048 : i32
    %dma_wait3A_212 = tpu.memref_slice %arg8[%dma_wait3A_205, %dma_wait3A_211] : memref<2x8192xf32, #tpu.memory_space<vmem>> -> memref<1x2048xf32, #tpu.memory_space<vmem>>
    %dma_wait3A_213 = tpu.memref_squeeze %dma_wait3A_212 : memref<1x2048xf32, #tpu.memory_space<vmem>> -> memref<2048xf32, #tpu.memory_space<vmem>>
    tpu.wait_dma2 semaphore(%arg12 : memref<!tpu.dma_semaphore, #tpu.memory_space<semaphore_mem>>) src(%dma_wait3A_213 : memref<2048xf32, #tpu.memory_space<vmem>>) dst(%dma_wait3A_210 : memref<2048xf32, #tpu.memory_space<hbm>>)
    %dma_wait3A_214 = arith.constant 1 : i32
    %dma_wait3A_215 = arith.constant 4096 : i32
    %dma_wait3A_216 = tpu.memref_slice %arg8[%dma_wait3A_214, %dma_wait3A_215] : memref<2x8192xf32, #tpu.memory_space<vmem>> -> memref<1x2048xf32, #tpu.memory_space<vmem>>
    %dma_wait3A_217 = tpu.memref_squeeze %dma_wait3A_216 : memref<1x2048xf32, #tpu.memory_space<vmem>> -> memref<2048xf32, #tpu.memory_space<vmem>>
    %dma_wait3A_218 = tpu.memref_slice %arg4[%mul3A_185] : memref<13631488xf32, #tpu.memory_space<hbm>> -> memref<2048xf32, #tpu.memory_space<hbm>>
    %dma_wait3A_219 = tpu.memref_slice %arg4[%mul3A_185] : memref<13631488xf32, #tpu.memory_space<hbm>> -> memref<2048xf32, #tpu.memory_space<hbm>>
    %dma_wait3A_220 = arith.constant 4096 : i32
    %dma_wait3A_221 = tpu.memref_slice %arg8[%dma_wait3A_214, %dma_wait3A_220] : memref<2x8192xf32, #tpu.memory_space<vmem>> -> memref<1x2048xf32, #tpu.memory_space<vmem>>
    %dma_wait3A_222 = tpu.memref_squeeze %dma_wait3A_221 : memref<1x2048xf32, #tpu.memory_space<vmem>> -> memref<2048xf32, #tpu.memory_space<vmem>>
    tpu.wait_dma2 semaphore(%arg12 : memref<!tpu.dma_semaphore, #tpu.memory_space<semaphore_mem>>) src(%dma_wait3A_222 : memref<2048xf32, #tpu.memory_space<vmem>>) dst(%dma_wait3A_219 : memref<2048xf32, #tpu.memory_space<hbm>>)
    %dma_wait3A_223 = arith.constant 1 : i32
    %dma_wait3A_224 = arith.constant 6144 : i32
    %dma_wait3A_225 = tpu.memref_slice %arg8[%dma_wait3A_223, %dma_wait3A_224] : memref<2x8192xf32, #tpu.memory_space<vmem>> -> memref<1x2048xf32, #tpu.memory_space<vmem>>
    %dma_wait3A_226 = tpu.memref_squeeze %dma_wait3A_225 : memref<1x2048xf32, #tpu.memory_space<vmem>> -> memref<2048xf32, #tpu.memory_space<vmem>>
    %dma_wait3A_227 = tpu.memref_slice %arg4[%mul3A_195] : memref<13631488xf32, #tpu.memory_space<hbm>> -> memref<2048xf32, #tpu.memory_space<hbm>>
    %dma_wait3A_228 = tpu.memref_slice %arg4[%mul3A_195] : memref<13631488xf32, #tpu.memory_space<hbm>> -> memref<2048xf32, #tpu.memory_space<hbm>>
    %dma_wait3A_229 = arith.constant 6144 : i32
    %dma_wait3A_230 = tpu.memref_slice %arg8[%dma_wait3A_223, %dma_wait3A_229] : memref<2x8192xf32, #tpu.memory_space<vmem>> -> memref<1x2048xf32, #tpu.memory_space<vmem>>
    %dma_wait3A_231 = tpu.memref_squeeze %dma_wait3A_230 : memref<1x2048xf32, #tpu.memory_space<vmem>> -> memref<2048xf32, #tpu.memory_space<vmem>>
    tpu.wait_dma2 semaphore(%arg12 : memref<!tpu.dma_semaphore, #tpu.memory_space<semaphore_mem>>) src(%dma_wait3A_231 : memref<2048xf32, #tpu.memory_space<vmem>>) dst(%dma_wait3A_228 : memref<2048xf32, #tpu.memory_space<hbm>>)
    return
  }
}

</mosaic_0001>

<sc_bundles>
// kernel: kernel.3.cloned.1.call-start
scs
__scs_entry_jumppad:
0x0: {  	(pc) =	sbr.rel $0x88, $3  }
0x1: {  	(tag) =	ssettag $0x0;
	lr =	simm.s32 $0x1  }
0x2: {  	[smem:$0x3F9F] =	sst lr;
	_ =	strace $0xD0000000  }
0x3: {  	_ = 	snop  }
0x4: {  	_ = 	snop  }
0x5: {  	_ = 	snop  }
0x6: {  	_ = 	snop  }
0x7: {  	_ = 	snop  }
__scs_overlays_trampoline_lowered:
0x8: {  	[smem:$0x3FAE] =	sst s0  }
0x9: {  	[smem:$0x3FAF] =	sst s1  }
0xa: {  	[smem:$0x3FB0] =	sst s2  }
0xb: {  	[smem:$0x3FB1] =	sst s3  }
0xc: {  	[smem:$0x3FB2] =	sst s4  }
0xd: {  	[smem:$0x3FB3] =	sst s5  }
0xe: {  	[smem:$0x3FB4] =	sst s6  }
0xf: {  	[smem:$0x3FB5] =	sst s7  }
0x10: {  	[smem:$0x3FB6] =	sst s8  }
0x11: {  	[smem:$0x3FB7] =	sst s9;
	s0 =	simm.s32 @!p0 $0x0  }
0x12: {  	s1 =	sld [smem:$0x3F9D];
	s0 =	simm.s32 @p0 $0x1  }
0x13: {  	[smem:$0x3FB8] =	sst s0;
	s0 =	simm.s32 @!p1 $0x0  }
0x14: {  	s2 =	sld [smem:$0x3F9C];
	s0 =	simm.s32 @p1 $0x1  }
0x15: {  	[smem:$0x3FB9] =	sst s0;
	s0 =	simm.s32 @!p2 $0x0  }
0x16: {  	s3 =	sld [smem:$0x3FDB];
	s0 =	simm.s32 @p2 $0x1  }
0x17: {  	s4 =	simm.s32 $0x1BF5;
	[smem:$0x3FBB] =	sst s0  }
0x18: {  	s0 =	sld [smem:$0x3F9E];
	_ =	swait.ge [sflag:s4], $0x0  }
0x19: {  	s7 =	sld [smem:$0x3F9F]  }
0x1a: {  	s8 =	sadd.s32 $0xFFFFE003, lr  }
0x1b: {  	s9 =	sadd.s32 $0xFFFFFEF7, lr;
	s5 =	simm.s32 $0xFFFFFFFF;
	p2 =	slt.u32 s8, $0xFFFFF086  }
0x1c: {  	p1 =	slt.u32 s9, $0xF7A;
	s5 =	simm.s32 @!p2 $0x0  }
0x1d: {  	s5 =	simm.s32 @p1 $0x1;
	p0 =	seq.s32 s7, s2  }
0x1e: {  	s7 =	smul.u32 @!p0 $0xF7A, s2;
	p2 =	seq.s32 @!p0 s5, $0x0  }
0x1f: {  	s9 =	smul.u32 $0xF7A, s1;
	s8 =	simm.s32 @!p0 $0x1BF5;
	p2 =	por !p2, p0  }
0x20: {  	[sflag:s8] =	ssyncset.s32 @!p0 $0xFFFFF086;
	s6 =	sadd.s32 @!p0 s3, s7;
	s7 =	simm.s32 @!p0 $0x108  }
0x21: {  	s3 =	sadd.s32 s3, s9;
	s6 =	sadd.s32 @!p0 $0x88, s6;
	s7 =	simm.s32 @p2 $0x1082  }
0x22: {  	[simem:s7], [sflag:s8] =	dma.local @!p0 [hbm:s6], $0xF7A  }
0x23: {  	s9 =	sor.u32 $0xD0000000, s2;
	s6 =	simm.s32 $0x108;
	_ =	swait.ge @!p0 [sflag:s8], $0x0  }
0x24: {  	s3 =	sadd.s32 $0x88, s3;
	s6 =	simm.s32 @!p1 $0x1082;
	[sflag:s4] =	ssyncset.s32 $0xFFFFF086  }
0x25: {  	[simem:s6], [sflag:s4] =	dma.local [hbm:s3], $0xF7A  }
0x26: {  	[smem:$0x3F9F] =	sst s1;
	(tag) =	ssettag s2;
	_ =	strace s9  }
0x27: {  	s1 =	sld [smem:$0x3FAF]  }
0x28: {  	s2 =	sld [smem:$0x3FB0]  }
0x29: {  	s4 =	sld [smem:$0x3FB2]  }
0x2a: {  	p0 =	seq.s32 s5, $0x0;
	s5 =	sld [smem:$0x3FB3]  }
0x2b: {  	s6 =	sld [smem:$0x3FB4]  }
0x2c: {  	s7 =	sld [smem:$0x3FB5]  }
0x2d: {  	s3 =	simm.s32 $0x108;
	s8 =	sld [smem:$0x3FB6]  }
0x2e: {  	s3 =	simm.s32 @!p0 $0x1082;
	s9 =	sld [smem:$0x3FB7]  }
0x2f: {  	lr =	sadd.s32 s0, s3;
	s0 =	sld [smem:$0x3FAE]  }
0x30: {  	s3 =	sld [smem:$0x3FB1]  }
0x31: {  	[smem:$0x3FBA] =	sst s10  }
0x32: {  	s10 =	sld [smem:$0x3FB8];
	_ =	sdelay $0x3  }
0x33: {  	p0 =	seq.s32 s10, $0x1;
	s10 =	sld [smem:$0x3FBA];
	_ =	sdelay $0x3  }
0x34: {  	[smem:$0x3FBA] =	sst s10  }
0x35: {  	s10 =	sld [smem:$0x3FB9];
	_ =	sdelay $0x3  }
0x36: {  	p1 =	seq.s32 s10, $0x1;
	s10 =	sld [smem:$0x3FBA];
	_ =	sdelay $0x3  }
0x37: {  	[smem:$0x3FBA] =	sst s10  }
0x38: {  	s10 =	sld [smem:$0x3FBB]  }
0x39: {  	_ = 	snop;
	(pc) =	sbr.ind lr, $3  }
0x3a: {  	_ = 	snop  }
0x3b: {  	_ = 	snop  }
0x3c: {  	p2 =	seq.s32 s10, $0x1;
	s10 =	sld [smem:$0x3FBA]  }
0x3d: {  	_ =	shalt  }
0x3e: {  	_ =	shalt  }
0x3f: {  	_ =	shalt  }
0x40: {  	_ =	shalt  }
0x41: {  	_ =	shalt  }
0x42: {  	_ =	shalt  }
0x43: {  	_ =	shalt  }
0x44: {  	_ =	shalt  }
0x45: {  	_ =	shalt  }
0x46: {  	_ =	shalt  }
0x47: {  	_ =	shalt  }
0x48: {  	_ =	shalt  }
0x49: {  	_ =	shalt  }
0x4a: {  	_ =	shalt  }
0x4b: {  	_ =	shalt  }
0x4c: {  	_ =	shalt  }
0x4d: {  	_ =	shalt  }
0x4e: {  	_ =	shalt  }
0x4f: {  	_ =	shalt  }
0x50: {  	_ =	shalt  }
0x51: {  	_ =	shalt  }
0x52: {  	_ =	shalt  }
0x53: {  	_ =	shalt  }
0x54: {  	_ =	shalt  }
0x55: {  	_ =	shalt  }
0x56: {  	_ =	shalt  }
0x57: {  	_ =	shalt  }
0x58: {  	_ =	shalt  }
0x59: {  	_ =	shalt  }
0x5a: {  	_ =	shalt  }
0x5b: {  	_ =	shalt  }
0x5c: {  	_ =	shalt  }
0x5d: {  	_ =	shalt  }
0x5e: {  	_ =	shalt  }
0x5f: {  	_ =	shalt  }
0x60: {  	_ =	shalt  }
0x61: {  	_ =	shalt  }
0x62: {  	_ =	shalt  }
0x63: {  	_ =	shalt  }
0x64: {  	_ =	shalt  }
0x65: {  	_ =	shalt  }
0x66: {  	_ =	shalt  }
0x67: {  	_ =	shalt  }
0x68: {  	_ =	shalt  }
0x69: {  	_ =	shalt  }
0x6a: {  	_ =	shalt  }
0x6b: {  	_ =	shalt  }
0x6c: {  	_ =	shalt  }
0x6d: {  	_ =	shalt  }
0x6e: {  	_ =	shalt  }
0x6f: {  	_ =	shalt  }
0x70: {  	_ =	shalt  }
0x71: {  	_ =	shalt  }
0x72: {  	_ =	shalt  }
0x73: {  	_ =	shalt  }
0x74: {  	_ =	shalt  }
0x75: {  	_ =	shalt  }
0x76: {  	_ =	shalt  }
0x77: {  	_ =	shalt  }
0x78: {  	_ =	shalt  }
0x79: {  	_ =	shalt  }
0x7a: {  	_ =	shalt  }
0x7b: {  	_ =	shalt  }
0x7c: {  	_ =	shalt  }
0x7d: {  	_ =	shalt  }
0x7e: {  	_ =	shalt  }
0x7f: {  	_ =	shalt  }
0x80: {  	_ =	shalt  }
0x81: {  	_ =	shalt  }
0x82: {  	_ =	shalt  }
0x83: {  	_ =	shalt  }
0x84: {  	_ =	shalt  }
0x85: {  	_ =	shalt  }
0x86: {  	_ =	shalt  }
0x87: {  	_ =	shalt  }
.Lfunc_end0:
.L_simem_size_0:
called_computation_lowered:
.L_overlay_start_0:
0x88: {  	s2 =	sld [smem:$0x3FD9]  }
0x89: {  	s3 =	sld [smem:$0x3FFE];
	_ =	sdelay $0x1  }
0x8a: {  	s1 =	srdreg.scid  }
0x8b: {  	s0 =	sand.u32 $0x1, s1  }
0x8c: {  	s17 =	sshll.u32 s0, $0xA;
	s2 =	sadd.s32 s3, s2  }
0x8d: {  	s2 =	sadd.s32 s2, s17  }
0x8e: {  	[smem:$0x3FC6] =	sst s2  }
0x8f: {  	_ = 	snop  }
0x90: {  	s2 =	sld [smem:$0x3FC9]  }
0x91: {  	s18 =	sld [smem:$0x3FD0];
	(tm) =	ssettm $0x1  }
0x92: {  	s4 =	sld [smem:$0x3FFB];
	_ =	sdelay $0x3  }
0x93: {  	_ =	strace s4  }
0x94: {  	s4 =	sld [smem:$0x3FFC];
	_ =	sdelay $0x3  }
0x95: {  	_ =	strace s4  }
0x96: {  	s4 =	sld [smem:$0x3FFD];
	_ =	sdelay $0x3  }
0x97: {  	_ =	strace s4  }
0x98: {  	_ =	strace $0x8FFFFFFF  }
0x99: {  	s19 =	sld [smem:$0x3FDB];
	_ =	sdelay $0x1  }
0x9a: {  	s5 =	simm.s32 $_scs_section_size  }
0x9b: {  	s6 =	simm.s32 $_size__tile_overlayer_lowered;
	s7 =	simm.s32 $_tile_overlayer_lowered  }
0x9c: {  	s22 =	simm.s32 $0x1BFF;
	s21 =	sshll.u32 s7, $0x1;
	s4 =	sadd.s32 s5, s19  }
0x9d: {  	s8 =	simm.s32 $0x0;
	s20 =	sshll.u32 s6, $0x1;
	s6 =	sadd.s32 s21, s4  }
0x9e: {  	[timem:s8], [sflag:s22] =	dma.local [hbm:s6], s20  }
0x9f: {  	_ =	swait.ge [sflag:s22], s20  }
0xa0: {  	s5 =	ssub.s32 $0x0, s20;
	[sflag:s22] =	ssyncset.done $0x0  }
0xa1: {  	[sflag:s22] =	ssyncadd.s32 s5;
	_ =	sdelay $0x1  }
0xa2: {  	s23 =	simm.s32 $0x1B8B  }
0xa3: {  	_ =	swait.ge [sflag:s23], $0x1  }
0xa4: {  	[sflag:s23] =	ssyncset.done $0x0  }
0xa5: {  	s25 =	simm.s32 $0x1B8E;
	s24 =	sld [smem:$0x3FFE];
	[sflag:s23] =	ssyncadd.s32 $0xFFFFFFFF  }
0xa6: {  	s26 =	simm.s32 $execute0_lowered;
	[smem:$0x3FD2] =	sst s25  }
0xa7: {  	s6 =	sshll.u32 s26, $0x1;
	_ =	strace $0x80000046;
	[dreg:$0x1] =	wrdreg $0xFFFFFFFF  }
0xa8: {  	s28 =	simm.s32 $_size_execute0_lowered;
	s4 =	sadd.s32 s4, s6;
	[dreg:$0x0] =	wrdreg $0x0  }
0xa9: {  	s6 =	sshll.u32 s28, $0x1;
	[dreg:$0x2] =	wrdreg s4  }
0xaa: {  	[dreg:$0x3] =	wrdreg s6  }
0xab: {  	[dreg:$0x4] =	wrdreg $0xC0  }
0xac: {  	_ =	task [dreg:s8], $0x5FFFF  }
0xad: {  	[dreg:$0x1] =	wrdreg $0xFFFFFFFF  }
0xae: {  	[dreg:$0x0] =	wrdreg $0x60  }
0xaf: {  	[dreg:$0x2] =	wrdreg s2  }
0xb0: {  	[dreg:$0x3] =	wrdreg s24  }
0xb1: {  	[dreg:$0x4] =	wrdreg s18  }
0xb2: {  	[dreg:$0x5] =	wrdreg $0x9  }
0xb3: {  	_ =	task.clear_ibuf [dreg:s8], $0x6FFFF;
	_ =	strace $0x90000046  }
0xb4: {  	s29 =	simm.s32 $0x9;
	_ =	strace $0x80000048  }
0xb5: {  	_ =	swait.ge [sflag:s29], $0x1  }
0xb6: {  	[sflag:s29] =	ssyncadd.s32 $0xFFFFFFFF  }
0xb7: {  	_ =	strace $0x90000048  }
0xb8: {  	_ =	sfence  }
0xb9: {  	s30 =	sld [smem:$0x0];
	_ =	sdelay $0x2  }
0xba: {  	s31 =	sshll.u32 s1, $0xD;
	s1 =	sshrl.u32 s1, $0x2  }
0xbb: {  	s3 =	sand.u32 $0x4000, s31;
	s1 =	sadd.s32 s1, s30  }
0xbc: {  	s0 =	sor.u32 s3, s0;
	s1 =	sshll.u32 s1, $0x11  }
0xbd: {  	s0 =	sor.u32 s1, s0  }
0xbe: {  	s0 =	sadd.s32 $0x8F2B, s0  }
0xbf: {  	[sflag:s0] =	ssyncadd.remote.s32 $0x1  }
0xc0: {  	_ =	sfence.sel $0xFFFF  }
0xc1: {  	[dreg:$0x0] =	wrdreg $0xFFFFFFFF;
	(pc) =	sbr.abs _section_cstart, $3  }
0xc2: {  	[dreg:$0x1] =	wrdreg $0xFFFFFFFF  }
0xc3: {  	_ =	task.clear_ibuf [dreg:s8], $0x2FFFF;
	_ =	strace $0x9FFFFFFF  }
0xc4: {  	(tm) =	ssettm $0x7FFFFFFF  }
0xc5: {  	_ =	shalt  }
tec
execute0_lowered:
.L_overlay_start_1:
0x0: {  	(tag) =	ssettag $0x1  }
0x1: {  	s0 =	rddreg [dreg:$0x0]  }
0x2: {  	s1 =	rddreg [dreg:$0x1]  }
0x3: {  	s13 =	rddreg [dreg:$0x2];
	s3 =	simm.s32 $0x0  }
0x4: {  	s2 =	srdreg.scid;
	s4 =	stileid.u32;
	s18 =	simm.s32 $0x100  }
0x5: {  	s20 =	simm.s32 $0x7400;
	s21 =	simm.s32 $0xF400;
	s22 =	simm.s32 $0x1  }
0x6: {  	v0 =	vlaneseq.u32;
	s19 =	simm.s32 $0x1B380;
	[smem:$0x7FF] =	sst s3;
	s2 =	sand.u32 $0x1, s2  }
0x7: {  	s5 =	sshll.u32 s4, $0xA;
	s4 =	sadd.s32 $0xF42800, s1;
	s7 =	sadd.s32 $0x4000, s13;
	v0 =	vmul.u32 $0x80, v0  }
0x8: {  	s8 =	sadd.s32 $0x8000, s13;
	s9 =	sadd.s32 $0xC000, s13;
	s10 =	sadd.s32 $0x100, s13  }
0x9: {  	s11 =	sadd.s32 $0x4100, s13;
	s6 =	ssub.s32 $0x2, s2;
	s2 =	sshll.u32 s2, $0x9;
	v1 =	vor.u32 $0x800, v0;
	v2 =	vor.u32 $0x1000, v0;
	v3 =	vor.u32 $0x1800, v0  }
0xa: {  	s12 =	sadd.s32 $0x8100, s13;
	s30 =	sshrl.u32 s6, $0x1;
	s5 =	sor.u32 s2, s5;
	v4 =	vor.u32 $0x2000, v0;
	v5 =	vor.u32 $0x2800, v0;
	v6 =	vor.u32 $0x3000, v0  }
0xb: {  	s13 =	sadd.s32 $0xC100, s13;
	v7 =	vor.u32 $0x3800, v0;
	v8 =	vor.u32 $0x4000, v0;
	v9 =	vor.u32 $0x4800, v0;
	s1 =	ssub.s32 s6, s30;
	s0 =	sadd.s32 s0, s5  }
0xc: {  	_ =	strace $0x80000047;
	v10 =	vor.u32 $0x5000, v0;
	v11 =	vor.u32 $0x5800, v0;
	v12 =	vor.u32 $0x6000, v0;
	[dreg:$0x4] =	wrdreg s0;
	s31 =	smax.u32 s1, $0x1  }
0xd: {  	v13 =	vor.u32 $0x6800, v0;
	v14 =	vor.u32 $0x7000, v0;
	v15 =	vor.u32 $0x7800, v0;
	s2 =	simm.s32 $0x0;
	s6 =	simm.s32 $0x2;
	[dreg:$0x5] =	wrdreg s31  }
.LBB2_1:
0xe: {  	s0 =	rddreg [dreg:$0x4];
	s1 =	simm.s32 $0x1000;
	s28 =	simm.s32 $0x20000  }
0xf: {  	[tilespmem:s3], [sflag:$0x5] =	stream.strided.gather [hbm4b:s0+s1], $0x4000, s28, s1, $0x38;
	[tilespmem:$0x1B400] =	vst v63  }
0x10: {  	[dreg:$0x6] =	wrdreg s2;
	s29 =	simm.s32 $0x0;
	s1 =	simm.s32 $0x0  }
0x11: {  	s14 =	sand.u32 $0xC00, s3;
	s15 =	simm.s32 $0x5;
	s30 =	sand.u32 $0x3000, s1  }
0x12: {  	s0 =	sand.u32 $0x380, s29;
	_ =	swait.ge [sflag:s15], $0x4000;
	s2 =	sor.u32 s14, s30  }
0x13: {  	s31 =	sand.u32 $0x70, s3;
	[sflag:s15] =	ssyncset.done $0x0;
	s0 =	sor.u32 s0, s2  }
0x14: {  	[sflag:s15] =	ssyncadd.s32 $0xFFFFC000;
	s2 =	sor.u32 s31, s0  }
0x15: {  	s17 =	simm.s32 $0x4;
	s16 =	sand.u32 $0x1F0, s3;
	s14 =	simm.s32 $0x80;
	v16 =	vld [tilespmem:s2+$0x0]  }
0x16: {  	s15 =	simm.s32 $0x2;
	s0 =	simm.s32 $0x10;
	s2 =	simm.s32 $0x10  }
.LBB2_2:
0x17: {  	p0 =	sne.s32 s15, $0x33F  }
0x18: {  	s23 =	sand.u32 $0x3000, s2;
	s24 =	sand.u32 $0xC00, s14;
	s17 =	sand.u32 $0x380, s17  }
0x19: {  	s1 =	sand.u32 $0x3FFFFE00, s1;
	s23 =	sor.u32 s24, s23;
	s24 =	sand.u32 $0x70, s0  }
.Ltmp0:
0x1a: {  	s1 =	sor.u32 s16, s1;
	s17 =	sor.u32 s17, s23;
	v16 =	vshra.s32 v16, $0x2;
	(pc) =	sbr.rel @p0 .LBB2_2-.Ltmp0, $4  }
0x1b: {  	s23 =	smov.u32 s0;
	s16 =	sor.u32 s24, s17;
	[tilespmem:s1+$0x4000] =	vst v16;
	s1 =	smov.u32 s2  }
0x1c: {  	v16 =	vld [tilespmem:s16+$0x0]  }
0x1d: {  	s14 =	sadd.s32 $0x80, s14;
	s0 =	sadd.s32 $0x10, s0;
	s17 =	sshll.u32 s15, $0x2  }
0x1e: {  	s2 =	sshll.u32 s15, $0x4;
	s15 =	sadd.s32 $0x1, s15;
	s16 =	sand.u32 $0x1F0, s23  }
0x1f: {  	s15 =	sand.u32 $0x3000, s2;
	s14 =	sand.u32 $0xC00, s14  }
0x20: {  	s17 =	sand.u32 $0x380, s17;
	s1 =	sand.u32 $0x3FFFFE00, s1;
	s14 =	sor.u32 s14, s15  }
0x21: {  	s28 =	sand.u32 $0x70, s0;
	s1 =	sor.u32 s16, s1;
	s14 =	sor.u32 s17, s14;
	v16 =	vshra.s32 v16, $0x2  }
0x22: {  	s14 =	sor.u32 s28, s14;
	[tilespmem:s1+$0x4000] =	vst v16  }
0x23: {  	v16 =	vld [tilespmem:s14+$0x0];
	_ =	sdelay $0x3  }
0x24: {  	s29 =	sand.u32 $0x1F0, s0;
	s30 =	sand.u32 $0x3FFFFE00, s2  }
0x25: {  	s0 =	sor.u32 s29, s30;
	v16 =	vshra.s32 v16, $0x2  }
0x26: {  	s31 =	simm.s32 $0x4000;
	s1 =	simm.s32 $0x0;
	s14 =	simm.s32 $0x0;
	[tilespmem:s0+$0x4000] =	vst v16  }
0x27: {  	[tilespmem:s20], [sflag:$0x1] =	stream.indirect.gather [hbm4b:s4+s18], $0x80, s31, s18, $0xb8;
	[tilespmem:$0x1B400] =	vst v63  }
.LBB2_4:
0x28: {  	p0 =	seq.s32 s1, $0x0  }
0x29: {  	s0 =	simm.s32 @!p0 $0x3  }
0x2a: {  	_ =	swait.ge @!p0 [sflag:s0], $0x800  }
0x2b: {  	[sflag:s0] =	ssyncset.done @!p0 $0x0  }
0x2c: {  	[sflag:s0] =	ssyncadd.s32 @!p0 $0xFFFFF800  }
0x2d: {  	_ =	swait.ge @!p0 [sflag:s0], $0x800  }
0x2e: {  	[sflag:s0] =	ssyncset.done @!p0 $0x0  }
0x2f: {  	[sflag:s0] =	ssyncadd.s32 @!p0 $0xFFFFF800  }
0x30: {  	_ =	swait.ge @!p0 [sflag:s0], $0x800  }
0x31: {  	[sflag:s0] =	ssyncset.done @!p0 $0x0  }
0x32: {  	[sflag:s0] =	ssyncadd.s32 @!p0 $0xFFFFF800  }
0x33: {  	_ =	swait.ge @!p0 [sflag:s0], $0x800  }
0x34: {  	s2 =	sshll.u32 s1, $0x9;
	[sflag:s0] =	ssyncset.done @!p0 $0x0  }
0x35: {  	s25 =	sadd.s32 $0x4100, s2;
	[sflag:s0] =	ssyncadd.s32 @!p0 $0xFFFFF800  }
0x36: {  	[tilespmem:s21], [sflag:$0x2] =	stream.indirect.gather [hbm4b:s4+s18], $0x80, s25, s18, $0xb8;
	[tilespmem:$0x1B400] =	vst v63  }
0x37: {  	s26 =	sshll.u32 s1, $0x7;
	_ =	swait.ge [sflag:s22], $0x8000  }
0x38: {  	s2 =	sand.u32 $0x3000, s2;
	s0 =	sand.u32 $0x380, s26;
	[sflag:s22] =	ssyncset.done $0x0  }
0x39: {  	s23 =	sor.u32 s0, s2;
	[sflag:s22] =	ssyncadd.s32 $0xFFFF8000  }
0x3a: {  	v16 =	vld [tilespmem:s23+$0x0]  }
0x3b: {  	v19 =	vld [tilespmem:s23+$0x10]  }
0x3c: {  	v26 =	vld [tilespmem:s23+$0x20]  }
0x3d: {  	v27 =	vld [tilespmem:s23+$0x30]  }
0x3e: {  	v28 =	vld [tilespmem:s23+$0x40]  }
0x3f: {  	v32 =	vld [tilespmem:s23+$0x50]  }
0x40: {  	v20 =	vld [tilespmem:s23+$0x60]  }
0x41: {  	v21 =	vld [tilespmem:s23+$0x70]  }
0x42: {  	v22 =	vld [tilespmem:s23+$0x400];
	v16 =	vshll.u32 v16, $0x5  }
0x43: {  	v23 =	vld [tilespmem:s23+$0x410];
	v16 =	vand.u32 $0x60, v16  }
0x44: {  	v24 =	vld [tilespmem:s23+$0x420];
	v31 =	vor.u32 v0, v16  }
0x45: {  	s25 =	simm.s32 $0x7;
	v17 =	vld [tilespmem:s23+$0x430];
	v30 =	vor.u32 s14, v31  }
0x46: {  	s17 =	simm.s32 $0x1;
	v18 =	vld [tilespmem:s23+$0x450];
	v33 =	vor.u32 s25, v31  }
0x47: {  	s24 =	simm.s32 $0x2;
	v25 =	vld [tilespmem:s23+$0x460];
	v34 =	vor.u32 s17, v31  }
0x48: {  	s30 =	simm.s32 $0x3;
	v29 =	vld [tilespmem:s23+$0x470];
	v35 =	vor.u32 s24, v31  }
0x49: {  	s31 =	simm.s32 $0x4;
	v16 =	vld [tilespmem:s23+$0x440];
	v36 =	vor.u32 s30, v31  }
0x4a: {  	s16 =	simm.s32 $0x5;
	v19 =	vshll.u32 v19, $0x5;
	v38 =	vor.u32 s31, v31;
	v37 =	vld.idx.msk [tilespmem:v30+s20+$0x0], $0xffff  }
0x4b: {  	s15 =	simm.s32 $0x6;
	v19 =	vand.u32 $0x60, v19;
	v39 =	vor.u32 s16, v31;
	v33 =	vld.idx.msk [tilespmem:v33+s20+$0x0], $0xffff  }
0x4c: {  	v53 =	vor.u32 s15, v31;
	v30 =	vor.u32 v1, v19;
	v19 =	vld.idx.msk [tilespmem:v34+s20+$0x0], $0xffff  }
0x4d: {  	v35 =	vld.idx.msk [tilespmem:v35+s20+$0x0], $0xffff;
	v40 =	vor.u32 s25, v30  }
0x4e: {  	v36 =	vld.idx.msk [tilespmem:v36+s20+$0x0], $0xffff;
	v41 =	vor.u32 s17, v30  }
0x4f: {  	s26 =	simm.s32 $0x17C00;
	v38 =	vld.idx.msk [tilespmem:v38+s20+$0x0], $0xffff;
	v42 =	vor.u32 s24, v30  }
0x50: {  	v39 =	vld.idx.msk [tilespmem:v39+s20+$0x0], $0xffff;
	v43 =	vor.u32 s30, v30;
	[tilespmem:s26+$0xFFFFFF00] =	vst v33  }
0x51: {  	v34 =	vld.idx.msk [tilespmem:v53+s20+$0x0], $0xffff;
	v44 =	vor.u32 s31, v30;
	[tilespmem:s26+$0xFFFFF900] =	vst v19  }
0x52: {  	v26 =	vshll.u32 v26, $0x5;
	v55 =	vor.u32 s15, v30;
	[tilespmem:s26+$0xFFFFFA00] =	vst v35;
	v33 =	vld.idx.msk [tilespmem:v40+s20+$0x0], $0xffff  }
0x53: {  	v26 =	vand.u32 $0x60, v26;
	v58 =	vor.u32 s14, v30;
	[tilespmem:s26+$0xFFFFFB00] =	vst v36;
	v54 =	vld.idx.msk [tilespmem:v41+s20+$0x0], $0xffff  }
0x54: {  	v26 =	vor.u32 v2, v26;
	v19 =	vor.u32 s16, v30;
	[tilespmem:s26+$0xFFFFFC00] =	vst v38;
	v56 =	vld.idx.msk [tilespmem:v42+s20+$0x0], $0xffff  }
0x55: {  	v57 =	vor.u32 s25, v26;
	[tilespmem:s26+$0xFFFFFD00] =	vst v39;
	v43 =	vld.idx.msk [tilespmem:v43+s20+$0x0], $0xffff  }
0x56: {  	v59 =	vor.u32 s17, v26;
	[tilespmem:s26+$0xFFFFFE00] =	vst v34;
	v44 =	vld.idx.msk [tilespmem:v44+s20+$0x0], $0xffff  }
0x57: {  	v60 =	vor.u32 s24, v26;
	[tilespmem:s26+$0xFFFFF800] =	vst v37;
	v35 =	vld.idx.msk [tilespmem:v55+s20+$0x0], $0xffff  }
0x58: {  	v61 =	vor.u32 s30, v26;
	v37 =	vld.idx.msk [tilespmem:v58+s20+$0x0], $0xffff;
	[tilespmem:s26+$0xFFFFFF10] =	vst v33  }
0x59: {  	v62 =	vor.u32 s31, v26;
	v19 =	vld.idx.msk [tilespmem:v19+s20+$0x0], $0xffff;
	[tilespmem:s26+$0xFFFFF910] =	vst v54  }
0x5a: {  	v27 =	vshll.u32 v27, $0x5;
	v49 =	vor.u32 s15, v26;
	[tilespmem:s26+$0xFFFFFA10] =	vst v56;
	v36 =	vld.idx.msk [tilespmem:v57+s20+$0x0], $0xffff  }
0x5b: {  	v27 =	vand.u32 $0x60, v27;
	v50 =	vor.u32 s14, v26;
	[tilespmem:s26+$0xFFFFFB10] =	vst v43;
	v38 =	vld.idx.msk [tilespmem:v59+s20+$0x0], $0xffff  }
0x5c: {  	v27 =	vor.u32 v3, v27;
	v63 =	vor.u32 s16, v26;
	[tilespmem:s26+$0xFFFFFC10] =	vst v44;
	v39 =	vld.idx.msk [tilespmem:v60+s20+$0x0], $0xffff  }
0x5d: {  	v48 =	vor.u32 s25, v27;
	[tilespmem:s26+$0xFFFFFE10] =	vst v35;
	v34 =	vld.idx.msk [tilespmem:v61+s20+$0x0], $0xffff  }
0x5e: {  	v51 =	vor.u32 s17, v27;
	[tilespmem:s26+$0xFFFFF810] =	vst v37;
	v33 =	vld.idx.msk [tilespmem:v62+s20+$0x0], $0xffff  }
0x5f: {  	v45 =	vor.u32 s24, v27;
	v54 =	vld.idx.msk [tilespmem:v49+s20+$0x0], $0xffff;
	[tilespmem:s26+$0xFFFFFD10] =	vst v19  }
0x60: {  	v52 =	vor.u32 s30, v27;
	v55 =	vld.idx.msk [tilespmem:v50+s20+$0x0], $0xffff;
	[tilespmem:s26+$0xFFFFFF20] =	vst v36  }
0x61: {  	v60 =	vor.u32 s15, v27;
	v19 =	vshll.u32 v28, $0x5;
	v40 =	vld.idx.msk [tilespmem:v63+s20+$0x0], $0xffff;
	[tilespmem:s26+$0xFFFFF920] =	vst v38  }
0x62: {  	v61 =	vor.u32 s14, v27;
	v19 =	vand.u32 $0x60, v19;
	[tilespmem:s26+$0xFFFFFA20] =	vst v39;
	v53 =	vld.idx.msk [tilespmem:v48+s20+$0x0], $0xffff  }
0x63: {  	v28 =	vor.u32 v4, v19;
	v19 =	vor.u32 s31, v27;
	[tilespmem:s26+$0xFFFFFB20] =	vst v34;
	v57 =	vld.idx.msk [tilespmem:v51+s20+$0x0], $0xffff  }
0x64: {  	v58 =	vor.u32 s16, v27;
	[tilespmem:s26+$0xFFFFFC20] =	vst v33;
	v59 =	vld.idx.msk [tilespmem:v45+s20+$0x0], $0xffff  }
0x65: {  	[tilespmem:s26+$0xFFFFFE20] =	vst v54;
	v56 =	vor.u32 s25, v28;
	v36 =	vld.idx.msk [tilespmem:v52+s20+$0x0], $0xffff  }
0x66: {  	[tilespmem:s26+$0xFFFFF820] =	vst v55;
	v62 =	vor.u32 s17, v28;
	v34 =	vld.idx.msk [tilespmem:v60+s20+$0x0], $0xffff  }
0x67: {  	v47 =	vor.u32 s24, v28;
	v50 =	vld.idx.msk [tilespmem:v61+s20+$0x0], $0xffff;
	[tilespmem:s26+$0xFFFFFD20] =	vst v40  }
0x68: {  	v48 =	vor.u32 s30, v28;
	v63 =	vld.idx.msk [tilespmem:v19+s20+$0x0], $0xffff;
	[tilespmem:s26+$0xFFFFFF30] =	vst v53  }
0x69: {  	v54 =	vor.u32 s14, v28;
	v39 =	vld.idx.msk [tilespmem:v58+s20+$0x0], $0xffff;
	[tilespmem:s26+$0xFFFFF930] =	vst v57  }
0x6a: {  	v32 =	vshll.u32 v32, $0x5;
	v51 =	vor.u32 s31, v28;
	[tilespmem:s26+$0xFFFFFA30] =	vst v59;
	v35 =	vld.idx.msk [tilespmem:v56+s20+$0x0], $0xffff  }
0x6b: {  	v52 =	vor.u32 s16, v28;
	v19 =	vand.u32 $0x60, v32;
	[tilespmem:s26+$0xFFFFFB30] =	vst v36;
	v33 =	vld.idx.msk [tilespmem:v62+s20+$0x0], $0xffff  }
0x6c: {  	v19 =	vor.u32 v5, v19;
	v53 =	vor.u32 s15, v28;
	[tilespmem:s26+$0xFFFFFE30] =	vst v34;
	v32 =	vld.idx.msk [tilespmem:v47+s20+$0x0], $0xffff  }
0x6d: {  	[tilespmem:s26+$0xFFFFF830] =	vst v50;
	v49 =	vor.u32 s25, v19;
	v38 =	vld.idx.msk [tilespmem:v48+s20+$0x0], $0xffff  }
0x6e: {  	v55 =	vor.u32 s17, v19;
	v59 =	vld.idx.msk [tilespmem:v54+s20+$0x0], $0xffff;
	[tilespmem:s26+$0xFFFFFC30] =	vst v63  }
0x6f: {  	v56 =	vor.u32 s24, v19;
	[tilespmem:s26+$0xFFFFFD30] =	vst v39;
	v41 =	vld.idx.msk [tilespmem:v51+s20+$0x0], $0xffff  }
0x70: {  	v58 =	vor.u32 s30, v19;
	v39 =	vld.idx.msk [tilespmem:v52+s20+$0x0], $0xffff;
	[tilespmem:s26+$0xFFFFFF40] =	vst v35  }
0x71: {  	v60 =	vor.u32 s31, v19;
	v36 =	vld.idx.msk [tilespmem:v53+s20+$0x0], $0xffff;
	[tilespmem:s26+$0xFFFFF940] =	vst v33  }
0x72: {  	v20 =	vshll.u32 v20, $0x5;
	v61 =	vor.u32 s16, v19;
	[tilespmem:s26+$0xFFFFFA40] =	vst v32;
	v37 =	vld.idx.msk [tilespmem:v49+s20+$0x0], $0xffff  }
0x73: {  	v20 =	vand.u32 $0x60, v20;
	v63 =	vor.u32 s15, v19;
	[tilespmem:s26+$0xFFFFFB40] =	vst v38;
	v35 =	vld.idx.msk [tilespmem:v55+s20+$0x0], $0xffff  }
0x74: {  	v20 =	vor.u32 v6, v20;
	v46 =	vor.u32 s14, v19;
	[tilespmem:s26+$0xFFFFF840] =	vst v59;
	v62 =	vld.idx.msk [tilespmem:v56+s20+$0x0], $0xffff  }
0x75: {  	v57 =	vor.u32 s25, v20;
	v40 =	vld.idx.msk [tilespmem:v58+s20+$0x0], $0xffff;
	[tilespmem:s26+$0xFFFFFC40] =	vst v41  }
0x76: {  	v47 =	vor.u32 s17, v20;
	[tilespmem:s26+$0xFFFFFD40] =	vst v39;
	v33 =	vld.idx.msk [tilespmem:v60+s20+$0x0], $0xffff  }
0x77: {  	v49 =	vor.u32 s24, v20;
	[tilespmem:s26+$0xFFFFFE40] =	vst v36;
	v32 =	vld.idx.msk [tilespmem:v61+s20+$0x0], $0xffff  }
0x78: {  	v50 =	vor.u32 s30, v20;
	v51 =	vld.idx.msk [tilespmem:v63+s20+$0x0], $0xffff;
	[tilespmem:s26+$0xFFFFFF50] =	vst v37  }
0x79: {  	v52 =	vor.u32 s31, v20;
	v37 =	vld.idx.msk [tilespmem:v46+s20+$0x0], $0xffff;
	[tilespmem:s26+$0xFFFFF950] =	vst v35  }
0x7a: {  	v21 =	vshll.u32 v21, $0x5;
	v53 =	vor.u32 s16, v20;
	[tilespmem:s26+$0xFFFFFA50] =	vst v62;
	v34 =	vld.idx.msk [tilespmem:v57+s20+$0x0], $0xffff  }
0x7b: {  	v21 =	vand.u32 $0x60, v21;
	v54 =	vor.u32 s15, v20;
	[tilespmem:s26+$0xFFFFFB50] =	vst v40;
	v38 =	vld.idx.msk [tilespmem:v47+s20+$0x0], $0xffff  }
0x7c: {  	v21 =	vor.u32 v7, v21;
	v55 =	vor.u32 s14, v20;
	v41 =	vld.idx.msk [tilespmem:v49+s20+$0x0], $0xffff;
	[tilespmem:s26+$0xFFFFFC50] =	vst v33  }
0x7d: {  	v48 =	vor.u32 s25, v21;
	v36 =	vld.idx.msk [tilespmem:v50+s20+$0x0], $0xffff;
	[tilespmem:s26+$0xFFFFFD50] =	vst v32  }
0x7e: {  	v57 =	vor.u32 s17, v21;
	[tilespmem:s26+$0xFFFFFE50] =	vst v51;
	v35 =	vld.idx.msk [tilespmem:v52+s20+$0x0], $0xffff  }
0x7f: {  	v58 =	vor.u32 s24, v21;
	v44 =	vld.idx.msk [tilespmem:v53+s20+$0x0], $0xffff;
	[tilespmem:s26+$0xFFFFF850] =	vst v37  }
0x80: {  	v59 =	vor.u32 s30, v21;
	[tilespmem:s26+$0xFFFFFF60] =	vst v34;
	v34 =	vld.idx.msk [tilespmem:v54+s20+$0x0], $0xffff  }
0x81: {  	v61 =	vor.u32 s31, v21;
	v60 =	vld.idx.msk [tilespmem:v55+s20+$0x0], $0xffff;
	[tilespmem:s26+$0xFFFFF960] =	vst v38  }
0x82: {  	v22 =	vshll.u32 v22, $0x5;
	v62 =	vor.u32 s16, v21;
	[tilespmem:s26+$0xFFFFFA60] =	vst v41;
	v39 =	vld.idx.msk [tilespmem:v48+s20+$0x0], $0xffff  }
0x83: {  	v22 =	vand.u32 $0x60, v22;
	[tilespmem:s26+$0xFFFFFB60] =	vst v36;
	v63 =	vld.idx.msk [tilespmem:v57+s20+$0x0], $0xffff;
	v48 =	vor.u32 s15, v21  }
0x84: {  	v22 =	vor.u32 v8, v22;
	v50 =	vor.u32 s14, v21;
	v32 =	vld.idx.msk [tilespmem:v58+s20+$0x0], $0xffff;
	[tilespmem:s26+$0xFFFFFC60] =	vst v35  }
0x85: {  	v56 =	vor.u32 s25, v22;
	v37 =	vld.idx.msk [tilespmem:v59+s20+$0x0], $0xffff;
	[tilespmem:s26+$0xFFFFFD60] =	vst v44  }
0x86: {  	v51 =	vor.u32 s17, v22;
	v43 =	vld.idx.msk [tilespmem:v61+s20+$0x0], $0xffff;
	[tilespmem:s26+$0xFFFFFE60] =	vst v34  }
0x87: {  	v52 =	vor.u32 s24, v22;
	v38 =	vld.idx.msk [tilespmem:v62+s20+$0x0], $0xffff;
	[tilespmem:s26+$0xFFFFF860] =	vst v60  }
0x88: {  	v23 =	vshll.u32 v23, $0x5;
	v53 =	vor.u32 s30, v22;
	[tilespmem:s26+$0xFFFFFF70] =	vst v39;
	v40 =	vld.idx.msk [tilespmem:v48+s20+$0x0], $0xffff  }
0x89: {  	v23 =	vand.u32 $0x60, v23;
	v55 =	vor.u32 s16, v22;
	v41 =	vld.idx.msk [tilespmem:v50+s20+$0x0], $0xffff;
	[tilespmem:s26+$0xFFFFF970] =	vst v63  }
0x8a: {  	v23 =	vor.u32 v9, v23;
	v54 =	vor.u32 s31, v22;
	[tilespmem:s26+$0xFFFFFA70] =	vst v32;
	v33 =	vld.idx.msk [tilespmem:v56+s20+$0x0], $0xffff  }
0x8b: {  	v49 =	vor.u32 s25, v23;
	[tilespmem:s26+$0xFFFFFB70] =	vst v37;
	v35 =	vld.idx.msk [tilespmem:v51+s20+$0x0], $0xffff  }
0x8c: {  	v58 =	vor.u32 s15, v22;
	v57 =	vld.idx.msk [tilespmem:v52+s20+$0x0], $0xffff;
	[tilespmem:s26+$0xFFFFFC70] =	vst v43  }
0x8d: {  	v59 =	vor.u32 s14, v22;
	v34 =	vld.idx.msk [tilespmem:v53+s20+$0x0], $0xffff;
	[tilespmem:s26+$0xFFFFFD70] =	vst v38  }
0x8e: {  	v60 =	vor.u32 s17, v23;
	v39 =	vld.idx.msk [tilespmem:v55+s20+$0x0], $0xffff;
	[tilespmem:s26+$0xFFFFFE70] =	vst v40  }
0x8f: {  	v24 =	vshll.u32 v24, $0x5;
	v61 =	vor.u32 s24, v23;
	[tilespmem:s26+$0x700] =	vst v33;
	v33 =	vld.idx.msk [tilespmem:v54+s20+$0x0], $0xffff  }
0x90: {  	v24 =	vand.u32 $0x60, v24;
	v62 =	vor.u32 s30, v23;
	[tilespmem:s26+$0xFFFFF870] =	vst v41;
	v36 =	vld.idx.msk [tilespmem:v49+s20+$0x0], $0xffff  }
0x91: {  	v24 =	vor.u32 v10, v24;
	v63 =	vor.u32 s31, v23;
	v37 =	vld.idx.msk [tilespmem:v58+s20+$0x0], $0xffff;
	[tilespmem:s26+$0x100] =	vst v35  }
0x92: {  	v56 =	vor.u32 s25, v24;
	v41 =	vld.idx.msk [tilespmem:v59+s20+$0x0], $0xffff;
	[tilespmem:s26+$0x200] =	vst v57  }
0x93: {  	[tilespmem:s26+$0x300] =	vst v34;
	v43 =	vld.idx.msk [tilespmem:v60+s20+$0x0], $0xffff;
	v49 =	vor.u32 s16, v23  }
0x94: {  	v50 =	vor.u32 s15, v23;
	v38 =	vld.idx.msk [tilespmem:v61+s20+$0x0], $0xffff;
	[tilespmem:s26+$0x400] =	vst v33  }
0x95: {  	v51 =	vor.u32 s14, v23;
	[tilespmem:s26+$0x710] =	vst v36;
	v36 =	vld.idx.msk [tilespmem:v62+s20+$0x0], $0xffff  }
0x96: {  	v17 =	vshll.u32 v17, $0x5;
	v52 =	vor.u32 s17, v24;
	[tilespmem:s26+$0x500] =	vst v39;
	v40 =	vld.idx.msk [tilespmem:v63+s20+$0x0], $0xffff  }
0x97: {  	v17 =	vand.u32 $0x60, v17;
	v53 =	vor.u32 s24, v24;
	[tilespmem:s26+$0x600] =	vst v37;
	v32 =	vld.idx.msk [tilespmem:v56+s20+$0x0], $0xffff  }
0x98: {  	v17 =	vor.u32 v11, v17;
	v54 =	vor.u32 s30, v24;
	[tilespmem:s26+$0x0] =	vst v41;
	v42 =	vld.idx.msk [tilespmem:v49+s20+$0x0], $0xffff  }
0x99: {  	v48 =	vor.u32 s25, v17;
	v34 =	vld.idx.msk [tilespmem:v50+s20+$0x0], $0xffff;
	[tilespmem:s26+$0x110] =	vst v43  }
0x9a: {  	v41 =	vld.idx.msk [tilespmem:v51+s20+$0x0], $0xffff;
	[tilespmem:s26+$0x210] =	vst v38;
	v56 =	vor.u32 s31, v24  }
0x9b: {  	v57 =	vor.u32 s16, v24;
	v33 =	vld.idx.msk [tilespmem:v52+s20+$0x0], $0xffff;
	[tilespmem:s26+$0x310] =	vst v36  }
0x9c: {  	v58 =	vor.u32 s15, v24;
	[tilespmem:s26+$0x720] =	vst v32;
	v32 =	vld.idx.msk [tilespmem:v53+s20+$0x0], $0xffff  }
0x9d: {  	v16 =	vshll.u32 v16, $0x5;
	v59 =	vor.u32 s14, v24;
	[tilespmem:s26+$0x410] =	vst v40;
	v39 =	vld.idx.msk [tilespmem:v54+s20+$0x0], $0xffff  }
0x9e: {  	v16 =	vand.u32 $0x60, v16;
	v60 =	vor.u32 s17, v17;
	[tilespmem:s26+$0x510] =	vst v42;
	v35 =	vld.idx.msk [tilespmem:v48+s20+$0x0], $0xffff  }
0x9f: {  	v16 =	vor.u32 v12, v16;
	v61 =	vor.u32 s24, v17;
	[tilespmem:s26+$0x610] =	vst v34;
	v43 =	vld.idx.msk [tilespmem:v56+s20+$0x0], $0xffff  }
0xa0: {  	v55 =	vor.u32 s25, v16;
	[tilespmem:s26+$0x10] =	vst v41;
	v38 =	vld.idx.msk [tilespmem:v57+s20+$0x0], $0xffff  }
0xa1: {  	v63 =	vor.u32 s30, v17;
	v36 =	vld.idx.msk [tilespmem:v58+s20+$0x0], $0xffff;
	[tilespmem:s26+$0x120] =	vst v33  }
0xa2: {  	v49 =	vor.u32 s31, v17;
	v48 =	vld.idx.msk [tilespmem:v59+s20+$0x0], $0xffff;
	[tilespmem:s26+$0x220] =	vst v32  }
0xa3: {  	v50 =	vor.u32 s16, v17;
	[tilespmem:s26+$0x730] =	vst v35;
	v35 =	vld.idx.msk [tilespmem:v60+s20+$0x0], $0xffff  }
0xa4: {  	v18 =	vshll.u32 v18, $0x5;
	v51 =	vor.u32 s15, v17;
	[tilespmem:s26+$0x320] =	vst v39;
	v40 =	vld.idx.msk [tilespmem:v61+s20+$0x0], $0xffff  }
0xa5: {  	v18 =	vand.u32 $0x60, v18;
	v52 =	vor.u32 s14, v17;
	[tilespmem:s26+$0x420] =	vst v43;
	v37 =	vld.idx.msk [tilespmem:v55+s20+$0x0], $0xffff  }
0xa6: {  	v18 =	vor.u32 v13, v18;
	v53 =	vor.u32 s17, v16;
	[tilespmem:s26+$0x520] =	vst v38;
	v41 =	vld.idx.msk [tilespmem:v63+s20+$0x0], $0xffff  }
0xa7: {  	v62 =	vor.u32 s25, v18;
	[tilespmem:s26+$0x620] =	vst v36;
	v33 =	vld.idx.msk [tilespmem:v49+s20+$0x0], $0xffff  }
0xa8: {  	v32 =	vld.idx.msk [tilespmem:v50+s20+$0x0], $0xffff;
	[tilespmem:s26+$0x20] =	vst v48;
	v55 =	vor.u32 s24, v16  }
0xa9: {  	v56 =	vor.u32 s30, v16;
	v57 =	vld.idx.msk [tilespmem:v51+s20+$0x0], $0xffff;
	[tilespmem:s26+$0x130] =	vst v35  }
0xaa: {  	v58 =	vor.u32 s31, v16;
	[tilespmem:s26+$0x740] =	vst v37;
	v37 =	vld.idx.msk [tilespmem:v52+s20+$0x0], $0xffff  }
0xab: {  	v59 =	vor.u32 s16, v16;
	[tilespmem:s26+$0x230] =	vst v40;
	v39 =	vld.idx.msk [tilespmem:v53+s20+$0x0], $0xffff  }
0xac: {  	v60 =	vor.u32 s15, v16;
	[tilespmem:s26+$0x330] =	vst v41;
	v34 =	vld.idx.msk [tilespmem:v62+s20+$0x0], $0xffff  }
0xad: {  	v61 =	vor.u32 s14, v16;
	[tilespmem:s26+$0x430] =	vst v33;
	v43 =	vld.idx.msk [tilespmem:v55+s20+$0x0], $0xffff  }
0xae: {  	v63 =	vor.u32 s17, v18;
	[tilespmem:s26+$0x530] =	vst v32;
	v36 =	vld.idx.msk [tilespmem:v56+s20+$0x0], $0xffff  }
0xaf: {  	v25 =	vshll.u32 v25, $0x5;
	v49 =	vor.u32 s30, v18;
	[tilespmem:s26+$0x630] =	vst v57;
	v35 =	vld.idx.msk [tilespmem:v58+s20+$0x0], $0xffff  }
0xb0: {  	v29 =	vshll.u32 v29, $0x5;
	v25 =	vand.u32 $0x60, v25;
	v50 =	vor.u32 s31, v18;
	v44 =	vld.idx.msk [tilespmem:v59+s20+$0x0], $0xffff;
	[tilespmem:s26+$0x30] =	vst v37  }
0xb1: {  	v29 =	vand.u32 $0x60, v29;
	v25 =	vor.u32 v14, v25;
	v51 =	vor.u32 s16, v18;
	[tilespmem:s26+$0x750] =	vst v34;
	v34 =	vld.idx.msk [tilespmem:v60+s20+$0x0], $0xffff  }
0xb2: {  	v29 =	vor.u32 v15, v29;
	v54 =	vor.u32 s25, v25;
	[tilespmem:s26+$0x140] =	vst v39;
	v40 =	vld.idx.msk [tilespmem:v61+s20+$0x0], $0xffff  }
0xb3: {  	v48 =	vor.u32 s24, v18;
	v62 =	vor.u32 s25, v29;
	s25 =	simm.s32 $0x8;
	[tilespmem:s26+$0x340] =	vst v36;
	v39 =	vld.idx.msk [tilespmem:v63+s20+$0x0], $0xffff  }
0xb4: {  	v53 =	vor.u32 s25, v31;
	[tilespmem:s26+$0x440] =	vst v35;
	v37 =	vld.idx.msk [tilespmem:v49+s20+$0x0], $0xffff  }
0xb5: {  	v52 =	vor.u32 s15, v18;
	[tilespmem:s26+$0x540] =	vst v44;
	v42 =	vld.idx.msk [tilespmem:v50+s20+$0x0], $0xffff  }
0xb6: {  	v55 =	vor.u32 s14, v18;
	v46 =	vld.idx.msk [tilespmem:v51+s20+$0x0], $0xffff  }
0xb7: {  	v56 =	vor.u32 s17, v25;
	[tilespmem:s26+$0x240] =	vst v43;
	v38 =	vld.idx.msk [tilespmem:v54+s20+$0x0], $0xffff  }
0xb8: {  	v58 =	vor.u32 s30, v25;
	v54 =	vld.idx.msk [tilespmem:v48+s20+$0x0], $0xffff;
	[tilespmem:s26+$0x640] =	vst v34  }
0xb9: {  	v32 =	vld.idx.msk [tilespmem:v53+s20+$0x0], $0xffff;
	[tilespmem:s26+$0x40] =	vst v40  }
0xba: {  	v57 =	vor.u32 s24, v25;
	[tilespmem:s26+$0x150] =	vst v39;
	v41 =	vld.idx.msk [tilespmem:v52+s20+$0x0], $0xffff  }
0xbb: {  	v59 =	vor.u32 s31, v25;
	[tilespmem:s26+$0x350] =	vst v37;
	v36 =	vld.idx.msk [tilespmem:v55+s20+$0x0], $0xffff  }
0xbc: {  	v60 =	vor.u32 s16, v25;
	[tilespmem:s26+$0x450] =	vst v42;
	v35 =	vld.idx.msk [tilespmem:v56+s20+$0x0], $0xffff  }
0xbd: {  	v61 =	vor.u32 s15, v25;
	[tilespmem:s26+$0x760] =	vst v38;
	v47 =	vld.idx.msk [tilespmem:v58+s20+$0x0], $0xffff  }
0xbe: {  	[tilespmem:s26+$0x250] =	vst v54;
	v33 =	vld.idx.msk [tilespmem:v62+s20+$0x0], $0xffff;
	v62 =	vor.u32 s14, v25  }
0xbf: {  	v63 =	vor.u32 s17, v29;
	[tilespmem:s26+$0x550] =	vst v46;
	v44 =	vld.idx.msk [tilespmem:v57+s20+$0x0], $0xffff  }
0xc0: {  	v48 =	vor.u32 s24, v29;
	v38 =	vld.idx.msk [tilespmem:v59+s20+$0x0], $0xffff;
	[tilespmem:s26+$0x650] =	vst v41  }
0xc1: {  	v42 =	vor.u32 s30, v29;
	v37 =	vld.idx.msk [tilespmem:v60+s20+$0x0], $0xffff;
	[tilespmem:s26+$0x50] =	vst v36  }
0xc2: {  	v43 =	vor.u32 s31, v29;
	[tilespmem:s26+$0x160] =	vst v35;
	v36 =	vld.idx.msk [tilespmem:v61+s20+$0x0], $0xffff  }
0xc3: {  	v41 =	vor.u32 s16, v29;
	[tilespmem:s26+$0x770] =	vst v33;
	v34 =	vld.idx.msk [tilespmem:v62+s20+$0x0], $0xffff  }
0xc4: {  	s17 =	sadd.s32 $0x1, s1;
	v40 =	vor.u32 s15, v29;
	v33 =	vld.idx.msk [tilespmem:v63+s20+$0x0], $0xffff;
	[tilespmem:s26+$0x260] =	vst v44  }
0xc5: {  	s28 =	simm.s32 $0xF;
	s29 =	simm.s32 $0x10;
	s24 =	smin.u32 s17, $0x19;
	v39 =	vor.u32 s14, v29;
	[tilespmem:s26+$0x360] =	vst v47;
	v35 =	vld.idx.msk [tilespmem:v48+s20+$0x0], $0xffff  }
.LBB2_5:
0xc6: {  	p1 =	slt.u32 s29, $0x18;
	s30 =	sadd.s32 $0x1, s25;
	v44 =	vor.u32 s28, v31;
	v42 =	vld.idx.msk [tilespmem:v42+s20+$0x0], $0xffff;
	[tilespmem:s26+$0x460] =	vst v38  }
0xc7: {  	s31 =	sadd.s32 $0x2, s25;
	v38 =	vor.u32 s30, v31;
	v43 =	vld.idx.msk [tilespmem:v43+s20+$0x0], $0xffff;
	[tilespmem:s26+$0x560] =	vst v37  }
0xc8: {  	s0 =	sadd.s32 $0x3, s25;
	v37 =	vor.u32 s31, v31;
	v41 =	vld.idx.msk [tilespmem:v41+s20+$0x0], $0xffff;
	[tilespmem:s26+$0x660] =	vst v36  }
0xc9: {  	s2 =	sadd.s32 $0x4, s25;
	v36 =	vor.u32 s0, v31;
	[tilespmem:s26+$0x60] =	vst v34;
	v34 =	vld.idx.msk [tilespmem:v40+s20+$0x0], $0xffff  }
0xca: {  	s15 =	sadd.s32 $0x5, s25;
	v40 =	vor.u32 s2, v31;
	v39 =	vld.idx.msk [tilespmem:v39+s20+$0x0], $0xffff;
	[tilespmem:s26+$0x170] =	vst v33  }
0xcb: {  	s16 =	sadd.s32 $0x6, s25;
	v33 =	vor.u32 s15, v31;
	v44 =	vld.idx.msk [tilespmem:v44+s20+$0x0], $0xffff;
	[tilespmem:s26+$0x270] =	vst v35  }
0xcc: {  	v35 =	vld.idx.msk [tilespmem:v38+s20+$0x0], $0xffff;
	v38 =	vor.u32 s16, v31;
	[tilespmem:s26+$0x370] =	vst v42  }
0xcd: {  	v42 =	vor.u32 s28, v30;
	v37 =	vld.idx.msk [tilespmem:v37+s20+$0x0], $0xffff;
	[tilespmem:s26+$0x470] =	vst v43  }
0xce: {  	v43 =	vor.u32 s30, v30;
	v36 =	vld.idx.msk [tilespmem:v36+s20+$0x0], $0xffff;
	[tilespmem:s26+$0x570] =	vst v41  }
0xcf: {  	v41 =	vor.u32 s31, v30;
	v40 =	vld.idx.msk [tilespmem:v40+s20+$0x0], $0xffff;
	[tilespmem:s26+$0x670] =	vst v34  }
0xd0: {  	v34 =	vor.u32 s0, v30;
	v33 =	vld.idx.msk [tilespmem:v33+s20+$0x0], $0xffff;
	[tilespmem:s26+$0x70] =	vst v39;
	s26 =	sadd.s32 $0x1000, s26  }
0xd1: {  	v39 =	vor.u32 s2, v30;
	v38 =	vld.idx.msk [tilespmem:v38+s20+$0x0], $0xffff;
	[tilespmem:s26+$0xFFFFFF00] =	vst v44  }
0xd2: {  	[tilespmem:s26+$0xFFFFF900] =	vst v35;
	v35 =	vor.u32 s15, v30;
	v42 =	vld.idx.msk [tilespmem:v42+s20+$0x0], $0xffff  }
0xd3: {  	v43 =	vld.idx.msk [tilespmem:v43+s20+$0x0], $0xffff;
	[tilespmem:s26+$0xFFFFFA00] =	vst v37;
	v37 =	vor.u32 s16, v30  }
0xd4: {  	v41 =	vld.idx.msk [tilespmem:v41+s20+$0x0], $0xffff;
	[tilespmem:s26+$0xFFFFFB00] =	vst v36;
	v36 =	vor.u32 s28, v26  }
0xd5: {  	v44 =	vor.u32 s25, v30;
	v34 =	vld.idx.msk [tilespmem:v34+s20+$0x0], $0xffff;
	[tilespmem:s26+$0xFFFFFC00] =	vst v40  }
0xd6: {  	v40 =	vor.u32 s30, v26;
	v39 =	vld.idx.msk [tilespmem:v39+s20+$0x0], $0xffff;
	[tilespmem:s26+$0xFFFFFD00] =	vst v33  }
0xd7: {  	v33 =	vor.u32 s31, v26;
	v35 =	vld.idx.msk [tilespmem:v35+s20+$0x0], $0xffff;
	[tilespmem:s26+$0xFFFFFE00] =	vst v38  }
0xd8: {  	v38 =	vor.u32 s0, v26;
	v37 =	vld.idx.msk [tilespmem:v37+s20+$0x0], $0xffff;
	[tilespmem:s26+$0xFFFFFF10] =	vst v42  }
0xd9: {  	[tilespmem:s26+$0xFFFFF800] =	vst v32;
	v32 =	vor.u32 s2, v26;
	v36 =	vld.idx.msk [tilespmem:v36+s20+$0x0], $0xffff  }
0xda: {  	v42 =	vld.idx.msk [tilespmem:v44+s20+$0x0], $0xffff;
	[tilespmem:s26+$0xFFFFF910] =	vst v43;
	v43 =	vor.u32 s15, v26  }
0xdb: {  	v40 =	vld.idx.msk [tilespmem:v40+s20+$0x0], $0xffff;
	[tilespmem:s26+$0xFFFFFA10] =	vst v41;
	v41 =	vor.u32 s28, v27  }
0xdc: {  	v33 =	vld.idx.msk [tilespmem:v33+s20+$0x0], $0xffff;
	[tilespmem:s26+$0xFFFFFB10] =	vst v34;
	v34 =	vor.u32 s16, v26  }
0xdd: {  	v44 =	vor.u32 s25, v26;
	v38 =	vld.idx.msk [tilespmem:v38+s20+$0x0], $0xffff;
	[tilespmem:s26+$0xFFFFFC10] =	vst v39  }
0xde: {  	v39 =	vor.u32 s30, v27;
	v32 =	vld.idx.msk [tilespmem:v32+s20+$0x0], $0xffff;
	[tilespmem:s26+$0xFFFFFD10] =	vst v35  }
0xdf: {  	v35 =	vor.u32 s31, v27;
	v43 =	vld.idx.msk [tilespmem:v43+s20+$0x0], $0xffff;
	[tilespmem:s26+$0xFFFFFF20] =	vst v36  }
0xe0: {  	v36 =	vor.u32 s0, v27;
	[tilespmem:s26+$0xFFFFFE10] =	vst v37;
	v37 =	vld.idx.msk [tilespmem:v41+s20+$0x0], $0xffff  }
0xe1: {  	v41 =	vor.u32 s2, v27;
	[tilespmem:s26+$0xFFFFF810] =	vst v42;
	v34 =	vld.idx.msk [tilespmem:v34+s20+$0x0], $0xffff  }
0xe2: {  	v42 =	vld.idx.msk [tilespmem:v44+s20+$0x0], $0xffff;
	[tilespmem:s26+$0xFFFFF920] =	vst v40;
	v40 =	vor.u32 s28, v28  }
0xe3: {  	v39 =	vld.idx.msk [tilespmem:v39+s20+$0x0], $0xffff;
	[tilespmem:s26+$0xFFFFFA20] =	vst v33;
	v33 =	vor.u32 s15, v27  }
0xe4: {  	v35 =	vld.idx.msk [tilespmem:v35+s20+$0x0], $0xffff;
	[tilespmem:s26+$0xFFFFFB20] =	vst v38;
	v38 =	vor.u32 s16, v27  }
0xe5: {  	v44 =	vor.u32 s25, v27;
	v36 =	vld.idx.msk [tilespmem:v36+s20+$0x0], $0xffff;
	[tilespmem:s26+$0xFFFFFC20] =	vst v32  }
0xe6: {  	v32 =	vor.u32 s30, v28;
	v41 =	vld.idx.msk [tilespmem:v41+s20+$0x0], $0xffff;
	[tilespmem:s26+$0xFFFFFF30] =	vst v37  }
0xe7: {  	v37 =	vor.u32 s31, v28;
	[tilespmem:s26+$0xFFFFFD20] =	vst v43;
	v40 =	vld.idx.msk [tilespmem:v40+s20+$0x0], $0xffff  }
0xe8: {  	v43 =	vor.u32 s0, v28;
	v33 =	vld.idx.msk [tilespmem:v33+s20+$0x0], $0xffff;
	[tilespmem:s26+$0xFFFFFE20] =	vst v34  }
0xe9: {  	[tilespmem:s26+$0xFFFFF820] =	vst v42;
	v34 =	vld.idx.msk [tilespmem:v38+s20+$0x0], $0xffff;
	v38 =	vor.u32 s28, v19  }
0xea: {  	v42 =	vld.idx.msk [tilespmem:v44+s20+$0x0], $0xffff;
	[tilespmem:s26+$0xFFFFF930] =	vst v39;
	v39 =	vor.u32 s2, v28  }
0xeb: {  	v32 =	vld.idx.msk [tilespmem:v32+s20+$0x0], $0xffff;
	[tilespmem:s26+$0xFFFFFA30] =	vst v35;
	v35 =	vor.u32 s15, v28  }
0xec: {  	v37 =	vld.idx.msk [tilespmem:v37+s20+$0x0], $0xffff;
	[tilespmem:s26+$0xFFFFFB30] =	vst v36;
	v36 =	vor.u32 s16, v28  }
0xed: {  	v44 =	vor.u32 s25, v28;
	v43 =	vld.idx.msk [tilespmem:v43+s20+$0x0], $0xffff;
	[tilespmem:s26+$0xFFFFFF40] =	vst v40  }
0xee: {  	v40 =	vor.u32 s30, v19;
	[tilespmem:s26+$0xFFFFFC30] =	vst v41;
	v38 =	vld.idx.msk [tilespmem:v38+s20+$0x0], $0xffff  }
0xef: {  	v41 =	vor.u32 s31, v19;
	v39 =	vld.idx.msk [tilespmem:v39+s20+$0x0], $0xffff;
	[tilespmem:s26+$0xFFFFFD30] =	vst v33  }
0xf0: {  	v33 =	vld.idx.msk [tilespmem:v35+s20+$0x0], $0xffff;
	[tilespmem:s26+$0xFFFFFE30] =	vst v34;
	v34 =	vor.u32 s28, v20  }
0xf1: {  	v35 =	vor.u32 s0, v19;
	[tilespmem:s26+$0xFFFFF830] =	vst v42;
	v36 =	vld.idx.msk [tilespmem:v36+s20+$0x0], $0xffff  }
0xf2: {  	v42 =	vld.idx.msk [tilespmem:v44+s20+$0x0], $0xffff;
	[tilespmem:s26+$0xFFFFF940] =	vst v32;
	v32 =	vor.u32 s2, v19  }
0xf3: {  	v40 =	vld.idx.msk [tilespmem:v40+s20+$0x0], $0xffff;
	[tilespmem:s26+$0xFFFFFA40] =	vst v37;
	v37 =	vor.u32 s15, v19  }
0xf4: {  	v44 =	vor.u32 s16, v19;
	v41 =	vld.idx.msk [tilespmem:v41+s20+$0x0], $0xffff;
	[tilespmem:s26+$0xFFFFFF50] =	vst v38  }
0xf5: {  	v38 =	vor.u32 s25, v19;
	[tilespmem:s26+$0xFFFFFB40] =	vst v43;
	v34 =	vld.idx.msk [tilespmem:v34+s20+$0x0], $0xffff  }
0xf6: {  	v43 =	vor.u32 s30, v20;
	v35 =	vld.idx.msk [tilespmem:v35+s20+$0x0], $0xffff;
	[tilespmem:s26+$0xFFFFFC40] =	vst v39  }
0xf7: {  	v32 =	vld.idx.msk [tilespmem:v32+s20+$0x0], $0xffff;
	[tilespmem:s26+$0xFFFFFD40] =	vst v33;
	v33 =	vor.u32 s28, v21  }
0xf8: {  	v39 =	vor.u32 s31, v20;
	v37 =	vld.idx.msk [tilespmem:v37+s20+$0x0], $0xffff;
	[tilespmem:s26+$0xFFFFFE40] =	vst v36  }
0xf9: {  	v36 =	vor.u32 s0, v20;
	[tilespmem:s26+$0xFFFFF840] =	vst v42;
	v42 =	vld.idx.msk [tilespmem:v44+s20+$0x0], $0xffff  }
0xfa: {  	v38 =	vld.idx.msk [tilespmem:v38+s20+$0x0], $0xffff;
	[tilespmem:s26+$0xFFFFF950] =	vst v40;
	v40 =	vor.u32 s2, v20  }
0xfb: {  	v44 =	vor.u32 s15, v20;
	v43 =	vld.idx.msk [tilespmem:v43+s20+$0x0], $0xffff;
	[tilespmem:s26+$0xFFFFFF60] =	vst v34  }
0xfc: {  	v34 =	vor.u32 s16, v20;
	[tilespmem:s26+$0xFFFFFA50] =	vst v41;
	v33 =	vld.idx.msk [tilespmem:v33+s20+$0x0], $0xffff  }
0xfd: {  	v41 =	vor.u32 s25, v20;
	v39 =	vld.idx.msk [tilespmem:v39+s20+$0x0], $0xffff;
	[tilespmem:s26+$0xFFFFFB50] =	vst v35  }
0xfe: {  	v35 =	vld.idx.msk [tilespmem:v36+s20+$0x0], $0xffff;
	[tilespmem:s26+$0xFFFFFC50] =	vst v32;
	v32 =	vor.u32 s28, v22  }
0xff: {  	v36 =	vor.u32 s30, v21;
	v40 =	vld.idx.msk [tilespmem:v40+s20+$0x0], $0xffff;
	[tilespmem:s26+$0xFFFFFD50] =	vst v37  }
0x100: {  	v37 =	vor.u32 s31, v21;
	v44 =	vld.idx.msk [tilespmem:v44+s20+$0x0], $0xffff;
	[tilespmem:s26+$0xFFFFFE50] =	vst v42  }
0x101: {  	[tilespmem:s26+$0xFFFFF850] =	vst v38;
	v38 =	vor.u32 s0, v21;
	v34 =	vld.idx.msk [tilespmem:v34+s20+$0x0], $0xffff  }
0x102: {  	v42 =	vor.u32 s2, v21;
	v41 =	vld.idx.msk [tilespmem:v41+s20+$0x0], $0xffff;
	[tilespmem:s26+$0xFFFFFF70] =	vst v33  }
0x103: {  	v33 =	vor.u32 s15, v21;
	[tilespmem:s26+$0xFFFFF960] =	vst v43;
	v32 =	vld.idx.msk [tilespmem:v32+s20+$0x0], $0xffff  }
0x104: {  	v36 =	vld.idx.msk [tilespmem:v36+s20+$0x0], $0xffff;
	[tilespmem:s26+$0xFFFFFA60] =	vst v39;
	v39 =	vor.u32 s16, v21  }
0x105: {  	v37 =	vld.idx.msk [tilespmem:v37+s20+$0x0], $0xffff;
	[tilespmem:s26+$0xFFFFFB60] =	vst v35;
	v35 =	vor.u32 s28, v23  }
0x106: {  	v43 =	vor.u32 s25, v21;
	v38 =	vld.idx.msk [tilespmem:v38+s20+$0x0], $0xffff;
	[tilespmem:s26+$0xFFFFFC60] =	vst v40  }
0x107: {  	v40 =	vor.u32 s30, v22;
	v42 =	vld.idx.msk [tilespmem:v42+s20+$0x0], $0xffff;
	[tilespmem:s26+$0xFFFFFD60] =	vst v44  }
0x108: {  	v44 =	vor.u32 s31, v22;
	v33 =	vld.idx.msk [tilespmem:v33+s20+$0x0], $0xffff;
	[tilespmem:s26+$0xFFFFFE60] =	vst v34  }
0x109: {  	v34 =	vor.u32 s0, v22;
	v39 =	vld.idx.msk [tilespmem:v39+s20+$0x0], $0xffff;
	[tilespmem:s26+$0x700] =	vst v32  }
0x10a: {  	v32 =	vor.u32 s2, v22;
	[tilespmem:s26+$0xFFFFF860] =	vst v41;
	v35 =	vld.idx.msk [tilespmem:v35+s20+$0x0], $0xffff  }
0x10b: {  	v41 =	vld.idx.msk [tilespmem:v43+s20+$0x0], $0xffff;
	[tilespmem:s26+$0xFFFFF970] =	vst v36;
	v36 =	vor.u32 s15, v22  }
0x10c: {  	v40 =	vld.idx.msk [tilespmem:v40+s20+$0x0], $0xffff;
	[tilespmem:s26+$0xFFFFFA70] =	vst v37;
	v37 =	vor.u32 s28, v24  }
0x10d: {  	v43 =	vld.idx.msk [tilespmem:v44+s20+$0x0], $0xffff;
	[tilespmem:s26+$0xFFFFFB70] =	vst v38;
	v38 =	vor.u32 s16, v22  }
0x10e: {  	v44 =	vor.u32 s25, v22;
	v34 =	vld.idx.msk [tilespmem:v34+s20+$0x0], $0xffff;
	[tilespmem:s26+$0xFFFFFC70] =	vst v42  }
0x10f: {  	v42 =	vor.u32 s30, v23;
	v32 =	vld.idx.msk [tilespmem:v32+s20+$0x0], $0xffff;
	[tilespmem:s26+$0xFFFFFD70] =	vst v33  }
0x110: {  	v33 =	vor.u32 s31, v23;
	v36 =	vld.idx.msk [tilespmem:v36+s20+$0x0], $0xffff;
	[tilespmem:s26+$0x710] =	vst v35  }
0x111: {  	v35 =	vor.u32 s0, v23;
	[tilespmem:s26+$0xFFFFFE70] =	vst v39;
	v37 =	vld.idx.msk [tilespmem:v37+s20+$0x0], $0xffff  }
0x112: {  	v39 =	vor.u32 s2, v23;
	[tilespmem:s26+$0xFFFFF870] =	vst v41;
	v38 =	vld.idx.msk [tilespmem:v38+s20+$0x0], $0xffff  }
0x113: {  	v41 =	vld.idx.msk [tilespmem:v44+s20+$0x0], $0xffff;
	[tilespmem:s26+$0x100] =	vst v40;
	v40 =	vor.u32 s28, v17  }
0x114: {  	v42 =	vld.idx.msk [tilespmem:v42+s20+$0x0], $0xffff;
	[tilespmem:s26+$0x200] =	vst v43;
	v43 =	vor.u32 s15, v23  }
0x115: {  	v33 =	vld.idx.msk [tilespmem:v33+s20+$0x0], $0xffff;
	[tilespmem:s26+$0x300] =	vst v34;
	v34 =	vor.u32 s16, v23  }
0x116: {  	v44 =	vor.u32 s25, v23;
	v35 =	vld.idx.msk [tilespmem:v35+s20+$0x0], $0xffff;
	[tilespmem:s26+$0x400] =	vst v32  }
0x117: {  	v32 =	vor.u32 s30, v24;
	v39 =	vld.idx.msk [tilespmem:v39+s20+$0x0], $0xffff;
	[tilespmem:s26+$0x720] =	vst v37  }
0x118: {  	v37 =	vor.u32 s31, v24;
	[tilespmem:s26+$0x500] =	vst v36;
	v36 =	vld.idx.msk [tilespmem:v40+s20+$0x0], $0xffff  }
0x119: {  	v40 =	vor.u32 s0, v24;
	v43 =	vld.idx.msk [tilespmem:v43+s20+$0x0], $0xffff;
	[tilespmem:s26+$0x600] =	vst v38  }
0x11a: {  	v38 =	vor.u32 s28, v16;
	[tilespmem:s26+$0x0] =	vst v41;
	v34 =	vld.idx.msk [tilespmem:v34+s20+$0x0], $0xffff  }
0x11b: {  	v41 =	vld.idx.msk [tilespmem:v44+s20+$0x0], $0xffff;
	[tilespmem:s26+$0x110] =	vst v42;
	v42 =	vor.u32 s2, v24  }
0x11c: {  	v32 =	vld.idx.msk [tilespmem:v32+s20+$0x0], $0xffff;
	[tilespmem:s26+$0x210] =	vst v33;
	v33 =	vor.u32 s15, v24  }
0x11d: {  	v37 =	vld.idx.msk [tilespmem:v37+s20+$0x0], $0xffff;
	[tilespmem:s26+$0x310] =	vst v35;
	v35 =	vor.u32 s16, v24  }
0x11e: {  	v44 =	vor.u32 s25, v24;
	v40 =	vld.idx.msk [tilespmem:v40+s20+$0x0], $0xffff;
	[tilespmem:s26+$0x730] =	vst v36  }
0x11f: {  	v36 =	vor.u32 s30, v17;
	[tilespmem:s26+$0x410] =	vst v39;
	v38 =	vld.idx.msk [tilespmem:v38+s20+$0x0], $0xffff  }
0x120: {  	v39 =	vor.u32 s31, v17;
	v42 =	vld.idx.msk [tilespmem:v42+s20+$0x0], $0xffff;
	[tilespmem:s26+$0x510] =	vst v43  }
0x121: {  	v33 =	vld.idx.msk [tilespmem:v33+s20+$0x0], $0xffff;
	[tilespmem:s26+$0x610] =	vst v34;
	v34 =	vor.u32 s28, v18  }
0x122: {  	[tilespmem:s26+$0x10] =	vst v41;
	v41 =	vor.u32 s0, v17;
	v35 =	vld.idx.msk [tilespmem:v35+s20+$0x0], $0xffff  }
0x123: {  	v43 =	vld.idx.msk [tilespmem:v44+s20+$0x0], $0xffff;
	[tilespmem:s26+$0x120] =	vst v32;
	v32 =	vor.u32 s2, v17  }
0x124: {  	v36 =	vld.idx.msk [tilespmem:v36+s20+$0x0], $0xffff;
	[tilespmem:s26+$0x220] =	vst v37;
	v37 =	vor.u32 s15, v17  }
0x125: {  	v44 =	vor.u32 s16, v17;
	v39 =	vld.idx.msk [tilespmem:v39+s20+$0x0], $0xffff;
	[tilespmem:s26+$0x740] =	vst v38  }
0x126: {  	v38 =	vor.u32 s25, v17;
	[tilespmem:s26+$0x320] =	vst v40;
	v34 =	vld.idx.msk [tilespmem:v34+s20+$0x0], $0xffff  }
0x127: {  	v40 =	vor.u32 s30, v16;
	v41 =	vld.idx.msk [tilespmem:v41+s20+$0x0], $0xffff;
	[tilespmem:s26+$0x420] =	vst v42  }
0x128: {  	v32 =	vld.idx.msk [tilespmem:v32+s20+$0x0], $0xffff;
	[tilespmem:s26+$0x520] =	vst v33;
	v33 =	vor.u32 s28, v25  }
0x129: {  	v42 =	vor.u32 s31, v16;
	v37 =	vld.idx.msk [tilespmem:v37+s20+$0x0], $0xffff;
	[tilespmem:s26+$0x620] =	vst v35  }
0x12a: {  	v35 =	vor.u32 s0, v16;
	[tilespmem:s26+$0x20] =	vst v43;
	v43 =	vld.idx.msk [tilespmem:v44+s20+$0x0], $0xffff  }
0x12b: {  	v38 =	vld.idx.msk [tilespmem:v38+s20+$0x0], $0xffff;
	[tilespmem:s26+$0x130] =	vst v36;
	v36 =	vor.u32 s2, v16  }
0x12c: {  	v44 =	vor.u32 s15, v16;
	v40 =	vld.idx.msk [tilespmem:v40+s20+$0x0], $0xffff;
	[tilespmem:s26+$0x750] =	vst v34  }
0x12d: {  	v34 =	vor.u32 s16, v16;
	[tilespmem:s26+$0x230] =	vst v39;
	v33 =	vld.idx.msk [tilespmem:v33+s20+$0x0], $0xffff  }
0x12e: {  	v39 =	vor.u32 s25, v16;
	v42 =	vld.idx.msk [tilespmem:v42+s20+$0x0], $0xffff;
	[tilespmem:s26+$0x330] =	vst v41  }
0x12f: {  	v35 =	vld.idx.msk [tilespmem:v35+s20+$0x0], $0xffff;
	[tilespmem:s26+$0x430] =	vst v32;
	v32 =	vor.u32 s28, v29  }
0x130: {  	v41 =	vor.u32 s30, v18;
	v36 =	vld.idx.msk [tilespmem:v36+s20+$0x0], $0xffff;
	[tilespmem:s26+$0x530] =	vst v37  }
0x131: {  	v37 =	vor.u32 s31, v18;
	v44 =	vld.idx.msk [tilespmem:v44+s20+$0x0], $0xffff;
	[tilespmem:s26+$0x630] =	vst v43  }
0x132: {  	[tilespmem:s26+$0x30] =	vst v38;
	v38 =	vor.u32 s0, v18;
	v34 =	vld.idx.msk [tilespmem:v34+s20+$0x0], $0xffff  }
0x133: {  	v43 =	vor.u32 s2, v18;
	v39 =	vld.idx.msk [tilespmem:v39+s20+$0x0], $0xffff;
	[tilespmem:s26+$0x760] =	vst v33  }
0x134: {  	v33 =	vor.u32 s15, v18;
	[tilespmem:s26+$0x140] =	vst v40;
	v32 =	vld.idx.msk [tilespmem:v32+s20+$0x0], $0xffff  }
0x135: {  	v40 =	vld.idx.msk [tilespmem:v41+s20+$0x0], $0xffff;
	[tilespmem:s26+$0x240] =	vst v42;
	v41 =	vor.u32 s16, v18  }
0x136: {  	v42 =	vor.u32 s29, v31;
	v37 =	vld.idx.msk [tilespmem:v37+s20+$0x0], $0xffff;
	[tilespmem:s26+$0x340] =	vst v35  }
0x137: {  	v35 =	vor.u32 s25, v18;
	v38 =	vld.idx.msk [tilespmem:v38+s20+$0x0], $0xffff;
	[tilespmem:s26+$0x440] =	vst v36  }
0x138: {  	v36 =	vor.u32 s30, v25;
	v43 =	vld.idx.msk [tilespmem:v43+s20+$0x0], $0xffff;
	[tilespmem:s26+$0x540] =	vst v44  }
0x139: {  	v44 =	vor.u32 s31, v25;
	v33 =	vld.idx.msk [tilespmem:v33+s20+$0x0], $0xffff;
	[tilespmem:s26+$0x640] =	vst v34  }
0x13a: {  	v34 =	vor.u32 s0, v25;
	v41 =	vld.idx.msk [tilespmem:v41+s20+$0x0], $0xffff;
	[tilespmem:s26+$0x770] =	vst v32  }
0x13b: {  	v32 =	vld.idx.msk [tilespmem:v42+s20+$0x0], $0xffff;
	[tilespmem:s26+$0x40] =	vst v39;
	v39 =	vor.u32 s2, v25  }
0x13c: {  	v35 =	vld.idx.msk [tilespmem:v35+s20+$0x0], $0xffff;
	[tilespmem:s26+$0x150] =	vst v40;
	v40 =	vor.u32 s15, v25  }
0x13d: {  	v45 =	vld.idx.msk [tilespmem:v36+s20+$0x0], $0xffff;
	[tilespmem:s26+$0x250] =	vst v37;
	v36 =	vor.u32 s16, v25  }
0x13e: {  	v46 =	vor.u32 s25, v25;
	v44 =	vld.idx.msk [tilespmem:v44+s20+$0x0], $0xffff;
	[tilespmem:s26+$0x350] =	vst v38  }
0x13f: {  	v47 =	vor.u32 s30, v29;
	v48 =	vld.idx.msk [tilespmem:v34+s20+$0x0], $0xffff;
	[tilespmem:s26+$0x450] =	vst v43  }
0x140: {  	v49 =	vor.u32 s31, v29;
	v38 =	vld.idx.msk [tilespmem:v39+s20+$0x0], $0xffff;
	[tilespmem:s26+$0x550] =	vst v33  }
.Ltmp1:
0x141: {  	v42 =	vor.u32 s0, v29;
	v37 =	vld.idx.msk [tilespmem:v40+s20+$0x0], $0xffff;
	[tilespmem:s26+$0x650] =	vst v41;
	(pc) =	sbr.rel @p1 .LBB2_5-.Ltmp1, $4  }
0x142: {  	v43 =	vor.u32 s2, v29;
	[tilespmem:s26+$0x50] =	vst v35;
	v36 =	vld.idx.msk [tilespmem:v36+s20+$0x0], $0xffff  }
0x143: {  	v41 =	vor.u32 s15, v29;
	v34 =	vld.idx.msk [tilespmem:v46+s20+$0x0], $0xffff;
	[tilespmem:s26+$0x160] =	vst v45  }
0x144: {  	v40 =	vor.u32 s16, v29;
	v33 =	vld.idx.msk [tilespmem:v47+s20+$0x0], $0xffff;
	[tilespmem:s26+$0x260] =	vst v44  }
0x145: {  	s28 =	sadd.s32 $0x7, s29;
	v39 =	vor.u32 s25, v29;
	s25 =	smov.u32 s29;
	s29 =	sadd.s32 $0x8, s29;
	v35 =	vld.idx.msk [tilespmem:v49+s20+$0x0], $0xffff;
	[tilespmem:s26+$0x360] =	vst v48  }
0x146: {  	_ =	sdelay $0x2  }
0x147: {  	[tilespmem:s26+$0x460] =	vst v38  }
0x148: {  	s2 =	sadd.s32 $0x1, s25;
	v60 =	vor.u32 s28, v31;
	v42 =	vld.idx.msk [tilespmem:v42+s20+$0x0], $0xffff;
	[tilespmem:s26+$0x560] =	vst v37  }
0x149: {  	s15 =	sadd.s32 $0x2, s25;
	s16 =	sadd.s32 $0x3, s25;
	v47 =	vor.u32 s28, v30;
	s0 =	sadd.s32 $0x1000, s26;
	v61 =	vor.u32 s2, v31;
	v43 =	vld.idx.msk [tilespmem:v43+s20+$0x0], $0xffff;
	[tilespmem:s26+$0x660] =	vst v36  }
0x14a: {  	s29 =	sadd.s32 $0x4, s25;
	s30 =	sadd.s32 $0x5, s25;
	v62 =	vor.u32 s15, v31;
	v41 =	vld.idx.msk [tilespmem:v41+s20+$0x0], $0xffff;
	v63 =	vor.u32 s16, v31;
	[tilespmem:s0+$0xFFFFF800] =	vst v32  }
0x14b: {  	s31 =	sadd.s32 $0x6, s25;
	v45 =	vor.u32 s29, v31;
	v46 =	vor.u32 s30, v31;
	[tilespmem:s26+$0x60] =	vst v34;
	v40 =	vld.idx.msk [tilespmem:v40+s20+$0x0], $0xffff  }
0x14c: {  	v31 =	vor.u32 s31, v31;
	v48 =	vor.u32 s2, v30;
	[tilespmem:s26+$0x170] =	vst v33;
	v39 =	vld.idx.msk [tilespmem:v39+s20+$0x0], $0xffff  }
0x14d: {  	v49 =	vor.u32 s15, v30;
	v50 =	vor.u32 s16, v30;
	[tilespmem:s26+$0x270] =	vst v35;
	v38 =	vld.idx.msk [tilespmem:v60+s20+$0x0], $0xffff  }
0x14e: {  	v51 =	vor.u32 s29, v30;
	v52 =	vor.u32 s30, v30;
	[tilespmem:s26+$0x370] =	vst v42;
	v37 =	vld.idx.msk [tilespmem:v61+s20+$0x0], $0xffff  }
0x14f: {  	v54 =	vor.u32 s31, v30;
	v30 =	vor.u32 s25, v30;
	[tilespmem:s26+$0x470] =	vst v43;
	v36 =	vld.idx.msk [tilespmem:v62+s20+$0x0], $0xffff  }
0x150: {  	[tilespmem:s26+$0x570] =	vst v41;
	v34 =	vld.idx.msk [tilespmem:v63+s20+$0x0], $0xffff  }
0x151: {  	v33 =	vld.idx.msk [tilespmem:v45+s20+$0x0], $0xffff;
	[tilespmem:s26+$0x670] =	vst v40  }
0x152: {  	v31 =	vld.idx.msk [tilespmem:v31+s20+$0x0], $0xffff;
	[tilespmem:s26+$0x70] =	vst v39  }
0x153: {  	v35 =	vld.idx.msk [tilespmem:v46+s20+$0x0], $0xffff;
	[tilespmem:s0+$0xFFFFFF00] =	vst v38  }
0x154: {  	v56 =	vor.u32 s28, v26;
	v58 =	vor.u32 s2, v26;
	v30 =	vld.idx.msk [tilespmem:v30+s20+$0x0], $0xffff;
	[tilespmem:s0+$0xFFFFF900] =	vst v37  }
0x155: {  	v59 =	vor.u32 s16, v26;
	v44 =	vor.u32 s31, v26;
	v42 =	vld.idx.msk [tilespmem:v47+s20+$0x0], $0xffff;
	[tilespmem:s0+$0xFFFFFA00] =	vst v36  }
0x156: {  	v60 =	vor.u32 s29, v26;
	v61 =	vor.u32 s30, v26;
	[tilespmem:s0+$0xFFFFFB00] =	vst v34;
	v53 =	vld.idx.msk [tilespmem:v48+s20+$0x0], $0xffff  }
0x157: {  	[tilespmem:s0+$0xFFFFFE00] =	vst v31;
	v31 =	vor.u32 s15, v26;
	v26 =	vor.u32 s25, v26;
	v55 =	vld.idx.msk [tilespmem:v49+s20+$0x0], $0xffff  }
0x158: {  	[tilespmem:s0+$0xFFFFFC00] =	vst v33;
	v57 =	vld.idx.msk [tilespmem:v50+s20+$0x0], $0xffff  }
0x159: {  	[tilespmem:s0+$0xFFFFFD00] =	vst v35;
	v38 =	vld.idx.msk [tilespmem:v51+s20+$0x0], $0xffff  }
0x15a: {  	[tilespmem:s0+$0xFFFFF810] =	vst v30;
	v37 =	vld.idx.msk [tilespmem:v52+s20+$0x0], $0xffff  }
0x15b: {  	v41 =	vld.idx.msk [tilespmem:v54+s20+$0x0], $0xffff;
	[tilespmem:s0+$0xFFFFFF10] =	vst v42  }
0x15c: {  	v63 =	vor.u32 s28, v27;
	v46 =	vor.u32 s2, v27;
	v26 =	vld.idx.msk [tilespmem:v26+s20+$0x0], $0xffff;
	[tilespmem:s0+$0xFFFFF910] =	vst v53  }
0x15d: {  	v47 =	vor.u32 s15, v27;
	v30 =	vor.u32 s29, v27;
	v40 =	vld.idx.msk [tilespmem:v56+s20+$0x0], $0xffff;
	[tilespmem:s0+$0xFFFFFA10] =	vst v55  }
0x15e: {  	v48 =	vor.u32 s16, v27;
	v50 =	vor.u32 s30, v27;
	[tilespmem:s0+$0xFFFFFB10] =	vst v57;
	v62 =	vld.idx.msk [tilespmem:v58+s20+$0x0], $0xffff  }
0x15f: {  	v52 =	vor.u32 s31, v27;
	v27 =	vor.u32 s25, v27;
	[tilespmem:s0+$0xFFFFFC10] =	vst v38;
	v31 =	vld.idx.msk [tilespmem:v31+s20+$0x0], $0xffff  }
0x160: {  	[tilespmem:s0+$0xFFFFFD10] =	vst v37;
	v45 =	vld.idx.msk [tilespmem:v59+s20+$0x0], $0xffff  }
0x161: {  	[tilespmem:s0+$0xFFFFFE10] =	vst v41;
	v32 =	vld.idx.msk [tilespmem:v60+s20+$0x0], $0xffff  }
0x162: {  	v36 =	vld.idx.msk [tilespmem:v61+s20+$0x0], $0xffff;
	[tilespmem:s0+$0xFFFFF820] =	vst v26  }
0x163: {  	v33 =	vld.idx.msk [tilespmem:v44+s20+$0x0], $0xffff;
	[tilespmem:s0+$0xFFFFFF20] =	vst v40  }
0x164: {  	v27 =	vld.idx.msk [tilespmem:v27+s20+$0x0], $0xffff;
	[tilespmem:s0+$0xFFFFF920] =	vst v62  }
0x165: {  	v35 =	vld.idx.msk [tilespmem:v63+s20+$0x0], $0xffff;
	[tilespmem:s0+$0xFFFFFA20] =	vst v31  }
0x166: {  	[tilespmem:s0+$0xFFFFFB20] =	vst v45;
	v31 =	vld.idx.msk [tilespmem:v46+s20+$0x0], $0xffff  }
0x167: {  	v49 =	vor.u32 s28, v28;
	[tilespmem:s0+$0xFFFFFC20] =	vst v32;
	v51 =	vld.idx.msk [tilespmem:v47+s20+$0x0], $0xffff  }
0x168: {  	v54 =	vor.u32 s2, v28;
	[tilespmem:s0+$0xFFFFFD20] =	vst v36;
	v53 =	vld.idx.msk [tilespmem:v48+s20+$0x0], $0xffff  }
0x169: {  	v55 =	vor.u32 s15, v28;
	[tilespmem:s0+$0xFFFFFE20] =	vst v33;
	v30 =	vld.idx.msk [tilespmem:v30+s20+$0x0], $0xffff  }
0x16a: {  	v56 =	vor.u32 s16, v28;
	v37 =	vld.idx.msk [tilespmem:v50+s20+$0x0], $0xffff;
	[tilespmem:s0+$0xFFFFFF30] =	vst v35  }
0x16b: {  	v58 =	vor.u32 s30, v28;
	v26 =	vld.idx.msk [tilespmem:v52+s20+$0x0], $0xffff;
	[tilespmem:s0+$0xFFFFF930] =	vst v31  }
0x16c: {  	v60 =	vor.u32 s31, v28;
	v34 =	vld.idx.msk [tilespmem:v49+s20+$0x0], $0xffff;
	[tilespmem:s0+$0xFFFFFA30] =	vst v51  }
0x16d: {  	v31 =	vor.u32 s29, v28;
	[tilespmem:s0+$0xFFFFFB30] =	vst v53;
	v35 =	vld.idx.msk [tilespmem:v54+s20+$0x0], $0xffff  }
0x16e: {  	v28 =	vor.u32 s25, v28;
	[tilespmem:s0+$0xFFFFFC30] =	vst v30;
	v59 =	vld.idx.msk [tilespmem:v55+s20+$0x0], $0xffff  }
0x16f: {  	v57 =	vor.u32 s28, v19;
	[tilespmem:s0+$0xFFFFFD30] =	vst v37;
	v33 =	vld.idx.msk [tilespmem:v56+s20+$0x0], $0xffff  }
0x170: {  	v30 =	vor.u32 s2, v19;
	[tilespmem:s0+$0xFFFFFE30] =	vst v26;
	v26 =	vld.idx.msk [tilespmem:v58+s20+$0x0], $0xffff  }
0x171: {  	v61 =	vor.u32 s15, v19;
	[tilespmem:s0+$0xFFFFF830] =	vst v27;
	v36 =	vld.idx.msk [tilespmem:v60+s20+$0x0], $0xffff  }
0x172: {  	v27 =	vor.u32 s16, v19;
	[tilespmem:s0+$0xFFFFFF40] =	vst v34;
	v31 =	vld.idx.msk [tilespmem:v31+s20+$0x0], $0xffff  }
0x173: {  	v40 =	vor.u32 s30, v19;
	v28 =	vld.idx.msk [tilespmem:v28+s20+$0x0], $0xffff;
	[tilespmem:s0+$0xFFFFF940] =	vst v35  }
0x174: {  	v42 =	vor.u32 s31, v19;
	v34 =	vld.idx.msk [tilespmem:v57+s20+$0x0], $0xffff;
	[tilespmem:s0+$0xFFFFFA40] =	vst v59  }
0x175: {  	v63 =	vor.u32 s29, v19;
	[tilespmem:s0+$0xFFFFFB40] =	vst v33;
	v30 =	vld.idx.msk [tilespmem:v30+s20+$0x0], $0xffff  }
0x176: {  	v62 =	vor.u32 s28, v20;
	[tilespmem:s0+$0xFFFFFD40] =	vst v26;
	v41 =	vld.idx.msk [tilespmem:v61+s20+$0x0], $0xffff  }
0x177: {  	[tilespmem:s0+$0xFFFFFE40] =	vst v36;
	v27 =	vld.idx.msk [tilespmem:v27+s20+$0x0], $0xffff  }
0x178: {  	v19 =	vor.u32 s25, v19;
	v32 =	vld.idx.msk [tilespmem:v40+s20+$0x0], $0xffff;
	[tilespmem:s0+$0xFFFFFC40] =	vst v31  }
0x179: {  	v47 =	vor.u32 s30, v20;
	v44 =	vld.idx.msk [tilespmem:v42+s20+$0x0], $0xffff;
	[tilespmem:s0+$0xFFFFF840] =	vst v28  }
0x17a: {  	v28 =	vor.u32 s2, v20;
	[tilespmem:s0+$0xFFFFFF50] =	vst v34;
	v26 =	vld.idx.msk [tilespmem:v63+s20+$0x0], $0xffff  }
0x17b: {  	v45 =	vor.u32 s15, v20;
	v43 =	vld.idx.msk [tilespmem:v62+s20+$0x0], $0xffff;
	[tilespmem:s0+$0xFFFFF950] =	vst v30  }
0x17c: {  	v30 =	vor.u32 s16, v20;
	[tilespmem:s0+$0xFFFFFA50] =	vst v41  }
0x17d: {  	v31 =	vor.u32 s28, v21;
	[tilespmem:s0+$0xFFFFFD50] =	vst v32;
	v19 =	vld.idx.msk [tilespmem:v19+s20+$0x0], $0xffff  }
0x17e: {  	v46 =	vor.u32 s29, v20;
	[tilespmem:s0+$0xFFFFFB50] =	vst v27;
	v34 =	vld.idx.msk [tilespmem:v47+s20+$0x0], $0xffff  }
0x17f: {  	[tilespmem:s0+$0xFFFFFE50] =	vst v44;
	v27 =	vld.idx.msk [tilespmem:v28+s20+$0x0], $0xffff;
	v28 =	vor.u32 s31, v20  }
0x180: {  	v20 =	vor.u32 s25, v20;
	[tilespmem:s0+$0xFFFFFC50] =	vst v26;
	v26 =	vld.idx.msk [tilespmem:v45+s20+$0x0], $0xffff  }
0x181: {  	v49 =	vor.u32 s2, v21;
	[tilespmem:s0+$0xFFFFFF60] =	vst v43;
	v30 =	vld.idx.msk [tilespmem:v30+s20+$0x0], $0xffff  }
0x182: {  	v31 =	vld.idx.msk [tilespmem:v31+s20+$0x0], $0xffff;
	[tilespmem:s0+$0xFFFFF850] =	vst v19;
	v19 =	vor.u32 s15, v21  }
0x183: {  	v48 =	vor.u32 s28, v22;
	v33 =	vld.idx.msk [tilespmem:v46+s20+$0x0], $0xffff;
	[tilespmem:s0+$0xFFFFFD60] =	vst v34  }
0x184: {  	v28 =	vld.idx.msk [tilespmem:v28+s20+$0x0], $0xffff;
	[tilespmem:s0+$0xFFFFF960] =	vst v27;
	v27 =	vor.u32 s29, v21  }
0x185: {  	v20 =	vld.idx.msk [tilespmem:v20+s20+$0x0], $0xffff;
	[tilespmem:s0+$0xFFFFFA60] =	vst v26;
	v26 =	vor.u32 s30, v21  }
0x186: {  	v52 =	vor.u32 s31, v21;
	[tilespmem:s0+$0xFFFFFB60] =	vst v30;
	v30 =	vld.idx.msk [tilespmem:v49+s20+$0x0], $0xffff  }
0x187: {  	[tilespmem:s0+$0xFFFFFF70] =	vst v31;
	v31 =	vor.u32 s16, v21;
	v19 =	vld.idx.msk [tilespmem:v19+s20+$0x0], $0xffff  }
0x188: {  	[tilespmem:s0+$0xFFFFFC60] =	vst v33;
	v21 =	vor.u32 s25, v21;
	v50 =	vld.idx.msk [tilespmem:v48+s20+$0x0], $0xffff  }
0x189: {  	v51 =	vor.u32 s28, v23;
	[tilespmem:s0+$0xFFFFFE60] =	vst v28;
	v27 =	vld.idx.msk [tilespmem:v27+s20+$0x0], $0xffff  }
0x18a: {  	v28 =	vor.u32 s2, v22;
	[tilespmem:s0+$0xFFFFF860] =	vst v20;
	v26 =	vld.idx.msk [tilespmem:v26+s20+$0x0], $0xffff  }
0x18b: {  	v53 =	vor.u32 s15, v22;
	[tilespmem:s0+$0xFFFFF970] =	vst v30;
	v30 =	vld.idx.msk [tilespmem:v52+s20+$0x0], $0xffff  }
0x18c: {  	v31 =	vld.idx.msk [tilespmem:v31+s20+$0x0], $0xffff;
	[tilespmem:s0+$0xFFFFFA70] =	vst v19  }
0x18d: {  	v54 =	vor.u32 s29, v22;
	v19 =	vld.idx.msk [tilespmem:v21+s20+$0x0], $0xffff;
	[tilespmem:s0+$0x700] =	vst v50  }
0x18e: {  	v20 =	vor.u32 s16, v22;
	v32 =	vld.idx.msk [tilespmem:v51+s20+$0x0], $0xffff  }
0x18f: {  	v55 =	vor.u32 s31, v22;
	v28 =	vld.idx.msk [tilespmem:v28+s20+$0x0], $0xffff;
	[tilespmem:s0+$0xFFFFFC70] =	vst v27  }
0x190: {  	v21 =	vor.u32 s28, v24;
	v27 =	vld.idx.msk [tilespmem:v53+s20+$0x0], $0xffff;
	[tilespmem:s0+$0xFFFFFD70] =	vst v26  }
0x191: {  	[tilespmem:s0+$0xFFFFFE70] =	vst v30;
	v30 =	vor.u32 s15, v23  }
0x192: {  	v56 =	vld.idx.msk [tilespmem:v54+s20+$0x0], $0xffff;
	[tilespmem:s0+$0xFFFFFB70] =	vst v31;
	v31 =	vor.u32 s30, v22  }
0x193: {  	v20 =	vld.idx.msk [tilespmem:v20+s20+$0x0], $0xffff;
	[tilespmem:s0+$0x710] =	vst v32  }
0x194: {  	v22 =	vor.u32 s25, v22;
	[tilespmem:s0+$0x100] =	vst v28;
	v28 =	vld.idx.msk [tilespmem:v55+s20+$0x0], $0xffff  }
0x195: {  	v26 =	vor.u32 s2, v23;
	[tilespmem:s0+$0x200] =	vst v27;
	v21 =	vld.idx.msk [tilespmem:v21+s20+$0x0], $0xffff  }
0x196: {  	v27 =	vor.u32 s29, v23;
	v30 =	vld.idx.msk [tilespmem:v30+s20+$0x0], $0xffff  }
0x197: {  	[tilespmem:s0+$0xFFFFF870] =	vst v19;
	v19 =	vld.idx.msk [tilespmem:v31+s20+$0x0], $0xffff;
	v31 =	vor.u32 s16, v23  }
0x198: {  	v57 =	vor.u32 s28, v17;
	[tilespmem:s0+$0x400] =	vst v56  }
0x199: {  	v58 =	vor.u32 s31, v23;
	v22 =	vld.idx.msk [tilespmem:v22+s20+$0x0], $0xffff;
	[tilespmem:s0+$0x300] =	vst v20  }
0x19a: {  	v20 =	vld.idx.msk [tilespmem:v26+s20+$0x0], $0xffff;
	v26 =	vor.u32 s30, v23;
	[tilespmem:s0+$0x600] =	vst v28  }
0x19b: {  	v27 =	vld.idx.msk [tilespmem:v27+s20+$0x0], $0xffff;
	v28 =	vor.u32 s15, v24;
	[tilespmem:s0+$0x720] =	vst v21  }
0x19c: {  	v21 =	vor.u32 s25, v23;
	[tilespmem:s0+$0x210] =	vst v30;
	v23 =	vld.idx.msk [tilespmem:v31+s20+$0x0], $0xffff  }
0x19d: {  	v30 =	vor.u32 s29, v24;
	[tilespmem:s0+$0x500] =	vst v19;
	v31 =	vld.idx.msk [tilespmem:v57+s20+$0x0], $0xffff  }
0x19e: {  	v32 =	vld.idx.msk [tilespmem:v58+s20+$0x0], $0xffff;
	v19 =	vor.u32 s2, v24;
	[tilespmem:s0+$0x0] =	vst v22  }
0x19f: {  	v22 =	vld.idx.msk [tilespmem:v26+s20+$0x0], $0xffff;
	v26 =	vor.u32 s28, v16;
	[tilespmem:s0+$0x110] =	vst v20  }
0x1a0: {  	v20 =	vor.u32 s16, v24;
	v28 =	vld.idx.msk [tilespmem:v28+s20+$0x0], $0xffff;
	[tilespmem:s0+$0x410] =	vst v27  }
0x1a1: {  	v21 =	vld.idx.msk [tilespmem:v21+s20+$0x0], $0xffff;
	[tilespmem:s0+$0x310] =	vst v23;
	v23 =	vor.u32 s30, v24  }
0x1a2: {  	v27 =	vld.idx.msk [tilespmem:v30+s20+$0x0], $0xffff;
	[tilespmem:s0+$0x730] =	vst v31;
	v31 =	vor.u32 s31, v24  }
0x1a3: {  	[tilespmem:s0+$0x610] =	vst v32;
	v19 =	vld.idx.msk [tilespmem:v19+s20+$0x0], $0xffff;
	v24 =	vor.u32 s25, v24  }
0x1a4: {  	v26 =	vld.idx.msk [tilespmem:v26+s20+$0x0], $0xffff;
	[tilespmem:s0+$0x510] =	vst v22;
	v22 =	vor.u32 s2, v17  }
0x1a5: {  	v30 =	vor.u32 s28, v18;
	v20 =	vld.idx.msk [tilespmem:v20+s20+$0x0], $0xffff;
	[tilespmem:s0+$0x220] =	vst v28  }
0x1a6: {  	v28 =	vor.u32 s29, v17;
	[tilespmem:s0+$0x10] =	vst v21;
	v23 =	vld.idx.msk [tilespmem:v23+s20+$0x0], $0xffff  }
0x1a7: {  	v21 =	vor.u32 s15, v17;
	[tilespmem:s0+$0x420] =	vst v27;
	v31 =	vld.idx.msk [tilespmem:v31+s20+$0x0], $0xffff  }
0x1a8: {  	[tilespmem:s0+$0x120] =	vst v19;
	v19 =	vor.u32 s16, v17;
	v24 =	vld.idx.msk [tilespmem:v24+s20+$0x0], $0xffff  }
0x1a9: {  	[tilespmem:s0+$0x740] =	vst v26;
	v22 =	vld.idx.msk [tilespmem:v22+s20+$0x0], $0xffff;
	v26 =	vor.u32 s30, v17  }
0x1aa: {  	[tilespmem:s0+$0x320] =	vst v20;
	v20 =	vor.u32 s31, v17;
	v30 =	vld.idx.msk [tilespmem:v30+s20+$0x0], $0xffff  }
0x1ab: {  	v17 =	vor.u32 s25, v17;
	v28 =	vld.idx.msk [tilespmem:v28+s20+$0x0], $0xffff;
	[tilespmem:s0+$0x520] =	vst v23  }
0x1ac: {  	v21 =	vld.idx.msk [tilespmem:v21+s20+$0x0], $0xffff;
	v23 =	vor.u32 s28, v25;
	[tilespmem:s0+$0x620] =	vst v31  }
0x1ad: {  	v27 =	vor.u32 s2, v16;
	v19 =	vld.idx.msk [tilespmem:v19+s20+$0x0], $0xffff;
	[tilespmem:s0+$0x20] =	vst v24  }
0x1ae: {  	v24 =	vor.u32 s15, v16;
	v26 =	vld.idx.msk [tilespmem:v26+s20+$0x0], $0xffff;
	[tilespmem:s0+$0x130] =	vst v22  }
0x1af: {  	v22 =	vor.u32 s16, v16;
	v20 =	vld.idx.msk [tilespmem:v20+s20+$0x0], $0xffff;
	[tilespmem:s0+$0x750] =	vst v30  }
0x1b0: {  	v17 =	vld.idx.msk [tilespmem:v17+s20+$0x0], $0xffff;
	v30 =	vor.u32 s29, v16;
	[tilespmem:s0+$0x430] =	vst v28  }
0x1b1: {  	[tilespmem:s0+$0x230] =	vst v21;
	v21 =	vor.u32 s30, v16;
	v23 =	vld.idx.msk [tilespmem:v23+s20+$0x0], $0xffff  }
0x1b2: {  	[tilespmem:s0+$0x330] =	vst v19;
	v19 =	vld.idx.msk [tilespmem:v27+s20+$0x0], $0xffff;
	v27 =	vor.u32 s31, v16  }
0x1b3: {  	v24 =	vld.idx.msk [tilespmem:v24+s20+$0x0], $0xffff;
	v16 =	vor.u32 s25, v16;
	[tilespmem:s0+$0x530] =	vst v26  }
0x1b4: {  	v28 =	vor.u32 s28, v29;
	v22 =	vld.idx.msk [tilespmem:v22+s20+$0x0], $0xffff;
	[tilespmem:s0+$0x630] =	vst v20  }
0x1b5: {  	v20 =	vor.u32 s2, v18;
	[tilespmem:s0+$0x30] =	vst v17;
	v26 =	vld.idx.msk [tilespmem:v30+s20+$0x0], $0xffff  }
0x1b6: {  	v17 =	vor.u32 s15, v18;
	v21 =	vld.idx.msk [tilespmem:v21+s20+$0x0], $0xffff;
	[tilespmem:s0+$0x760] =	vst v23  }
0x1b7: {  	v23 =	vor.u32 s16, v18;
	v27 =	vld.idx.msk [tilespmem:v27+s20+$0x0], $0xffff;
	[tilespmem:s0+$0x140] =	vst v19  }
0x1b8: {  	v19 =	vor.u32 s29, v18;
	[tilespmem:s0+$0x240] =	vst v24;
	v16 =	vld.idx.msk [tilespmem:v16+s20+$0x0], $0xffff  }
0x1b9: {  	v24 =	vor.u32 s30, v18;
	v28 =	vld.idx.msk [tilespmem:v28+s20+$0x0], $0xffff;
	[tilespmem:s0+$0x340] =	vst v22  }
0x1ba: {  	v20 =	vld.idx.msk [tilespmem:v20+s20+$0x0], $0xffff;
	v22 =	vor.u32 s31, v18;
	[tilespmem:s0+$0x440] =	vst v26  }
0x1bb: {  	v17 =	vld.idx.msk [tilespmem:v17+s20+$0x0], $0xffff;
	v18 =	vor.u32 s25, v18;
	[tilespmem:s0+$0x540] =	vst v21  }
0x1bc: {  	v21 =	vld.idx.msk [tilespmem:v23+s20+$0x0], $0xffff;
	v23 =	vor.u32 s2, v25;
	[tilespmem:s0+$0x640] =	vst v27  }
0x1bd: {  	v26 =	vor.u32 s15, v25;
	v19 =	vld.idx.msk [tilespmem:v19+s20+$0x0], $0xffff;
	[tilespmem:s0+$0x40] =	vst v16  }
0x1be: {  	v24 =	vld.idx.msk [tilespmem:v24+s20+$0x0], $0xffff;
	v27 =	vor.u32 s16, v25;
	[tilespmem:s0+$0x770] =	vst v28  }
0x1bf: {  	v16 =	vld.idx.msk [tilespmem:v22+s20+$0x0], $0xffff;
	v22 =	vor.u32 s29, v25;
	[tilespmem:s0+$0x150] =	vst v20  }
0x1c0: {  	v18 =	vld.idx.msk [tilespmem:v18+s20+$0x0], $0xffff;
	v20 =	vor.u32 s30, v25;
	[tilespmem:s0+$0x250] =	vst v17  }
0x1c1: {  	v17 =	vld.idx.msk [tilespmem:v23+s20+$0x0], $0xffff;
	v23 =	vor.u32 s31, v25;
	[tilespmem:s0+$0x350] =	vst v21  }
0x1c2: {  	v21 =	vor.u32 s25, v25;
	v25 =	vld.idx.msk [tilespmem:v26+s20+$0x0], $0xffff;
	[tilespmem:s0+$0x450] =	vst v19  }
0x1c3: {  	v19 =	vor.u32 s2, v29;
	[tilespmem:s0+$0x550] =	vst v24;
	v26 =	vld.idx.msk [tilespmem:v27+s20+$0x0], $0xffff  }
0x1c4: {  	v24 =	vor.u32 s15, v29;
	v22 =	vld.idx.msk [tilespmem:v22+s20+$0x0], $0xffff;
	[tilespmem:s0+$0x650] =	vst v16  }
0x1c5: {  	v16 =	vor.u32 s16, v29;
	v20 =	vld.idx.msk [tilespmem:v20+s20+$0x0], $0xffff;
	[tilespmem:s0+$0x50] =	vst v18  }
0x1c6: {  	v18 =	vor.u32 s29, v29;
	v23 =	vld.idx.msk [tilespmem:v23+s20+$0x0], $0xffff;
	[tilespmem:s0+$0x160] =	vst v17  }
0x1c7: {  	v17 =	vld.idx.msk [tilespmem:v21+s20+$0x0], $0xffff;
	v21 =	vor.u32 s30, v29;
	[tilespmem:s0+$0x260] =	vst v25  }
0x1c8: {  	v25 =	vor.u32 s31, v29;
	v19 =	vld.idx.msk [tilespmem:v19+s20+$0x0], $0xffff;
	[tilespmem:s0+$0x360] =	vst v26  }
0x1c9: {  	v26 =	vor.u32 s25, v29;
	v24 =	vld.idx.msk [tilespmem:v24+s20+$0x0], $0xffff;
	[tilespmem:s0+$0x460] =	vst v22  }
0x1ca: {  	[tilespmem:s0+$0x560] =	vst v20;
	v16 =	vld.idx.msk [tilespmem:v16+s20+$0x0], $0xffff  }
0x1cb: {  	v18 =	vld.idx.msk [tilespmem:v18+s20+$0x0], $0xffff;
	[tilespmem:s0+$0x660] =	vst v23  }
0x1cc: {  	v20 =	vld.idx.msk [tilespmem:v21+s20+$0x0], $0xffff;
	[tilespmem:s0+$0x60] =	vst v17  }
0x1cd: {  	v17 =	vld.idx.msk [tilespmem:v25+s20+$0x0], $0xffff;
	[tilespmem:s0+$0x170] =	vst v19  }
0x1ce: {  	v19 =	vld.idx.msk [tilespmem:v26+s20+$0x0], $0xffff;
	[tilespmem:s0+$0x270] =	vst v24  }
0x1cf: {  	[tilespmem:s0+$0x370] =	vst v16  }
0x1d0: {  	[tilespmem:s0+$0x470] =	vst v18  }
0x1d1: {  	s1 =	sshll.u32 s1, $0x10;
	[tilespmem:s0+$0x570] =	vst v20  }
0x1d2: {  	s1 =	sor.u32 s1, s5;
	s30 =	rddreg [dreg:$0x2];
	[tilespmem:s0+$0x670] =	vst v17  }
0x1d3: {  	s31 =	simm.s32 $0x17400;
	[tilespmem:s0+$0x70] =	vst v19;
	s0 =	sadd.s32 s30, s1  }
0x1d4: {  	[hbm4b:s0+s3] =	stream.linear.scatter [tilespmem:s31], [sflag:$0x3], $0x80, $0x38;
	[tilespmem:$0x1B400] =	vst v63  }
0x1d5: {  	s16 =	simm.s32 $0x17500;
	s15 =	sadd.s32 $0x10, s0  }
0x1d6: {  	[hbm4b:s15+s3] =	stream.linear.scatter [tilespmem:s16], [sflag:$0x3], $0x80, $0x38;
	[tilespmem:$0x1B400] =	vst v63  }
0x1d7: {  	s26 =	simm.s32 $0x17600;
	s25 =	sadd.s32 $0x20, s0  }
0x1d8: {  	[hbm4b:s25+s3] =	stream.linear.scatter [tilespmem:s26], [sflag:$0x3], $0x80, $0x38;
	[tilespmem:$0x1B400] =	vst v63  }
0x1d9: {  	s29 =	simm.s32 $0x17700;
	s28 =	sadd.s32 $0x30, s0  }
0x1da: {  	[hbm4b:s28+s3] =	stream.linear.scatter [tilespmem:s29], [sflag:$0x3], $0x80, $0x38;
	[tilespmem:$0x1B400] =	vst v63  }
0x1db: {  	s30 =	sadd.s32 $0x40, s0;
	s31 =	simm.s32 $0x17800  }
0x1dc: {  	[hbm4b:s30+s3] =	stream.linear.scatter [tilespmem:s31], [sflag:$0x3], $0x80, $0x38;
	[tilespmem:$0x1B400] =	vst v63  }
0x1dd: {  	s15 =	sadd.s32 $0x50, s0;
	s16 =	simm.s32 $0x17900  }
0x1de: {  	[hbm4b:s15+s3] =	stream.linear.scatter [tilespmem:s16], [sflag:$0x3], $0x80, $0x38;
	[tilespmem:$0x1B400] =	vst v63  }
0x1df: {  	s25 =	sadd.s32 $0x60, s0;
	s26 =	simm.s32 $0x17A00  }
0x1e0: {  	[hbm4b:s25+s3] =	stream.linear.scatter [tilespmem:s26], [sflag:$0x3], $0x80, $0x38;
	[tilespmem:$0x1B400] =	vst v63  }
0x1e1: {  	s28 =	sadd.s32 $0x70, s0;
	s29 =	simm.s32 $0x17B00  }
0x1e2: {  	[hbm4b:s28+s3] =	stream.linear.scatter [tilespmem:s29], [sflag:$0x3], $0x80, $0x38;
	[tilespmem:$0x1B400] =	vst v63  }
0x1e3: {  	s30 =	sadd.s32 $0x80, s0;
	s31 =	simm.s32 $0x17C00  }
0x1e4: {  	[hbm4b:s30+s3] =	stream.linear.scatter [tilespmem:s31], [sflag:$0x3], $0x80, $0x38;
	[tilespmem:$0x1B400] =	vst v63  }
0x1e5: {  	s15 =	sadd.s32 $0x90, s0;
	s16 =	simm.s32 $0x17D00  }
0x1e6: {  	[hbm4b:s15+s3] =	stream.linear.scatter [tilespmem:s16], [sflag:$0x3], $0x80, $0x38;
	[tilespmem:$0x1B400] =	vst v63  }
0x1e7: {  	s25 =	sadd.s32 $0xA0, s0;
	s26 =	simm.s32 $0x17E00  }
0x1e8: {  	[hbm4b:s25+s3] =	stream.linear.scatter [tilespmem:s26], [sflag:$0x3], $0x80, $0x38;
	[tilespmem:$0x1B400] =	vst v63  }
0x1e9: {  	s28 =	sadd.s32 $0xB0, s0;
	s29 =	simm.s32 $0x17F00  }
0x1ea: {  	[hbm4b:s28+s3] =	stream.linear.scatter [tilespmem:s29], [sflag:$0x3], $0x80, $0x38;
	[tilespmem:$0x1B400] =	vst v63  }
0x1eb: {  	s30 =	sadd.s32 $0xC0, s0;
	s31 =	simm.s32 $0x18000  }
0x1ec: {  	[hbm4b:s30+s3] =	stream.linear.scatter [tilespmem:s31], [sflag:$0x3], $0x80, $0x38;
	[tilespmem:$0x1B400] =	vst v63  }
0x1ed: {  	s15 =	sadd.s32 $0xD0, s0;
	s16 =	simm.s32 $0x18100  }
0x1ee: {  	[hbm4b:s15+s3] =	stream.linear.scatter [tilespmem:s16], [sflag:$0x3], $0x80, $0x38;
	[tilespmem:$0x1B400] =	vst v63  }
0x1ef: {  	s25 =	sadd.s32 $0xE0, s0;
	s26 =	simm.s32 $0x18200  }
0x1f0: {  	[hbm4b:s25+s3] =	stream.linear.scatter [tilespmem:s26], [sflag:$0x3], $0x80, $0x38;
	[tilespmem:$0x1B400] =	vst v63  }
0x1f1: {  	s0 =	sadd.s32 $0xF0, s0;
	s28 =	simm.s32 $0x18300  }
0x1f2: {  	[hbm4b:s0+s3] =	stream.linear.scatter [tilespmem:s28], [sflag:$0x3], $0x80, $0x38;
	[tilespmem:$0x1B400] =	vst v63  }
0x1f3: {  	s29 =	simm.s32 $0x18400;
	s0 =	sadd.s32 s1, s7  }
0x1f4: {  	[hbm4b:s0+s3] =	stream.linear.scatter [tilespmem:s29], [sflag:$0x3], $0x80, $0x38;
	[tilespmem:$0x1B400] =	vst v63  }
0x1f5: {  	s31 =	simm.s32 $0x18500;
	s30 =	sadd.s32 $0x10, s0  }
0x1f6: {  	[hbm4b:s30+s3] =	stream.linear.scatter [tilespmem:s31], [sflag:$0x3], $0x80, $0x38;
	[tilespmem:$0x1B400] =	vst v63  }
0x1f7: {  	s16 =	simm.s32 $0x18600;
	s15 =	sadd.s32 $0x20, s0  }
0x1f8: {  	[hbm4b:s15+s3] =	stream.linear.scatter [tilespmem:s16], [sflag:$0x3], $0x80, $0x38;
	[tilespmem:$0x1B400] =	vst v63  }
0x1f9: {  	s26 =	simm.s32 $0x18700;
	s25 =	sadd.s32 $0x30, s0  }
0x1fa: {  	[hbm4b:s25+s3] =	stream.linear.scatter [tilespmem:s26], [sflag:$0x3], $0x80, $0x38;
	[tilespmem:$0x1B400] =	vst v63  }
0x1fb: {  	s28 =	sadd.s32 $0x40, s0;
	s29 =	simm.s32 $0x18800  }
0x1fc: {  	[hbm4b:s28+s3] =	stream.linear.scatter [tilespmem:s29], [sflag:$0x3], $0x80, $0x38;
	[tilespmem:$0x1B400] =	vst v63  }
0x1fd: {  	s30 =	sadd.s32 $0x50, s0;
	s31 =	simm.s32 $0x18900  }
0x1fe: {  	[hbm4b:s30+s3] =	stream.linear.scatter [tilespmem:s31], [sflag:$0x3], $0x80, $0x38;
	[tilespmem:$0x1B400] =	vst v63  }
0x1ff: {  	s15 =	sadd.s32 $0x60, s0;
	s16 =	simm.s32 $0x18A00  }
0x200: {  	[hbm4b:s15+s3] =	stream.linear.scatter [tilespmem:s16], [sflag:$0x3], $0x80, $0x38;
	[tilespmem:$0x1B400] =	vst v63  }
0x201: {  	s25 =	sadd.s32 $0x70, s0;
	s26 =	simm.s32 $0x18B00  }
0x202: {  	[hbm4b:s25+s3] =	stream.linear.scatter [tilespmem:s26], [sflag:$0x3], $0x80, $0x38;
	[tilespmem:$0x1B400] =	vst v63  }
0x203: {  	s28 =	sadd.s32 $0x80, s0;
	s29 =	simm.s32 $0x18C00  }
0x204: {  	[hbm4b:s28+s3] =	stream.linear.scatter [tilespmem:s29], [sflag:$0x3], $0x80, $0x38;
	[tilespmem:$0x1B400] =	vst v63  }
0x205: {  	s30 =	sadd.s32 $0x90, s0;
	s31 =	simm.s32 $0x18D00  }
0x206: {  	[hbm4b:s30+s3] =	stream.linear.scatter [tilespmem:s31], [sflag:$0x3], $0x80, $0x38;
	[tilespmem:$0x1B400] =	vst v63  }
0x207: {  	s15 =	sadd.s32 $0xA0, s0;
	s16 =	simm.s32 $0x18E00  }
0x208: {  	[hbm4b:s15+s3] =	stream.linear.scatter [tilespmem:s16], [sflag:$0x3], $0x80, $0x38;
	[tilespmem:$0x1B400] =	vst v63  }
0x209: {  	s25 =	sadd.s32 $0xB0, s0;
	s26 =	simm.s32 $0x18F00  }
0x20a: {  	[hbm4b:s25+s3] =	stream.linear.scatter [tilespmem:s26], [sflag:$0x3], $0x80, $0x38;
	[tilespmem:$0x1B400] =	vst v63  }
0x20b: {  	s28 =	sadd.s32 $0xC0, s0;
	s29 =	simm.s32 $0x19000  }
0x20c: {  	[hbm4b:s28+s3] =	stream.linear.scatter [tilespmem:s29], [sflag:$0x3], $0x80, $0x38;
	[tilespmem:$0x1B400] =	vst v63  }
0x20d: {  	s30 =	sadd.s32 $0xD0, s0;
	s31 =	simm.s32 $0x19100  }
0x20e: {  	[hbm4b:s30+s3] =	stream.linear.scatter [tilespmem:s31], [sflag:$0x3], $0x80, $0x38;
	[tilespmem:$0x1B400] =	vst v63  }
0x20f: {  	s15 =	sadd.s32 $0xE0, s0;
	s16 =	simm.s32 $0x19200  }
0x210: {  	[hbm4b:s15+s3] =	stream.linear.scatter [tilespmem:s16], [sflag:$0x3], $0x80, $0x38;
	[tilespmem:$0x1B400] =	vst v63  }
0x211: {  	s0 =	sadd.s32 $0xF0, s0;
	s25 =	simm.s32 $0x19300  }
0x212: {  	[hbm4b:s0+s3] =	stream.linear.scatter [tilespmem:s25], [sflag:$0x3], $0x80, $0x38;
	[tilespmem:$0x1B400] =	vst v63  }
0x213: {  	s26 =	simm.s32 $0x19400;
	s0 =	sadd.s32 s1, s8  }
0x214: {  	[hbm4b:s0+s3] =	stream.linear.scatter [tilespmem:s26], [sflag:$0x3], $0x80, $0x38;
	[tilespmem:$0x1B400] =	vst v63  }
0x215: {  	s29 =	simm.s32 $0x19500;
	s28 =	sadd.s32 $0x10, s0  }
0x216: {  	[hbm4b:s28+s3] =	stream.linear.scatter [tilespmem:s29], [sflag:$0x3], $0x80, $0x38;
	[tilespmem:$0x1B400] =	vst v63  }
0x217: {  	s31 =	simm.s32 $0x19600;
	s30 =	sadd.s32 $0x20, s0  }
0x218: {  	[hbm4b:s30+s3] =	stream.linear.scatter [tilespmem:s31], [sflag:$0x3], $0x80, $0x38;
	[tilespmem:$0x1B400] =	vst v63  }
0x219: {  	s16 =	simm.s32 $0x19700;
	s15 =	sadd.s32 $0x30, s0  }
0x21a: {  	[hbm4b:s15+s3] =	stream.linear.scatter [tilespmem:s16], [sflag:$0x3], $0x80, $0x38;
	[tilespmem:$0x1B400] =	vst v63  }
0x21b: {  	s25 =	sadd.s32 $0x40, s0;
	s26 =	simm.s32 $0x19800  }
0x21c: {  	[hbm4b:s25+s3] =	stream.linear.scatter [tilespmem:s26], [sflag:$0x3], $0x80, $0x38;
	[tilespmem:$0x1B400] =	vst v63  }
0x21d: {  	s28 =	sadd.s32 $0x50, s0;
	s29 =	simm.s32 $0x19900  }
0x21e: {  	[hbm4b:s28+s3] =	stream.linear.scatter [tilespmem:s29], [sflag:$0x3], $0x80, $0x38;
	[tilespmem:$0x1B400] =	vst v63  }
0x21f: {  	s30 =	sadd.s32 $0x60, s0;
	s31 =	simm.s32 $0x19A00  }
0x220: {  	[hbm4b:s30+s3] =	stream.linear.scatter [tilespmem:s31], [sflag:$0x3], $0x80, $0x38;
	[tilespmem:$0x1B400] =	vst v63  }
0x221: {  	s15 =	sadd.s32 $0x70, s0;
	s16 =	simm.s32 $0x19B00  }
0x222: {  	[hbm4b:s15+s3] =	stream.linear.scatter [tilespmem:s16], [sflag:$0x3], $0x80, $0x38;
	[tilespmem:$0x1B400] =	vst v63  }
0x223: {  	s25 =	sadd.s32 $0x80, s0;
	s26 =	simm.s32 $0x19C00  }
0x224: {  	[hbm4b:s25+s3] =	stream.linear.scatter [tilespmem:s26], [sflag:$0x3], $0x80, $0x38;
	[tilespmem:$0x1B400] =	vst v63  }
0x225: {  	s28 =	sadd.s32 $0x90, s0;
	s29 =	simm.s32 $0x19D00  }
0x226: {  	[hbm4b:s28+s3] =	stream.linear.scatter [tilespmem:s29], [sflag:$0x3], $0x80, $0x38;
	[tilespmem:$0x1B400] =	vst v63  }
0x227: {  	s30 =	sadd.s32 $0xA0, s0;
	s31 =	simm.s32 $0x19E00  }
0x228: {  	[hbm4b:s30+s3] =	stream.linear.scatter [tilespmem:s31], [sflag:$0x3], $0x80, $0x38;
	[tilespmem:$0x1B400] =	vst v63  }
0x229: {  	s15 =	sadd.s32 $0xB0, s0;
	s16 =	simm.s32 $0x19F00  }
0x22a: {  	[hbm4b:s15+s3] =	stream.linear.scatter [tilespmem:s16], [sflag:$0x3], $0x80, $0x38;
	[tilespmem:$0x1B400] =	vst v63  }
0x22b: {  	s25 =	sadd.s32 $0xC0, s0;
	s26 =	simm.s32 $0x1A000  }
0x22c: {  	[hbm4b:s25+s3] =	stream.linear.scatter [tilespmem:s26], [sflag:$0x3], $0x80, $0x38;
	[tilespmem:$0x1B400] =	vst v63  }
0x22d: {  	s28 =	sadd.s32 $0xD0, s0;
	s29 =	simm.s32 $0x1A100  }
0x22e: {  	[hbm4b:s28+s3] =	stream.linear.scatter [tilespmem:s29], [sflag:$0x3], $0x80, $0x38;
	[tilespmem:$0x1B400] =	vst v63  }
0x22f: {  	s30 =	sadd.s32 $0xE0, s0;
	s31 =	simm.s32 $0x1A200  }
0x230: {  	[hbm4b:s30+s3] =	stream.linear.scatter [tilespmem:s31], [sflag:$0x3], $0x80, $0x38;
	[tilespmem:$0x1B400] =	vst v63  }
0x231: {  	s0 =	sadd.s32 $0xF0, s0;
	s15 =	simm.s32 $0x1A300  }
0x232: {  	[hbm4b:s0+s3] =	stream.linear.scatter [tilespmem:s15], [sflag:$0x3], $0x80, $0x38;
	[tilespmem:$0x1B400] =	vst v63  }
0x233: {  	s16 =	simm.s32 $0x1A400;
	s0 =	sadd.s32 s1, s9  }
0x234: {  	[hbm4b:s0+s3] =	stream.linear.scatter [tilespmem:s16], [sflag:$0x3], $0x80, $0x38;
	[tilespmem:$0x1B400] =	vst v63  }
0x235: {  	s26 =	simm.s32 $0x1A500;
	s25 =	sadd.s32 $0x10, s0  }
0x236: {  	[hbm4b:s25+s3] =	stream.linear.scatter [tilespmem:s26], [sflag:$0x3], $0x80, $0x38;
	[tilespmem:$0x1B400] =	vst v63  }
0x237: {  	s29 =	simm.s32 $0x1A600;
	s28 =	sadd.s32 $0x20, s0  }
0x238: {  	[hbm4b:s28+s3] =	stream.linear.scatter [tilespmem:s29], [sflag:$0x3], $0x80, $0x38;
	[tilespmem:$0x1B400] =	vst v63  }
0x239: {  	s31 =	simm.s32 $0x1A700;
	s30 =	sadd.s32 $0x30, s0  }
0x23a: {  	[hbm4b:s30+s3] =	stream.linear.scatter [tilespmem:s31], [sflag:$0x3], $0x80, $0x38;
	[tilespmem:$0x1B400] =	vst v63  }
0x23b: {  	s15 =	sadd.s32 $0x40, s0;
	s16 =	simm.s32 $0x1A800  }
0x23c: {  	[hbm4b:s15+s3] =	stream.linear.scatter [tilespmem:s16], [sflag:$0x3], $0x80, $0x38;
	[tilespmem:$0x1B400] =	vst v63  }
0x23d: {  	s25 =	sadd.s32 $0x50, s0;
	s26 =	simm.s32 $0x1A900  }
0x23e: {  	[hbm4b:s25+s3] =	stream.linear.scatter [tilespmem:s26], [sflag:$0x3], $0x80, $0x38;
	[tilespmem:$0x1B400] =	vst v63  }
0x23f: {  	s28 =	sadd.s32 $0x60, s0;
	s29 =	simm.s32 $0x1AA00  }
0x240: {  	[hbm4b:s28+s3] =	stream.linear.scatter [tilespmem:s29], [sflag:$0x3], $0x80, $0x38;
	[tilespmem:$0x1B400] =	vst v63  }
0x241: {  	s30 =	sadd.s32 $0x70, s0;
	s31 =	simm.s32 $0x1AB00  }
0x242: {  	[hbm4b:s30+s3] =	stream.linear.scatter [tilespmem:s31], [sflag:$0x3], $0x80, $0x38;
	[tilespmem:$0x1B400] =	vst v63  }
0x243: {  	s15 =	sadd.s32 $0x80, s0;
	s16 =	simm.s32 $0x1AC00  }
0x244: {  	[hbm4b:s15+s3] =	stream.linear.scatter [tilespmem:s16], [sflag:$0x3], $0x80, $0x38;
	[tilespmem:$0x1B400] =	vst v63  }
0x245: {  	s25 =	sadd.s32 $0x90, s0;
	s26 =	simm.s32 $0x1AD00  }
0x246: {  	[hbm4b:s25+s3] =	stream.linear.scatter [tilespmem:s26], [sflag:$0x3], $0x80, $0x38;
	[tilespmem:$0x1B400] =	vst v63  }
0x247: {  	s28 =	sadd.s32 $0xA0, s0;
	s29 =	simm.s32 $0x1AE00  }
0x248: {  	[hbm4b:s28+s3] =	stream.linear.scatter [tilespmem:s29], [sflag:$0x3], $0x80, $0x38;
	[tilespmem:$0x1B400] =	vst v63  }
0x249: {  	s30 =	sadd.s32 $0xB0, s0;
	s31 =	simm.s32 $0x1AF00  }
0x24a: {  	[hbm4b:s30+s3] =	stream.linear.scatter [tilespmem:s31], [sflag:$0x3], $0x80, $0x38;
	[tilespmem:$0x1B400] =	vst v63  }
0x24b: {  	s15 =	sadd.s32 $0xC0, s0;
	s16 =	simm.s32 $0x1B000  }
0x24c: {  	[hbm4b:s15+s3] =	stream.linear.scatter [tilespmem:s16], [sflag:$0x3], $0x80, $0x38;
	[tilespmem:$0x1B400] =	vst v63  }
0x24d: {  	s25 =	sadd.s32 $0xD0, s0;
	s26 =	simm.s32 $0x1B100  }
0x24e: {  	[hbm4b:s25+s3] =	stream.linear.scatter [tilespmem:s26], [sflag:$0x3], $0x80, $0x38;
	[tilespmem:$0x1B400] =	vst v63  }
0x24f: {  	s28 =	sadd.s32 $0xE0, s0;
	s29 =	simm.s32 $0x1B200  }
0x250: {  	[hbm4b:s28+s3] =	stream.linear.scatter [tilespmem:s29], [sflag:$0x3], $0x80, $0x38;
	[tilespmem:$0x1B400] =	vst v63  }
0x251: {  	s0 =	sadd.s32 $0xF0, s0;
	s30 =	simm.s32 $0x1B300  }
0x252: {  	[hbm4b:s0+s3] =	stream.linear.scatter [tilespmem:s30], [sflag:$0x3], $0x80, $0x38;
	[tilespmem:$0x1B400] =	vst v63  }
0x253: {  	s0 =	simm.s32 @!p0 $0x4  }
0x254: {  	_ =	swait.ge @!p0 [sflag:s0], $0x800  }
0x255: {  	[sflag:s0] =	ssyncset.done @!p0 $0x0  }
0x256: {  	[sflag:s0] =	ssyncadd.s32 @!p0 $0xFFFFF800  }
0x257: {  	_ =	swait.ge @!p0 [sflag:s0], $0x800  }
0x258: {  	[sflag:s0] =	ssyncset.done @!p0 $0x0  }
0x259: {  	[sflag:s0] =	ssyncadd.s32 @!p0 $0xFFFFF800  }
0x25a: {  	_ =	swait.ge @!p0 [sflag:s0], $0x800  }
0x25b: {  	[sflag:s0] =	ssyncset.done @!p0 $0x0  }
0x25c: {  	[sflag:s0] =	ssyncadd.s32 @!p0 $0xFFFFF800  }
0x25d: {  	_ =	swait.ge @!p0 [sflag:s0], $0x800  }
0x25e: {  	s31 =	sshll.u32 s24, $0x9;
	[sflag:s0] =	ssyncset.done @!p0 $0x0  }
0x25f: {  	s15 =	sor.u32 $0x4000, s31;
	[sflag:s0] =	ssyncadd.s32 @!p0 $0xFFFFF800  }
0x260: {  	[tilespmem:s20], [sflag:$0x1] =	stream.indirect.gather [hbm4b:s4+s18], $0x80, s15, s18, $0xb8;
	[tilespmem:$0x1B400] =	vst v63  }
0x261: {  	_ =	swait.ge [sflag:s6], $0x8000  }
0x262: {  	[sflag:s6] =	ssyncset.done $0x0  }
0x263: {  	[sflag:s6] =	ssyncadd.s32 $0xFFFF8000  }
0x264: {  	v16 =	vld [tilespmem:s23+$0x800]  }
0x265: {  	v24 =	vld [tilespmem:s23+$0x810]  }
0x266: {  	v25 =	vld [tilespmem:s23+$0x820]  }
0x267: {  	v26 =	vld [tilespmem:s23+$0x830]  }
0x268: {  	v27 =	vld [tilespmem:s23+$0x840]  }
0x269: {  	v32 =	vld [tilespmem:s23+$0x850]  }
0x26a: {  	v19 =	vld [tilespmem:s23+$0x860]  }
0x26b: {  	v20 =	vld [tilespmem:s23+$0x870]  }
0x26c: {  	v21 =	vld [tilespmem:s23+$0xC00];
	v16 =	vshll.u32 v16, $0x5  }
0x26d: {  	v22 =	vld [tilespmem:s23+$0xC10];
	v16 =	vand.u32 $0x60, v16  }
0x26e: {  	s0 =	simm.s32 $0x0;
	v23 =	vld [tilespmem:s23+$0xC20];
	v31 =	vor.u32 v0, v16  }
0x26f: {  	s16 =	simm.s32 $0x7;
	v17 =	vld [tilespmem:s23+$0xC30];
	v30 =	vor.u32 s0, v31  }
0x270: {  	s2 =	simm.s32 $0x1;
	v18 =	vld [tilespmem:s23+$0xC50];
	v59 =	vor.u32 s16, v31  }
0x271: {  	s15 =	simm.s32 $0x2;
	v28 =	vld [tilespmem:s23+$0xC60];
	v60 =	vor.u32 s2, v31  }
0x272: {  	s25 =	simm.s32 $0x3;
	v29 =	vld [tilespmem:s23+$0xC70];
	v61 =	vor.u32 s15, v31  }
0x273: {  	s26 =	simm.s32 $0x4;
	v16 =	vld [tilespmem:s23+$0xC40];
	v62 =	vor.u32 s25, v31  }
0x274: {  	s30 =	simm.s32 $0x5;
	v24 =	vshll.u32 v24, $0x5;
	v47 =	vor.u32 s26, v31;
	v63 =	vld.idx.msk [tilespmem:v30+s21+$0x0], $0xffff  }
0x275: {  	s31 =	simm.s32 $0x6;
	v24 =	vand.u32 $0x60, v24;
	v48 =	vor.u32 s30, v31;
	v33 =	vld.idx.msk [tilespmem:v59+s21+$0x0], $0xffff  }
0x276: {  	v49 =	vor.u32 s31, v31;
	v30 =	vor.u32 v1, v24;
	v24 =	vld.idx.msk [tilespmem:v60+s21+$0x0], $0xffff  }
0x277: {  	v35 =	vld.idx.msk [tilespmem:v61+s21+$0x0], $0xffff;
	v50 =	vor.u32 s16, v30  }
0x278: {  	v36 =	vld.idx.msk [tilespmem:v62+s21+$0x0], $0xffff;
	v51 =	vor.u32 s2, v30  }
0x279: {  	s24 =	simm.s32 $0x17C80;
	v38 =	vld.idx.msk [tilespmem:v47+s21+$0x0], $0xffff;
	v52 =	vor.u32 s15, v30  }
0x27a: {  	v39 =	vld.idx.msk [tilespmem:v48+s21+$0x0], $0xffff;
	v53 =	vor.u32 s25, v30;
	[tilespmem:s24+$0xFFFFFF00] =	vst v33  }
0x27b: {  	v34 =	vld.idx.msk [tilespmem:v49+s21+$0x0], $0xffff;
	v44 =	vor.u32 s26, v30;
	[tilespmem:s24+$0xFFFFF900] =	vst v24  }
0x27c: {  	v25 =	vshll.u32 v25, $0x5;
	v55 =	vor.u32 s31, v30;
	[tilespmem:s24+$0xFFFFFA00] =	vst v35;
	v33 =	vld.idx.msk [tilespmem:v50+s21+$0x0], $0xffff  }
0x27d: {  	v25 =	vand.u32 $0x60, v25;
	v58 =	vor.u32 s0, v30;
	[tilespmem:s24+$0xFFFFFB00] =	vst v36;
	v54 =	vld.idx.msk [tilespmem:v51+s21+$0x0], $0xffff  }
0x27e: {  	v25 =	vor.u32 v2, v25;
	v24 =	vor.u32 s30, v30;
	[tilespmem:s24+$0xFFFFFC00] =	vst v38;
	v56 =	vld.idx.msk [tilespmem:v52+s21+$0x0], $0xffff  }
0x27f: {  	v57 =	vor.u32 s16, v25;
	[tilespmem:s24+$0xFFFFFD00] =	vst v39;
	v43 =	vld.idx.msk [tilespmem:v53+s21+$0x0], $0xffff  }
0x280: {  	v59 =	vor.u32 s2, v25;
	[tilespmem:s24+$0xFFFFFE00] =	vst v34;
	v44 =	vld.idx.msk [tilespmem:v44+s21+$0x0], $0xffff  }
0x281: {  	v60 =	vor.u32 s15, v25;
	[tilespmem:s24+$0xFFFFF800] =	vst v63;
	v35 =	vld.idx.msk [tilespmem:v55+s21+$0x0], $0xffff  }
0x282: {  	v61 =	vor.u32 s25, v25;
	v37 =	vld.idx.msk [tilespmem:v58+s21+$0x0], $0xffff;
	[tilespmem:s24+$0xFFFFFF10] =	vst v33  }
0x283: {  	v62 =	vor.u32 s26, v25;
	v24 =	vld.idx.msk [tilespmem:v24+s21+$0x0], $0xffff;
	[tilespmem:s24+$0xFFFFF910] =	vst v54  }
0x284: {  	v26 =	vshll.u32 v26, $0x5;
	v49 =	vor.u32 s31, v25;
	[tilespmem:s24+$0xFFFFFA10] =	vst v56;
	v36 =	vld.idx.msk [tilespmem:v57+s21+$0x0], $0xffff  }
0x285: {  	v26 =	vand.u32 $0x60, v26;
	v50 =	vor.u32 s0, v25;
	[tilespmem:s24+$0xFFFFFB10] =	vst v43;
	v38 =	vld.idx.msk [tilespmem:v59+s21+$0x0], $0xffff  }
0x286: {  	v26 =	vor.u32 v3, v26;
	v63 =	vor.u32 s30, v25;
	[tilespmem:s24+$0xFFFFFC10] =	vst v44;
	v39 =	vld.idx.msk [tilespmem:v60+s21+$0x0], $0xffff  }
0x287: {  	v48 =	vor.u32 s16, v26;
	[tilespmem:s24+$0xFFFFFE10] =	vst v35;
	v34 =	vld.idx.msk [tilespmem:v61+s21+$0x0], $0xffff  }
0x288: {  	v51 =	vor.u32 s2, v26;
	[tilespmem:s24+$0xFFFFF810] =	vst v37;
	v33 =	vld.idx.msk [tilespmem:v62+s21+$0x0], $0xffff  }
0x289: {  	v45 =	vor.u32 s15, v26;
	v54 =	vld.idx.msk [tilespmem:v49+s21+$0x0], $0xffff;
	[tilespmem:s24+$0xFFFFFD10] =	vst v24  }
0x28a: {  	v52 =	vor.u32 s25, v26;
	v55 =	vld.idx.msk [tilespmem:v50+s21+$0x0], $0xffff;
	[tilespmem:s24+$0xFFFFFF20] =	vst v36  }
0x28b: {  	v60 =	vor.u32 s31, v26;
	v24 =	vshll.u32 v27, $0x5;
	v40 =	vld.idx.msk [tilespmem:v63+s21+$0x0], $0xffff;
	[tilespmem:s24+$0xFFFFF920] =	vst v38  }
0x28c: {  	v61 =	vor.u32 s0, v26;
	v24 =	vand.u32 $0x60, v24;
	[tilespmem:s24+$0xFFFFFA20] =	vst v39;
	v53 =	vld.idx.msk [tilespmem:v48+s21+$0x0], $0xffff  }
0x28d: {  	v27 =	vor.u32 v4, v24;
	v24 =	vor.u32 s26, v26;
	[tilespmem:s24+$0xFFFFFB20] =	vst v34;
	v57 =	vld.idx.msk [tilespmem:v51+s21+$0x0], $0xffff  }
0x28e: {  	v58 =	vor.u32 s30, v26;
	[tilespmem:s24+$0xFFFFFC20] =	vst v33;
	v59 =	vld.idx.msk [tilespmem:v45+s21+$0x0], $0xffff  }
0x28f: {  	[tilespmem:s24+$0xFFFFFE20] =	vst v54;
	v56 =	vor.u32 s16, v27;
	v36 =	vld.idx.msk [tilespmem:v52+s21+$0x0], $0xffff  }
0x290: {  	[tilespmem:s24+$0xFFFFF820] =	vst v55;
	v62 =	vor.u32 s2, v27;
	v34 =	vld.idx.msk [tilespmem:v60+s21+$0x0], $0xffff  }
0x291: {  	v47 =	vor.u32 s15, v27;
	v50 =	vld.idx.msk [tilespmem:v61+s21+$0x0], $0xffff;
	[tilespmem:s24+$0xFFFFFD20] =	vst v40  }
0x292: {  	v48 =	vor.u32 s25, v27;
	v63 =	vld.idx.msk [tilespmem:v24+s21+$0x0], $0xffff;
	[tilespmem:s24+$0xFFFFFF30] =	vst v53  }
0x293: {  	v54 =	vor.u32 s0, v27;
	v39 =	vld.idx.msk [tilespmem:v58+s21+$0x0], $0xffff;
	[tilespmem:s24+$0xFFFFF930] =	vst v57  }
0x294: {  	v32 =	vshll.u32 v32, $0x5;
	v51 =	vor.u32 s26, v27;
	[tilespmem:s24+$0xFFFFFA30] =	vst v59;
	v35 =	vld.idx.msk [tilespmem:v56+s21+$0x0], $0xffff  }
0x295: {  	v52 =	vor.u32 s30, v27;
	v24 =	vand.u32 $0x60, v32;
	[tilespmem:s24+$0xFFFFFB30] =	vst v36;
	v33 =	vld.idx.msk [tilespmem:v62+s21+$0x0], $0xffff  }
0x296: {  	v24 =	vor.u32 v5, v24;
	v53 =	vor.u32 s31, v27;
	[tilespmem:s24+$0xFFFFFE30] =	vst v34;
	v32 =	vld.idx.msk [tilespmem:v47+s21+$0x0], $0xffff  }
0x297: {  	[tilespmem:s24+$0xFFFFF830] =	vst v50;
	v49 =	vor.u32 s16, v24;
	v38 =	vld.idx.msk [tilespmem:v48+s21+$0x0], $0xffff  }
0x298: {  	v55 =	vor.u32 s2, v24;
	v59 =	vld.idx.msk [tilespmem:v54+s21+$0x0], $0xffff;
	[tilespmem:s24+$0xFFFFFC30] =	vst v63  }
0x299: {  	v56 =	vor.u32 s15, v24;
	[tilespmem:s24+$0xFFFFFD30] =	vst v39;
	v41 =	vld.idx.msk [tilespmem:v51+s21+$0x0], $0xffff  }
0x29a: {  	v58 =	vor.u32 s25, v24;
	v39 =	vld.idx.msk [tilespmem:v52+s21+$0x0], $0xffff;
	[tilespmem:s24+$0xFFFFFF40] =	vst v35  }
0x29b: {  	v60 =	vor.u32 s26, v24;
	v36 =	vld.idx.msk [tilespmem:v53+s21+$0x0], $0xffff;
	[tilespmem:s24+$0xFFFFF940] =	vst v33  }
0x29c: {  	v19 =	vshll.u32 v19, $0x5;
	v61 =	vor.u32 s30, v24;
	[tilespmem:s24+$0xFFFFFA40] =	vst v32;
	v37 =	vld.idx.msk [tilespmem:v49+s21+$0x0], $0xffff  }
0x29d: {  	v19 =	vand.u32 $0x60, v19;
	v63 =	vor.u32 s31, v24;
	[tilespmem:s24+$0xFFFFFB40] =	vst v38;
	v35 =	vld.idx.msk [tilespmem:v55+s21+$0x0], $0xffff  }
0x29e: {  	v19 =	vor.u32 v6, v19;
	v47 =	vor.u32 s0, v24;
	[tilespmem:s24+$0xFFFFF840] =	vst v59;
	v62 =	vld.idx.msk [tilespmem:v56+s21+$0x0], $0xffff  }
0x29f: {  	v57 =	vor.u32 s16, v19;
	v40 =	vld.idx.msk [tilespmem:v58+s21+$0x0], $0xffff;
	[tilespmem:s24+$0xFFFFFC40] =	vst v41  }
0x2a0: {  	v48 =	vor.u32 s2, v19;
	[tilespmem:s24+$0xFFFFFD40] =	vst v39;
	v33 =	vld.idx.msk [tilespmem:v60+s21+$0x0], $0xffff  }
0x2a1: {  	v50 =	vor.u32 s15, v19;
	[tilespmem:s24+$0xFFFFFE40] =	vst v36;
	v32 =	vld.idx.msk [tilespmem:v61+s21+$0x0], $0xffff  }
0x2a2: {  	v51 =	vor.u32 s25, v19;
	v52 =	vld.idx.msk [tilespmem:v63+s21+$0x0], $0xffff;
	[tilespmem:s24+$0xFFFFFF50] =	vst v37  }
0x2a3: {  	v53 =	vor.u32 s26, v19;
	v37 =	vld.idx.msk [tilespmem:v47+s21+$0x0], $0xffff;
	[tilespmem:s24+$0xFFFFF950] =	vst v35  }
0x2a4: {  	v20 =	vshll.u32 v20, $0x5;
	v54 =	vor.u32 s30, v19;
	[tilespmem:s24+$0xFFFFFA50] =	vst v62;
	v34 =	vld.idx.msk [tilespmem:v57+s21+$0x0], $0xffff  }
0x2a5: {  	v20 =	vand.u32 $0x60, v20;
	v55 =	vor.u32 s31, v19;
	[tilespmem:s24+$0xFFFFFB50] =	vst v40;
	v38 =	vld.idx.msk [tilespmem:v48+s21+$0x0], $0xffff  }
0x2a6: {  	v20 =	vor.u32 v7, v20;
	v56 =	vor.u32 s0, v19;
	v41 =	vld.idx.msk [tilespmem:v50+s21+$0x0], $0xffff;
	[tilespmem:s24+$0xFFFFFC50] =	vst v33  }
0x2a7: {  	v49 =	vor.u32 s16, v20;
	v36 =	vld.idx.msk [tilespmem:v51+s21+$0x0], $0xffff;
	[tilespmem:s24+$0xFFFFFD50] =	vst v32  }
0x2a8: {  	v58 =	vor.u32 s2, v20;
	[tilespmem:s24+$0xFFFFFE50] =	vst v52;
	v35 =	vld.idx.msk [tilespmem:v53+s21+$0x0], $0xffff  }
0x2a9: {  	v59 =	vor.u32 s15, v20;
	v44 =	vld.idx.msk [tilespmem:v54+s21+$0x0], $0xffff;
	[tilespmem:s24+$0xFFFFF850] =	vst v37  }
0x2aa: {  	v60 =	vor.u32 s25, v20;
	[tilespmem:s24+$0xFFFFFF60] =	vst v34;
	v34 =	vld.idx.msk [tilespmem:v55+s21+$0x0], $0xffff  }
0x2ab: {  	v62 =	vor.u32 s26, v20;
	v61 =	vld.idx.msk [tilespmem:v56+s21+$0x0], $0xffff;
	[tilespmem:s24+$0xFFFFF960] =	vst v38  }
0x2ac: {  	v21 =	vshll.u32 v21, $0x5;
	v63 =	vor.u32 s30, v20;
	[tilespmem:s24+$0xFFFFFA60] =	vst v41;
	v39 =	vld.idx.msk [tilespmem:v49+s21+$0x0], $0xffff  }
0x2ad: {  	v21 =	vand.u32 $0x60, v21;
	[tilespmem:s24+$0xFFFFFB60] =	vst v36;
	v48 =	vld.idx.msk [tilespmem:v58+s21+$0x0], $0xffff;
	v49 =	vor.u32 s31, v20  }
0x2ae: {  	v21 =	vor.u32 v8, v21;
	v51 =	vor.u32 s0, v20;
	v32 =	vld.idx.msk [tilespmem:v59+s21+$0x0], $0xffff;
	[tilespmem:s24+$0xFFFFFC60] =	vst v35  }
0x2af: {  	v57 =	vor.u32 s16, v21;
	v37 =	vld.idx.msk [tilespmem:v60+s21+$0x0], $0xffff;
	[tilespmem:s24+$0xFFFFFD60] =	vst v44  }
0x2b0: {  	v52 =	vor.u32 s2, v21;
	v43 =	vld.idx.msk [tilespmem:v62+s21+$0x0], $0xffff;
	[tilespmem:s24+$0xFFFFFE60] =	vst v34  }
0x2b1: {  	v53 =	vor.u32 s15, v21;
	v38 =	vld.idx.msk [tilespmem:v63+s21+$0x0], $0xffff;
	[tilespmem:s24+$0xFFFFF860] =	vst v61  }
0x2b2: {  	v22 =	vshll.u32 v22, $0x5;
	v54 =	vor.u32 s25, v21;
	[tilespmem:s24+$0xFFFFFF70] =	vst v39;
	v40 =	vld.idx.msk [tilespmem:v49+s21+$0x0], $0xffff  }
0x2b3: {  	v22 =	vand.u32 $0x60, v22;
	v56 =	vor.u32 s30, v21;
	v41 =	vld.idx.msk [tilespmem:v51+s21+$0x0], $0xffff;
	[tilespmem:s24+$0xFFFFF970] =	vst v48  }
0x2b4: {  	v22 =	vor.u32 v9, v22;
	v55 =	vor.u32 s26, v21;
	[tilespmem:s24+$0xFFFFFA70] =	vst v32;
	v33 =	vld.idx.msk [tilespmem:v57+s21+$0x0], $0xffff  }
0x2b5: {  	v50 =	vor.u32 s16, v22;
	[tilespmem:s24+$0xFFFFFB70] =	vst v37;
	v35 =	vld.idx.msk [tilespmem:v52+s21+$0x0], $0xffff  }
0x2b6: {  	v59 =	vor.u32 s31, v21;
	v58 =	vld.idx.msk [tilespmem:v53+s21+$0x0], $0xffff;
	[tilespmem:s24+$0xFFFFFC70] =	vst v43  }
0x2b7: {  	v60 =	vor.u32 s0, v21;
	v34 =	vld.idx.msk [tilespmem:v54+s21+$0x0], $0xffff;
	[tilespmem:s24+$0xFFFFFD70] =	vst v38  }
0x2b8: {  	v61 =	vor.u32 s2, v22;
	v39 =	vld.idx.msk [tilespmem:v56+s21+$0x0], $0xffff;
	[tilespmem:s24+$0xFFFFFE70] =	vst v40  }
0x2b9: {  	v23 =	vshll.u32 v23, $0x5;
	v62 =	vor.u32 s15, v22;
	[tilespmem:s24+$0x700] =	vst v33;
	v33 =	vld.idx.msk [tilespmem:v55+s21+$0x0], $0xffff  }
0x2ba: {  	v23 =	vand.u32 $0x60, v23;
	v63 =	vor.u32 s25, v22;
	[tilespmem:s24+$0xFFFFF870] =	vst v41;
	v36 =	vld.idx.msk [tilespmem:v50+s21+$0x0], $0xffff  }
0x2bb: {  	v23 =	vor.u32 v10, v23;
	v48 =	vor.u32 s26, v22;
	v37 =	vld.idx.msk [tilespmem:v59+s21+$0x0], $0xffff;
	[tilespmem:s24+$0x100] =	vst v35  }
0x2bc: {  	v57 =	vor.u32 s16, v23;
	v41 =	vld.idx.msk [tilespmem:v60+s21+$0x0], $0xffff;
	[tilespmem:s24+$0x200] =	vst v58  }
0x2bd: {  	[tilespmem:s24+$0x300] =	vst v34;
	v43 =	vld.idx.msk [tilespmem:v61+s21+$0x0], $0xffff;
	v50 =	vor.u32 s30, v22  }
0x2be: {  	v51 =	vor.u32 s31, v22;
	v38 =	vld.idx.msk [tilespmem:v62+s21+$0x0], $0xffff;
	[tilespmem:s24+$0x400] =	vst v33  }
0x2bf: {  	v52 =	vor.u32 s0, v22;
	[tilespmem:s24+$0x710] =	vst v36;
	v36 =	vld.idx.msk [tilespmem:v63+s21+$0x0], $0xffff  }
0x2c0: {  	v17 =	vshll.u32 v17, $0x5;
	v53 =	vor.u32 s2, v23;
	[tilespmem:s24+$0x500] =	vst v39;
	v40 =	vld.idx.msk [tilespmem:v48+s21+$0x0], $0xffff  }
0x2c1: {  	v17 =	vand.u32 $0x60, v17;
	v54 =	vor.u32 s15, v23;
	[tilespmem:s24+$0x600] =	vst v37;
	v32 =	vld.idx.msk [tilespmem:v57+s21+$0x0], $0xffff  }
0x2c2: {  	v17 =	vor.u32 v11, v17;
	v55 =	vor.u32 s25, v23;
	[tilespmem:s24+$0x0] =	vst v41;
	v42 =	vld.idx.msk [tilespmem:v50+s21+$0x0], $0xffff  }
0x2c3: {  	v49 =	vor.u32 s16, v17;
	v34 =	vld.idx.msk [tilespmem:v51+s21+$0x0], $0xffff;
	[tilespmem:s24+$0x110] =	vst v43  }
0x2c4: {  	v41 =	vld.idx.msk [tilespmem:v52+s21+$0x0], $0xffff;
	[tilespmem:s24+$0x210] =	vst v38;
	v57 =	vor.u32 s26, v23  }
0x2c5: {  	v58 =	vor.u32 s30, v23;
	v33 =	vld.idx.msk [tilespmem:v53+s21+$0x0], $0xffff;
	[tilespmem:s24+$0x310] =	vst v36  }
0x2c6: {  	v59 =	vor.u32 s31, v23;
	[tilespmem:s24+$0x720] =	vst v32;
	v32 =	vld.idx.msk [tilespmem:v54+s21+$0x0], $0xffff  }
0x2c7: {  	v16 =	vshll.u32 v16, $0x5;
	v60 =	vor.u32 s0, v23;
	[tilespmem:s24+$0x410] =	vst v40;
	v39 =	vld.idx.msk [tilespmem:v55+s21+$0x0], $0xffff  }
0x2c8: {  	v16 =	vand.u32 $0x60, v16;
	v61 =	vor.u32 s2, v17;
	[tilespmem:s24+$0x510] =	vst v42;
	v35 =	vld.idx.msk [tilespmem:v49+s21+$0x0], $0xffff  }
0x2c9: {  	v16 =	vor.u32 v12, v16;
	v62 =	vor.u32 s15, v17;
	[tilespmem:s24+$0x610] =	vst v34;
	v43 =	vld.idx.msk [tilespmem:v57+s21+$0x0], $0xffff  }
0x2ca: {  	v56 =	vor.u32 s16, v16;
	[tilespmem:s24+$0x10] =	vst v41;
	v38 =	vld.idx.msk [tilespmem:v58+s21+$0x0], $0xffff  }
0x2cb: {  	v48 =	vor.u32 s25, v17;
	v36 =	vld.idx.msk [tilespmem:v59+s21+$0x0], $0xffff;
	[tilespmem:s24+$0x120] =	vst v33  }
0x2cc: {  	v50 =	vor.u32 s26, v17;
	v49 =	vld.idx.msk [tilespmem:v60+s21+$0x0], $0xffff;
	[tilespmem:s24+$0x220] =	vst v32  }
0x2cd: {  	v51 =	vor.u32 s30, v17;
	[tilespmem:s24+$0x730] =	vst v35;
	v35 =	vld.idx.msk [tilespmem:v61+s21+$0x0], $0xffff  }
0x2ce: {  	v52 =	vor.u32 s31, v17;
	[tilespmem:s24+$0x320] =	vst v39;
	v40 =	vld.idx.msk [tilespmem:v62+s21+$0x0], $0xffff  }
0x2cf: {  	v18 =	vshll.u32 v18, $0x5;
	v53 =	vor.u32 s0, v17;
	[tilespmem:s24+$0x420] =	vst v43;
	v37 =	vld.idx.msk [tilespmem:v56+s21+$0x0], $0xffff  }
0x2d0: {  	v18 =	vand.u32 $0x60, v18;
	v54 =	vor.u32 s2, v16;
	[tilespmem:s24+$0x520] =	vst v38;
	v41 =	vld.idx.msk [tilespmem:v48+s21+$0x0], $0xffff  }
0x2d1: {  	v18 =	vor.u32 v13, v18;
	[tilespmem:s24+$0x620] =	vst v36;
	v33 =	vld.idx.msk [tilespmem:v50+s21+$0x0], $0xffff;
	v56 =	vor.u32 s15, v16  }
0x2d2: {  	v63 =	vor.u32 s16, v18;
	v32 =	vld.idx.msk [tilespmem:v51+s21+$0x0], $0xffff;
	[tilespmem:s24+$0x20] =	vst v49  }
0x2d3: {  	v57 =	vor.u32 s25, v16;
	v58 =	vld.idx.msk [tilespmem:v52+s21+$0x0], $0xffff;
	[tilespmem:s24+$0x130] =	vst v35  }
0x2d4: {  	v59 =	vor.u32 s26, v16;
	[tilespmem:s24+$0x740] =	vst v37;
	v37 =	vld.idx.msk [tilespmem:v53+s21+$0x0], $0xffff  }
0x2d5: {  	s23 =	simm.s32 $0x8;
	v60 =	vor.u32 s30, v16;
	[tilespmem:s24+$0x230] =	vst v40;
	v39 =	vld.idx.msk [tilespmem:v54+s21+$0x0], $0xffff  }
0x2d6: {  	v28 =	vshll.u32 v28, $0x5;
	v43 =	vld.idx.msk [tilespmem:v56+s21+$0x0], $0xffff;
	v54 =	vor.u32 s23, v31  }
0x2d7: {  	v28 =	vand.u32 $0x60, v28;
	v61 =	vor.u32 s31, v16;
	[tilespmem:s24+$0x330] =	vst v41;
	v34 =	vld.idx.msk [tilespmem:v63+s21+$0x0], $0xffff  }
0x2d8: {  	v28 =	vor.u32 v14, v28;
	v62 =	vor.u32 s0, v16;
	[tilespmem:s24+$0x430] =	vst v33;
	v36 =	vld.idx.msk [tilespmem:v57+s21+$0x0], $0xffff  }
0x2d9: {  	v55 =	vor.u32 s16, v28;
	[tilespmem:s24+$0x530] =	vst v32;
	v35 =	vld.idx.msk [tilespmem:v59+s21+$0x0], $0xffff  }
0x2da: {  	v48 =	vor.u32 s2, v18;
	[tilespmem:s24+$0x630] =	vst v58;
	v44 =	vld.idx.msk [tilespmem:v60+s21+$0x0], $0xffff  }
0x2db: {  	v50 =	vor.u32 s25, v18;
	[tilespmem:s24+$0x30] =	vst v37;
	v32 =	vld.idx.msk [tilespmem:v54+s21+$0x0], $0xffff  }
0x2dc: {  	v51 =	vor.u32 s26, v18;
	[tilespmem:s24+$0x750] =	vst v34;
	v34 =	vld.idx.msk [tilespmem:v61+s21+$0x0], $0xffff  }
0x2dd: {  	v49 =	vor.u32 s15, v18;
	[tilespmem:s24+$0x140] =	vst v39;
	v40 =	vld.idx.msk [tilespmem:v62+s21+$0x0], $0xffff  }
0x2de: {  	v52 =	vor.u32 s30, v18;
	[tilespmem:s24+$0x240] =	vst v43;
	v38 =	vld.idx.msk [tilespmem:v55+s21+$0x0], $0xffff  }
0x2df: {  	v53 =	vor.u32 s31, v18;
	[tilespmem:s24+$0x340] =	vst v36;
	v39 =	vld.idx.msk [tilespmem:v48+s21+$0x0], $0xffff  }
0x2e0: {  	v29 =	vshll.u32 v29, $0x5;
	v56 =	vor.u32 s0, v18;
	[tilespmem:s24+$0x440] =	vst v35;
	v37 =	vld.idx.msk [tilespmem:v50+s21+$0x0], $0xffff  }
0x2e1: {  	v29 =	vand.u32 $0x60, v29;
	v57 =	vor.u32 s2, v28;
	[tilespmem:s24+$0x540] =	vst v44;
	v42 =	vld.idx.msk [tilespmem:v51+s21+$0x0], $0xffff  }
0x2e2: {  	v29 =	vor.u32 v15, v29;
	v59 =	vor.u32 s25, v28;
	v55 =	vld.idx.msk [tilespmem:v49+s21+$0x0], $0xffff;
	[tilespmem:s24+$0x640] =	vst v34  }
0x2e3: {  	v63 =	vor.u32 s16, v29;
	[tilespmem:s24+$0x760] =	vst v38;
	v38 =	vld.idx.msk [tilespmem:v52+s21+$0x0], $0xffff  }
0x2e4: {  	v58 =	vor.u32 s15, v28;
	[tilespmem:s24+$0x40] =	vst v40;
	v41 =	vld.idx.msk [tilespmem:v53+s21+$0x0], $0xffff  }
0x2e5: {  	v60 =	vor.u32 s26, v28;
	[tilespmem:s24+$0x150] =	vst v39;
	v36 =	vld.idx.msk [tilespmem:v56+s21+$0x0], $0xffff  }
0x2e6: {  	v61 =	vor.u32 s30, v28;
	[tilespmem:s24+$0x350] =	vst v37;
	v35 =	vld.idx.msk [tilespmem:v57+s21+$0x0], $0xffff  }
0x2e7: {  	v62 =	vor.u32 s31, v28;
	[tilespmem:s24+$0x450] =	vst v42;
	v47 =	vld.idx.msk [tilespmem:v59+s21+$0x0], $0xffff  }
0x2e8: {  	[tilespmem:s24+$0x250] =	vst v55;
	v33 =	vld.idx.msk [tilespmem:v63+s21+$0x0], $0xffff;
	v63 =	vor.u32 s0, v28  }
0x2e9: {  	v46 =	vor.u32 s2, v29;
	v44 =	vld.idx.msk [tilespmem:v58+s21+$0x0], $0xffff;
	[tilespmem:s24+$0x550] =	vst v38  }
0x2ea: {  	v48 =	vor.u32 s15, v29;
	v39 =	vld.idx.msk [tilespmem:v60+s21+$0x0], $0xffff;
	[tilespmem:s24+$0x650] =	vst v41  }
0x2eb: {  	v43 =	vor.u32 s25, v29;
	[tilespmem:s24+$0x50] =	vst v36;
	v37 =	vld.idx.msk [tilespmem:v61+s21+$0x0], $0xffff  }
0x2ec: {  	v42 =	vor.u32 s26, v29;
	[tilespmem:s24+$0x160] =	vst v35;
	v36 =	vld.idx.msk [tilespmem:v62+s21+$0x0], $0xffff  }
0x2ed: {  	v41 =	vor.u32 s30, v29;
	[tilespmem:s24+$0x770] =	vst v33;
	v34 =	vld.idx.msk [tilespmem:v63+s21+$0x0], $0xffff  }
0x2ee: {  	v40 =	vor.u32 s31, v29;
	v33 =	vld.idx.msk [tilespmem:v46+s21+$0x0], $0xffff;
	[tilespmem:s24+$0x260] =	vst v44  }
0x2ef: {  	s25 =	simm.s32 $0xF;
	s26 =	simm.s32 $0x10;
	v38 =	vor.u32 s0, v29;
	[tilespmem:s24+$0x360] =	vst v47;
	v35 =	vld.idx.msk [tilespmem:v48+s21+$0x0], $0xffff  }
.LBB2_7:
0x2f0: {  	p0 =	slt.u32 s26, $0x18;
	s28 =	sadd.s32 $0x1, s23;
	v44 =	vor.u32 s25, v31;
	v43 =	vld.idx.msk [tilespmem:v43+s21+$0x0], $0xffff;
	[tilespmem:s24+$0x460] =	vst v39  }
0x2f1: {  	s29 =	sadd.s32 $0x2, s23;
	v39 =	vor.u32 s28, v31;
	v42 =	vld.idx.msk [tilespmem:v42+s21+$0x0], $0xffff;
	[tilespmem:s24+$0x560] =	vst v37  }
0x2f2: {  	s0 =	sadd.s32 $0x3, s23;
	v37 =	vor.u32 s29, v31;
	v41 =	vld.idx.msk [tilespmem:v41+s21+$0x0], $0xffff;
	[tilespmem:s24+$0x660] =	vst v36  }
0x2f3: {  	s2 =	sadd.s32 $0x4, s23;
	v36 =	vor.u32 s0, v31;
	[tilespmem:s24+$0x60] =	vst v34;
	v34 =	vld.idx.msk [tilespmem:v40+s21+$0x0], $0xffff  }
0x2f4: {  	s15 =	sadd.s32 $0x5, s23;
	v40 =	vor.u32 s2, v31;
	v38 =	vld.idx.msk [tilespmem:v38+s21+$0x0], $0xffff;
	[tilespmem:s24+$0x170] =	vst v33  }
0x2f5: {  	s16 =	sadd.s32 $0x6, s23;
	v33 =	vor.u32 s15, v31;
	v44 =	vld.idx.msk [tilespmem:v44+s21+$0x0], $0xffff;
	[tilespmem:s24+$0x270] =	vst v35  }
0x2f6: {  	v35 =	vld.idx.msk [tilespmem:v39+s21+$0x0], $0xffff;
	v39 =	vor.u32 s16, v31;
	[tilespmem:s24+$0x370] =	vst v43  }
0x2f7: {  	v43 =	vor.u32 s25, v30;
	v37 =	vld.idx.msk [tilespmem:v37+s21+$0x0], $0xffff;
	[tilespmem:s24+$0x470] =	vst v42  }
0x2f8: {  	v42 =	vor.u32 s28, v30;
	v36 =	vld.idx.msk [tilespmem:v36+s21+$0x0], $0xffff;
	[tilespmem:s24+$0x570] =	vst v41  }
0x2f9: {  	v41 =	vor.u32 s29, v30;
	v40 =	vld.idx.msk [tilespmem:v40+s21+$0x0], $0xffff;
	[tilespmem:s24+$0x670] =	vst v34  }
0x2fa: {  	v34 =	vor.u32 s0, v30;
	v33 =	vld.idx.msk [tilespmem:v33+s21+$0x0], $0xffff;
	[tilespmem:s24+$0x70] =	vst v38;
	s24 =	sadd.s32 $0x1000, s24  }
0x2fb: {  	v38 =	vor.u32 s2, v30;
	v39 =	vld.idx.msk [tilespmem:v39+s21+$0x0], $0xffff;
	[tilespmem:s24+$0xFFFFFF00] =	vst v44  }
0x2fc: {  	[tilespmem:s24+$0xFFFFF900] =	vst v35;
	v35 =	vor.u32 s15, v30;
	v43 =	vld.idx.msk [tilespmem:v43+s21+$0x0], $0xffff  }
0x2fd: {  	v42 =	vld.idx.msk [tilespmem:v42+s21+$0x0], $0xffff;
	[tilespmem:s24+$0xFFFFFA00] =	vst v37;
	v37 =	vor.u32 s16, v30  }
0x2fe: {  	v41 =	vld.idx.msk [tilespmem:v41+s21+$0x0], $0xffff;
	[tilespmem:s24+$0xFFFFFB00] =	vst v36;
	v36 =	vor.u32 s25, v25  }
0x2ff: {  	v44 =	vor.u32 s23, v30;
	v34 =	vld.idx.msk [tilespmem:v34+s21+$0x0], $0xffff;
	[tilespmem:s24+$0xFFFFFC00] =	vst v40  }
0x300: {  	v40 =	vor.u32 s28, v25;
	v38 =	vld.idx.msk [tilespmem:v38+s21+$0x0], $0xffff;
	[tilespmem:s24+$0xFFFFFD00] =	vst v33  }
0x301: {  	v33 =	vor.u32 s29, v25;
	v35 =	vld.idx.msk [tilespmem:v35+s21+$0x0], $0xffff;
	[tilespmem:s24+$0xFFFFFE00] =	vst v39  }
0x302: {  	v39 =	vor.u32 s0, v25;
	v37 =	vld.idx.msk [tilespmem:v37+s21+$0x0], $0xffff;
	[tilespmem:s24+$0xFFFFFF10] =	vst v43  }
0x303: {  	[tilespmem:s24+$0xFFFFF800] =	vst v32;
	v32 =	vor.u32 s2, v25;
	v36 =	vld.idx.msk [tilespmem:v36+s21+$0x0], $0xffff  }
0x304: {  	v43 =	vld.idx.msk [tilespmem:v44+s21+$0x0], $0xffff;
	[tilespmem:s24+$0xFFFFF910] =	vst v42;
	v42 =	vor.u32 s15, v25  }
0x305: {  	v40 =	vld.idx.msk [tilespmem:v40+s21+$0x0], $0xffff;
	[tilespmem:s24+$0xFFFFFA10] =	vst v41;
	v41 =	vor.u32 s25, v26  }
0x306: {  	v33 =	vld.idx.msk [tilespmem:v33+s21+$0x0], $0xffff;
	[tilespmem:s24+$0xFFFFFB10] =	vst v34;
	v34 =	vor.u32 s16, v25  }
0x307: {  	v44 =	vor.u32 s23, v25;
	v39 =	vld.idx.msk [tilespmem:v39+s21+$0x0], $0xffff;
	[tilespmem:s24+$0xFFFFFC10] =	vst v38  }
0x308: {  	v38 =	vor.u32 s28, v26;
	v32 =	vld.idx.msk [tilespmem:v32+s21+$0x0], $0xffff;
	[tilespmem:s24+$0xFFFFFD10] =	vst v35  }
0x309: {  	v35 =	vor.u32 s29, v26;
	v42 =	vld.idx.msk [tilespmem:v42+s21+$0x0], $0xffff;
	[tilespmem:s24+$0xFFFFFF20] =	vst v36  }
0x30a: {  	v36 =	vor.u32 s0, v26;
	[tilespmem:s24+$0xFFFFFE10] =	vst v37;
	v37 =	vld.idx.msk [tilespmem:v41+s21+$0x0], $0xffff  }
0x30b: {  	v41 =	vor.u32 s2, v26;
	[tilespmem:s24+$0xFFFFF810] =	vst v43;
	v34 =	vld.idx.msk [tilespmem:v34+s21+$0x0], $0xffff  }
0x30c: {  	v43 =	vld.idx.msk [tilespmem:v44+s21+$0x0], $0xffff;
	[tilespmem:s24+$0xFFFFF920] =	vst v40;
	v40 =	vor.u32 s25, v27  }
0x30d: {  	v38 =	vld.idx.msk [tilespmem:v38+s21+$0x0], $0xffff;
	[tilespmem:s24+$0xFFFFFA20] =	vst v33;
	v33 =	vor.u32 s15, v26  }
0x30e: {  	v35 =	vld.idx.msk [tilespmem:v35+s21+$0x0], $0xffff;
	[tilespmem:s24+$0xFFFFFB20] =	vst v39;
	v39 =	vor.u32 s16, v26  }
0x30f: {  	v44 =	vor.u32 s23, v26;
	v36 =	vld.idx.msk [tilespmem:v36+s21+$0x0], $0xffff;
	[tilespmem:s24+$0xFFFFFC20] =	vst v32  }
0x310: {  	v32 =	vor.u32 s28, v27;
	v41 =	vld.idx.msk [tilespmem:v41+s21+$0x0], $0xffff;
	[tilespmem:s24+$0xFFFFFF30] =	vst v37  }
0x311: {  	v37 =	vor.u32 s29, v27;
	[tilespmem:s24+$0xFFFFFD20] =	vst v42;
	v40 =	vld.idx.msk [tilespmem:v40+s21+$0x0], $0xffff  }
0x312: {  	v42 =	vor.u32 s0, v27;
	v33 =	vld.idx.msk [tilespmem:v33+s21+$0x0], $0xffff;
	[tilespmem:s24+$0xFFFFFE20] =	vst v34  }
0x313: {  	[tilespmem:s24+$0xFFFFF820] =	vst v43;
	v34 =	vld.idx.msk [tilespmem:v39+s21+$0x0], $0xffff;
	v39 =	vor.u32 s25, v24  }
0x314: {  	v43 =	vld.idx.msk [tilespmem:v44+s21+$0x0], $0xffff;
	[tilespmem:s24+$0xFFFFF930] =	vst v38;
	v38 =	vor.u32 s2, v27  }
0x315: {  	v32 =	vld.idx.msk [tilespmem:v32+s21+$0x0], $0xffff;
	[tilespmem:s24+$0xFFFFFA30] =	vst v35;
	v35 =	vor.u32 s15, v27  }
0x316: {  	v37 =	vld.idx.msk [tilespmem:v37+s21+$0x0], $0xffff;
	[tilespmem:s24+$0xFFFFFB30] =	vst v36;
	v36 =	vor.u32 s16, v27  }
0x317: {  	v44 =	vor.u32 s23, v27;
	v42 =	vld.idx.msk [tilespmem:v42+s21+$0x0], $0xffff;
	[tilespmem:s24+$0xFFFFFF40] =	vst v40  }
0x318: {  	v40 =	vor.u32 s28, v24;
	[tilespmem:s24+$0xFFFFFC30] =	vst v41;
	v39 =	vld.idx.msk [tilespmem:v39+s21+$0x0], $0xffff  }
0x319: {  	v41 =	vor.u32 s29, v24;
	v38 =	vld.idx.msk [tilespmem:v38+s21+$0x0], $0xffff;
	[tilespmem:s24+$0xFFFFFD30] =	vst v33  }
0x31a: {  	v33 =	vld.idx.msk [tilespmem:v35+s21+$0x0], $0xffff;
	[tilespmem:s24+$0xFFFFFE30] =	vst v34;
	v34 =	vor.u32 s25, v19  }
0x31b: {  	v35 =	vor.u32 s0, v24;
	[tilespmem:s24+$0xFFFFF830] =	vst v43;
	v36 =	vld.idx.msk [tilespmem:v36+s21+$0x0], $0xffff  }
0x31c: {  	v43 =	vld.idx.msk [tilespmem:v44+s21+$0x0], $0xffff;
	[tilespmem:s24+$0xFFFFF940] =	vst v32;
	v32 =	vor.u32 s2, v24  }
0x31d: {  	v40 =	vld.idx.msk [tilespmem:v40+s21+$0x0], $0xffff;
	[tilespmem:s24+$0xFFFFFA40] =	vst v37;
	v37 =	vor.u32 s15, v24  }
0x31e: {  	v44 =	vor.u32 s16, v24;
	v41 =	vld.idx.msk [tilespmem:v41+s21+$0x0], $0xffff;
	[tilespmem:s24+$0xFFFFFF50] =	vst v39  }
0x31f: {  	v39 =	vor.u32 s23, v24;
	[tilespmem:s24+$0xFFFFFB40] =	vst v42;
	v34 =	vld.idx.msk [tilespmem:v34+s21+$0x0], $0xffff  }
0x320: {  	v42 =	vor.u32 s28, v19;
	v35 =	vld.idx.msk [tilespmem:v35+s21+$0x0], $0xffff;
	[tilespmem:s24+$0xFFFFFC40] =	vst v38  }
0x321: {  	v32 =	vld.idx.msk [tilespmem:v32+s21+$0x0], $0xffff;
	[tilespmem:s24+$0xFFFFFD40] =	vst v33;
	v33 =	vor.u32 s25, v20  }
0x322: {  	v38 =	vor.u32 s29, v19;
	v37 =	vld.idx.msk [tilespmem:v37+s21+$0x0], $0xffff;
	[tilespmem:s24+$0xFFFFFE40] =	vst v36  }
0x323: {  	v36 =	vor.u32 s0, v19;
	[tilespmem:s24+$0xFFFFF840] =	vst v43;
	v43 =	vld.idx.msk [tilespmem:v44+s21+$0x0], $0xffff  }
0x324: {  	v39 =	vld.idx.msk [tilespmem:v39+s21+$0x0], $0xffff;
	[tilespmem:s24+$0xFFFFF950] =	vst v40;
	v40 =	vor.u32 s2, v19  }
0x325: {  	v44 =	vor.u32 s15, v19;
	v42 =	vld.idx.msk [tilespmem:v42+s21+$0x0], $0xffff;
	[tilespmem:s24+$0xFFFFFF60] =	vst v34  }
0x326: {  	v34 =	vor.u32 s16, v19;
	[tilespmem:s24+$0xFFFFFA50] =	vst v41;
	v33 =	vld.idx.msk [tilespmem:v33+s21+$0x0], $0xffff  }
0x327: {  	v41 =	vor.u32 s23, v19;
	v38 =	vld.idx.msk [tilespmem:v38+s21+$0x0], $0xffff;
	[tilespmem:s24+$0xFFFFFB50] =	vst v35  }
0x328: {  	v35 =	vld.idx.msk [tilespmem:v36+s21+$0x0], $0xffff;
	[tilespmem:s24+$0xFFFFFC50] =	vst v32;
	v32 =	vor.u32 s25, v21  }
0x329: {  	v36 =	vor.u32 s28, v20;
	v40 =	vld.idx.msk [tilespmem:v40+s21+$0x0], $0xffff;
	[tilespmem:s24+$0xFFFFFD50] =	vst v37  }
0x32a: {  	v37 =	vor.u32 s29, v20;
	v44 =	vld.idx.msk [tilespmem:v44+s21+$0x0], $0xffff;
	[tilespmem:s24+$0xFFFFFE50] =	vst v43  }
0x32b: {  	[tilespmem:s24+$0xFFFFF850] =	vst v39;
	v39 =	vor.u32 s0, v20;
	v34 =	vld.idx.msk [tilespmem:v34+s21+$0x0], $0xffff  }
0x32c: {  	v43 =	vor.u32 s2, v20;
	v41 =	vld.idx.msk [tilespmem:v41+s21+$0x0], $0xffff;
	[tilespmem:s24+$0xFFFFFF70] =	vst v33  }
0x32d: {  	v33 =	vor.u32 s15, v20;
	[tilespmem:s24+$0xFFFFF960] =	vst v42;
	v32 =	vld.idx.msk [tilespmem:v32+s21+$0x0], $0xffff  }
0x32e: {  	v36 =	vld.idx.msk [tilespmem:v36+s21+$0x0], $0xffff;
	[tilespmem:s24+$0xFFFFFA60] =	vst v38;
	v38 =	vor.u32 s16, v20  }
0x32f: {  	v37 =	vld.idx.msk [tilespmem:v37+s21+$0x0], $0xffff;
	[tilespmem:s24+$0xFFFFFB60] =	vst v35;
	v35 =	vor.u32 s25, v22  }
0x330: {  	v42 =	vor.u32 s23, v20;
	v39 =	vld.idx.msk [tilespmem:v39+s21+$0x0], $0xffff;
	[tilespmem:s24+$0xFFFFFC60] =	vst v40  }
0x331: {  	v40 =	vor.u32 s28, v21;
	v43 =	vld.idx.msk [tilespmem:v43+s21+$0x0], $0xffff;
	[tilespmem:s24+$0xFFFFFD60] =	vst v44  }
0x332: {  	v44 =	vor.u32 s29, v21;
	v33 =	vld.idx.msk [tilespmem:v33+s21+$0x0], $0xffff;
	[tilespmem:s24+$0xFFFFFE60] =	vst v34  }
0x333: {  	v34 =	vor.u32 s0, v21;
	v38 =	vld.idx.msk [tilespmem:v38+s21+$0x0], $0xffff;
	[tilespmem:s24+$0x700] =	vst v32  }
0x334: {  	v32 =	vor.u32 s2, v21;
	[tilespmem:s24+$0xFFFFF860] =	vst v41;
	v35 =	vld.idx.msk [tilespmem:v35+s21+$0x0], $0xffff  }
0x335: {  	v41 =	vld.idx.msk [tilespmem:v42+s21+$0x0], $0xffff;
	[tilespmem:s24+$0xFFFFF970] =	vst v36;
	v36 =	vor.u32 s15, v21  }
0x336: {  	v40 =	vld.idx.msk [tilespmem:v40+s21+$0x0], $0xffff;
	[tilespmem:s24+$0xFFFFFA70] =	vst v37;
	v37 =	vor.u32 s25, v23  }
0x337: {  	v42 =	vld.idx.msk [tilespmem:v44+s21+$0x0], $0xffff;
	[tilespmem:s24+$0xFFFFFB70] =	vst v39;
	v39 =	vor.u32 s16, v21  }
0x338: {  	v44 =	vor.u32 s23, v21;
	v34 =	vld.idx.msk [tilespmem:v34+s21+$0x0], $0xffff;
	[tilespmem:s24+$0xFFFFFC70] =	vst v43  }
0x339: {  	v43 =	vor.u32 s28, v22;
	v32 =	vld.idx.msk [tilespmem:v32+s21+$0x0], $0xffff;
	[tilespmem:s24+$0xFFFFFD70] =	vst v33  }
0x33a: {  	v33 =	vor.u32 s29, v22;
	v36 =	vld.idx.msk [tilespmem:v36+s21+$0x0], $0xffff;
	[tilespmem:s24+$0x710] =	vst v35  }
0x33b: {  	v35 =	vor.u32 s0, v22;
	[tilespmem:s24+$0xFFFFFE70] =	vst v38;
	v37 =	vld.idx.msk [tilespmem:v37+s21+$0x0], $0xffff  }
0x33c: {  	v38 =	vor.u32 s2, v22;
	[tilespmem:s24+$0xFFFFF870] =	vst v41;
	v39 =	vld.idx.msk [tilespmem:v39+s21+$0x0], $0xffff  }
0x33d: {  	v41 =	vld.idx.msk [tilespmem:v44+s21+$0x0], $0xffff;
	[tilespmem:s24+$0x100] =	vst v40;
	v40 =	vor.u32 s25, v17  }
0x33e: {  	v43 =	vld.idx.msk [tilespmem:v43+s21+$0x0], $0xffff;
	[tilespmem:s24+$0x200] =	vst v42;
	v42 =	vor.u32 s15, v22  }
0x33f: {  	v33 =	vld.idx.msk [tilespmem:v33+s21+$0x0], $0xffff;
	[tilespmem:s24+$0x300] =	vst v34;
	v34 =	vor.u32 s16, v22  }
0x340: {  	v44 =	vor.u32 s23, v22;
	v35 =	vld.idx.msk [tilespmem:v35+s21+$0x0], $0xffff;
	[tilespmem:s24+$0x400] =	vst v32  }
0x341: {  	v32 =	vor.u32 s28, v23;
	v38 =	vld.idx.msk [tilespmem:v38+s21+$0x0], $0xffff;
	[tilespmem:s24+$0x720] =	vst v37  }
0x342: {  	v37 =	vor.u32 s29, v23;
	[tilespmem:s24+$0x500] =	vst v36;
	v36 =	vld.idx.msk [tilespmem:v40+s21+$0x0], $0xffff  }
0x343: {  	v40 =	vor.u32 s0, v23;
	v42 =	vld.idx.msk [tilespmem:v42+s21+$0x0], $0xffff;
	[tilespmem:s24+$0x600] =	vst v39  }
0x344: {  	v39 =	vor.u32 s25, v16;
	[tilespmem:s24+$0x0] =	vst v41;
	v34 =	vld.idx.msk [tilespmem:v34+s21+$0x0], $0xffff  }
0x345: {  	v41 =	vld.idx.msk [tilespmem:v44+s21+$0x0], $0xffff;
	[tilespmem:s24+$0x110] =	vst v43;
	v43 =	vor.u32 s2, v23  }
0x346: {  	v32 =	vld.idx.msk [tilespmem:v32+s21+$0x0], $0xffff;
	[tilespmem:s24+$0x210] =	vst v33;
	v33 =	vor.u32 s15, v23  }
0x347: {  	v37 =	vld.idx.msk [tilespmem:v37+s21+$0x0], $0xffff;
	[tilespmem:s24+$0x310] =	vst v35;
	v35 =	vor.u32 s16, v23  }
0x348: {  	v44 =	vor.u32 s23, v23;
	v40 =	vld.idx.msk [tilespmem:v40+s21+$0x0], $0xffff;
	[tilespmem:s24+$0x730] =	vst v36  }
0x349: {  	v36 =	vor.u32 s28, v17;
	[tilespmem:s24+$0x410] =	vst v38;
	v38 =	vld.idx.msk [tilespmem:v39+s21+$0x0], $0xffff  }
0x34a: {  	v39 =	vor.u32 s29, v17;
	v43 =	vld.idx.msk [tilespmem:v43+s21+$0x0], $0xffff;
	[tilespmem:s24+$0x510] =	vst v42  }
0x34b: {  	v33 =	vld.idx.msk [tilespmem:v33+s21+$0x0], $0xffff;
	[tilespmem:s24+$0x610] =	vst v34;
	v34 =	vor.u32 s25, v18  }
0x34c: {  	[tilespmem:s24+$0x10] =	vst v41;
	v41 =	vor.u32 s0, v17;
	v35 =	vld.idx.msk [tilespmem:v35+s21+$0x0], $0xffff  }
0x34d: {  	v42 =	vld.idx.msk [tilespmem:v44+s21+$0x0], $0xffff;
	[tilespmem:s24+$0x120] =	vst v32;
	v32 =	vor.u32 s2, v17  }
0x34e: {  	v36 =	vld.idx.msk [tilespmem:v36+s21+$0x0], $0xffff;
	[tilespmem:s24+$0x220] =	vst v37;
	v37 =	vor.u32 s15, v17  }
0x34f: {  	v44 =	vor.u32 s16, v17;
	v39 =	vld.idx.msk [tilespmem:v39+s21+$0x0], $0xffff;
	[tilespmem:s24+$0x740] =	vst v38  }
0x350: {  	v38 =	vor.u32 s23, v17;
	[tilespmem:s24+$0x320] =	vst v40;
	v34 =	vld.idx.msk [tilespmem:v34+s21+$0x0], $0xffff  }
0x351: {  	v40 =	vor.u32 s28, v16;
	v41 =	vld.idx.msk [tilespmem:v41+s21+$0x0], $0xffff;
	[tilespmem:s24+$0x420] =	vst v43  }
0x352: {  	v32 =	vld.idx.msk [tilespmem:v32+s21+$0x0], $0xffff;
	[tilespmem:s24+$0x520] =	vst v33;
	v33 =	vor.u32 s25, v28  }
0x353: {  	v43 =	vor.u32 s29, v16;
	v37 =	vld.idx.msk [tilespmem:v37+s21+$0x0], $0xffff;
	[tilespmem:s24+$0x620] =	vst v35  }
0x354: {  	v35 =	vor.u32 s0, v16;
	[tilespmem:s24+$0x20] =	vst v42;
	v42 =	vld.idx.msk [tilespmem:v44+s21+$0x0], $0xffff  }
0x355: {  	v38 =	vld.idx.msk [tilespmem:v38+s21+$0x0], $0xffff;
	[tilespmem:s24+$0x130] =	vst v36;
	v36 =	vor.u32 s2, v16  }
0x356: {  	v44 =	vor.u32 s15, v16;
	v40 =	vld.idx.msk [tilespmem:v40+s21+$0x0], $0xffff;
	[tilespmem:s24+$0x750] =	vst v34  }
0x357: {  	v34 =	vor.u32 s16, v16;
	[tilespmem:s24+$0x230] =	vst v39;
	v33 =	vld.idx.msk [tilespmem:v33+s21+$0x0], $0xffff  }
0x358: {  	v39 =	vor.u32 s23, v16;
	v43 =	vld.idx.msk [tilespmem:v43+s21+$0x0], $0xffff;
	[tilespmem:s24+$0x330] =	vst v41  }
0x359: {  	v35 =	vld.idx.msk [tilespmem:v35+s21+$0x0], $0xffff;
	[tilespmem:s24+$0x430] =	vst v32;
	v32 =	vor.u32 s25, v29  }
0x35a: {  	v41 =	vor.u32 s28, v18;
	v36 =	vld.idx.msk [tilespmem:v36+s21+$0x0], $0xffff;
	[tilespmem:s24+$0x530] =	vst v37  }
0x35b: {  	v37 =	vor.u32 s29, v18;
	v44 =	vld.idx.msk [tilespmem:v44+s21+$0x0], $0xffff;
	[tilespmem:s24+$0x630] =	vst v42  }
0x35c: {  	[tilespmem:s24+$0x30] =	vst v38;
	v38 =	vor.u32 s0, v18;
	v34 =	vld.idx.msk [tilespmem:v34+s21+$0x0], $0xffff  }
0x35d: {  	v42 =	vor.u32 s2, v18;
	v39 =	vld.idx.msk [tilespmem:v39+s21+$0x0], $0xffff;
	[tilespmem:s24+$0x760] =	vst v33  }
0x35e: {  	v33 =	vor.u32 s15, v18;
	[tilespmem:s24+$0x140] =	vst v40;
	v32 =	vld.idx.msk [tilespmem:v32+s21+$0x0], $0xffff  }
0x35f: {  	v40 =	vld.idx.msk [tilespmem:v41+s21+$0x0], $0xffff;
	[tilespmem:s24+$0x240] =	vst v43;
	v41 =	vor.u32 s16, v18  }
0x360: {  	v43 =	vor.u32 s26, v31;
	v37 =	vld.idx.msk [tilespmem:v37+s21+$0x0], $0xffff;
	[tilespmem:s24+$0x340] =	vst v35  }
0x361: {  	v35 =	vor.u32 s23, v18;
	v38 =	vld.idx.msk [tilespmem:v38+s21+$0x0], $0xffff;
	[tilespmem:s24+$0x440] =	vst v36  }
0x362: {  	v36 =	vor.u32 s28, v28;
	v42 =	vld.idx.msk [tilespmem:v42+s21+$0x0], $0xffff;
	[tilespmem:s24+$0x540] =	vst v44  }
0x363: {  	v44 =	vor.u32 s29, v28;
	v33 =	vld.idx.msk [tilespmem:v33+s21+$0x0], $0xffff;
	[tilespmem:s24+$0x640] =	vst v34  }
0x364: {  	v34 =	vor.u32 s0, v28;
	v41 =	vld.idx.msk [tilespmem:v41+s21+$0x0], $0xffff;
	[tilespmem:s24+$0x770] =	vst v32  }
0x365: {  	v32 =	vld.idx.msk [tilespmem:v43+s21+$0x0], $0xffff;
	[tilespmem:s24+$0x40] =	vst v39;
	v39 =	vor.u32 s2, v28  }
0x366: {  	v35 =	vld.idx.msk [tilespmem:v35+s21+$0x0], $0xffff;
	[tilespmem:s24+$0x150] =	vst v40;
	v40 =	vor.u32 s15, v28  }
0x367: {  	v45 =	vld.idx.msk [tilespmem:v36+s21+$0x0], $0xffff;
	[tilespmem:s24+$0x250] =	vst v37;
	v36 =	vor.u32 s16, v28  }
0x368: {  	v46 =	vor.u32 s23, v28;
	v44 =	vld.idx.msk [tilespmem:v44+s21+$0x0], $0xffff;
	[tilespmem:s24+$0x350] =	vst v38  }
0x369: {  	v38 =	vor.u32 s28, v29;
	v47 =	vld.idx.msk [tilespmem:v34+s21+$0x0], $0xffff;
	[tilespmem:s24+$0x450] =	vst v42  }
0x36a: {  	v48 =	vor.u32 s29, v29;
	v39 =	vld.idx.msk [tilespmem:v39+s21+$0x0], $0xffff;
	[tilespmem:s24+$0x550] =	vst v33  }
.Ltmp2:
0x36b: {  	v43 =	vor.u32 s0, v29;
	v37 =	vld.idx.msk [tilespmem:v40+s21+$0x0], $0xffff;
	[tilespmem:s24+$0x650] =	vst v41;
	(pc) =	sbr.rel @p0 .LBB2_7-.Ltmp2, $4  }
0x36c: {  	v42 =	vor.u32 s2, v29;
	[tilespmem:s24+$0x50] =	vst v35;
	v36 =	vld.idx.msk [tilespmem:v36+s21+$0x0], $0xffff  }
0x36d: {  	v41 =	vor.u32 s15, v29;
	v34 =	vld.idx.msk [tilespmem:v46+s21+$0x0], $0xffff;
	[tilespmem:s24+$0x160] =	vst v45  }
0x36e: {  	v40 =	vor.u32 s16, v29;
	v33 =	vld.idx.msk [tilespmem:v38+s21+$0x0], $0xffff;
	[tilespmem:s24+$0x260] =	vst v44  }
0x36f: {  	s25 =	sadd.s32 $0x7, s26;
	v38 =	vor.u32 s23, v29;
	s23 =	smov.u32 s26;
	s26 =	sadd.s32 $0x8, s26;
	v35 =	vld.idx.msk [tilespmem:v48+s21+$0x0], $0xffff;
	[tilespmem:s24+$0x360] =	vst v47  }
0x370: {  	_ =	sdelay $0x2  }
0x371: {  	[tilespmem:s24+$0x460] =	vst v39  }
0x372: {  	v58 =	vor.u32 s25, v31;
	v43 =	vld.idx.msk [tilespmem:v43+s21+$0x0], $0xffff;
	[tilespmem:s24+$0x560] =	vst v37  }
0x373: {  	s0 =	sadd.s32 $0x1, s23;
	s2 =	sadd.s32 $0x1000, s24;
	v56 =	vor.u32 s23, v30;
	v42 =	vld.idx.msk [tilespmem:v42+s21+$0x0], $0xffff;
	[tilespmem:s24+$0x660] =	vst v36  }
0x374: {  	s15 =	sadd.s32 $0x2, s23;
	s16 =	sadd.s32 $0x3, s23;
	v46 =	vor.u32 s25, v30;
	v59 =	vor.u32 s0, v31;
	v41 =	vld.idx.msk [tilespmem:v41+s21+$0x0], $0xffff;
	[tilespmem:s2+$0xFFFFF800] =	vst v32  }
0x375: {  	v60 =	vor.u32 s15, v31;
	v61 =	vor.u32 s16, v31;
	[tilespmem:s24+$0x60] =	vst v34;
	v40 =	vld.idx.msk [tilespmem:v40+s21+$0x0], $0xffff  }
0x376: {  	s26 =	sadd.s32 $0x4, s23;
	v47 =	vor.u32 s0, v30;
	v48 =	vor.u32 s15, v30;
	[tilespmem:s24+$0x170] =	vst v33;
	v38 =	vld.idx.msk [tilespmem:v38+s21+$0x0], $0xffff  }
0x377: {  	s28 =	sadd.s32 $0x5, s23;
	s29 =	sadd.s32 $0x6, s23;
	v62 =	vor.u32 s26, v31;
	v49 =	vor.u32 s16, v30;
	v50 =	vor.u32 s26, v30;
	[tilespmem:s24+$0x270] =	vst v35;
	v39 =	vld.idx.msk [tilespmem:v58+s21+$0x0], $0xffff  }
0x378: {  	v45 =	vor.u32 s29, v31;
	v52 =	vor.u32 s28, v30;
	v55 =	vor.u32 s29, v30;
	[tilespmem:s24+$0x370] =	vst v43;
	v30 =	vld.idx.msk [tilespmem:v56+s21+$0x0], $0xffff  }
0x379: {  	v63 =	vor.u32 s28, v31;
	v37 =	vld.idx.msk [tilespmem:v59+s21+$0x0], $0xffff;
	[tilespmem:s24+$0x470] =	vst v42  }
0x37a: {  	v36 =	vld.idx.msk [tilespmem:v60+s21+$0x0], $0xffff;
	[tilespmem:s24+$0x570] =	vst v41  }
0x37b: {  	v44 =	vor.u32 s23, v25;
	v34 =	vld.idx.msk [tilespmem:v61+s21+$0x0], $0xffff;
	[tilespmem:s24+$0x670] =	vst v40  }
0x37c: {  	v33 =	vld.idx.msk [tilespmem:v62+s21+$0x0], $0xffff;
	[tilespmem:s24+$0x70] =	vst v38  }
0x37d: {  	v54 =	vor.u32 s25, v25;
	v31 =	vld.idx.msk [tilespmem:v45+s21+$0x0], $0xffff;
	[tilespmem:s2+$0xFFFFFF00] =	vst v39  }
0x37e: {  	v58 =	vor.u32 s0, v25;
	v43 =	vor.u32 s29, v25;
	v35 =	vld.idx.msk [tilespmem:v63+s21+$0x0], $0xffff;
	[tilespmem:s2+$0xFFFFF810] =	vst v30  }
0x37f: {  	v59 =	vor.u32 s15, v25;
	v60 =	vor.u32 s16, v25;
	[tilespmem:s2+$0xFFFFF900] =	vst v37;
	v51 =	vld.idx.msk [tilespmem:v46+s21+$0x0], $0xffff  }
0x380: {  	v61 =	vor.u32 s26, v25;
	v63 =	vor.u32 s28, v25;
	[tilespmem:s2+$0xFFFFFA00] =	vst v36;
	v25 =	vld.idx.msk [tilespmem:v44+s21+$0x0], $0xffff  }
0x381: {  	[tilespmem:s2+$0xFFFFFB00] =	vst v34;
	v53 =	vld.idx.msk [tilespmem:v47+s21+$0x0], $0xffff  }
0x382: {  	[tilespmem:s2+$0xFFFFFE00] =	vst v31;
	v38 =	vld.idx.msk [tilespmem:v48+s21+$0x0], $0xffff  }
0x383: {  	[tilespmem:s2+$0xFFFFFC00] =	vst v33;
	v33 =	vld.idx.msk [tilespmem:v55+s21+$0x0], $0xffff;
	v55 =	vor.u32 s23, v26  }
0x384: {  	[tilespmem:s2+$0xFFFFFD00] =	vst v35;
	v57 =	vld.idx.msk [tilespmem:v49+s21+$0x0], $0xffff  }
0x385: {  	v62 =	vor.u32 s25, v26;
	v37 =	vld.idx.msk [tilespmem:v50+s21+$0x0], $0xffff;
	[tilespmem:s2+$0xFFFFFF10] =	vst v51  }
0x386: {  	v45 =	vor.u32 s0, v26;
	v46 =	vor.u32 s15, v26;
	v36 =	vld.idx.msk [tilespmem:v52+s21+$0x0], $0xffff;
	[tilespmem:s2+$0xFFFFF820] =	vst v25  }
0x387: {  	v48 =	vor.u32 s16, v26;
	v51 =	vor.u32 s26, v26;
	v40 =	vld.idx.msk [tilespmem:v54+s21+$0x0], $0xffff;
	[tilespmem:s2+$0xFFFFF910] =	vst v53  }
0x388: {  	[tilespmem:s2+$0xFFFFFA10] =	vst v38;
	v53 =	vor.u32 s28, v26;
	v54 =	vor.u32 s29, v26;
	v26 =	vld.idx.msk [tilespmem:v55+s21+$0x0], $0xffff  }
0x389: {  	[tilespmem:s2+$0xFFFFFB10] =	vst v57;
	v31 =	vld.idx.msk [tilespmem:v58+s21+$0x0], $0xffff  }
0x38a: {  	[tilespmem:s2+$0xFFFFFC10] =	vst v37;
	v42 =	vld.idx.msk [tilespmem:v59+s21+$0x0], $0xffff  }
0x38b: {  	v41 =	vor.u32 s23, v27;
	[tilespmem:s2+$0xFFFFFD10] =	vst v36;
	v32 =	vld.idx.msk [tilespmem:v60+s21+$0x0], $0xffff  }
0x38c: {  	[tilespmem:s2+$0xFFFFFE10] =	vst v33;
	v34 =	vld.idx.msk [tilespmem:v61+s21+$0x0], $0xffff  }
0x38d: {  	v56 =	vor.u32 s0, v27;
	v47 =	vld.idx.msk [tilespmem:v63+s21+$0x0], $0xffff;
	[tilespmem:s2+$0xFFFFFF20] =	vst v40  }
0x38e: {  	v50 =	vor.u32 s25, v27;
	v49 =	vld.idx.msk [tilespmem:v43+s21+$0x0], $0xffff;
	v58 =	vor.u32 s15, v27;
	[tilespmem:s2+$0xFFFFF830] =	vst v26  }
0x38f: {  	v61 =	vor.u32 s16, v27;
	v63 =	vor.u32 s28, v27;
	v38 =	vld.idx.msk [tilespmem:v62+s21+$0x0], $0xffff;
	[tilespmem:s2+$0xFFFFF920] =	vst v31  }
0x390: {  	v40 =	vor.u32 s29, v27;
	[tilespmem:s2+$0xFFFFFA20] =	vst v42;
	v62 =	vor.u32 s26, v27;
	v27 =	vld.idx.msk [tilespmem:v41+s21+$0x0], $0xffff  }
0x391: {  	[tilespmem:s2+$0xFFFFFB20] =	vst v32;
	v52 =	vld.idx.msk [tilespmem:v45+s21+$0x0], $0xffff  }
0x392: {  	[tilespmem:s2+$0xFFFFFC20] =	vst v34;
	v33 =	vld.idx.msk [tilespmem:v46+s21+$0x0], $0xffff  }
0x393: {  	[tilespmem:s2+$0xFFFFFD20] =	vst v47;
	v35 =	vld.idx.msk [tilespmem:v48+s21+$0x0], $0xffff  }
0x394: {  	[tilespmem:s2+$0xFFFFFE20] =	vst v49;
	v59 =	vld.idx.msk [tilespmem:v53+s21+$0x0], $0xffff;
	v53 =	vor.u32 s23, v24  }
0x395: {  	v57 =	vld.idx.msk [tilespmem:v51+s21+$0x0], $0xffff;
	[tilespmem:s2+$0xFFFFFF30] =	vst v38  }
0x396: {  	v44 =	vor.u32 s0, v24;
	[tilespmem:s2+$0xFFFFF840] =	vst v27  }
0x397: {  	v60 =	vor.u32 s25, v24;
	v47 =	vor.u32 s16, v24;
	v34 =	vld.idx.msk [tilespmem:v54+s21+$0x0], $0xffff;
	[tilespmem:s2+$0xFFFFF930] =	vst v52  }
0x398: {  	v49 =	vor.u32 s26, v24;
	v46 =	vor.u32 s15, v24;
	v38 =	vld.idx.msk [tilespmem:v50+s21+$0x0], $0xffff;
	[tilespmem:s2+$0xFFFFFA30] =	vst v33  }
0x399: {  	v51 =	vor.u32 s28, v24;
	[tilespmem:s2+$0xFFFFFB30] =	vst v35;
	v52 =	vor.u32 s29, v24;
	v24 =	vld.idx.msk [tilespmem:v53+s21+$0x0], $0xffff  }
0x39a: {  	[tilespmem:s2+$0xFFFFFC30] =	vst v57;
	v30 =	vld.idx.msk [tilespmem:v56+s21+$0x0], $0xffff  }
0x39b: {  	[tilespmem:s2+$0xFFFFFD30] =	vst v59;
	v37 =	vld.idx.msk [tilespmem:v58+s21+$0x0], $0xffff  }
0x39c: {  	[tilespmem:s2+$0xFFFFFE30] =	vst v34;
	v43 =	vld.idx.msk [tilespmem:v61+s21+$0x0], $0xffff  }
0x39d: {  	v33 =	vld.idx.msk [tilespmem:v62+s21+$0x0], $0xffff;
	[tilespmem:s2+$0xFFFFFF40] =	vst v38  }
0x39e: {  	v35 =	vld.idx.msk [tilespmem:v63+s21+$0x0], $0xffff;
	[tilespmem:s2+$0xFFFFF850] =	vst v24  }
0x39f: {  	v48 =	vld.idx.msk [tilespmem:v40+s21+$0x0], $0xffff;
	[tilespmem:s2+$0xFFFFF940] =	vst v30  }
0x3a0: {  	v42 =	vld.idx.msk [tilespmem:v60+s21+$0x0], $0xffff;
	[tilespmem:s2+$0xFFFFFA40] =	vst v37  }
0x3a1: {  	[tilespmem:s2+$0xFFFFFB40] =	vst v43;
	v50 =	vld.idx.msk [tilespmem:v44+s21+$0x0], $0xffff  }
0x3a2: {  	v38 =	vor.u32 s23, v19;
	[tilespmem:s2+$0xFFFFFC40] =	vst v33;
	v26 =	vld.idx.msk [tilespmem:v46+s21+$0x0], $0xffff  }
0x3a3: {  	v45 =	vor.u32 s25, v19;
	[tilespmem:s2+$0xFFFFFD40] =	vst v35;
	v30 =	vld.idx.msk [tilespmem:v47+s21+$0x0], $0xffff  }
0x3a4: {  	v55 =	vor.u32 s0, v19;
	[tilespmem:s2+$0xFFFFFE40] =	vst v48;
	v56 =	vld.idx.msk [tilespmem:v49+s21+$0x0], $0xffff  }
0x3a5: {  	v57 =	vor.u32 s15, v19;
	v32 =	vld.idx.msk [tilespmem:v51+s21+$0x0], $0xffff;
	[tilespmem:s2+$0xFFFFFF50] =	vst v42  }
0x3a6: {  	v59 =	vor.u32 s26, v19;
	v58 =	vor.u32 s16, v19;
	v25 =	vld.idx.msk [tilespmem:v52+s21+$0x0], $0xffff;
	[tilespmem:s2+$0xFFFFF950] =	vst v50  }
0x3a7: {  	v62 =	vor.u32 s29, v19;
	v60 =	vor.u32 s28, v19;
	v19 =	vld.idx.msk [tilespmem:v38+s21+$0x0], $0xffff;
	[tilespmem:s2+$0xFFFFFA50] =	vst v26  }
0x3a8: {  	v34 =	vld.idx.msk [tilespmem:v45+s21+$0x0], $0xffff;
	[tilespmem:s2+$0xFFFFFB50] =	vst v30  }
0x3a9: {  	[tilespmem:s2+$0xFFFFFC50] =	vst v56;
	v61 =	vld.idx.msk [tilespmem:v55+s21+$0x0], $0xffff  }
0x3aa: {  	v49 =	vor.u32 s23, v20;
	[tilespmem:s2+$0xFFFFFD50] =	vst v32;
	v27 =	vld.idx.msk [tilespmem:v57+s21+$0x0], $0xffff  }
0x3ab: {  	v54 =	vor.u32 s25, v20;
	[tilespmem:s2+$0xFFFFFE50] =	vst v25;
	v31 =	vld.idx.msk [tilespmem:v58+s21+$0x0], $0xffff  }
0x3ac: {  	v39 =	vor.u32 s0, v20;
	v40 =	vld.idx.msk [tilespmem:v59+s21+$0x0], $0xffff;
	[tilespmem:s2+$0xFFFFF860] =	vst v19  }
0x3ad: {  	v41 =	vor.u32 s15, v20;
	v26 =	vld.idx.msk [tilespmem:v60+s21+$0x0], $0xffff;
	[tilespmem:s2+$0xFFFFFF60] =	vst v34  }
0x3ae: {  	v48 =	vor.u32 s29, v20;
	v42 =	vor.u32 s16, v20;
	v43 =	vld.idx.msk [tilespmem:v62+s21+$0x0], $0xffff;
	[tilespmem:s2+$0xFFFFF960] =	vst v61  }
0x3af: {  	v44 =	vor.u32 s26, v20;
	v46 =	vor.u32 s28, v20;
	v20 =	vld.idx.msk [tilespmem:v49+s21+$0x0], $0xffff;
	[tilespmem:s2+$0xFFFFFA60] =	vst v27  }
0x3b0: {  	v33 =	vld.idx.msk [tilespmem:v54+s21+$0x0], $0xffff;
	[tilespmem:s2+$0xFFFFFB60] =	vst v31  }
0x3b1: {  	[tilespmem:s2+$0xFFFFFC60] =	vst v40;
	v25 =	vld.idx.msk [tilespmem:v39+s21+$0x0], $0xffff  }
0x3b2: {  	v60 =	vor.u32 s23, v21;
	[tilespmem:s2+$0xFFFFFD60] =	vst v26;
	v24 =	vld.idx.msk [tilespmem:v41+s21+$0x0], $0xffff  }
0x3b3: {  	v63 =	vor.u32 s25, v21;
	[tilespmem:s2+$0xFFFFFE60] =	vst v43;
	v50 =	vld.idx.msk [tilespmem:v42+s21+$0x0], $0xffff  }
0x3b4: {  	v51 =	vor.u32 s0, v21;
	v30 =	vld.idx.msk [tilespmem:v44+s21+$0x0], $0xffff;
	[tilespmem:s2+$0xFFFFF870] =	vst v20  }
0x3b5: {  	v52 =	vor.u32 s15, v21;
	v27 =	vld.idx.msk [tilespmem:v46+s21+$0x0], $0xffff;
	[tilespmem:s2+$0xFFFFFF70] =	vst v33  }
0x3b6: {  	v53 =	vor.u32 s16, v21;
	v55 =	vor.u32 s26, v21;
	v54 =	vld.idx.msk [tilespmem:v48+s21+$0x0], $0xffff;
	[tilespmem:s2+$0xFFFFF970] =	vst v25  }
0x3b7: {  	v57 =	vor.u32 s28, v21;
	v59 =	vor.u32 s29, v21;
	v21 =	vld.idx.msk [tilespmem:v60+s21+$0x0], $0xffff;
	[tilespmem:s2+$0xFFFFFA70] =	vst v24  }
0x3b8: {  	v45 =	vld.idx.msk [tilespmem:v63+s21+$0x0], $0xffff;
	[tilespmem:s2+$0xFFFFFB70] =	vst v50  }
0x3b9: {  	[tilespmem:s2+$0xFFFFFC70] =	vst v30;
	v33 =	vld.idx.msk [tilespmem:v51+s21+$0x0], $0xffff  }
0x3ba: {  	v44 =	vor.u32 s23, v22;
	[tilespmem:s2+$0xFFFFFD70] =	vst v27;
	v58 =	vld.idx.msk [tilespmem:v52+s21+$0x0], $0xffff  }
0x3bb: {  	v47 =	vor.u32 s25, v22;
	[tilespmem:s2+$0xFFFFFE70] =	vst v54;
	v19 =	vld.idx.msk [tilespmem:v53+s21+$0x0], $0xffff  }
0x3bc: {  	v61 =	vor.u32 s0, v22;
	v62 =	vld.idx.msk [tilespmem:v55+s21+$0x0], $0xffff;
	[tilespmem:s2+$0x0] =	vst v21  }
0x3bd: {  	v63 =	vor.u32 s15, v22;
	v36 =	vld.idx.msk [tilespmem:v57+s21+$0x0], $0xffff;
	[tilespmem:s2+$0x700] =	vst v45  }
0x3be: {  	v37 =	vor.u32 s16, v22;
	v40 =	vor.u32 s26, v22;
	v38 =	vld.idx.msk [tilespmem:v59+s21+$0x0], $0xffff;
	[tilespmem:s2+$0x100] =	vst v33  }
0x3bf: {  	v43 =	vor.u32 s29, v22;
	v42 =	vor.u32 s28, v22;
	v22 =	vld.idx.msk [tilespmem:v44+s21+$0x0], $0xffff;
	[tilespmem:s2+$0x200] =	vst v58  }
0x3c0: {  	v31 =	vld.idx.msk [tilespmem:v47+s21+$0x0], $0xffff;
	[tilespmem:s2+$0x300] =	vst v19  }
0x3c1: {  	[tilespmem:s2+$0x400] =	vst v62;
	v41 =	vld.idx.msk [tilespmem:v61+s21+$0x0], $0xffff  }
0x3c2: {  	v56 =	vor.u32 s25, v23;
	[tilespmem:s2+$0x500] =	vst v36;
	v25 =	vld.idx.msk [tilespmem:v63+s21+$0x0], $0xffff  }
0x3c3: {  	v46 =	vor.u32 s0, v23;
	[tilespmem:s2+$0x600] =	vst v38;
	v45 =	vld.idx.msk [tilespmem:v37+s21+$0x0], $0xffff  }
0x3c4: {  	v48 =	vor.u32 s15, v23;
	v30 =	vld.idx.msk [tilespmem:v40+s21+$0x0], $0xffff;
	[tilespmem:s2+$0x10] =	vst v22  }
0x3c5: {  	v51 =	vor.u32 s16, v23;
	v49 =	vld.idx.msk [tilespmem:v42+s21+$0x0], $0xffff;
	[tilespmem:s2+$0x710] =	vst v31  }
0x3c6: {  	v52 =	vor.u32 s26, v23;
	v31 =	vld.idx.msk [tilespmem:v43+s21+$0x0], $0xffff;
	[tilespmem:s2+$0x110] =	vst v41  }
0x3c7: {  	v53 =	vor.u32 s28, v23;
	v24 =	vld.idx.msk [tilespmem:v56+s21+$0x0], $0xffff;
	[tilespmem:s2+$0x210] =	vst v25  }
0x3c8: {  	v55 =	vor.u32 s29, v23;
	[tilespmem:s2+$0x310] =	vst v45;
	v20 =	vld.idx.msk [tilespmem:v46+s21+$0x0], $0xffff  }
0x3c9: {  	[tilespmem:s2+$0x410] =	vst v30;
	v56 =	vor.u32 s23, v23;
	v54 =	vld.idx.msk [tilespmem:v48+s21+$0x0], $0xffff  }
0x3ca: {  	v39 =	vor.u32 s25, v17;
	[tilespmem:s2+$0x510] =	vst v49;
	v19 =	vld.idx.msk [tilespmem:v51+s21+$0x0], $0xffff  }
0x3cb: {  	v57 =	vor.u32 s0, v17;
	v25 =	vld.idx.msk [tilespmem:v52+s21+$0x0], $0xffff;
	[tilespmem:s2+$0x610] =	vst v31  }
0x3cc: {  	v59 =	vor.u32 s15, v17;
	[tilespmem:s2+$0x720] =	vst v24;
	v24 =	vld.idx.msk [tilespmem:v53+s21+$0x0], $0xffff  }
0x3cd: {  	v60 =	vor.u32 s16, v17;
	v31 =	vld.idx.msk [tilespmem:v55+s21+$0x0], $0xffff;
	[tilespmem:s2+$0x120] =	vst v20  }
0x3ce: {  	v61 =	vor.u32 s26, v17;
	v23 =	vld.idx.msk [tilespmem:v56+s21+$0x0], $0xffff;
	[tilespmem:s2+$0x220] =	vst v54  }
0x3cf: {  	v63 =	vor.u32 s29, v17;
	v47 =	vld.idx.msk [tilespmem:v39+s21+$0x0], $0xffff;
	[tilespmem:s2+$0x320] =	vst v19  }
0x3d0: {  	v62 =	vor.u32 s28, v17;
	v17 =	vor.u32 s23, v17;
	[tilespmem:s2+$0x420] =	vst v25;
	v21 =	vld.idx.msk [tilespmem:v57+s21+$0x0], $0xffff  }
0x3d1: {  	v50 =	vor.u32 s25, v16;
	v22 =	vld.idx.msk [tilespmem:v59+s21+$0x0], $0xffff;
	[tilespmem:s2+$0x520] =	vst v24  }
0x3d2: {  	v34 =	vor.u32 s0, v16;
	v20 =	vld.idx.msk [tilespmem:v60+s21+$0x0], $0xffff;
	[tilespmem:s2+$0x620] =	vst v31  }
0x3d3: {  	v35 =	vor.u32 s15, v16;
	v26 =	vld.idx.msk [tilespmem:v61+s21+$0x0], $0xffff;
	[tilespmem:s2+$0x20] =	vst v23  }
0x3d4: {  	v36 =	vor.u32 s16, v16;
	[tilespmem:s2+$0x730] =	vst v47;
	v19 =	vld.idx.msk [tilespmem:v63+s21+$0x0], $0xffff  }
0x3d5: {  	v37 =	vor.u32 s26, v16;
	v17 =	vld.idx.msk [tilespmem:v17+s21+$0x0], $0xffff;
	[tilespmem:s2+$0x130] =	vst v21  }
0x3d6: {  	v27 =	vld.idx.msk [tilespmem:v50+s21+$0x0], $0xffff;
	[tilespmem:s2+$0x230] =	vst v22  }
0x3d7: {  	v40 =	vor.u32 s29, v16;
	[tilespmem:s2+$0x330] =	vst v20;
	v39 =	vld.idx.msk [tilespmem:v34+s21+$0x0], $0xffff  }
0x3d8: {  	v38 =	vor.u32 s28, v16;
	v16 =	vor.u32 s23, v16;
	[tilespmem:s2+$0x430] =	vst v26;
	v23 =	vld.idx.msk [tilespmem:v35+s21+$0x0], $0xffff  }
0x3d9: {  	v58 =	vor.u32 s25, v18;
	v21 =	vld.idx.msk [tilespmem:v36+s21+$0x0], $0xffff;
	[tilespmem:s2+$0x630] =	vst v19  }
0x3da: {  	v42 =	vor.u32 s0, v18;
	v43 =	vld.idx.msk [tilespmem:v37+s21+$0x0], $0xffff;
	[tilespmem:s2+$0x30] =	vst v17  }
0x3db: {  	v44 =	vor.u32 s16, v18;
	[tilespmem:s2+$0x740] =	vst v27;
	v27 =	vld.idx.msk [tilespmem:v62+s21+$0x0], $0xffff  }
0x3dc: {  	v45 =	vor.u32 s26, v18;
	v25 =	vld.idx.msk [tilespmem:v40+s21+$0x0], $0xffff;
	[tilespmem:s2+$0x140] =	vst v39  }
0x3dd: {  	v17 =	vor.u32 s15, v18;
	v16 =	vld.idx.msk [tilespmem:v16+s21+$0x0], $0xffff;
	[tilespmem:s2+$0x240] =	vst v23  }
0x3de: {  	v30 =	vld.idx.msk [tilespmem:v58+s21+$0x0], $0xffff;
	[tilespmem:s2+$0x340] =	vst v21  }
0x3df: {  	v33 =	vor.u32 s25, v28;
	[tilespmem:s2+$0x440] =	vst v43;
	v19 =	vld.idx.msk [tilespmem:v42+s21+$0x0], $0xffff  }
0x3e0: {  	v47 =	vor.u32 s29, v18;
	v49 =	vld.idx.msk [tilespmem:v44+s21+$0x0], $0xffff;
	[tilespmem:s2+$0x530] =	vst v27  }
0x3e1: {  	v48 =	vor.u32 s23, v18;
	v20 =	vld.idx.msk [tilespmem:v45+s21+$0x0], $0xffff;
	[tilespmem:s2+$0x640] =	vst v25  }
0x3e2: {  	v53 =	vor.u32 s26, v28;
	v17 =	vld.idx.msk [tilespmem:v17+s21+$0x0], $0xffff;
	[tilespmem:s2+$0x40] =	vst v16  }
0x3e3: {  	v50 =	vor.u32 s0, v28;
	[tilespmem:s2+$0x750] =	vst v30;
	v22 =	vld.idx.msk [tilespmem:v38+s21+$0x0], $0xffff  }
0x3e4: {  	v46 =	vor.u32 s28, v18;
	v24 =	vld.idx.msk [tilespmem:v33+s21+$0x0], $0xffff;
	[tilespmem:s2+$0x150] =	vst v19  }
0x3e5: {  	v41 =	vor.u32 s25, v29;
	v16 =	vld.idx.msk [tilespmem:v47+s21+$0x0], $0xffff;
	[tilespmem:s2+$0x350] =	vst v49  }
0x3e6: {  	v51 =	vor.u32 s15, v28;
	v18 =	vld.idx.msk [tilespmem:v48+s21+$0x0], $0xffff;
	[tilespmem:s2+$0x450] =	vst v20  }
0x3e7: {  	v55 =	vor.u32 s29, v28;
	v21 =	vld.idx.msk [tilespmem:v53+s21+$0x0], $0xffff;
	[tilespmem:s2+$0x250] =	vst v17  }
0x3e8: {  	v56 =	vor.u32 s23, v28;
	v17 =	vld.idx.msk [tilespmem:v50+s21+$0x0], $0xffff;
	[tilespmem:s2+$0x540] =	vst v22  }
0x3e9: {  	v59 =	vor.u32 s26, v29;
	[tilespmem:s2+$0x760] =	vst v24;
	v23 =	vld.idx.msk [tilespmem:v46+s21+$0x0], $0xffff  }
0x3ea: {  	v52 =	vor.u32 s16, v28;
	[tilespmem:s2+$0x650] =	vst v16;
	v26 =	vld.idx.msk [tilespmem:v41+s21+$0x0], $0xffff  }
0x3eb: {  	v54 =	vor.u32 s28, v28;
	v25 =	vld.idx.msk [tilespmem:v51+s21+$0x0], $0xffff;
	[tilespmem:s2+$0x50] =	vst v18  }
0x3ec: {  	v57 =	vor.u32 s0, v29;
	v24 =	vld.idx.msk [tilespmem:v55+s21+$0x0], $0xffff;
	[tilespmem:s2+$0x460] =	vst v21  }
0x3ed: {  	v58 =	vor.u32 s15, v29;
	v22 =	vld.idx.msk [tilespmem:v56+s21+$0x0], $0xffff;
	[tilespmem:s2+$0x160] =	vst v17  }
0x3ee: {  	v60 =	vor.u32 s29, v29;
	v18 =	vld.idx.msk [tilespmem:v59+s21+$0x0], $0xffff;
	[tilespmem:s2+$0x550] =	vst v23  }
0x3ef: {  	v61 =	vor.u32 s23, v29;
	[tilespmem:s2+$0x770] =	vst v26;
	v26 =	vld.idx.msk [tilespmem:v52+s21+$0x0], $0xffff  }
0x3f0: {  	v16 =	vor.u32 s16, v29;
	[tilespmem:s2+$0x260] =	vst v25;
	v19 =	vld.idx.msk [tilespmem:v54+s21+$0x0], $0xffff  }
0x3f1: {  	v17 =	vor.u32 s28, v29;
	v20 =	vld.idx.msk [tilespmem:v57+s21+$0x0], $0xffff;
	[tilespmem:s2+$0x660] =	vst v24  }
0x3f2: {  	v23 =	vld.idx.msk [tilespmem:v58+s21+$0x0], $0xffff;
	[tilespmem:s2+$0x60] =	vst v22  }
0x3f3: {  	v62 =	vld.idx.msk [tilespmem:v60+s21+$0x0], $0xffff;
	[tilespmem:s2+$0x470] =	vst v18  }
0x3f4: {  	v63 =	vld.idx.msk [tilespmem:v61+s21+$0x0], $0xffff;
	[tilespmem:s2+$0x360] =	vst v26  }
0x3f5: {  	[tilespmem:s2+$0x560] =	vst v19;
	v16 =	vld.idx.msk [tilespmem:v16+s21+$0x0], $0xffff  }
0x3f6: {  	[tilespmem:s2+$0x170] =	vst v20;
	v17 =	vld.idx.msk [tilespmem:v17+s21+$0x0], $0xffff  }
0x3f7: {  	[tilespmem:s2+$0x270] =	vst v23  }
0x3f8: {  	[tilespmem:s2+$0x670] =	vst v62  }
0x3f9: {  	[tilespmem:s2+$0x70] =	vst v63  }
0x3fa: {  	[tilespmem:s2+$0x370] =	vst v16  }
0x3fb: {  	s0 =	sadd.s32 s1, s10;
	s16 =	simm.s32 $0x17480;
	[tilespmem:s2+$0x570] =	vst v17  }
0x3fc: {  	[hbm4b:s0+s3] =	stream.linear.scatter [tilespmem:s16], [sflag:$0x4], $0x80, $0x38;
	[tilespmem:$0x1B400] =	vst v63  }
0x3fd: {  	s24 =	simm.s32 $0x17580;
	s23 =	sadd.s32 $0x10, s0  }
0x3fe: {  	[hbm4b:s23+s3] =	stream.linear.scatter [tilespmem:s24], [sflag:$0x4], $0x80, $0x38;
	[tilespmem:$0x1B400] =	vst v63  }
0x3ff: {  	s26 =	simm.s32 $0x17680;
	s25 =	sadd.s32 $0x20, s0  }
0x400: {  	[hbm4b:s25+s3] =	stream.linear.scatter [tilespmem:s26], [sflag:$0x4], $0x80, $0x38;
	[tilespmem:$0x1B400] =	vst v63  }
0x401: {  	s29 =	simm.s32 $0x17780;
	s28 =	sadd.s32 $0x30, s0  }
0x402: {  	[hbm4b:s28+s3] =	stream.linear.scatter [tilespmem:s29], [sflag:$0x4], $0x80, $0x38;
	[tilespmem:$0x1B400] =	vst v63  }
0x403: {  	s31 =	simm.s32 $0x17880;
	s30 =	sadd.s32 $0x40, s0  }
0x404: {  	[hbm4b:s30+s3] =	stream.linear.scatter [tilespmem:s31], [sflag:$0x4], $0x80, $0x38;
	[tilespmem:$0x1B400] =	vst v63  }
0x405: {  	s15 =	sadd.s32 $0x50, s0;
	s16 =	simm.s32 $0x17980  }
0x406: {  	[hbm4b:s15+s3] =	stream.linear.scatter [tilespmem:s16], [sflag:$0x4], $0x80, $0x38;
	[tilespmem:$0x1B400] =	vst v63  }
0x407: {  	s23 =	sadd.s32 $0x60, s0;
	s24 =	simm.s32 $0x17A80  }
0x408: {  	[hbm4b:s23+s3] =	stream.linear.scatter [tilespmem:s24], [sflag:$0x4], $0x80, $0x38;
	[tilespmem:$0x1B400] =	vst v63  }
0x409: {  	s25 =	sadd.s32 $0x70, s0;
	s26 =	simm.s32 $0x17B80  }
0x40a: {  	[hbm4b:s25+s3] =	stream.linear.scatter [tilespmem:s26], [sflag:$0x4], $0x80, $0x38;
	[tilespmem:$0x1B400] =	vst v63  }
0x40b: {  	s28 =	sadd.s32 $0x80, s0;
	s29 =	simm.s32 $0x17C80  }
0x40c: {  	[hbm4b:s28+s3] =	stream.linear.scatter [tilespmem:s29], [sflag:$0x4], $0x80, $0x38;
	[tilespmem:$0x1B400] =	vst v63  }
0x40d: {  	s30 =	sadd.s32 $0x90, s0;
	s31 =	simm.s32 $0x17D80  }
0x40e: {  	[hbm4b:s30+s3] =	stream.linear.scatter [tilespmem:s31], [sflag:$0x4], $0x80, $0x38;
	[tilespmem:$0x1B400] =	vst v63  }
0x40f: {  	s15 =	sadd.s32 $0xA0, s0;
	s16 =	simm.s32 $0x17E80  }
0x410: {  	[hbm4b:s15+s3] =	stream.linear.scatter [tilespmem:s16], [sflag:$0x4], $0x80, $0x38;
	[tilespmem:$0x1B400] =	vst v63  }
0x411: {  	s23 =	sadd.s32 $0xB0, s0;
	s24 =	simm.s32 $0x17F80  }
0x412: {  	[hbm4b:s23+s3] =	stream.linear.scatter [tilespmem:s24], [sflag:$0x4], $0x80, $0x38;
	[tilespmem:$0x1B400] =	vst v63  }
0x413: {  	s25 =	sadd.s32 $0xC0, s0;
	s26 =	simm.s32 $0x18080  }
0x414: {  	[hbm4b:s25+s3] =	stream.linear.scatter [tilespmem:s26], [sflag:$0x4], $0x80, $0x38;
	[tilespmem:$0x1B400] =	vst v63  }
0x415: {  	s28 =	sadd.s32 $0xD0, s0;
	s29 =	simm.s32 $0x18180  }
0x416: {  	[hbm4b:s28+s3] =	stream.linear.scatter [tilespmem:s29], [sflag:$0x4], $0x80, $0x38;
	[tilespmem:$0x1B400] =	vst v63  }
0x417: {  	s30 =	sadd.s32 $0xE0, s0;
	s31 =	simm.s32 $0x18280  }
0x418: {  	[hbm4b:s30+s3] =	stream.linear.scatter [tilespmem:s31], [sflag:$0x4], $0x80, $0x38;
	[tilespmem:$0x1B400] =	vst v63  }
0x419: {  	s0 =	sadd.s32 $0xF0, s0;
	s15 =	simm.s32 $0x18380  }
0x41a: {  	[hbm4b:s0+s3] =	stream.linear.scatter [tilespmem:s15], [sflag:$0x4], $0x80, $0x38;
	[tilespmem:$0x1B400] =	vst v63  }
0x41b: {  	s16 =	simm.s32 $0x18480;
	s0 =	sadd.s32 s1, s11  }
0x41c: {  	[hbm4b:s0+s3] =	stream.linear.scatter [tilespmem:s16], [sflag:$0x4], $0x80, $0x38;
	[tilespmem:$0x1B400] =	vst v63  }
0x41d: {  	s24 =	simm.s32 $0x18580;
	s23 =	sadd.s32 $0x10, s0  }
0x41e: {  	[hbm4b:s23+s3] =	stream.linear.scatter [tilespmem:s24], [sflag:$0x4], $0x80, $0x38;
	[tilespmem:$0x1B400] =	vst v63  }
0x41f: {  	s26 =	simm.s32 $0x18680;
	s25 =	sadd.s32 $0x20, s0  }
0x420: {  	[hbm4b:s25+s3] =	stream.linear.scatter [tilespmem:s26], [sflag:$0x4], $0x80, $0x38;
	[tilespmem:$0x1B400] =	vst v63  }
0x421: {  	s29 =	simm.s32 $0x18780;
	s28 =	sadd.s32 $0x30, s0  }
0x422: {  	[hbm4b:s28+s3] =	stream.linear.scatter [tilespmem:s29], [sflag:$0x4], $0x80, $0x38;
	[tilespmem:$0x1B400] =	vst v63  }
0x423: {  	s31 =	simm.s32 $0x18880;
	s30 =	sadd.s32 $0x40, s0  }
0x424: {  	[hbm4b:s30+s3] =	stream.linear.scatter [tilespmem:s31], [sflag:$0x4], $0x80, $0x38;
	[tilespmem:$0x1B400] =	vst v63  }
0x425: {  	s15 =	sadd.s32 $0x50, s0;
	s16 =	simm.s32 $0x18980  }
0x426: {  	[hbm4b:s15+s3] =	stream.linear.scatter [tilespmem:s16], [sflag:$0x4], $0x80, $0x38;
	[tilespmem:$0x1B400] =	vst v63  }
0x427: {  	s23 =	sadd.s32 $0x60, s0;
	s24 =	simm.s32 $0x18A80  }
0x428: {  	[hbm4b:s23+s3] =	stream.linear.scatter [tilespmem:s24], [sflag:$0x4], $0x80, $0x38;
	[tilespmem:$0x1B400] =	vst v63  }
0x429: {  	s25 =	sadd.s32 $0x70, s0;
	s26 =	simm.s32 $0x18B80  }
0x42a: {  	[hbm4b:s25+s3] =	stream.linear.scatter [tilespmem:s26], [sflag:$0x4], $0x80, $0x38;
	[tilespmem:$0x1B400] =	vst v63  }
0x42b: {  	s28 =	sadd.s32 $0x80, s0;
	s29 =	simm.s32 $0x18C80  }
0x42c: {  	[hbm4b:s28+s3] =	stream.linear.scatter [tilespmem:s29], [sflag:$0x4], $0x80, $0x38;
	[tilespmem:$0x1B400] =	vst v63  }
0x42d: {  	s30 =	sadd.s32 $0x90, s0;
	s31 =	simm.s32 $0x18D80  }
0x42e: {  	[hbm4b:s30+s3] =	stream.linear.scatter [tilespmem:s31], [sflag:$0x4], $0x80, $0x38;
	[tilespmem:$0x1B400] =	vst v63  }
0x42f: {  	s15 =	sadd.s32 $0xA0, s0;
	s16 =	simm.s32 $0x18E80  }
0x430: {  	[hbm4b:s15+s3] =	stream.linear.scatter [tilespmem:s16], [sflag:$0x4], $0x80, $0x38;
	[tilespmem:$0x1B400] =	vst v63  }
0x431: {  	s23 =	sadd.s32 $0xB0, s0;
	s24 =	simm.s32 $0x18F80  }
0x432: {  	[hbm4b:s23+s3] =	stream.linear.scatter [tilespmem:s24], [sflag:$0x4], $0x80, $0x38;
	[tilespmem:$0x1B400] =	vst v63  }
0x433: {  	s25 =	sadd.s32 $0xC0, s0;
	s26 =	simm.s32 $0x19080  }
0x434: {  	[hbm4b:s25+s3] =	stream.linear.scatter [tilespmem:s26], [sflag:$0x4], $0x80, $0x38;
	[tilespmem:$0x1B400] =	vst v63  }
0x435: {  	s28 =	sadd.s32 $0xD0, s0;
	s29 =	simm.s32 $0x19180  }
0x436: {  	[hbm4b:s28+s3] =	stream.linear.scatter [tilespmem:s29], [sflag:$0x4], $0x80, $0x38;
	[tilespmem:$0x1B400] =	vst v63  }
0x437: {  	s30 =	sadd.s32 $0xE0, s0;
	s31 =	simm.s32 $0x19280  }
0x438: {  	[hbm4b:s30+s3] =	stream.linear.scatter [tilespmem:s31], [sflag:$0x4], $0x80, $0x38;
	[tilespmem:$0x1B400] =	vst v63  }
0x439: {  	s0 =	sadd.s32 $0xF0, s0;
	s15 =	simm.s32 $0x19380  }
0x43a: {  	[hbm4b:s0+s3] =	stream.linear.scatter [tilespmem:s15], [sflag:$0x4], $0x80, $0x38;
	[tilespmem:$0x1B400] =	vst v63  }
0x43b: {  	s16 =	simm.s32 $0x19480;
	s0 =	sadd.s32 s1, s12  }
0x43c: {  	[hbm4b:s0+s3] =	stream.linear.scatter [tilespmem:s16], [sflag:$0x4], $0x80, $0x38;
	[tilespmem:$0x1B400] =	vst v63  }
0x43d: {  	s24 =	simm.s32 $0x19580;
	s23 =	sadd.s32 $0x10, s0  }
0x43e: {  	[hbm4b:s23+s3] =	stream.linear.scatter [tilespmem:s24], [sflag:$0x4], $0x80, $0x38;
	[tilespmem:$0x1B400] =	vst v63  }
0x43f: {  	s26 =	simm.s32 $0x19680;
	s25 =	sadd.s32 $0x20, s0  }
0x440: {  	[hbm4b:s25+s3] =	stream.linear.scatter [tilespmem:s26], [sflag:$0x4], $0x80, $0x38;
	[tilespmem:$0x1B400] =	vst v63  }
0x441: {  	s29 =	simm.s32 $0x19780;
	s28 =	sadd.s32 $0x30, s0  }
0x442: {  	[hbm4b:s28+s3] =	stream.linear.scatter [tilespmem:s29], [sflag:$0x4], $0x80, $0x38;
	[tilespmem:$0x1B400] =	vst v63  }
0x443: {  	s31 =	simm.s32 $0x19880;
	s30 =	sadd.s32 $0x40, s0  }
0x444: {  	[hbm4b:s30+s3] =	stream.linear.scatter [tilespmem:s31], [sflag:$0x4], $0x80, $0x38;
	[tilespmem:$0x1B400] =	vst v63  }
0x445: {  	s15 =	sadd.s32 $0x50, s0;
	s16 =	simm.s32 $0x19980  }
0x446: {  	[hbm4b:s15+s3] =	stream.linear.scatter [tilespmem:s16], [sflag:$0x4], $0x80, $0x38;
	[tilespmem:$0x1B400] =	vst v63  }
0x447: {  	s23 =	sadd.s32 $0x60, s0;
	s24 =	simm.s32 $0x19A80  }
0x448: {  	[hbm4b:s23+s3] =	stream.linear.scatter [tilespmem:s24], [sflag:$0x4], $0x80, $0x38;
	[tilespmem:$0x1B400] =	vst v63  }
0x449: {  	s25 =	sadd.s32 $0x70, s0;
	s26 =	simm.s32 $0x19B80  }
0x44a: {  	[hbm4b:s25+s3] =	stream.linear.scatter [tilespmem:s26], [sflag:$0x4], $0x80, $0x38;
	[tilespmem:$0x1B400] =	vst v63  }
0x44b: {  	s28 =	sadd.s32 $0x80, s0;
	s29 =	simm.s32 $0x19C80  }
0x44c: {  	[hbm4b:s28+s3] =	stream.linear.scatter [tilespmem:s29], [sflag:$0x4], $0x80, $0x38;
	[tilespmem:$0x1B400] =	vst v63  }
0x44d: {  	s30 =	sadd.s32 $0x90, s0;
	s31 =	simm.s32 $0x19D80  }
0x44e: {  	[hbm4b:s30+s3] =	stream.linear.scatter [tilespmem:s31], [sflag:$0x4], $0x80, $0x38;
	[tilespmem:$0x1B400] =	vst v63  }
0x44f: {  	s15 =	sadd.s32 $0xA0, s0;
	s16 =	simm.s32 $0x19E80  }
0x450: {  	[hbm4b:s15+s3] =	stream.linear.scatter [tilespmem:s16], [sflag:$0x4], $0x80, $0x38;
	[tilespmem:$0x1B400] =	vst v63  }
0x451: {  	s23 =	sadd.s32 $0xB0, s0;
	s24 =	simm.s32 $0x19F80  }
0x452: {  	[hbm4b:s23+s3] =	stream.linear.scatter [tilespmem:s24], [sflag:$0x4], $0x80, $0x38;
	[tilespmem:$0x1B400] =	vst v63  }
0x453: {  	s25 =	sadd.s32 $0xC0, s0;
	s26 =	simm.s32 $0x1A080  }
0x454: {  	[hbm4b:s25+s3] =	stream.linear.scatter [tilespmem:s26], [sflag:$0x4], $0x80, $0x38;
	[tilespmem:$0x1B400] =	vst v63  }
0x455: {  	s28 =	sadd.s32 $0xD0, s0;
	s29 =	simm.s32 $0x1A180  }
0x456: {  	[hbm4b:s28+s3] =	stream.linear.scatter [tilespmem:s29], [sflag:$0x4], $0x80, $0x38;
	[tilespmem:$0x1B400] =	vst v63  }
0x457: {  	s30 =	sadd.s32 $0xE0, s0;
	s31 =	simm.s32 $0x1A280  }
0x458: {  	[hbm4b:s30+s3] =	stream.linear.scatter [tilespmem:s31], [sflag:$0x4], $0x80, $0x38;
	[tilespmem:$0x1B400] =	vst v63  }
0x459: {  	s0 =	sadd.s32 $0xF0, s0;
	s15 =	simm.s32 $0x1A380  }
0x45a: {  	[hbm4b:s0+s3] =	stream.linear.scatter [tilespmem:s15], [sflag:$0x4], $0x80, $0x38;
	[tilespmem:$0x1B400] =	vst v63  }
0x45b: {  	s16 =	simm.s32 $0x1A480;
	s0 =	sadd.s32 s1, s13  }
0x45c: {  	[hbm4b:s0+s3] =	stream.linear.scatter [tilespmem:s16], [sflag:$0x4], $0x80, $0x38;
	[tilespmem:$0x1B400] =	vst v63  }
0x45d: {  	s24 =	simm.s32 $0x1A580;
	s23 =	sadd.s32 $0x10, s0  }
0x45e: {  	[hbm4b:s23+s3] =	stream.linear.scatter [tilespmem:s24], [sflag:$0x4], $0x80, $0x38;
	[tilespmem:$0x1B400] =	vst v63  }
0x45f: {  	s26 =	simm.s32 $0x1A680;
	s25 =	sadd.s32 $0x20, s0  }
0x460: {  	[hbm4b:s25+s3] =	stream.linear.scatter [tilespmem:s26], [sflag:$0x4], $0x80, $0x38;
	[tilespmem:$0x1B400] =	vst v63  }
0x461: {  	s29 =	simm.s32 $0x1A780;
	s28 =	sadd.s32 $0x30, s0  }
0x462: {  	[hbm4b:s28+s3] =	stream.linear.scatter [tilespmem:s29], [sflag:$0x4], $0x80, $0x38;
	[tilespmem:$0x1B400] =	vst v63  }
0x463: {  	s31 =	simm.s32 $0x1A880;
	s30 =	sadd.s32 $0x40, s0  }
0x464: {  	[hbm4b:s30+s3] =	stream.linear.scatter [tilespmem:s31], [sflag:$0x4], $0x80, $0x38;
	[tilespmem:$0x1B400] =	vst v63  }
0x465: {  	s15 =	sadd.s32 $0x50, s0;
	s16 =	simm.s32 $0x1A980  }
0x466: {  	[hbm4b:s15+s3] =	stream.linear.scatter [tilespmem:s16], [sflag:$0x4], $0x80, $0x38;
	[tilespmem:$0x1B400] =	vst v63  }
0x467: {  	s23 =	sadd.s32 $0x60, s0;
	s24 =	simm.s32 $0x1AA80  }
0x468: {  	[hbm4b:s23+s3] =	stream.linear.scatter [tilespmem:s24], [sflag:$0x4], $0x80, $0x38;
	[tilespmem:$0x1B400] =	vst v63  }
0x469: {  	s25 =	sadd.s32 $0x70, s0;
	s26 =	simm.s32 $0x1AB80  }
0x46a: {  	[hbm4b:s25+s3] =	stream.linear.scatter [tilespmem:s26], [sflag:$0x4], $0x80, $0x38;
	[tilespmem:$0x1B400] =	vst v63  }
0x46b: {  	s28 =	sadd.s32 $0x80, s0;
	s29 =	simm.s32 $0x1AC80  }
0x46c: {  	[hbm4b:s28+s3] =	stream.linear.scatter [tilespmem:s29], [sflag:$0x4], $0x80, $0x38;
	[tilespmem:$0x1B400] =	vst v63  }
0x46d: {  	s30 =	sadd.s32 $0x90, s0;
	s31 =	simm.s32 $0x1AD80  }
0x46e: {  	[hbm4b:s30+s3] =	stream.linear.scatter [tilespmem:s31], [sflag:$0x4], $0x80, $0x38;
	[tilespmem:$0x1B400] =	vst v63  }
0x46f: {  	s15 =	sadd.s32 $0xA0, s0;
	s16 =	simm.s32 $0x1AE80  }
0x470: {  	[hbm4b:s15+s3] =	stream.linear.scatter [tilespmem:s16], [sflag:$0x4], $0x80, $0x38;
	[tilespmem:$0x1B400] =	vst v63  }
0x471: {  	s23 =	sadd.s32 $0xB0, s0;
	s24 =	simm.s32 $0x1AF80  }
0x472: {  	[hbm4b:s23+s3] =	stream.linear.scatter [tilespmem:s24], [sflag:$0x4], $0x80, $0x38;
	[tilespmem:$0x1B400] =	vst v63  }
0x473: {  	s25 =	sadd.s32 $0xC0, s0;
	s26 =	simm.s32 $0x1B080  }
0x474: {  	[hbm4b:s25+s3] =	stream.linear.scatter [tilespmem:s26], [sflag:$0x4], $0x80, $0x38;
	[tilespmem:$0x1B400] =	vst v63  }
0x475: {  	p0 =	sne.s32 s17, $0x1A;
	s28 =	sadd.s32 $0xD0, s0;
	s29 =	simm.s32 $0x1B180  }
0x476: {  	[hbm4b:s28+s3] =	stream.linear.scatter [tilespmem:s29], [sflag:$0x4], $0x80, $0x38;
	[tilespmem:$0x1B400] =	vst v63  }
.Ltmp3:
0x477: {  	_ = 	snop;
	(pc) =	sbr.rel @p0 .LBB2_4-.Ltmp3, $4  }
0x478: {  	s30 =	sadd.s32 $0xE0, s0;
	s31 =	simm.s32 $0x1B280  }
0x479: {  	[hbm4b:s30+s3] =	stream.linear.scatter [tilespmem:s31], [sflag:$0x4], $0x80, $0x38;
	[tilespmem:$0x1B400] =	vst v63  }
0x47a: {  	s1 =	smov.u32 s17;
	s0 =	sadd.s32 $0xF0, s0  }
0x47b: {  	[hbm4b:s0+s3] =	stream.linear.scatter [tilespmem:s19], [sflag:$0x4], $0x80, $0x38;
	[tilespmem:$0x1B400] =	vst v63  }
0x47c: {  	_ =	swait.ge [sflag:s22], $0x8000  }
0x47d: {  	[sflag:s22] =	ssyncset.done $0x0  }
0x47e: {  	s0 =	simm.s32 $0x3;
	[sflag:s22] =	ssyncadd.s32 $0xFFFF8000  }
0x47f: {  	_ =	swait.ge [sflag:s0], $0x800  }
0x480: {  	[sflag:s0] =	ssyncset.done $0x0  }
0x481: {  	[sflag:s0] =	ssyncadd.s32 $0xFFFFF800  }
0x482: {  	_ =	swait.ge [sflag:s0], $0x800  }
0x483: {  	[sflag:s0] =	ssyncset.done $0x0  }
0x484: {  	[sflag:s0] =	ssyncadd.s32 $0xFFFFF800  }
0x485: {  	_ =	swait.ge [sflag:s0], $0x800  }
0x486: {  	[sflag:s0] =	ssyncset.done $0x0  }
0x487: {  	[sflag:s0] =	ssyncadd.s32 $0xFFFFF800  }
0x488: {  	_ =	swait.ge [sflag:s0], $0x800  }
0x489: {  	[sflag:s0] =	ssyncset.done $0x0  }
0x48a: {  	s1 =	simm.s32 $0x4;
	[sflag:s0] =	ssyncadd.s32 $0xFFFFF800  }
0x48b: {  	_ =	swait.ge [sflag:s1], $0x800  }
0x48c: {  	[sflag:s1] =	ssyncset.done $0x0  }
0x48d: {  	[sflag:s1] =	ssyncadd.s32 $0xFFFFF800  }
0x48e: {  	_ =	swait.ge [sflag:s1], $0x800  }
0x48f: {  	[sflag:s1] =	ssyncset.done $0x0  }
0x490: {  	[sflag:s1] =	ssyncadd.s32 $0xFFFFF800  }
0x491: {  	_ =	swait.ge [sflag:s1], $0x800  }
0x492: {  	[sflag:s1] =	ssyncset.done $0x0  }
0x493: {  	[sflag:s1] =	ssyncadd.s32 $0xFFFFF800  }
0x494: {  	_ =	swait.ge [sflag:s1], $0x800  }
0x495: {  	s2 =	rddreg [dreg:$0x6]  }
0x496: {  	s31 =	rddreg [dreg:$0x5];
	s2 =	sadd.s32 $0x1, s2  }
0x497: {  	p0 =	sne.s32 s2, s31  }
.Ltmp4:
0x498: {  	_ = 	snop;
	(pc) =	sbr.rel @p0 .LBB2_1-.Ltmp4, $3  }
0x499: {  	_ =	sdelay $0x1  }
0x49a: {  	[sflag:s1] =	ssyncset.done $0x0  }
0x49b: {  	[sflag:s1] =	ssyncadd.s32 $0xFFFFF800  }
0x49c: {  	_ =	sfence.sel $0x180000  }
0x49d: {  	[bflag:$0x0] =	sbarrier.arrive $0xFFFF  }
0x49e: {  	_ =	strace $0x90000047  }
0x49f: {  	s0 =	stileid.u32;
	[bflag:$0x2] =	sbarrier.arrive $0xFFFF  }
0x4a0: {  	p0 =	sne.s32 s0, $0x0;
	s0 =	rddreg [dreg:$0x3]  }
0x4a1: {  	s0 =	sadd.s32 @!p0 $0x100000, s0  }
0x4a2: {  	[sflag:s0] =	ssyncadd.tile.s32 @!p0 $0x1;
	_ =	shalt  }
.Lfunc_end2:
_tile_overlayer_lowered:
.L_overlay_start_2:
0x4a3: {  	(tag) =	ssettag $0x2  }
0x4a4: {  	s0 =	rddreg [dreg:$0x0];
	s2 =	stileid.u32  }
0x4a5: {  	s1 =	rddreg [dreg:$0x1];
	p0 =	sne.s32 s2, $0x0  }
0x4a6: {  	s3 =	rddreg [dreg:$0x2];
	[bflag:$0x3] =	sbarrier.arrive $0xFFFF;
	s2 =	simm.s32 @!p0 $0x1C05  }
0x4a7: {  	[timem:s3], [sflag:s2] =	dma.local @!p0 [hbm:s0], s1  }
0x4a8: {  	s0 =	simm.s32 @!p0 $0x5  }
0x4a9: {  	_ =	swait.ge @!p0 [sflag:s0], s1  }
0x4aa: {  	s1 =	ssub.s32 @!p0 $0x0, s1;
	[sflag:s0] =	ssyncset.done @!p0 $0x0  }
0x4ab: {  	[sflag:s0] =	ssyncadd.s32 @!p0 s1  }
0x4ac: {  	[bflag:$0x3] =	sbarrier.arrive $0xFFFF  }
0x4ad: {  	_ =	shalt  }

</sc_bundles>
